<compile_context>
chip_gen: v7x
topology: tpu7x:2x2x1
jax: 0.10.2.dev20260603
libtpu: 0.0.44.dev20260713+nightly
codegen_flags: <defaults>
</compile_context>

<pallas_src>
import dataclasses
import functools

import jax
import jax.numpy as jnp
from jax import lax
from jax.experimental import pallas as pl
from jax.experimental.pallas import tpu as pltpu
from jax.experimental.pallas import tpu_sc as plsc

_LANES = 16
_CHUNK = 80
_N_TILES = 32
_N_SLOTS = 3


def _transform(h, W):
    n, d_in = h.shape
    r, _, d_out = W.shape

    def mm_kernel(h_ref, w_ref, out_ref):
        out_ref[0] = jnp.dot(h_ref[...], w_ref[0],
                             preferred_element_type=jnp.float32)

    return pl.pallas_call(
        mm_kernel,
        grid=(r,),
        in_specs=[
            pl.BlockSpec((n, d_in), lambda i: (0, 0)),
            pl.BlockSpec((1, d_in, d_out), lambda i: (i, 0, 0)),
        ],
        out_specs=pl.BlockSpec((1, n, d_out), lambda i: (i, 0, 0)),
        out_shape=jax.ShapeDtypeStruct((r, n, d_out), jnp.float32),
    )(h, W)


def _combine(partial):

    def add_kernel(p_ref, o_ref):
        o_ref[...] = p_ref[0] + p_ref[1]

    return pl.pallas_call(
        add_kernel,
        out_shape=jax.ShapeDtypeStruct(partial.shape[1:], jnp.float32),
    )(partial)


def _sc_edge_aggregate(t_flat, src, rel, dst, norm_flat, n_nodes):
    rn, d = t_flat.shape
    e = src.shape[0]
    c = _CHUNK
    assert e % (_N_TILES * c) == 0
    cpt = e // (_N_TILES * c)
    assert cpt >= 2 * _N_SLOTS
    assert n_nodes % 8 == 0
    npt = pl.cdiv(pl.cdiv(n_nodes, 16), c) * c
    acc_rows = 16 * npt
    full_tiles = n_nodes // npt
    tail_rows = n_nodes % npt
    assert tail_rows % 8 == 0
    nd16 = d // _LANES

    mesh = plsc.VectorSubcoreMesh(core_axis_name="c", subcore_axis_name="s")
    cp = pltpu.CompilerParams()
    if "needs_layout_passes" in pltpu.CompilerParams.__dataclass_fields__:
        cp = dataclasses.replace(cp, needs_layout_passes=False)

    slot_set = [
        pltpu.VMEM((c,), jnp.int32),
        pltpu.VMEM((c,), jnp.int32),
        pltpu.VMEM((c,), jnp.int32),
        pltpu.VMEM((c,), jnp.int32),
        pltpu.VMEM((c,), jnp.float32),
        pltpu.VMEM((c, d), jnp.float32),
        pltpu.VMEM((c,), jnp.int32),
        pltpu.SemaphoreType.DMA,
        pltpu.SemaphoreType.DMA,
        pltpu.SemaphoreType.DMA,
    ]

    @functools.partial(
        pl.kernel,
        compiler_params=cp,
        out_type=jax.ShapeDtypeStruct((2 * n_nodes, d), jnp.float32),
        mesh=mesh,
        scratch_types=_N_SLOTS * slot_set + [
            pltpu.VMEM_SHARED((acc_rows, d), jnp.float32),
        ],
    )
    def sck(t_hbm, src_hbm, rel_hbm, dst_hbm, norm_hbm, out_hbm, *scratch):
        ns = len(slot_set)
        slots = tuple(scratch[i * ns:(i + 1) * ns] for i in range(_N_SLOTS))
        acc = scratch[_N_SLOTS * ns]
        core = lax.axis_index("c")
        sub = lax.axis_index("s")
        w = core * 16 + sub
        base_chunk = w * cpt
        zero16 = jnp.zeros((_LANES,), jnp.float32)

        def idx_copies(b, k):
            srcb, relb, dstb, _, normb, _, _, semi, _, _ = slots[b]
            be = (base_chunk + k) * c
            return (
                pltpu.make_async_copy(src_hbm.at[pl.ds(be, c)], srcb, semi),
                pltpu.make_async_copy(rel_hbm.at[pl.ds(be, c)], relb, semi),
                pltpu.make_async_copy(dst_hbm.at[pl.ds(be, c)], dstb, semi),
                pltpu.make_async_copy(norm_hbm.at[pl.ds(be, c)], normb, semi),
            )

        def issue_idx(b, k):
            for cp_ in idx_copies(b, k):
                cp_.start()

        def wait_idx(b, k):
            for cp_ in idx_copies(b, k):
                cp_.wait()

        def gidx_compute(b):
            srcb, relb, _, gidxb, _, _, _, _, _, _ = slots[b]
            for k16 in range(c // _LANES):
                sl = pl.ds(k16 * _LANES, _LANES)
                gidxb[sl] = relb[sl] * n_nodes + srcb[sl]

        def gather_copy(b):
            _, _, _, gidxb, _, rows, _, _, semg, _ = slots[b]
            return pltpu.make_async_copy(t_hbm.at[gidxb], rows, semg)

        def scale(b):
            _, _, dstb, _, normb, rows, dsts, _, _, _ = slots[b]

            @pl.loop(0, c, step=4)
            def _scale(i):
                for u in range(4):
                    ii = i + u
                    nb = plsc.load_gather(
                        normb, [jnp.full((_LANES,), ii, jnp.int32)])
                    for kk in range(nd16):
                        sl = pl.ds(kk * _LANES, _LANES)
                        rows[ii, sl] = rows[ii, sl] * nb

            for k16 in range(c // _LANES):
                sl = pl.ds(k16 * _LANES, _LANES)
                dsts[sl] = dstb[sl]

        def scatter_desc(b):
            _, _, _, _, _, rows, dsts, _, _, sema = slots[b]
            return pltpu.make_async_copy(rows, acc.at[dsts], sema)

        rows0 = slots[0][5]

        @pl.loop(0, c)
        def _zero_rows(i):
            for k in range(nd16):
                rows0[i, pl.ds(k * _LANES, _LANES)] = zero16

        row0 = sub * npt
        for jb in range(npt // c):
            pltpu.sync_copy(rows0, acc.at[pl.ds(row0 + jb * c, c)])

        plsc.subcore_barrier()

        for b in range(_N_SLOTS):
            issue_idx(b, b)
        for b in range(_N_SLOTS - 1):
            wait_idx(b, b)
            gidx_compute(b)
            gather_copy(b).start()

        def body(b, k, static_tail=False):
            b2 = (b + 2) % _N_SLOTS

            if not static_tail:
                @pl.when(k + 2 < cpt)
                def _prefetch_gather():
                    wait_idx(b2, k + 2)
                    gidx_compute(b2)

                    @pl.when(k >= 1)
                    def _drain_scatter():
                        scatter_desc(b2).wait()

                    gather_copy(b2).start()

            gather_copy(b).wait()
            scale(b)
            scatter_desc(b).start(add=True)

            if not static_tail:
                @pl.when(k + 3 < cpt)
                def _prefetch_idx():
                    issue_idx(b, k + 3)

        n_main = (cpt - 2) // _N_SLOTS

        @pl.loop(0, n_main)
        def _main(t):
            k = _N_SLOTS * t
            for b in range(_N_SLOTS):
                body(b, k + b)

        for k in range(_N_SLOTS * n_main, cpt):
            b = k % _N_SLOTS
            if k + 2 < cpt:
                b2 = (b + 2) % _N_SLOTS
                wait_idx(b2, k + 2)
                gidx_compute(b2)
                if k >= 1:
                    scatter_desc(b2).wait()
                gather_copy(b2).start()
            body(b, k, static_tail=True)

        for m in range(cpt - _N_SLOTS, cpt):
            scatter_desc(m % _N_SLOTS).wait()

        plsc.subcore_barrier()

        @pl.when(sub < full_tiles)
        def _write_full():
            pltpu.sync_copy(acc.at[pl.ds(row0, npt)],
                            out_hbm.at[pl.ds(core * n_nodes + row0, npt)])

        if tail_rows:
            @pl.when(sub == full_tiles)
            def _write_tail():
                pltpu.sync_copy(
                    acc.at[pl.ds(row0, tail_rows)],
                    out_hbm.at[pl.ds(core * n_nodes + row0, tail_rows)])

    return sck(t_flat, src, rel, dst, norm_flat)


def kernel(h, edge_index, rel_type, norm, W):
    n, d_in = h.shape
    r, _, d_out = W.shape
    e = rel_type.shape[0]
    transformed = _transform(h.astype(jnp.bfloat16),
                             W.astype(jnp.bfloat16)).reshape(r * n, d_out)
    src = edge_index[0]
    dst = edge_index[1]
    partial = _sc_edge_aggregate(transformed, src, rel_type, dst,
                                 norm.reshape(e), n)
    return _combine(partial.reshape(2, n, d_out))

# --- scband reference (transcript-rebuilt; emitter-appended) ---
"""Pipeline reference for scband-r-gcn-layer-76785425318239 (READ-ONLY COPY).

The authoritative reference and input builder live on the scoring server;
editing this copy changes nothing except your own understanding.
"""

import jax, jax.numpy as jnp
import numpy as np

N = 10000
E = 320000
D_IN = 128
D_OUT = 128
R = 8


def setup_inputs(seed: int = 0) -> dict:
    key = jax.random.key(seed)
    k1, k2, k3, k4, k5 = jax.random.split(key, 5)
    h = jax.random.normal(k1, (N, D_IN), dtype=jnp.float32)
    edge_index = jax.random.randint(k2, (2, E), 0, N, dtype=jnp.int32)
    rel_type = jax.random.randint(k3, (E,), 0, R, dtype=jnp.int32)
    norm = jax.random.uniform(k4, (E, 1), dtype=jnp.float32)
    # xavier_uniform for weight[R, D_IN, D_OUT]: gain=1, fan_in=D_IN, fan_out=D_OUT
    limit = float(np.sqrt(6.0 / (D_IN + D_OUT)))
    W = jax.random.uniform(k5, (R, D_IN, D_OUT), minval=-limit, maxval=limit, dtype=jnp.float32)
    return {"h": h, "edge_index": edge_index, "rel_type": rel_type, "norm": norm, "W": W}


def reference(h, edge_index, rel_type, norm, W):
    # R-GCN layer (is_input=False branch):
    #   per edge e: msg_e = (h[src_e] @ W[rel_e]) * norm_e
    #   node update: h'_v = sum_{e: dst_e = v} msg_e   (activation=None)
    # Equivalent to bmm(h[src].unsqueeze(1), W[rel]).squeeze() * norm, but computed
    # per-relation first to avoid materializing [E, D_IN, D_OUT].
    src = edge_index[0]
    dst = edge_index[1]
    # transformed[r, n, :] = h[n] @ W[r]  -> [R, N, D_OUT]
    transformed = jnp.einsum('nd,rdo->rno', h, W)
    # gather per-edge transformed source features: [E, D_OUT]
    msg = transformed[rel_type, src] * norm
    # sum aggregation onto destination nodes
    out = jax.ops.segment_sum(msg, dst, num_segments=N)
    return out

if __name__ == "__main__":
    import jax
    _d = setup_inputs()
    print(jax.jit(kernel)(*tuple(_d.values())))

</pallas_src>

<mosaic_0001>
#map = affine_map<(d0, d1) -> (0, 0)>
#map1 = affine_map<(d0, d1) -> (0)>
module attributes {stable_mosaic.version = 14 : i64} {
  func.func @sck(%arg0: i32, %arg1: i32, %arg2: memref<80000x128xf32, #tpu.memory_space<hbm>>, %arg3: memref<320000xi32, #tpu.memory_space<hbm>>, %arg4: memref<320000xi32, #tpu.memory_space<hbm>>, %arg5: memref<320000xi32, #tpu.memory_space<hbm>>, %arg6: memref<320000xf32, #tpu.memory_space<hbm>>, %arg7: memref<20000x128xf32, #tpu.memory_space<hbm>>, %arg8: memref<80xi32, #tpu.memory_space<vmem>>, %arg9: memref<80xi32, #tpu.memory_space<vmem>>, %arg10: memref<80xi32, #tpu.memory_space<vmem>>, %arg11: memref<80xi32, #tpu.memory_space<vmem>>, %arg12: memref<80xf32, #tpu.memory_space<vmem>>, %arg13: memref<80x128xf32, #tpu.memory_space<vmem>>, %arg14: memref<80xi32, #tpu.memory_space<vmem>>, %arg15: memref<!tpu.dma_semaphore, #tpu.memory_space<semaphore_mem>>, %arg16: memref<!tpu.dma_semaphore, #tpu.memory_space<semaphore_mem>>, %arg17: memref<!tpu.dma_semaphore, #tpu.memory_space<semaphore_mem>>, %arg18: memref<80xi32, #tpu.memory_space<vmem>>, %arg19: memref<80xi32, #tpu.memory_space<vmem>>, %arg20: memref<80xi32, #tpu.memory_space<vmem>>, %arg21: memref<80xi32, #tpu.memory_space<vmem>>, %arg22: memref<80xf32, #tpu.memory_space<vmem>>, %arg23: memref<80x128xf32, #tpu.memory_space<vmem>>, %arg24: memref<80xi32, #tpu.memory_space<vmem>>, %arg25: memref<!tpu.dma_semaphore, #tpu.memory_space<semaphore_mem>>, %arg26: memref<!tpu.dma_semaphore, #tpu.memory_space<semaphore_mem>>, %arg27: memref<!tpu.dma_semaphore, #tpu.memory_space<semaphore_mem>>, %arg28: memref<80xi32, #tpu.memory_space<vmem>>, %arg29: memref<80xi32, #tpu.memory_space<vmem>>, %arg30: memref<80xi32, #tpu.memory_space<vmem>>, %arg31: memref<80xi32, #tpu.memory_space<vmem>>, %arg32: memref<80xf32, #tpu.memory_space<vmem>>, %arg33: memref<80x128xf32, #tpu.memory_space<vmem>>, %arg34: memref<80xi32, #tpu.memory_space<vmem>>, %arg35: memref<!tpu.dma_semaphore, #tpu.memory_space<semaphore_mem>>, %arg36: memref<!tpu.dma_semaphore, #tpu.memory_space<semaphore_mem>>, %arg37: memref<!tpu.dma_semaphore, #tpu.memory_space<semaphore_mem>>, %arg38: memref<10240x128xf32, #tpu.memory_space<vmem_shared>>) attributes {dimension_semantics = [#tpu.dimension_semantics<core_parallel>, #tpu.dimension_semantics<subcore_parallel>], iteration_bounds = array<i64: 2, 16>, scalar_prefetch = 0 : i64, scratch_operands = 31 : i64, tpu.core_type = #tpu.core_type<sc_vector_subcore>, window_params = [{transform_indices = #map}, {transform_indices = #map1}, {transform_indices = #map1}, {transform_indices = #map1}, {transform_indices = #map1}, {transform_indices = #map}]} {
    %mul3A = arith.constant 16 : i32
    %mul3A_0 = arith.muli %arg0, %mul3A : i32
    %add3A = arith.addi %mul3A_0, %arg1 : i32
    %mul3A_1 = arith.constant 125 : i32
    %mul3A_2 = arith.muli %add3A, %mul3A_1 : i32
    %broadcast_in_dim3A = arith.constant 0.000000e+00 : f32
    %broadcast_in_dim3A_3 = vector.broadcast %broadcast_in_dim3A : f32 to vector<16xf32>
    %scan3A = arith.constant 0 : i32
    %scan3A_4 = arith.constant 80 : i32
    %scan3A_5 = arith.addi %scan3A, %scan3A_4 : i32
    %scan3A_6 = arith.constant 1 : i32
    scf.for %scan3A_271 = %scan3A to %scan3A_5 step %scan3A_6  : i32 {
      %mul3A_272 = arith.constant 1 : i32
      %mul3A_273 = arith.muli %scan3A_271, %mul3A_272 : i32
      %add3A_274 = arith.constant 0 : i32
      %add3A_275 = arith.addi %add3A_274, %mul3A_273 : i32
      %swap3A_276 = arith.index_cast %add3A_275 : i32 to index
      %swap3A_277 = arith.constant 0 : index
      %swap3A_278 = tpu.vector_load %arg13[%swap3A_276, %swap3A_277] {strides = array<i32>} : memref<80x128xf32, #tpu.memory_space<vmem>>, vector<16xf32>,
      tpu.vector_store %arg13[%swap3A_276, %swap3A_277], %broadcast_in_dim3A_3 {strides = array<i32>} : memref<80x128xf32, #tpu.memory_space<vmem>>, vector<16xf32>,
      %swap3A_279 = arith.index_cast %add3A_275 : i32 to index
      %swap3A_280 = arith.constant 16 : index
      %swap3A_281 = tpu.vector_load %arg13[%swap3A_279, %swap3A_280] {strides = array<i32>} : memref<80x128xf32, #tpu.memory_space<vmem>>, vector<16xf32>,
      tpu.vector_store %arg13[%swap3A_279, %swap3A_280], %broadcast_in_dim3A_3 {strides = array<i32>} : memref<80x128xf32, #tpu.memory_space<vmem>>, vector<16xf32>,
      %swap3A_282 = arith.index_cast %add3A_275 : i32 to index
      %swap3A_283 = arith.constant 32 : index
      %swap3A_284 = tpu.vector_load %arg13[%swap3A_282, %swap3A_283] {strides = array<i32>} : memref<80x128xf32, #tpu.memory_space<vmem>>, vector<16xf32>,
      tpu.vector_store %arg13[%swap3A_282, %swap3A_283], %broadcast_in_dim3A_3 {strides = array<i32>} : memref<80x128xf32, #tpu.memory_space<vmem>>, vector<16xf32>,
      %swap3A_285 = arith.index_cast %add3A_275 : i32 to index
      %swap3A_286 = arith.constant 48 : index
      %swap3A_287 = tpu.vector_load %arg13[%swap3A_285, %swap3A_286] {strides = array<i32>} : memref<80x128xf32, #tpu.memory_space<vmem>>, vector<16xf32>,
      tpu.vector_store %arg13[%swap3A_285, %swap3A_286], %broadcast_in_dim3A_3 {strides = array<i32>} : memref<80x128xf32, #tpu.memory_space<vmem>>, vector<16xf32>,
      %swap3A_288 = arith.index_cast %add3A_275 : i32 to index
      %swap3A_289 = arith.constant 64 : index
      %swap3A_290 = tpu.vector_load %arg13[%swap3A_288, %swap3A_289] {strides = array<i32>} : memref<80x128xf32, #tpu.memory_space<vmem>>, vector<16xf32>,
      tpu.vector_store %arg13[%swap3A_288, %swap3A_289], %broadcast_in_dim3A_3 {strides = array<i32>} : memref<80x128xf32, #tpu.memory_space<vmem>>, vector<16xf32>,
      %swap3A_291 = arith.index_cast %add3A_275 : i32 to index
      %swap3A_292 = arith.constant 80 : index
      %swap3A_293 = tpu.vector_load %arg13[%swap3A_291, %swap3A_292] {strides = array<i32>} : memref<80x128xf32, #tpu.memory_space<vmem>>, vector<16xf32>,
      tpu.vector_store %arg13[%swap3A_291, %swap3A_292], %broadcast_in_dim3A_3 {strides = array<i32>} : memref<80x128xf32, #tpu.memory_space<vmem>>, vector<16xf32>,
      %swap3A_294 = arith.index_cast %add3A_275 : i32 to index
      %swap3A_295 = arith.constant 96 : index
      %swap3A_296 = tpu.vector_load %arg13[%swap3A_294, %swap3A_295] {strides = array<i32>} : memref<80x128xf32, #tpu.memory_space<vmem>>, vector<16xf32>,
      tpu.vector_store %arg13[%swap3A_294, %swap3A_295], %broadcast_in_dim3A_3 {strides = array<i32>} : memref<80x128xf32, #tpu.memory_space<vmem>>, vector<16xf32>,
      %swap3A_297 = arith.index_cast %add3A_275 : i32 to index
      %swap3A_298 = arith.constant 112 : index
      %swap3A_299 = tpu.vector_load %arg13[%swap3A_297, %swap3A_298] {strides = array<i32>} : memref<80x128xf32, #tpu.memory_space<vmem>>, vector<16xf32>,
      tpu.vector_store %arg13[%swap3A_297, %swap3A_298], %broadcast_in_dim3A_3 {strides = array<i32>} : memref<80x128xf32, #tpu.memory_space<vmem>>, vector<16xf32>,
    }
    %scan3A_7 = arith.constant 80 : i32
    %mul3A_8 = arith.constant 640 : i32
    %mul3A_9 = arith.muli %arg1, %mul3A_8 : i32
    %add3A_10 = arith.constant 0 : i32
    %add3A_11 = arith.addi %mul3A_9, %add3A_10 : i32
    "tpu.region"() ({
      %run_scoped3A = tpu.sem_alloc : memref<!tpu.dma_semaphore, #tpu.memory_space<semaphore_mem>>
      %dma_start3A_271 = arith.constant 0 : i32
      %dma_start3A_272 = tpu.memref_slice %arg38[%add3A_11, %dma_start3A_271] : memref<10240x128xf32, #tpu.memory_space<vmem_shared>> -> memref<80x128xf32, #tpu.memory_space<vmem_shared>>
      %dma_start3A_273 = arith.constant 0 : i32
      %dma_start3A_274 = tpu.memref_slice %arg38[%add3A_11, %dma_start3A_273] : memref<10240x128xf32, #tpu.memory_space<vmem_shared>> -> memref<80x128xf32, #tpu.memory_space<vmem_shared>>
      tpu.enqueue_dma source(%arg13 : memref<80x128xf32, #tpu.memory_space<vmem>>) target(%dma_start3A_274 : memref<80x128xf32, #tpu.memory_space<vmem_shared>>) target_semaphore(%run_scoped3A : memref<!tpu.dma_semaphore, #tpu.memory_space<semaphore_mem>>)
      %dma_wait3A_275 = arith.constant 0 : i32
      %dma_wait3A_276 = tpu.memref_slice %arg38[%add3A_11, %dma_wait3A_275] : memref<10240x128xf32, #tpu.memory_space<vmem_shared>> -> memref<80x128xf32, #tpu.memory_space<vmem_shared>>
      %dma_wait3A_277 = arith.constant 0 : i32
      %dma_wait3A_278 = tpu.memref_slice %arg38[%add3A_11, %dma_wait3A_277] : memref<10240x128xf32, #tpu.memory_space<vmem_shared>> -> memref<80x128xf32, #tpu.memory_space<vmem_shared>>
      tpu.wait_dma2 semaphore(%run_scoped3A : memref<!tpu.dma_semaphore, #tpu.memory_space<semaphore_mem>>) src(%arg13 : memref<80x128xf32, #tpu.memory_space<vmem>>) dst(%dma_wait3A_278 : memref<80x128xf32, #tpu.memory_space<vmem_shared>>)
      tpu.yield
    }) : () -> ()
    %add3A_12 = arith.constant 80 : i32
    %add3A_13 = arith.addi %mul3A_9, %add3A_12 : i32
    "tpu.region"() ({
      %run_scoped3A = tpu.sem_alloc : memref<!tpu.dma_semaphore, #tpu.memory_space<semaphore_mem>>
      %dma_start3A_271 = arith.constant 0 : i32
      %dma_start3A_272 = tpu.memref_slice %arg38[%add3A_13, %dma_start3A_271] : memref<10240x128xf32, #tpu.memory_space<vmem_shared>> -> memref<80x128xf32, #tpu.memory_space<vmem_shared>>
      %dma_start3A_273 = arith.constant 0 : i32
      %dma_start3A_274 = tpu.memref_slice %arg38[%add3A_13, %dma_start3A_273] : memref<10240x128xf32, #tpu.memory_space<vmem_shared>> -> memref<80x128xf32, #tpu.memory_space<vmem_shared>>
      tpu.enqueue_dma source(%arg13 : memref<80x128xf32, #tpu.memory_space<vmem>>) target(%dma_start3A_274 : memref<80x128xf32, #tpu.memory_space<vmem_shared>>) target_semaphore(%run_scoped3A : memref<!tpu.dma_semaphore, #tpu.memory_space<semaphore_mem>>)
      %dma_wait3A_275 = arith.constant 0 : i32
      %dma_wait3A_276 = tpu.memref_slice %arg38[%add3A_13, %dma_wait3A_275] : memref<10240x128xf32, #tpu.memory_space<vmem_shared>> -> memref<80x128xf32, #tpu.memory_space<vmem_shared>>
      %dma_wait3A_277 = arith.constant 0 : i32
      %dma_wait3A_278 = tpu.memref_slice %arg38[%add3A_13, %dma_wait3A_277] : memref<10240x128xf32, #tpu.memory_space<vmem_shared>> -> memref<80x128xf32, #tpu.memory_space<vmem_shared>>
      tpu.wait_dma2 semaphore(%run_scoped3A : memref<!tpu.dma_semaphore, #tpu.memory_space<semaphore_mem>>) src(%arg13 : memref<80x128xf32, #tpu.memory_space<vmem>>) dst(%dma_wait3A_278 : memref<80x128xf32, #tpu.memory_space<vmem_shared>>)
      tpu.yield
    }) : () -> ()
    %add3A_14 = arith.constant 160 : i32
    %add3A_15 = arith.addi %mul3A_9, %add3A_14 : i32
    "tpu.region"() ({
      %run_scoped3A = tpu.sem_alloc : memref<!tpu.dma_semaphore, #tpu.memory_space<semaphore_mem>>
      %dma_start3A_271 = arith.constant 0 : i32
      %dma_start3A_272 = tpu.memref_slice %arg38[%add3A_15, %dma_start3A_271] : memref<10240x128xf32, #tpu.memory_space<vmem_shared>> -> memref<80x128xf32, #tpu.memory_space<vmem_shared>>
      %dma_start3A_273 = arith.constant 0 : i32
      %dma_start3A_274 = tpu.memref_slice %arg38[%add3A_15, %dma_start3A_273] : memref<10240x128xf32, #tpu.memory_space<vmem_shared>> -> memref<80x128xf32, #tpu.memory_space<vmem_shared>>
      tpu.enqueue_dma source(%arg13 : memref<80x128xf32, #tpu.memory_space<vmem>>) target(%dma_start3A_274 : memref<80x128xf32, #tpu.memory_space<vmem_shared>>) target_semaphore(%run_scoped3A : memref<!tpu.dma_semaphore, #tpu.memory_space<semaphore_mem>>)
      %dma_wait3A_275 = arith.constant 0 : i32
      %dma_wait3A_276 = tpu.memref_slice %arg38[%add3A_15, %dma_wait3A_275] : memref<10240x128xf32, #tpu.memory_space<vmem_shared>> -> memref<80x128xf32, #tpu.memory_space<vmem_shared>>
      %dma_wait3A_277 = arith.constant 0 : i32
      %dma_wait3A_278 = tpu.memref_slice %arg38[%add3A_15, %dma_wait3A_277] : memref<10240x128xf32, #tpu.memory_space<vmem_shared>> -> memref<80x128xf32, #tpu.memory_space<vmem_shared>>
      tpu.wait_dma2 semaphore(%run_scoped3A : memref<!tpu.dma_semaphore, #tpu.memory_space<semaphore_mem>>) src(%arg13 : memref<80x128xf32, #tpu.memory_space<vmem>>) dst(%dma_wait3A_278 : memref<80x128xf32, #tpu.memory_space<vmem_shared>>)
      tpu.yield
    }) : () -> ()
    %add3A_16 = arith.constant 240 : i32
    %add3A_17 = arith.addi %mul3A_9, %add3A_16 : i32
    "tpu.region"() ({
      %run_scoped3A = tpu.sem_alloc : memref<!tpu.dma_semaphore, #tpu.memory_space<semaphore_mem>>
      %dma_start3A_271 = arith.constant 0 : i32
      %dma_start3A_272 = tpu.memref_slice %arg38[%add3A_17, %dma_start3A_271] : memref<10240x128xf32, #tpu.memory_space<vmem_shared>> -> memref<80x128xf32, #tpu.memory_space<vmem_shared>>
      %dma_start3A_273 = arith.constant 0 : i32
      %dma_start3A_274 = tpu.memref_slice %arg38[%add3A_17, %dma_start3A_273] : memref<10240x128xf32, #tpu.memory_space<vmem_shared>> -> memref<80x128xf32, #tpu.memory_space<vmem_shared>>
      tpu.enqueue_dma source(%arg13 : memref<80x128xf32, #tpu.memory_space<vmem>>) target(%dma_start3A_274 : memref<80x128xf32, #tpu.memory_space<vmem_shared>>) target_semaphore(%run_scoped3A : memref<!tpu.dma_semaphore, #tpu.memory_space<semaphore_mem>>)
      %dma_wait3A_275 = arith.constant 0 : i32
      %dma_wait3A_276 = tpu.memref_slice %arg38[%add3A_17, %dma_wait3A_275] : memref<10240x128xf32, #tpu.memory_space<vmem_shared>> -> memref<80x128xf32, #tpu.memory_space<vmem_shared>>
      %dma_wait3A_277 = arith.constant 0 : i32
      %dma_wait3A_278 = tpu.memref_slice %arg38[%add3A_17, %dma_wait3A_277] : memref<10240x128xf32, #tpu.memory_space<vmem_shared>> -> memref<80x128xf32, #tpu.memory_space<vmem_shared>>
      tpu.wait_dma2 semaphore(%run_scoped3A : memref<!tpu.dma_semaphore, #tpu.memory_space<semaphore_mem>>) src(%arg13 : memref<80x128xf32, #tpu.memory_space<vmem>>) dst(%dma_wait3A_278 : memref<80x128xf32, #tpu.memory_space<vmem_shared>>)
      tpu.yield
    }) : () -> ()
    %add3A_18 = arith.constant 320 : i32
    %add3A_19 = arith.addi %mul3A_9, %add3A_18 : i32
    "tpu.region"() ({
      %run_scoped3A = tpu.sem_alloc : memref<!tpu.dma_semaphore, #tpu.memory_space<semaphore_mem>>
      %dma_start3A_271 = arith.constant 0 : i32
      %dma_start3A_272 = tpu.memref_slice %arg38[%add3A_19, %dma_start3A_271] : memref<10240x128xf32, #tpu.memory_space<vmem_shared>> -> memref<80x128xf32, #tpu.memory_space<vmem_shared>>
      %dma_start3A_273 = arith.constant 0 : i32
      %dma_start3A_274 = tpu.memref_slice %arg38[%add3A_19, %dma_start3A_273] : memref<10240x128xf32, #tpu.memory_space<vmem_shared>> -> memref<80x128xf32, #tpu.memory_space<vmem_shared>>
      tpu.enqueue_dma source(%arg13 : memref<80x128xf32, #tpu.memory_space<vmem>>) target(%dma_start3A_274 : memref<80x128xf32, #tpu.memory_space<vmem_shared>>) target_semaphore(%run_scoped3A : memref<!tpu.dma_semaphore, #tpu.memory_space<semaphore_mem>>)
      %dma_wait3A_275 = arith.constant 0 : i32
      %dma_wait3A_276 = tpu.memref_slice %arg38[%add3A_19, %dma_wait3A_275] : memref<10240x128xf32, #tpu.memory_space<vmem_shared>> -> memref<80x128xf32, #tpu.memory_space<vmem_shared>>
      %dma_wait3A_277 = arith.constant 0 : i32
      %dma_wait3A_278 = tpu.memref_slice %arg38[%add3A_19, %dma_wait3A_277] : memref<10240x128xf32, #tpu.memory_space<vmem_shared>> -> memref<80x128xf32, #tpu.memory_space<vmem_shared>>
      tpu.wait_dma2 semaphore(%run_scoped3A : memref<!tpu.dma_semaphore, #tpu.memory_space<semaphore_mem>>) src(%arg13 : memref<80x128xf32, #tpu.memory_space<vmem>>) dst(%dma_wait3A_278 : memref<80x128xf32, #tpu.memory_space<vmem_shared>>)
      tpu.yield
    }) : () -> ()
    %add3A_20 = arith.constant 400 : i32
    %add3A_21 = arith.addi %mul3A_9, %add3A_20 : i32
    "tpu.region"() ({
      %run_scoped3A = tpu.sem_alloc : memref<!tpu.dma_semaphore, #tpu.memory_space<semaphore_mem>>
      %dma_start3A_271 = arith.constant 0 : i32
      %dma_start3A_272 = tpu.memref_slice %arg38[%add3A_21, %dma_start3A_271] : memref<10240x128xf32, #tpu.memory_space<vmem_shared>> -> memref<80x128xf32, #tpu.memory_space<vmem_shared>>
      %dma_start3A_273 = arith.constant 0 : i32
      %dma_start3A_274 = tpu.memref_slice %arg38[%add3A_21, %dma_start3A_273] : memref<10240x128xf32, #tpu.memory_space<vmem_shared>> -> memref<80x128xf32, #tpu.memory_space<vmem_shared>>
      tpu.enqueue_dma source(%arg13 : memref<80x128xf32, #tpu.memory_space<vmem>>) target(%dma_start3A_274 : memref<80x128xf32, #tpu.memory_space<vmem_shared>>) target_semaphore(%run_scoped3A : memref<!tpu.dma_semaphore, #tpu.memory_space<semaphore_mem>>)
      %dma_wait3A_275 = arith.constant 0 : i32
      %dma_wait3A_276 = tpu.memref_slice %arg38[%add3A_21, %dma_wait3A_275] : memref<10240x128xf32, #tpu.memory_space<vmem_shared>> -> memref<80x128xf32, #tpu.memory_space<vmem_shared>>
      %dma_wait3A_277 = arith.constant 0 : i32
      %dma_wait3A_278 = tpu.memref_slice %arg38[%add3A_21, %dma_wait3A_277] : memref<10240x128xf32, #tpu.memory_space<vmem_shared>> -> memref<80x128xf32, #tpu.memory_space<vmem_shared>>
      tpu.wait_dma2 semaphore(%run_scoped3A : memref<!tpu.dma_semaphore, #tpu.memory_space<semaphore_mem>>) src(%arg13 : memref<80x128xf32, #tpu.memory_space<vmem>>) dst(%dma_wait3A_278 : memref<80x128xf32, #tpu.memory_space<vmem_shared>>)
      tpu.yield
    }) : () -> ()
    %add3A_22 = arith.constant 480 : i32
    %add3A_23 = arith.addi %mul3A_9, %add3A_22 : i32
    "tpu.region"() ({
      %run_scoped3A = tpu.sem_alloc : memref<!tpu.dma_semaphore, #tpu.memory_space<semaphore_mem>>
      %dma_start3A_271 = arith.constant 0 : i32
      %dma_start3A_272 = tpu.memref_slice %arg38[%add3A_23, %dma_start3A_271] : memref<10240x128xf32, #tpu.memory_space<vmem_shared>> -> memref<80x128xf32, #tpu.memory_space<vmem_shared>>
      %dma_start3A_273 = arith.constant 0 : i32
      %dma_start3A_274 = tpu.memref_slice %arg38[%add3A_23, %dma_start3A_273] : memref<10240x128xf32, #tpu.memory_space<vmem_shared>> -> memref<80x128xf32, #tpu.memory_space<vmem_shared>>
      tpu.enqueue_dma source(%arg13 : memref<80x128xf32, #tpu.memory_space<vmem>>) target(%dma_start3A_274 : memref<80x128xf32, #tpu.memory_space<vmem_shared>>) target_semaphore(%run_scoped3A : memref<!tpu.dma_semaphore, #tpu.memory_space<semaphore_mem>>)
      %dma_wait3A_275 = arith.constant 0 : i32
      %dma_wait3A_276 = tpu.memref_slice %arg38[%add3A_23, %dma_wait3A_275] : memref<10240x128xf32, #tpu.memory_space<vmem_shared>> -> memref<80x128xf32, #tpu.memory_space<vmem_shared>>
      %dma_wait3A_277 = arith.constant 0 : i32
      %dma_wait3A_278 = tpu.memref_slice %arg38[%add3A_23, %dma_wait3A_277] : memref<10240x128xf32, #tpu.memory_space<vmem_shared>> -> memref<80x128xf32, #tpu.memory_space<vmem_shared>>
      tpu.wait_dma2 semaphore(%run_scoped3A : memref<!tpu.dma_semaphore, #tpu.memory_space<semaphore_mem>>) src(%arg13 : memref<80x128xf32, #tpu.memory_space<vmem>>) dst(%dma_wait3A_278 : memref<80x128xf32, #tpu.memory_space<vmem_shared>>)
      tpu.yield
    }) : () -> ()
    %add3A_24 = arith.constant 560 : i32
    %add3A_25 = arith.addi %mul3A_9, %add3A_24 : i32
    "tpu.region"() ({
      %run_scoped3A = tpu.sem_alloc : memref<!tpu.dma_semaphore, #tpu.memory_space<semaphore_mem>>
      %dma_start3A_271 = arith.constant 0 : i32
      %dma_start3A_272 = tpu.memref_slice %arg38[%add3A_25, %dma_start3A_271] : memref<10240x128xf32, #tpu.memory_space<vmem_shared>> -> memref<80x128xf32, #tpu.memory_space<vmem_shared>>
      %dma_start3A_273 = arith.constant 0 : i32
      %dma_start3A_274 = tpu.memref_slice %arg38[%add3A_25, %dma_start3A_273] : memref<10240x128xf32, #tpu.memory_space<vmem_shared>> -> memref<80x128xf32, #tpu.memory_space<vmem_shared>>
      tpu.enqueue_dma source(%arg13 : memref<80x128xf32, #tpu.memory_space<vmem>>) target(%dma_start3A_274 : memref<80x128xf32, #tpu.memory_space<vmem_shared>>) target_semaphore(%run_scoped3A : memref<!tpu.dma_semaphore, #tpu.memory_space<semaphore_mem>>)
      %dma_wait3A_275 = arith.constant 0 : i32
      %dma_wait3A_276 = tpu.memref_slice %arg38[%add3A_25, %dma_wait3A_275] : memref<10240x128xf32, #tpu.memory_space<vmem_shared>> -> memref<80x128xf32, #tpu.memory_space<vmem_shared>>
      %dma_wait3A_277 = arith.constant 0 : i32
      %dma_wait3A_278 = tpu.memref_slice %arg38[%add3A_25, %dma_wait3A_277] : memref<10240x128xf32, #tpu.memory_space<vmem_shared>> -> memref<80x128xf32, #tpu.memory_space<vmem_shared>>
      tpu.wait_dma2 semaphore(%run_scoped3A : memref<!tpu.dma_semaphore, #tpu.memory_space<semaphore_mem>>) src(%arg13 : memref<80x128xf32, #tpu.memory_space<vmem>>) dst(%dma_wait3A_278 : memref<80x128xf32, #tpu.memory_space<vmem_shared>>)
      tpu.yield
    }) : () -> ()
    %barrier3A = arith.constant 0 : index
    tpu.barrier barrier_id(%barrier3A)
    %add3A_26 = arith.constant 0 : i32
    %add3A_27 = arith.addi %mul3A_2, %add3A_26 : i32
    %mul3A_28 = arith.constant 80 : i32
    %mul3A_29 = arith.muli %add3A_27, %mul3A_28 : i32
    %dma_start3A = tpu.memref_slice %arg3[%mul3A_29] : memref<320000xi32, #tpu.memory_space<hbm>> -> memref<80xi32, #tpu.memory_space<hbm>>
    %dma_start3A_30 = tpu.memref_slice %arg3[%mul3A_29] : memref<320000xi32, #tpu.memory_space<hbm>> -> memref<80xi32, #tpu.memory_space<hbm>>
    tpu.enqueue_dma source(%dma_start3A_30 : memref<80xi32, #tpu.memory_space<hbm>>) target(%arg8 : memref<80xi32, #tpu.memory_space<vmem>>) target_semaphore(%arg15 : memref<!tpu.dma_semaphore, #tpu.memory_space<semaphore_mem>>)
    %dma_start3A_31 = tpu.memref_slice %arg4[%mul3A_29] : memref<320000xi32, #tpu.memory_space<hbm>> -> memref<80xi32, #tpu.memory_space<hbm>>
    %dma_start3A_32 = tpu.memref_slice %arg4[%mul3A_29] : memref<320000xi32, #tpu.memory_space<hbm>> -> memref<80xi32, #tpu.memory_space<hbm>>
    tpu.enqueue_dma source(%dma_start3A_32 : memref<80xi32, #tpu.memory_space<hbm>>) target(%arg9 : memref<80xi32, #tpu.memory_space<vmem>>) target_semaphore(%arg15 : memref<!tpu.dma_semaphore, #tpu.memory_space<semaphore_mem>>)
    %dma_start3A_33 = tpu.memref_slice %arg5[%mul3A_29] : memref<320000xi32, #tpu.memory_space<hbm>> -> memref<80xi32, #tpu.memory_space<hbm>>
    %dma_start3A_34 = tpu.memref_slice %arg5[%mul3A_29] : memref<320000xi32, #tpu.memory_space<hbm>> -> memref<80xi32, #tpu.memory_space<hbm>>
    tpu.enqueue_dma source(%dma_start3A_34 : memref<80xi32, #tpu.memory_space<hbm>>) target(%arg10 : memref<80xi32, #tpu.memory_space<vmem>>) target_semaphore(%arg15 : memref<!tpu.dma_semaphore, #tpu.memory_space<semaphore_mem>>)
    %dma_start3A_35 = tpu.memref_slice %arg6[%mul3A_29] : memref<320000xf32, #tpu.memory_space<hbm>> -> memref<80xf32, #tpu.memory_space<hbm>>
    %dma_start3A_36 = tpu.memref_slice %arg6[%mul3A_29] : memref<320000xf32, #tpu.memory_space<hbm>> -> memref<80xf32, #tpu.memory_space<hbm>>
    tpu.enqueue_dma source(%dma_start3A_36 : memref<80xf32, #tpu.memory_space<hbm>>) target(%arg12 : memref<80xf32, #tpu.memory_space<vmem>>) target_semaphore(%arg15 : memref<!tpu.dma_semaphore, #tpu.memory_space<semaphore_mem>>)
    %add3A_37 = arith.constant 1 : i32
    %add3A_38 = arith.addi %mul3A_2, %add3A_37 : i32
    %mul3A_39 = arith.constant 80 : i32
    %mul3A_40 = arith.muli %add3A_38, %mul3A_39 : i32
    %dma_start3A_41 = tpu.memref_slice %arg3[%mul3A_40] : memref<320000xi32, #tpu.memory_space<hbm>> -> memref<80xi32, #tpu.memory_space<hbm>>
    %dma_start3A_42 = tpu.memref_slice %arg3[%mul3A_40] : memref<320000xi32, #tpu.memory_space<hbm>> -> memref<80xi32, #tpu.memory_space<hbm>>
    tpu.enqueue_dma source(%dma_start3A_42 : memref<80xi32, #tpu.memory_space<hbm>>) target(%arg18 : memref<80xi32, #tpu.memory_space<vmem>>) target_semaphore(%arg25 : memref<!tpu.dma_semaphore, #tpu.memory_space<semaphore_mem>>)
    %dma_start3A_43 = tpu.memref_slice %arg4[%mul3A_40] : memref<320000xi32, #tpu.memory_space<hbm>> -> memref<80xi32, #tpu.memory_space<hbm>>
    %dma_start3A_44 = tpu.memref_slice %arg4[%mul3A_40] : memref<320000xi32, #tpu.memory_space<hbm>> -> memref<80xi32, #tpu.memory_space<hbm>>
    tpu.enqueue_dma source(%dma_start3A_44 : memref<80xi32, #tpu.memory_space<hbm>>) target(%arg19 : memref<80xi32, #tpu.memory_space<vmem>>) target_semaphore(%arg25 : memref<!tpu.dma_semaphore, #tpu.memory_space<semaphore_mem>>)
    %dma_start3A_45 = tpu.memref_slice %arg5[%mul3A_40] : memref<320000xi32, #tpu.memory_space<hbm>> -> memref<80xi32, #tpu.memory_space<hbm>>
    %dma_start3A_46 = tpu.memref_slice %arg5[%mul3A_40] : memref<320000xi32, #tpu.memory_space<hbm>> -> memref<80xi32, #tpu.memory_space<hbm>>
    tpu.enqueue_dma source(%dma_start3A_46 : memref<80xi32, #tpu.memory_space<hbm>>) target(%arg20 : memref<80xi32, #tpu.memory_space<vmem>>) target_semaphore(%arg25 : memref<!tpu.dma_semaphore, #tpu.memory_space<semaphore_mem>>)
    %dma_start3A_47 = tpu.memref_slice %arg6[%mul3A_40] : memref<320000xf32, #tpu.memory_space<hbm>> -> memref<80xf32, #tpu.memory_space<hbm>>
    %dma_start3A_48 = tpu.memref_slice %arg6[%mul3A_40] : memref<320000xf32, #tpu.memory_space<hbm>> -> memref<80xf32, #tpu.memory_space<hbm>>
    tpu.enqueue_dma source(%dma_start3A_48 : memref<80xf32, #tpu.memory_space<hbm>>) target(%arg22 : memref<80xf32, #tpu.memory_space<vmem>>) target_semaphore(%arg25 : memref<!tpu.dma_semaphore, #tpu.memory_space<semaphore_mem>>)
    %add3A_49 = arith.constant 2 : i32
    %add3A_50 = arith.addi %mul3A_2, %add3A_49 : i32
    %mul3A_51 = arith.constant 80 : i32
    %mul3A_52 = arith.muli %add3A_50, %mul3A_51 : i32
    %dma_start3A_53 = tpu.memref_slice %arg3[%mul3A_52] : memref<320000xi32, #tpu.memory_space<hbm>> -> memref<80xi32, #tpu.memory_space<hbm>>
    %dma_start3A_54 = tpu.memref_slice %arg3[%mul3A_52] : memref<320000xi32, #tpu.memory_space<hbm>> -> memref<80xi32, #tpu.memory_space<hbm>>
    tpu.enqueue_dma source(%dma_start3A_54 : memref<80xi32, #tpu.memory_space<hbm>>) target(%arg28 : memref<80xi32, #tpu.memory_space<vmem>>) target_semaphore(%arg35 : memref<!tpu.dma_semaphore, #tpu.memory_space<semaphore_mem>>)
    %dma_start3A_55 = tpu.memref_slice %arg4[%mul3A_52] : memref<320000xi32, #tpu.memory_space<hbm>> -> memref<80xi32, #tpu.memory_space<hbm>>
    %dma_start3A_56 = tpu.memref_slice %arg4[%mul3A_52] : memref<320000xi32, #tpu.memory_space<hbm>> -> memref<80xi32, #tpu.memory_space<hbm>>
    tpu.enqueue_dma source(%dma_start3A_56 : memref<80xi32, #tpu.memory_space<hbm>>) target(%arg29 : memref<80xi32, #tpu.memory_space<vmem>>) target_semaphore(%arg35 : memref<!tpu.dma_semaphore, #tpu.memory_space<semaphore_mem>>)
    %dma_start3A_57 = tpu.memref_slice %arg5[%mul3A_52] : memref<320000xi32, #tpu.memory_space<hbm>> -> memref<80xi32, #tpu.memory_space<hbm>>
    %dma_start3A_58 = tpu.memref_slice %arg5[%mul3A_52] : memref<320000xi32, #tpu.memory_space<hbm>> -> memref<80xi32, #tpu.memory_space<hbm>>
    tpu.enqueue_dma source(%dma_start3A_58 : memref<80xi32, #tpu.memory_space<hbm>>) target(%arg30 : memref<80xi32, #tpu.memory_space<vmem>>) target_semaphore(%arg35 : memref<!tpu.dma_semaphore, #tpu.memory_space<semaphore_mem>>)
    %dma_start3A_59 = tpu.memref_slice %arg6[%mul3A_52] : memref<320000xf32, #tpu.memory_space<hbm>> -> memref<80xf32, #tpu.memory_space<hbm>>
    %dma_start3A_60 = tpu.memref_slice %arg6[%mul3A_52] : memref<320000xf32, #tpu.memory_space<hbm>> -> memref<80xf32, #tpu.memory_space<hbm>>
    tpu.enqueue_dma source(%dma_start3A_60 : memref<80xf32, #tpu.memory_space<hbm>>) target(%arg32 : memref<80xf32, #tpu.memory_space<vmem>>) target_semaphore(%arg35 : memref<!tpu.dma_semaphore, #tpu.memory_space<semaphore_mem>>)
    %add3A_61 = arith.constant 0 : i32
    %add3A_62 = arith.addi %mul3A_2, %add3A_61 : i32
    %mul3A_63 = arith.constant 80 : i32
    %mul3A_64 = arith.muli %add3A_62, %mul3A_63 : i32
    %dma_wait3A = tpu.memref_slice %arg3[%mul3A_64] : memref<320000xi32, #tpu.memory_space<hbm>> -> memref<80xi32, #tpu.memory_space<hbm>>
    %dma_wait3A_65 = tpu.memref_slice %arg3[%mul3A_64] : memref<320000xi32, #tpu.memory_space<hbm>> -> memref<80xi32, #tpu.memory_space<hbm>>
    tpu.wait_dma2 semaphore(%arg15 : memref<!tpu.dma_semaphore, #tpu.memory_space<semaphore_mem>>) src(%dma_wait3A_65 : memref<80xi32, #tpu.memory_space<hbm>>) dst(%arg8 : memref<80xi32, #tpu.memory_space<vmem>>)
    %dma_wait3A_66 = tpu.memref_slice %arg4[%mul3A_64] : memref<320000xi32, #tpu.memory_space<hbm>> -> memref<80xi32, #tpu.memory_space<hbm>>
    %dma_wait3A_67 = tpu.memref_slice %arg4[%mul3A_64] : memref<320000xi32, #tpu.memory_space<hbm>> -> memref<80xi32, #tpu.memory_space<hbm>>
    tpu.wait_dma2 semaphore(%arg15 : memref<!tpu.dma_semaphore, #tpu.memory_space<semaphore_mem>>) src(%dma_wait3A_67 : memref<80xi32, #tpu.memory_space<hbm>>) dst(%arg9 : memref<80xi32, #tpu.memory_space<vmem>>)
    %dma_wait3A_68 = tpu.memref_slice %arg5[%mul3A_64] : memref<320000xi32, #tpu.memory_space<hbm>> -> memref<80xi32, #tpu.memory_space<hbm>>
    %dma_wait3A_69 = tpu.memref_slice %arg5[%mul3A_64] : memref<320000xi32, #tpu.memory_space<hbm>> -> memref<80xi32, #tpu.memory_space<hbm>>
    tpu.wait_dma2 semaphore(%arg15 : memref<!tpu.dma_semaphore, #tpu.memory_space<semaphore_mem>>) src(%dma_wait3A_69 : memref<80xi32, #tpu.memory_space<hbm>>) dst(%arg10 : memref<80xi32, #tpu.memory_space<vmem>>)
    %dma_wait3A_70 = tpu.memref_slice %arg6[%mul3A_64] : memref<320000xf32, #tpu.memory_space<hbm>> -> memref<80xf32, #tpu.memory_space<hbm>>
    %dma_wait3A_71 = tpu.memref_slice %arg6[%mul3A_64] : memref<320000xf32, #tpu.memory_space<hbm>> -> memref<80xf32, #tpu.memory_space<hbm>>
    tpu.wait_dma2 semaphore(%arg15 : memref<!tpu.dma_semaphore, #tpu.memory_space<semaphore_mem>>) src(%dma_wait3A_71 : memref<80xf32, #tpu.memory_space<hbm>>) dst(%arg12 : memref<80xf32, #tpu.memory_space<vmem>>)
    %get3A = arith.constant 0 : index
    %get3A_72 = tpu.vector_load %arg9[%get3A] {strides = array<i32>} : memref<80xi32, #tpu.memory_space<vmem>>, vector<16xi32>,
    %mul3A_73 = arith.constant 10000 : i32
    %mul3A_74 = vector.broadcast %mul3A_73 : i32 to vector<16xi32>
    %mul3A_75 = arith.muli %get3A_72, %mul3A_74 : vector<16xi32>
    %get3A_76 = arith.constant 0 : index
    %get3A_77 = tpu.vector_load %arg8[%get3A_76] {strides = array<i32>} : memref<80xi32, #tpu.memory_space<vmem>>, vector<16xi32>,
    %add3A_78 = arith.addi %mul3A_75, %get3A_77 : vector<16xi32>
    %swap3A = arith.constant 0 : index
    %swap3A_79 = tpu.vector_load %arg11[%swap3A] {strides = array<i32>} : memref<80xi32, #tpu.memory_space<vmem>>, vector<16xi32>,
    tpu.vector_store %arg11[%swap3A], %add3A_78 {strides = array<i32>} : memref<80xi32, #tpu.memory_space<vmem>>, vector<16xi32>,
    %get3A_80 = arith.constant 16 : index
    %get3A_81 = tpu.vector_load %arg9[%get3A_80] {strides = array<i32>} : memref<80xi32, #tpu.memory_space<vmem>>, vector<16xi32>,
    %mul3A_82 = arith.constant 10000 : i32
    %mul3A_83 = vector.broadcast %mul3A_82 : i32 to vector<16xi32>
    %mul3A_84 = arith.muli %get3A_81, %mul3A_83 : vector<16xi32>
    %get3A_85 = arith.constant 16 : index
    %get3A_86 = tpu.vector_load %arg8[%get3A_85] {strides = array<i32>} : memref<80xi32, #tpu.memory_space<vmem>>, vector<16xi32>,
    %add3A_87 = arith.addi %mul3A_84, %get3A_86 : vector<16xi32>
    %swap3A_88 = arith.constant 16 : index
    %swap3A_89 = tpu.vector_load %arg11[%swap3A_88] {strides = array<i32>} : memref<80xi32, #tpu.memory_space<vmem>>, vector<16xi32>,
    tpu.vector_store %arg11[%swap3A_88], %add3A_87 {strides = array<i32>} : memref<80xi32, #tpu.memory_space<vmem>>, vector<16xi32>,
    %get3A_90 = arith.constant 32 : index
    %get3A_91 = tpu.vector_load %arg9[%get3A_90] {strides = array<i32>} : memref<80xi32, #tpu.memory_space<vmem>>, vector<16xi32>,
    %mul3A_92 = arith.constant 10000 : i32
    %mul3A_93 = vector.broadcast %mul3A_92 : i32 to vector<16xi32>
    %mul3A_94 = arith.muli %get3A_91, %mul3A_93 : vector<16xi32>
    %get3A_95 = arith.constant 32 : index
    %get3A_96 = tpu.vector_load %arg8[%get3A_95] {strides = array<i32>} : memref<80xi32, #tpu.memory_space<vmem>>, vector<16xi32>,
    %add3A_97 = arith.addi %mul3A_94, %get3A_96 : vector<16xi32>
    %swap3A_98 = arith.constant 32 : index
    %swap3A_99 = tpu.vector_load %arg11[%swap3A_98] {strides = array<i32>} : memref<80xi32, #tpu.memory_space<vmem>>, vector<16xi32>,
    tpu.vector_store %arg11[%swap3A_98], %add3A_97 {strides = array<i32>} : memref<80xi32, #tpu.memory_space<vmem>>, vector<16xi32>,
    %get3A_100 = arith.constant 48 : index
    %get3A_101 = tpu.vector_load %arg9[%get3A_100] {strides = array<i32>} : memref<80xi32, #tpu.memory_space<vmem>>, vector<16xi32>,
    %mul3A_102 = arith.constant 10000 : i32
    %mul3A_103 = vector.broadcast %mul3A_102 : i32 to vector<16xi32>
    %mul3A_104 = arith.muli %get3A_101, %mul3A_103 : vector<16xi32>
    %get3A_105 = arith.constant 48 : index
    %get3A_106 = tpu.vector_load %arg8[%get3A_105] {strides = array<i32>} : memref<80xi32, #tpu.memory_space<vmem>>, vector<16xi32>,
    %add3A_107 = arith.addi %mul3A_104, %get3A_106 : vector<16xi32>
    %swap3A_108 = arith.constant 48 : index
    %swap3A_109 = tpu.vector_load %arg11[%swap3A_108] {strides = array<i32>} : memref<80xi32, #tpu.memory_space<vmem>>, vector<16xi32>,
    tpu.vector_store %arg11[%swap3A_108], %add3A_107 {strides = array<i32>} : memref<80xi32, #tpu.memory_space<vmem>>, vector<16xi32>,
    %get3A_110 = arith.constant 64 : index
    %get3A_111 = tpu.vector_load %arg9[%get3A_110] {strides = array<i32>} : memref<80xi32, #tpu.memory_space<vmem>>, vector<16xi32>,
    %mul3A_112 = arith.constant 10000 : i32
    %mul3A_113 = vector.broadcast %mul3A_112 : i32 to vector<16xi32>
    %mul3A_114 = arith.muli %get3A_111, %mul3A_113 : vector<16xi32>
    %get3A_115 = arith.constant 64 : index
    %get3A_116 = tpu.vector_load %arg8[%get3A_115] {strides = array<i32>} : memref<80xi32, #tpu.memory_space<vmem>>, vector<16xi32>,
    %add3A_117 = arith.addi %mul3A_114, %get3A_116 : vector<16xi32>
    %swap3A_118 = arith.constant 64 : index
    %swap3A_119 = tpu.vector_load %arg11[%swap3A_118] {strides = array<i32>} : memref<80xi32, #tpu.memory_space<vmem>>, vector<16xi32>,
    tpu.vector_store %arg11[%swap3A_118], %add3A_117 {strides = array<i32>} : memref<80xi32, #tpu.memory_space<vmem>>, vector<16xi32>,
    %dma_start3A_120 = arith.constant 0 : i32
    %dma_start3A_121 = arith.constant 0 : i32
    %dma_start3A_122 = tpu.memref_slice %arg2[%dma_start3A_120, %dma_start3A_121] : memref<80000x128xf32, #tpu.memory_space<hbm>> -> memref<80000x128xf32, #tpu.memory_space<hbm>>
    tpu.enqueue_indirect_dma source(%dma_start3A_122 : memref<80000x128xf32, #tpu.memory_space<hbm>>) target(%arg13 : memref<80x128xf32, #tpu.memory_space<vmem>>) offsets(%arg11 : memref<80xi32, #tpu.memory_space<vmem>>) semaphore(%arg16 : memref<!tpu.dma_semaphore, #tpu.memory_space<semaphore_mem>>)
    %add3A_123 = arith.constant 1 : i32
    %add3A_124 = arith.addi %mul3A_2, %add3A_123 : i32
    %mul3A_125 = arith.constant 80 : i32
    %mul3A_126 = arith.muli %add3A_124, %mul3A_125 : i32
    %dma_wait3A_127 = tpu.memref_slice %arg3[%mul3A_126] : memref<320000xi32, #tpu.memory_space<hbm>> -> memref<80xi32, #tpu.memory_space<hbm>>
    %dma_wait3A_128 = tpu.memref_slice %arg3[%mul3A_126] : memref<320000xi32, #tpu.memory_space<hbm>> -> memref<80xi32, #tpu.memory_space<hbm>>
    tpu.wait_dma2 semaphore(%arg25 : memref<!tpu.dma_semaphore, #tpu.memory_space<semaphore_mem>>) src(%dma_wait3A_128 : memref<80xi32, #tpu.memory_space<hbm>>) dst(%arg18 : memref<80xi32, #tpu.memory_space<vmem>>)
    %dma_wait3A_129 = tpu.memref_slice %arg4[%mul3A_126] : memref<320000xi32, #tpu.memory_space<hbm>> -> memref<80xi32, #tpu.memory_space<hbm>>
    %dma_wait3A_130 = tpu.memref_slice %arg4[%mul3A_126] : memref<320000xi32, #tpu.memory_space<hbm>> -> memref<80xi32, #tpu.memory_space<hbm>>
    tpu.wait_dma2 semaphore(%arg25 : memref<!tpu.dma_semaphore, #tpu.memory_space<semaphore_mem>>) src(%dma_wait3A_130 : memref<80xi32, #tpu.memory_space<hbm>>) dst(%arg19 : memref<80xi32, #tpu.memory_space<vmem>>)
    %dma_wait3A_131 = tpu.memref_slice %arg5[%mul3A_126] : memref<320000xi32, #tpu.memory_space<hbm>> -> memref<80xi32, #tpu.memory_space<hbm>>
    %dma_wait3A_132 = tpu.memref_slice %arg5[%mul3A_126] : memref<320000xi32, #tpu.memory_space<hbm>> -> memref<80xi32, #tpu.memory_space<hbm>>
    tpu.wait_dma2 semaphore(%arg25 : memref<!tpu.dma_semaphore, #tpu.memory_space<semaphore_mem>>) src(%dma_wait3A_132 : memref<80xi32, #tpu.memory_space<hbm>>) dst(%arg20 : memref<80xi32, #tpu.memory_space<vmem>>)
    %dma_wait3A_133 = tpu.memref_slice %arg6[%mul3A_126] : memref<320000xf32, #tpu.memory_space<hbm>> -> memref<80xf32, #tpu.memory_space<hbm>>
    %dma_wait3A_134 = tpu.memref_slice %arg6[%mul3A_126] : memref<320000xf32, #tpu.memory_space<hbm>> -> memref<80xf32, #tpu.memory_space<hbm>>
    tpu.wait_dma2 semaphore(%arg25 : memref<!tpu.dma_semaphore, #tpu.memory_space<semaphore_mem>>) src(%dma_wait3A_134 : memref<80xf32, #tpu.memory_space<hbm>>) dst(%arg22 : memref<80xf32, #tpu.memory_space<vmem>>)
    %get3A_135 = arith.constant 0 : index
    %get3A_136 = tpu.vector_load %arg19[%get3A_135] {strides = array<i32>} : memref<80xi32, #tpu.memory_space<vmem>>, vector<16xi32>,
    %mul3A_137 = arith.constant 10000 : i32
    %mul3A_138 = vector.broadcast %mul3A_137 : i32 to vector<16xi32>
    %mul3A_139 = arith.muli %get3A_136, %mul3A_138 : vector<16xi32>
    %get3A_140 = arith.constant 0 : index
    %get3A_141 = tpu.vector_load %arg18[%get3A_140] {strides = array<i32>} : memref<80xi32, #tpu.memory_space<vmem>>, vector<16xi32>,
    %add3A_142 = arith.addi %mul3A_139, %get3A_141 : vector<16xi32>
    %swap3A_143 = arith.constant 0 : index
    %swap3A_144 = tpu.vector_load %arg21[%swap3A_143] {strides = array<i32>} : memref<80xi32, #tpu.memory_space<vmem>>, vector<16xi32>,
    tpu.vector_store %arg21[%swap3A_143], %add3A_142 {strides = array<i32>} : memref<80xi32, #tpu.memory_space<vmem>>, vector<16xi32>,
    %get3A_145 = arith.constant 16 : index
    %get3A_146 = tpu.vector_load %arg19[%get3A_145] {strides = array<i32>} : memref<80xi32, #tpu.memory_space<vmem>>, vector<16xi32>,
    %mul3A_147 = arith.constant 10000 : i32
    %mul3A_148 = vector.broadcast %mul3A_147 : i32 to vector<16xi32>
    %mul3A_149 = arith.muli %get3A_146, %mul3A_148 : vector<16xi32>
    %get3A_150 = arith.constant 16 : index
    %get3A_151 = tpu.vector_load %arg18[%get3A_150] {strides = array<i32>} : memref<80xi32, #tpu.memory_space<vmem>>, vector<16xi32>,
    %add3A_152 = arith.addi %mul3A_149, %get3A_151 : vector<16xi32>
    %swap3A_153 = arith.constant 16 : index
    %swap3A_154 = tpu.vector_load %arg21[%swap3A_153] {strides = array<i32>} : memref<80xi32, #tpu.memory_space<vmem>>, vector<16xi32>,
    tpu.vector_store %arg21[%swap3A_153], %add3A_152 {strides = array<i32>} : memref<80xi32, #tpu.memory_space<vmem>>, vector<16xi32>,
    %get3A_155 = arith.constant 32 : index
    %get3A_156 = tpu.vector_load %arg19[%get3A_155] {strides = array<i32>} : memref<80xi32, #tpu.memory_space<vmem>>, vector<16xi32>,
    %mul3A_157 = arith.constant 10000 : i32
    %mul3A_158 = vector.broadcast %mul3A_157 : i32 to vector<16xi32>
    %mul3A_159 = arith.muli %get3A_156, %mul3A_158 : vector<16xi32>
    %get3A_160 = arith.constant 32 : index
    %get3A_161 = tpu.vector_load %arg18[%get3A_160] {strides = array<i32>} : memref<80xi32, #tpu.memory_space<vmem>>, vector<16xi32>,
    %add3A_162 = arith.addi %mul3A_159, %get3A_161 : vector<16xi32>
    %swap3A_163 = arith.constant 32 : index
    %swap3A_164 = tpu.vector_load %arg21[%swap3A_163] {strides = array<i32>} : memref<80xi32, #tpu.memory_space<vmem>>, vector<16xi32>,
    tpu.vector_store %arg21[%swap3A_163], %add3A_162 {strides = array<i32>} : memref<80xi32, #tpu.memory_space<vmem>>, vector<16xi32>,
    %get3A_165 = arith.constant 48 : index
    %get3A_166 = tpu.vector_load %arg19[%get3A_165] {strides = array<i32>} : memref<80xi32, #tpu.memory_space<vmem>>, vector<16xi32>,
    %mul3A_167 = arith.constant 10000 : i32
    %mul3A_168 = vector.broadcast %mul3A_167 : i32 to vector<16xi32>
    %mul3A_169 = arith.muli %get3A_166, %mul3A_168 : vector<16xi32>
    %get3A_170 = arith.constant 48 : index
    %get3A_171 = tpu.vector_load %arg18[%get3A_170] {strides = array<i32>} : memref<80xi32, #tpu.memory_space<vmem>>, vector<16xi32>,
    %add3A_172 = arith.addi %mul3A_169, %get3A_171 : vector<16xi32>
    %swap3A_173 = arith.constant 48 : index
    %swap3A_174 = tpu.vector_load %arg21[%swap3A_173] {strides = array<i32>} : memref<80xi32, #tpu.memory_space<vmem>>, vector<16xi32>,
    tpu.vector_store %arg21[%swap3A_173], %add3A_172 {strides = array<i32>} : memref<80xi32, #tpu.memory_space<vmem>>, vector<16xi32>,
    %get3A_175 = arith.constant 64 : index
    %get3A_176 = tpu.vector_load %arg19[%get3A_175] {strides = array<i32>} : memref<80xi32, #tpu.memory_space<vmem>>, vector<16xi32>,
    %mul3A_177 = arith.constant 10000 : i32
    %mul3A_178 = vector.broadcast %mul3A_177 : i32 to vector<16xi32>
    %mul3A_179 = arith.muli %get3A_176, %mul3A_178 : vector<16xi32>
    %get3A_180 = arith.constant 64 : index
    %get3A_181 = tpu.vector_load %arg18[%get3A_180] {strides = array<i32>} : memref<80xi32, #tpu.memory_space<vmem>>, vector<16xi32>,
    %add3A_182 = arith.addi %mul3A_179, %get3A_181 : vector<16xi32>
    %swap3A_183 = arith.constant 64 : index
    %swap3A_184 = tpu.vector_load %arg21[%swap3A_183] {strides = array<i32>} : memref<80xi32, #tpu.memory_space<vmem>>, vector<16xi32>,
    tpu.vector_store %arg21[%swap3A_183], %add3A_182 {strides = array<i32>} : memref<80xi32, #tpu.memory_space<vmem>>, vector<16xi32>,
    %dma_start3A_185 = arith.constant 0 : i32
    %dma_start3A_186 = arith.constant 0 : i32
    %dma_start3A_187 = tpu.memref_slice %arg2[%dma_start3A_185, %dma_start3A_186] : memref<80000x128xf32, #tpu.memory_space<hbm>> -> memref<80000x128xf32, #tpu.memory_space<hbm>>
    tpu.enqueue_indirect_dma source(%dma_start3A_187 : memref<80000x128xf32, #tpu.memory_space<hbm>>) target(%arg23 : memref<80x128xf32, #tpu.memory_space<vmem>>) offsets(%arg21 : memref<80xi32, #tpu.memory_space<vmem>>) semaphore(%arg26 : memref<!tpu.dma_semaphore, #tpu.memory_space<semaphore_mem>>)
    %scan3A_188 = arith.constant 0 : i32
    %scan3A_189 = arith.constant 41 : i32
    %scan3A_190 = arith.addi %scan3A_188, %scan3A_189 : i32
    %scan3A_191 = arith.constant 1 : i32
    scf.for %scan3A_271 = %scan3A_188 to %scan3A_190 step %scan3A_191  : i32 {
      %mul3A_272 = arith.constant 1 : i32
      %mul3A_273 = arith.muli %scan3A_271, %mul3A_272 : i32
      %add3A_274 = arith.constant 0 : i32
      %add3A_275 = arith.addi %add3A_274, %mul3A_273 : i32
      %mul3A_276 = arith.constant 3 : i32
      %mul3A_277 = arith.muli %mul3A_276, %add3A_275 : i32
      %add3A_278 = arith.constant 0 : i32
      %add3A_279 = arith.addi %mul3A_277, %add3A_278 : i32
      %add3A_280 = arith.constant 2 : i32
      %add3A_281 = arith.addi %add3A_279, %add3A_280 : i32
      %lt3A_282 = arith.constant 125 : i32
      %lt3A_283 = arith.cmpi slt, %add3A_281, %lt3A_282 : i32
      %convert_element_type3A_284 = arith.extui %lt3A_283 : i1 to i32
      %cond3A_285 = arith.constant 0 : i32
      %cond3A_286 = arith.cmpi ne, %convert_element_type3A_284, %cond3A_285 : i32
      scf.if %cond3A_286 {
        %add3A_419 = arith.constant 2 : i32
        %add3A_420 = arith.addi %add3A_279, %add3A_419 : i32
        %add3A_421 = arith.addi %mul3A_2, %add3A_420 : i32
        %mul3A_422 = arith.constant 80 : i32
        %mul3A_423 = arith.muli %add3A_421, %mul3A_422 : i32
        %dma_wait3A_424 = tpu.memref_slice %arg3[%mul3A_423] : memref<320000xi32, #tpu.memory_space<hbm>> -> memref<80xi32, #tpu.memory_space<hbm>>
        %dma_wait3A_425 = tpu.memref_slice %arg3[%mul3A_423] : memref<320000xi32, #tpu.memory_space<hbm>> -> memref<80xi32, #tpu.memory_space<hbm>>
        tpu.wait_dma2 semaphore(%arg35 : memref<!tpu.dma_semaphore, #tpu.memory_space<semaphore_mem>>) src(%dma_wait3A_425 : memref<80xi32, #tpu.memory_space<hbm>>) dst(%arg28 : memref<80xi32, #tpu.memory_space<vmem>>)
        %dma_wait3A_426 = tpu.memref_slice %arg4[%mul3A_423] : memref<320000xi32, #tpu.memory_space<hbm>> -> memref<80xi32, #tpu.memory_space<hbm>>
        %dma_wait3A_427 = tpu.memref_slice %arg4[%mul3A_423] : memref<320000xi32, #tpu.memory_space<hbm>> -> memref<80xi32, #tpu.memory_space<hbm>>
        tpu.wait_dma2 semaphore(%arg35 : memref<!tpu.dma_semaphore, #tpu.memory_space<semaphore_mem>>) src(%dma_wait3A_427 : memref<80xi32, #tpu.memory_space<hbm>>) dst(%arg29 : memref<80xi32, #tpu.memory_space<vmem>>)
        %dma_wait3A_428 = tpu.memref_slice %arg5[%mul3A_423] : memref<320000xi32, #tpu.memory_space<hbm>> -> memref<80xi32, #tpu.memory_space<hbm>>
        %dma_wait3A_429 = tpu.memref_slice %arg5[%mul3A_423] : memref<320000xi32, #tpu.memory_space<hbm>> -> memref<80xi32, #tpu.memory_space<hbm>>
        tpu.wait_dma2 semaphore(%arg35 : memref<!tpu.dma_semaphore, #tpu.memory_space<semaphore_mem>>) src(%dma_wait3A_429 : memref<80xi32, #tpu.memory_space<hbm>>) dst(%arg30 : memref<80xi32, #tpu.memory_space<vmem>>)
        %dma_wait3A_430 = tpu.memref_slice %arg6[%mul3A_423] : memref<320000xf32, #tpu.memory_space<hbm>> -> memref<80xf32, #tpu.memory_space<hbm>>
        %dma_wait3A_431 = tpu.memref_slice %arg6[%mul3A_423] : memref<320000xf32, #tpu.memory_space<hbm>> -> memref<80xf32, #tpu.memory_space<hbm>>
        tpu.wait_dma2 semaphore(%arg35 : memref<!tpu.dma_semaphore, #tpu.memory_space<semaphore_mem>>) src(%dma_wait3A_431 : memref<80xf32, #tpu.memory_space<hbm>>) dst(%arg32 : memref<80xf32, #tpu.memory_space<vmem>>)
        %get3A_432 = arith.constant 0 : index
        %get3A_433 = tpu.vector_load %arg29[%get3A_432] {strides = array<i32>} : memref<80xi32, #tpu.memory_space<vmem>>, vector<16xi32>,
        %mul3A_434 = arith.constant 10000 : i32
        %mul3A_435 = vector.broadcast %mul3A_434 : i32 to vector<16xi32>
        %mul3A_436 = arith.muli %get3A_433, %mul3A_435 : vector<16xi32>
        %get3A_437 = arith.constant 0 : index
        %get3A_438 = tpu.vector_load %arg28[%get3A_437] {strides = array<i32>} : memref<80xi32, #tpu.memory_space<vmem>>, vector<16xi32>,
        %add3A_439 = arith.addi %mul3A_436, %get3A_438 : vector<16xi32>
        %swap3A_440 = arith.constant 0 : index
        %swap3A_441 = tpu.vector_load %arg31[%swap3A_440] {strides = array<i32>} : memref<80xi32, #tpu.memory_space<vmem>>, vector<16xi32>,
        tpu.vector_store %arg31[%swap3A_440], %add3A_439 {strides = array<i32>} : memref<80xi32, #tpu.memory_space<vmem>>, vector<16xi32>,
        %get3A_442 = arith.constant 16 : index
        %get3A_443 = tpu.vector_load %arg29[%get3A_442] {strides = array<i32>} : memref<80xi32, #tpu.memory_space<vmem>>, vector<16xi32>,
        %mul3A_444 = arith.constant 10000 : i32
        %mul3A_445 = vector.broadcast %mul3A_444 : i32 to vector<16xi32>
        %mul3A_446 = arith.muli %get3A_443, %mul3A_445 : vector<16xi32>
        %get3A_447 = arith.constant 16 : index
        %get3A_448 = tpu.vector_load %arg28[%get3A_447] {strides = array<i32>} : memref<80xi32, #tpu.memory_space<vmem>>, vector<16xi32>,
        %add3A_449 = arith.addi %mul3A_446, %get3A_448 : vector<16xi32>
        %swap3A_450 = arith.constant 16 : index
        %swap3A_451 = tpu.vector_load %arg31[%swap3A_450] {strides = array<i32>} : memref<80xi32, #tpu.memory_space<vmem>>, vector<16xi32>,
        tpu.vector_store %arg31[%swap3A_450], %add3A_449 {strides = array<i32>} : memref<80xi32, #tpu.memory_space<vmem>>, vector<16xi32>,
        %get3A_452 = arith.constant 32 : index
        %get3A_453 = tpu.vector_load %arg29[%get3A_452] {strides = array<i32>} : memref<80xi32, #tpu.memory_space<vmem>>, vector<16xi32>,
        %mul3A_454 = arith.constant 10000 : i32
        %mul3A_455 = vector.broadcast %mul3A_454 : i32 to vector<16xi32>
        %mul3A_456 = arith.muli %get3A_453, %mul3A_455 : vector<16xi32>
        %get3A_457 = arith.constant 32 : index
        %get3A_458 = tpu.vector_load %arg28[%get3A_457] {strides = array<i32>} : memref<80xi32, #tpu.memory_space<vmem>>, vector<16xi32>,
        %add3A_459 = arith.addi %mul3A_456, %get3A_458 : vector<16xi32>
        %swap3A_460 = arith.constant 32 : index
        %swap3A_461 = tpu.vector_load %arg31[%swap3A_460] {strides = array<i32>} : memref<80xi32, #tpu.memory_space<vmem>>, vector<16xi32>,
        tpu.vector_store %arg31[%swap3A_460], %add3A_459 {strides = array<i32>} : memref<80xi32, #tpu.memory_space<vmem>>, vector<16xi32>,
        %get3A_462 = arith.constant 48 : index
        %get3A_463 = tpu.vector_load %arg29[%get3A_462] {strides = array<i32>} : memref<80xi32, #tpu.memory_space<vmem>>, vector<16xi32>,
        %mul3A_464 = arith.constant 10000 : i32
        %mul3A_465 = vector.broadcast %mul3A_464 : i32 to vector<16xi32>
        %mul3A_466 = arith.muli %get3A_463, %mul3A_465 : vector<16xi32>
        %get3A_467 = arith.constant 48 : index
        %get3A_468 = tpu.vector_load %arg28[%get3A_467] {strides = array<i32>} : memref<80xi32, #tpu.memory_space<vmem>>, vector<16xi32>,
        %add3A_469 = arith.addi %mul3A_466, %get3A_468 : vector<16xi32>
        %swap3A_470 = arith.constant 48 : index
        %swap3A_471 = tpu.vector_load %arg31[%swap3A_470] {strides = array<i32>} : memref<80xi32, #tpu.memory_space<vmem>>, vector<16xi32>,
        tpu.vector_store %arg31[%swap3A_470], %add3A_469 {strides = array<i32>} : memref<80xi32, #tpu.memory_space<vmem>>, vector<16xi32>,
        %get3A_472 = arith.constant 64 : index
        %get3A_473 = tpu.vector_load %arg29[%get3A_472] {strides = array<i32>} : memref<80xi32, #tpu.memory_space<vmem>>, vector<16xi32>,
        %mul3A_474 = arith.constant 10000 : i32
        %mul3A_475 = vector.broadcast %mul3A_474 : i32 to vector<16xi32>
        %mul3A_476 = arith.muli %get3A_473, %mul3A_475 : vector<16xi32>
        %get3A_477 = arith.constant 64 : index
        %get3A_478 = tpu.vector_load %arg28[%get3A_477] {strides = array<i32>} : memref<80xi32, #tpu.memory_space<vmem>>, vector<16xi32>,
        %add3A_479 = arith.addi %mul3A_476, %get3A_478 : vector<16xi32>
        %swap3A_480 = arith.constant 64 : index
        %swap3A_481 = tpu.vector_load %arg31[%swap3A_480] {strides = array<i32>} : memref<80xi32, #tpu.memory_space<vmem>>, vector<16xi32>,
        tpu.vector_store %arg31[%swap3A_480], %add3A_479 {strides = array<i32>} : memref<80xi32, #tpu.memory_space<vmem>>, vector<16xi32>,
        %ge3A = arith.constant 1 : i32
        %ge3A_482 = arith.cmpi sge, %add3A_279, %ge3A : i32
        %convert_element_type3A_483 = arith.extui %ge3A_482 : i1 to i32
        %cond3A_484 = arith.constant 0 : i32
        %cond3A_485 = arith.cmpi ne, %convert_element_type3A_483, %cond3A_484 : i32
        scf.if %cond3A_485 {
          %dma_wait3A_489 = arith.constant 0 : i32
          %dma_wait3A_490 = arith.constant 0 : i32
          %dma_wait3A_491 = tpu.memref_slice %arg38[%dma_wait3A_489, %dma_wait3A_490] : memref<10240x128xf32, #tpu.memory_space<vmem_shared>> -> memref<10240x128xf32, #tpu.memory_space<vmem_shared>>
          tpu.wait_indirect_dma semaphore(%arg37 : memref<!tpu.dma_semaphore, #tpu.memory_space<semaphore_mem>>) src(%arg33 : memref<80x128xf32, #tpu.memory_space<vmem>>) dst(%dma_wait3A_491 : memref<10240x128xf32, #tpu.memory_space<vmem_shared>>)
        } else {
        }
        %dma_start3A_486 = arith.constant 0 : i32
        %dma_start3A_487 = arith.constant 0 : i32
        %dma_start3A_488 = tpu.memref_slice %arg2[%dma_start3A_486, %dma_start3A_487] : memref<80000x128xf32, #tpu.memory_space<hbm>> -> memref<80000x128xf32, #tpu.memory_space<hbm>>
        tpu.enqueue_indirect_dma source(%dma_start3A_488 : memref<80000x128xf32, #tpu.memory_space<hbm>>) target(%arg33 : memref<80x128xf32, #tpu.memory_space<vmem>>) offsets(%arg31 : memref<80xi32, #tpu.memory_space<vmem>>) semaphore(%arg36 : memref<!tpu.dma_semaphore, #tpu.memory_space<semaphore_mem>>)
      } else {
      }
      %dma_wait3A_287 = arith.constant 0 : i32
      %dma_wait3A_288 = arith.constant 0 : i32
      %dma_wait3A_289 = tpu.memref_slice %arg2[%dma_wait3A_287, %dma_wait3A_288] : memref<80000x128xf32, #tpu.memory_space<hbm>> -> memref<80000x128xf32, #tpu.memory_space<hbm>>
      tpu.wait_indirect_dma semaphore(%arg16 : memref<!tpu.dma_semaphore, #tpu.memory_space<semaphore_mem>>) src(%dma_wait3A_289 : memref<80000x128xf32, #tpu.memory_space<hbm>>) dst(%arg13 : memref<80x128xf32, #tpu.memory_space<vmem>>)
      %scan3A_290 = arith.constant 0 : i32
      %scan3A_291 = arith.constant 20 : i32
      %scan3A_292 = arith.addi %scan3A_290, %scan3A_291 : i32
      %scan3A_293 = arith.constant 1 : i32
      scf.for %scan3A_419 = %scan3A_290 to %scan3A_292 step %scan3A_293  : i32 {
        %mul3A_420 = arith.constant 4 : i32
        %mul3A_421 = arith.muli %scan3A_419, %mul3A_420 : i32
        %add3A_422 = arith.constant 0 : i32
        %add3A_423 = arith.addi %add3A_422, %mul3A_421 : i32
        %add3A_424 = arith.constant 0 : i32
        %add3A_425 = arith.addi %add3A_423, %add3A_424 : i32
        %broadcast_in_dim3A_426 = vector.broadcast %add3A_425 : i32 to vector<16xi32>
        %gather3A = tpu.vector_load_idx %arg12[%broadcast_in_dim3A_426] : memref<80xf32, #tpu.memory_space<vmem>>[vector<16xi32>], vector<16xf32>,
        %get3A_427 = arith.index_cast %add3A_425 : i32 to index
        %get3A_428 = arith.constant 0 : index
        %get3A_429 = tpu.vector_load %arg13[%get3A_427, %get3A_428] {strides = array<i32>} : memref<80x128xf32, #tpu.memory_space<vmem>>, vector<16xf32>,
        %mul3A_430 = arith.mulf %get3A_429, %gather3A : vector<16xf32>
        %swap3A_431 = arith.index_cast %add3A_425 : i32 to index
        %swap3A_432 = arith.constant 0 : index
        %swap3A_433 = tpu.vector_load %arg13[%swap3A_431, %swap3A_432] {strides = array<i32>} : memref<80x128xf32, #tpu.memory_space<vmem>>, vector<16xf32>,
        tpu.vector_store %arg13[%swap3A_431, %swap3A_432], %mul3A_430 {strides = array<i32>} : memref<80x128xf32, #tpu.memory_space<vmem>>, vector<16xf32>,
        %get3A_434 = arith.index_cast %add3A_425 : i32 to index
        %get3A_435 = arith.constant 16 : index
        %get3A_436 = tpu.vector_load %arg13[%get3A_434, %get3A_435] {strides = array<i32>} : memref<80x128xf32, #tpu.memory_space<vmem>>, vector<16xf32>,
        %mul3A_437 = arith.mulf %get3A_436, %gather3A : vector<16xf32>
        %swap3A_438 = arith.index_cast %add3A_425 : i32 to index
        %swap3A_439 = arith.constant 16 : index
        %swap3A_440 = tpu.vector_load %arg13[%swap3A_438, %swap3A_439] {strides = array<i32>} : memref<80x128xf32, #tpu.memory_space<vmem>>, vector<16xf32>,
        tpu.vector_store %arg13[%swap3A_438, %swap3A_439], %mul3A_437 {strides = array<i32>} : memref<80x128xf32, #tpu.memory_space<vmem>>, vector<16xf32>,
        %get3A_441 = arith.index_cast %add3A_425 : i32 to index
        %get3A_442 = arith.constant 32 : index
        %get3A_443 = tpu.vector_load %arg13[%get3A_441, %get3A_442] {strides = array<i32>} : memref<80x128xf32, #tpu.memory_space<vmem>>, vector<16xf32>,
        %mul3A_444 = arith.mulf %get3A_443, %gather3A : vector<16xf32>
        %swap3A_445 = arith.index_cast %add3A_425 : i32 to index
        %swap3A_446 = arith.constant 32 : index
        %swap3A_447 = tpu.vector_load %arg13[%swap3A_445, %swap3A_446] {strides = array<i32>} : memref<80x128xf32, #tpu.memory_space<vmem>>, vector<16xf32>,
        tpu.vector_store %arg13[%swap3A_445, %swap3A_446], %mul3A_444 {strides = array<i32>} : memref<80x128xf32, #tpu.memory_space<vmem>>, vector<16xf32>,
        %get3A_448 = arith.index_cast %add3A_425 : i32 to index
        %get3A_449 = arith.constant 48 : index
        %get3A_450 = tpu.vector_load %arg13[%get3A_448, %get3A_449] {strides = array<i32>} : memref<80x128xf32, #tpu.memory_space<vmem>>, vector<16xf32>,
        %mul3A_451 = arith.mulf %get3A_450, %gather3A : vector<16xf32>
        %swap3A_452 = arith.index_cast %add3A_425 : i32 to index
        %swap3A_453 = arith.constant 48 : index
        %swap3A_454 = tpu.vector_load %arg13[%swap3A_452, %swap3A_453] {strides = array<i32>} : memref<80x128xf32, #tpu.memory_space<vmem>>, vector<16xf32>,
        tpu.vector_store %arg13[%swap3A_452, %swap3A_453], %mul3A_451 {strides = array<i32>} : memref<80x128xf32, #tpu.memory_space<vmem>>, vector<16xf32>,
        %get3A_455 = arith.index_cast %add3A_425 : i32 to index
        %get3A_456 = arith.constant 64 : index
        %get3A_457 = tpu.vector_load %arg13[%get3A_455, %get3A_456] {strides = array<i32>} : memref<80x128xf32, #tpu.memory_space<vmem>>, vector<16xf32>,
        %mul3A_458 = arith.mulf %get3A_457, %gather3A : vector<16xf32>
        %swap3A_459 = arith.index_cast %add3A_425 : i32 to index
        %swap3A_460 = arith.constant 64 : index
        %swap3A_461 = tpu.vector_load %arg13[%swap3A_459, %swap3A_460] {strides = array<i32>} : memref<80x128xf32, #tpu.memory_space<vmem>>, vector<16xf32>,
        tpu.vector_store %arg13[%swap3A_459, %swap3A_460], %mul3A_458 {strides = array<i32>} : memref<80x128xf32, #tpu.memory_space<vmem>>, vector<16xf32>,
        %get3A_462 = arith.index_cast %add3A_425 : i32 to index
        %get3A_463 = arith.constant 80 : index
        %get3A_464 = tpu.vector_load %arg13[%get3A_462, %get3A_463] {strides = array<i32>} : memref<80x128xf32, #tpu.memory_space<vmem>>, vector<16xf32>,
        %mul3A_465 = arith.mulf %get3A_464, %gather3A : vector<16xf32>
        %swap3A_466 = arith.index_cast %add3A_425 : i32 to index
        %swap3A_467 = arith.constant 80 : index
        %swap3A_468 = tpu.vector_load %arg13[%swap3A_466, %swap3A_467] {strides = array<i32>} : memref<80x128xf32, #tpu.memory_space<vmem>>, vector<16xf32>,
        tpu.vector_store %arg13[%swap3A_466, %swap3A_467], %mul3A_465 {strides = array<i32>} : memref<80x128xf32, #tpu.memory_space<vmem>>, vector<16xf32>,
        %get3A_469 = arith.index_cast %add3A_425 : i32 to index
        %get3A_470 = arith.constant 96 : index
        %get3A_471 = tpu.vector_load %arg13[%get3A_469, %get3A_470] {strides = array<i32>} : memref<80x128xf32, #tpu.memory_space<vmem>>, vector<16xf32>,
        %mul3A_472 = arith.mulf %get3A_471, %gather3A : vector<16xf32>
        %swap3A_473 = arith.index_cast %add3A_425 : i32 to index
        %swap3A_474 = arith.constant 96 : index
        %swap3A_475 = tpu.vector_load %arg13[%swap3A_473, %swap3A_474] {strides = array<i32>} : memref<80x128xf32, #tpu.memory_space<vmem>>, vector<16xf32>,
        tpu.vector_store %arg13[%swap3A_473, %swap3A_474], %mul3A_472 {strides = array<i32>} : memref<80x128xf32, #tpu.memory_space<vmem>>, vector<16xf32>,
        %get3A_476 = arith.index_cast %add3A_425 : i32 to index
        %get3A_477 = arith.constant 112 : index
        %get3A_478 = tpu.vector_load %arg13[%get3A_476, %get3A_477] {strides = array<i32>} : memref<80x128xf32, #tpu.memory_space<vmem>>, vector<16xf32>,
        %mul3A_479 = arith.mulf %get3A_478, %gather3A : vector<16xf32>
        %swap3A_480 = arith.index_cast %add3A_425 : i32 to index
        %swap3A_481 = arith.constant 112 : index
        %swap3A_482 = tpu.vector_load %arg13[%swap3A_480, %swap3A_481] {strides = array<i32>} : memref<80x128xf32, #tpu.memory_space<vmem>>, vector<16xf32>,
        tpu.vector_store %arg13[%swap3A_480, %swap3A_481], %mul3A_479 {strides = array<i32>} : memref<80x128xf32, #tpu.memory_space<vmem>>, vector<16xf32>,
        %add3A_483 = arith.constant 1 : i32
        %add3A_484 = arith.addi %add3A_423, %add3A_483 : i32
        %broadcast_in_dim3A_485 = vector.broadcast %add3A_484 : i32 to vector<16xi32>
        %gather3A_486 = tpu.vector_load_idx %arg12[%broadcast_in_dim3A_485] : memref<80xf32, #tpu.memory_space<vmem>>[vector<16xi32>], vector<16xf32>,
        %get3A_487 = arith.index_cast %add3A_484 : i32 to index
        %get3A_488 = arith.constant 0 : index
        %get3A_489 = tpu.vector_load %arg13[%get3A_487, %get3A_488] {strides = array<i32>} : memref<80x128xf32, #tpu.memory_space<vmem>>, vector<16xf32>,
        %mul3A_490 = arith.mulf %get3A_489, %gather3A_486 : vector<16xf32>
        %swap3A_491 = arith.index_cast %add3A_484 : i32 to index
        %swap3A_492 = arith.constant 0 : index
        %swap3A_493 = tpu.vector_load %arg13[%swap3A_491, %swap3A_492] {strides = array<i32>} : memref<80x128xf32, #tpu.memory_space<vmem>>, vector<16xf32>,
        tpu.vector_store %arg13[%swap3A_491, %swap3A_492], %mul3A_490 {strides = array<i32>} : memref<80x128xf32, #tpu.memory_space<vmem>>, vector<16xf32>,
        %get3A_494 = arith.index_cast %add3A_484 : i32 to index
        %get3A_495 = arith.constant 16 : index
        %get3A_496 = tpu.vector_load %arg13[%get3A_494, %get3A_495] {strides = array<i32>} : memref<80x128xf32, #tpu.memory_space<vmem>>, vector<16xf32>,
        %mul3A_497 = arith.mulf %get3A_496, %gather3A_486 : vector<16xf32>
        %swap3A_498 = arith.index_cast %add3A_484 : i32 to index
        %swap3A_499 = arith.constant 16 : index
        %swap3A_500 = tpu.vector_load %arg13[%swap3A_498, %swap3A_499] {strides = array<i32>} : memref<80x128xf32, #tpu.memory_space<vmem>>, vector<16xf32>,
        tpu.vector_store %arg13[%swap3A_498, %swap3A_499], %mul3A_497 {strides = array<i32>} : memref<80x128xf32, #tpu.memory_space<vmem>>, vector<16xf32>,
        %get3A_501 = arith.index_cast %add3A_484 : i32 to index
        %get3A_502 = arith.constant 32 : index
        %get3A_503 = tpu.vector_load %arg13[%get3A_501, %get3A_502] {strides = array<i32>} : memref<80x128xf32, #tpu.memory_space<vmem>>, vector<16xf32>,
        %mul3A_504 = arith.mulf %get3A_503, %gather3A_486 : vector<16xf32>
        %swap3A_505 = arith.index_cast %add3A_484 : i32 to index
        %swap3A_506 = arith.constant 32 : index
        %swap3A_507 = tpu.vector_load %arg13[%swap3A_505, %swap3A_506] {strides = array<i32>} : memref<80x128xf32, #tpu.memory_space<vmem>>, vector<16xf32>,
        tpu.vector_store %arg13[%swap3A_505, %swap3A_506], %mul3A_504 {strides = array<i32>} : memref<80x128xf32, #tpu.memory_space<vmem>>, vector<16xf32>,
        %get3A_508 = arith.index_cast %add3A_484 : i32 to index
        %get3A_509 = arith.constant 48 : index
        %get3A_510 = tpu.vector_load %arg13[%get3A_508, %get3A_509] {strides = array<i32>} : memref<80x128xf32, #tpu.memory_space<vmem>>, vector<16xf32>,
        %mul3A_511 = arith.mulf %get3A_510, %gather3A_486 : vector<16xf32>
        %swap3A_512 = arith.index_cast %add3A_484 : i32 to index
        %swap3A_513 = arith.constant 48 : index
        %swap3A_514 = tpu.vector_load %arg13[%swap3A_512, %swap3A_513] {strides = array<i32>} : memref<80x128xf32, #tpu.memory_space<vmem>>, vector<16xf32>,
        tpu.vector_store %arg13[%swap3A_512, %swap3A_513], %mul3A_511 {strides = array<i32>} : memref<80x128xf32, #tpu.memory_space<vmem>>, vector<16xf32>,
        %get3A_515 = arith.index_cast %add3A_484 : i32 to index
        %get3A_516 = arith.constant 64 : index
        %get3A_517 = tpu.vector_load %arg13[%get3A_515, %get3A_516] {strides = array<i32>} : memref<80x128xf32, #tpu.memory_space<vmem>>, vector<16xf32>,
        %mul3A_518 = arith.mulf %get3A_517, %gather3A_486 : vector<16xf32>
        %swap3A_519 = arith.index_cast %add3A_484 : i32 to index
        %swap3A_520 = arith.constant 64 : index
        %swap3A_521 = tpu.vector_load %arg13[%swap3A_519, %swap3A_520] {strides = array<i32>} : memref<80x128xf32, #tpu.memory_space<vmem>>, vector<16xf32>,
        tpu.vector_store %arg13[%swap3A_519, %swap3A_520], %mul3A_518 {strides = array<i32>} : memref<80x128xf32, #tpu.memory_space<vmem>>, vector<16xf32>,
        %get3A_522 = arith.index_cast %add3A_484 : i32 to index
        %get3A_523 = arith.constant 80 : index
        %get3A_524 = tpu.vector_load %arg13[%get3A_522, %get3A_523] {strides = array<i32>} : memref<80x128xf32, #tpu.memory_space<vmem>>, vector<16xf32>,
        %mul3A_525 = arith.mulf %get3A_524, %gather3A_486 : vector<16xf32>
        %swap3A_526 = arith.index_cast %add3A_484 : i32 to index
        %swap3A_527 = arith.constant 80 : index
        %swap3A_528 = tpu.vector_load %arg13[%swap3A_526, %swap3A_527] {strides = array<i32>} : memref<80x128xf32, #tpu.memory_space<vmem>>, vector<16xf32>,
        tpu.vector_store %arg13[%swap3A_526, %swap3A_527], %mul3A_525 {strides = array<i32>} : memref<80x128xf32, #tpu.memory_space<vmem>>, vector<16xf32>,
        %get3A_529 = arith.index_cast %add3A_484 : i32 to index
        %get3A_530 = arith.constant 96 : index
        %get3A_531 = tpu.vector_load %arg13[%get3A_529, %get3A_530] {strides = array<i32>} : memref<80x128xf32, #tpu.memory_space<vmem>>, vector<16xf32>,
        %mul3A_532 = arith.mulf %get3A_531, %gather3A_486 : vector<16xf32>
        %swap3A_533 = arith.index_cast %add3A_484 : i32 to index
        %swap3A_534 = arith.constant 96 : index
        %swap3A_535 = tpu.vector_load %arg13[%swap3A_533, %swap3A_534] {strides = array<i32>} : memref<80x128xf32, #tpu.memory_space<vmem>>, vector<16xf32>,
        tpu.vector_store %arg13[%swap3A_533, %swap3A_534], %mul3A_532 {strides = array<i32>} : memref<80x128xf32, #tpu.memory_space<vmem>>, vector<16xf32>,
        %get3A_536 = arith.index_cast %add3A_484 : i32 to index
        %get3A_537 = arith.constant 112 : index
        %get3A_538 = tpu.vector_load %arg13[%get3A_536, %get3A_537] {strides = array<i32>} : memref<80x128xf32, #tpu.memory_space<vmem>>, vector<16xf32>,
        %mul3A_539 = arith.mulf %get3A_538, %gather3A_486 : vector<16xf32>
        %swap3A_540 = arith.index_cast %add3A_484 : i32 to index
        %swap3A_541 = arith.constant 112 : index
        %swap3A_542 = tpu.vector_load %arg13[%swap3A_540, %swap3A_541] {strides = array<i32>} : memref<80x128xf32, #tpu.memory_space<vmem>>, vector<16xf32>,
        tpu.vector_store %arg13[%swap3A_540, %swap3A_541], %mul3A_539 {strides = array<i32>} : memref<80x128xf32, #tpu.memory_space<vmem>>, vector<16xf32>,
        %add3A_543 = arith.constant 2 : i32
        %add3A_544 = arith.addi %add3A_423, %add3A_543 : i32
        %broadcast_in_dim3A_545 = vector.broadcast %add3A_544 : i32 to vector<16xi32>
        %gather3A_546 = tpu.vector_load_idx %arg12[%broadcast_in_dim3A_545] : memref<80xf32, #tpu.memory_space<vmem>>[vector<16xi32>], vector<16xf32>,
        %get3A_547 = arith.index_cast %add3A_544 : i32 to index
        %get3A_548 = arith.constant 0 : index
        %get3A_549 = tpu.vector_load %arg13[%get3A_547, %get3A_548] {strides = array<i32>} : memref<80x128xf32, #tpu.memory_space<vmem>>, vector<16xf32>,
        %mul3A_550 = arith.mulf %get3A_549, %gather3A_546 : vector<16xf32>
        %swap3A_551 = arith.index_cast %add3A_544 : i32 to index
        %swap3A_552 = arith.constant 0 : index
        %swap3A_553 = tpu.vector_load %arg13[%swap3A_551, %swap3A_552] {strides = array<i32>} : memref<80x128xf32, #tpu.memory_space<vmem>>, vector<16xf32>,
        tpu.vector_store %arg13[%swap3A_551, %swap3A_552], %mul3A_550 {strides = array<i32>} : memref<80x128xf32, #tpu.memory_space<vmem>>, vector<16xf32>,
        %get3A_554 = arith.index_cast %add3A_544 : i32 to index
        %get3A_555 = arith.constant 16 : index
        %get3A_556 = tpu.vector_load %arg13[%get3A_554, %get3A_555] {strides = array<i32>} : memref<80x128xf32, #tpu.memory_space<vmem>>, vector<16xf32>,
        %mul3A_557 = arith.mulf %get3A_556, %gather3A_546 : vector<16xf32>
        %swap3A_558 = arith.index_cast %add3A_544 : i32 to index
        %swap3A_559 = arith.constant 16 : index
        %swap3A_560 = tpu.vector_load %arg13[%swap3A_558, %swap3A_559] {strides = array<i32>} : memref<80x128xf32, #tpu.memory_space<vmem>>, vector<16xf32>,
        tpu.vector_store %arg13[%swap3A_558, %swap3A_559], %mul3A_557 {strides = array<i32>} : memref<80x128xf32, #tpu.memory_space<vmem>>, vector<16xf32>,
        %get3A_561 = arith.index_cast %add3A_544 : i32 to index
        %get3A_562 = arith.constant 32 : index
        %get3A_563 = tpu.vector_load %arg13[%get3A_561, %get3A_562] {strides = array<i32>} : memref<80x128xf32, #tpu.memory_space<vmem>>, vector<16xf32>,
        %mul3A_564 = arith.mulf %get3A_563, %gather3A_546 : vector<16xf32>
        %swap3A_565 = arith.index_cast %add3A_544 : i32 to index
        %swap3A_566 = arith.constant 32 : index
        %swap3A_567 = tpu.vector_load %arg13[%swap3A_565, %swap3A_566] {strides = array<i32>} : memref<80x128xf32, #tpu.memory_space<vmem>>, vector<16xf32>,
        tpu.vector_store %arg13[%swap3A_565, %swap3A_566], %mul3A_564 {strides = array<i32>} : memref<80x128xf32, #tpu.memory_space<vmem>>, vector<16xf32>,
        %get3A_568 = arith.index_cast %add3A_544 : i32 to index
        %get3A_569 = arith.constant 48 : index
        %get3A_570 = tpu.vector_load %arg13[%get3A_568, %get3A_569] {strides = array<i32>} : memref<80x128xf32, #tpu.memory_space<vmem>>, vector<16xf32>,
        %mul3A_571 = arith.mulf %get3A_570, %gather3A_546 : vector<16xf32>
        %swap3A_572 = arith.index_cast %add3A_544 : i32 to index
        %swap3A_573 = arith.constant 48 : index
        %swap3A_574 = tpu.vector_load %arg13[%swap3A_572, %swap3A_573] {strides = array<i32>} : memref<80x128xf32, #tpu.memory_space<vmem>>, vector<16xf32>,
        tpu.vector_store %arg13[%swap3A_572, %swap3A_573], %mul3A_571 {strides = array<i32>} : memref<80x128xf32, #tpu.memory_space<vmem>>, vector<16xf32>,
        %get3A_575 = arith.index_cast %add3A_544 : i32 to index
        %get3A_576 = arith.constant 64 : index
        %get3A_577 = tpu.vector_load %arg13[%get3A_575, %get3A_576] {strides = array<i32>} : memref<80x128xf32, #tpu.memory_space<vmem>>, vector<16xf32>,
        %mul3A_578 = arith.mulf %get3A_577, %gather3A_546 : vector<16xf32>
        %swap3A_579 = arith.index_cast %add3A_544 : i32 to index
        %swap3A_580 = arith.constant 64 : index
        %swap3A_581 = tpu.vector_load %arg13[%swap3A_579, %swap3A_580] {strides = array<i32>} : memref<80x128xf32, #tpu.memory_space<vmem>>, vector<16xf32>,
        tpu.vector_store %arg13[%swap3A_579, %swap3A_580], %mul3A_578 {strides = array<i32>} : memref<80x128xf32, #tpu.memory_space<vmem>>, vector<16xf32>,
        %get3A_582 = arith.index_cast %add3A_544 : i32 to index
        %get3A_583 = arith.constant 80 : index
        %get3A_584 = tpu.vector_load %arg13[%get3A_582, %get3A_583] {strides = array<i32>} : memref<80x128xf32, #tpu.memory_space<vmem>>, vector<16xf32>,
        %mul3A_585 = arith.mulf %get3A_584, %gather3A_546 : vector<16xf32>
        %swap3A_586 = arith.index_cast %add3A_544 : i32 to index
        %swap3A_587 = arith.constant 80 : index
        %swap3A_588 = tpu.vector_load %arg13[%swap3A_586, %swap3A_587] {strides = array<i32>} : memref<80x128xf32, #tpu.memory_space<vmem>>, vector<16xf32>,
        tpu.vector_store %arg13[%swap3A_586, %swap3A_587], %mul3A_585 {strides = array<i32>} : memref<80x128xf32, #tpu.memory_space<vmem>>, vector<16xf32>,
        %get3A_589 = arith.index_cast %add3A_544 : i32 to index
        %get3A_590 = arith.constant 96 : index
        %get3A_591 = tpu.vector_load %arg13[%get3A_589, %get3A_590] {strides = array<i32>} : memref<80x128xf32, #tpu.memory_space<vmem>>, vector<16xf32>,
        %mul3A_592 = arith.mulf %get3A_591, %gather3A_546 : vector<16xf32>
        %swap3A_593 = arith.index_cast %add3A_544 : i32 to index
        %swap3A_594 = arith.constant 96 : index
        %swap3A_595 = tpu.vector_load %arg13[%swap3A_593, %swap3A_594] {strides = array<i32>} : memref<80x128xf32, #tpu.memory_space<vmem>>, vector<16xf32>,
        tpu.vector_store %arg13[%swap3A_593, %swap3A_594], %mul3A_592 {strides = array<i32>} : memref<80x128xf32, #tpu.memory_space<vmem>>, vector<16xf32>,
        %get3A_596 = arith.index_cast %add3A_544 : i32 to index
        %get3A_597 = arith.constant 112 : index
        %get3A_598 = tpu.vector_load %arg13[%get3A_596, %get3A_597] {strides = array<i32>} : memref<80x128xf32, #tpu.memory_space<vmem>>, vector<16xf32>,
        %mul3A_599 = arith.mulf %get3A_598, %gather3A_546 : vector<16xf32>
        %swap3A_600 = arith.index_cast %add3A_544 : i32 to index
        %swap3A_601 = arith.constant 112 : index
        %swap3A_602 = tpu.vector_load %arg13[%swap3A_600, %swap3A_601] {strides = array<i32>} : memref<80x128xf32, #tpu.memory_space<vmem>>, vector<16xf32>,
        tpu.vector_store %arg13[%swap3A_600, %swap3A_601], %mul3A_599 {strides = array<i32>} : memref<80x128xf32, #tpu.memory_space<vmem>>, vector<16xf32>,
        %add3A_603 = arith.constant 3 : i32
        %add3A_604 = arith.addi %add3A_423, %add3A_603 : i32
        %broadcast_in_dim3A_605 = vector.broadcast %add3A_604 : i32 to vector<16xi32>
        %gather3A_606 = tpu.vector_load_idx %arg12[%broadcast_in_dim3A_605] : memref<80xf32, #tpu.memory_space<vmem>>[vector<16xi32>], vector<16xf32>,
        %get3A_607 = arith.index_cast %add3A_604 : i32 to index
        %get3A_608 = arith.constant 0 : index
        %get3A_609 = tpu.vector_load %arg13[%get3A_607, %get3A_608] {strides = array<i32>} : memref<80x128xf32, #tpu.memory_space<vmem>>, vector<16xf32>,
        %mul3A_610 = arith.mulf %get3A_609, %gather3A_606 : vector<16xf32>
        %swap3A_611 = arith.index_cast %add3A_604 : i32 to index
        %swap3A_612 = arith.constant 0 : index
        %swap3A_613 = tpu.vector_load %arg13[%swap3A_611, %swap3A_612] {strides = array<i32>} : memref<80x128xf32, #tpu.memory_space<vmem>>, vector<16xf32>,
        tpu.vector_store %arg13[%swap3A_611, %swap3A_612], %mul3A_610 {strides = array<i32>} : memref<80x128xf32, #tpu.memory_space<vmem>>, vector<16xf32>,
        %get3A_614 = arith.index_cast %add3A_604 : i32 to index
        %get3A_615 = arith.constant 16 : index
        %get3A_616 = tpu.vector_load %arg13[%get3A_614, %get3A_615] {strides = array<i32>} : memref<80x128xf32, #tpu.memory_space<vmem>>, vector<16xf32>,
        %mul3A_617 = arith.mulf %get3A_616, %gather3A_606 : vector<16xf32>
        %swap3A_618 = arith.index_cast %add3A_604 : i32 to index
        %swap3A_619 = arith.constant 16 : index
        %swap3A_620 = tpu.vector_load %arg13[%swap3A_618, %swap3A_619] {strides = array<i32>} : memref<80x128xf32, #tpu.memory_space<vmem>>, vector<16xf32>,
        tpu.vector_store %arg13[%swap3A_618, %swap3A_619], %mul3A_617 {strides = array<i32>} : memref<80x128xf32, #tpu.memory_space<vmem>>, vector<16xf32>,
        %get3A_621 = arith.index_cast %add3A_604 : i32 to index
        %get3A_622 = arith.constant 32 : index
        %get3A_623 = tpu.vector_load %arg13[%get3A_621, %get3A_622] {strides = array<i32>} : memref<80x128xf32, #tpu.memory_space<vmem>>, vector<16xf32>,
        %mul3A_624 = arith.mulf %get3A_623, %gather3A_606 : vector<16xf32>
        %swap3A_625 = arith.index_cast %add3A_604 : i32 to index
        %swap3A_626 = arith.constant 32 : index
        %swap3A_627 = tpu.vector_load %arg13[%swap3A_625, %swap3A_626] {strides = array<i32>} : memref<80x128xf32, #tpu.memory_space<vmem>>, vector<16xf32>,
        tpu.vector_store %arg13[%swap3A_625, %swap3A_626], %mul3A_624 {strides = array<i32>} : memref<80x128xf32, #tpu.memory_space<vmem>>, vector<16xf32>,
        %get3A_628 = arith.index_cast %add3A_604 : i32 to index
        %get3A_629 = arith.constant 48 : index
        %get3A_630 = tpu.vector_load %arg13[%get3A_628, %get3A_629] {strides = array<i32>} : memref<80x128xf32, #tpu.memory_space<vmem>>, vector<16xf32>,
        %mul3A_631 = arith.mulf %get3A_630, %gather3A_606 : vector<16xf32>
        %swap3A_632 = arith.index_cast %add3A_604 : i32 to index
        %swap3A_633 = arith.constant 48 : index
        %swap3A_634 = tpu.vector_load %arg13[%swap3A_632, %swap3A_633] {strides = array<i32>} : memref<80x128xf32, #tpu.memory_space<vmem>>, vector<16xf32>,
        tpu.vector_store %arg13[%swap3A_632, %swap3A_633], %mul3A_631 {strides = array<i32>} : memref<80x128xf32, #tpu.memory_space<vmem>>, vector<16xf32>,
        %get3A_635 = arith.index_cast %add3A_604 : i32 to index
        %get3A_636 = arith.constant 64 : index
        %get3A_637 = tpu.vector_load %arg13[%get3A_635, %get3A_636] {strides = array<i32>} : memref<80x128xf32, #tpu.memory_space<vmem>>, vector<16xf32>,
        %mul3A_638 = arith.mulf %get3A_637, %gather3A_606 : vector<16xf32>
        %swap3A_639 = arith.index_cast %add3A_604 : i32 to index
        %swap3A_640 = arith.constant 64 : index
        %swap3A_641 = tpu.vector_load %arg13[%swap3A_639, %swap3A_640] {strides = array<i32>} : memref<80x128xf32, #tpu.memory_space<vmem>>, vector<16xf32>,
        tpu.vector_store %arg13[%swap3A_639, %swap3A_640], %mul3A_638 {strides = array<i32>} : memref<80x128xf32, #tpu.memory_space<vmem>>, vector<16xf32>,
        %get3A_642 = arith.index_cast %add3A_604 : i32 to index
        %get3A_643 = arith.constant 80 : index
        %get3A_644 = tpu.vector_load %arg13[%get3A_642, %get3A_643] {strides = array<i32>} : memref<80x128xf32, #tpu.memory_space<vmem>>, vector<16xf32>,
        %mul3A_645 = arith.mulf %get3A_644, %gather3A_606 : vector<16xf32>
        %swap3A_646 = arith.index_cast %add3A_604 : i32 to index
        %swap3A_647 = arith.constant 80 : index
        %swap3A_648 = tpu.vector_load %arg13[%swap3A_646, %swap3A_647] {strides = array<i32>} : memref<80x128xf32, #tpu.memory_space<vmem>>, vector<16xf32>,
        tpu.vector_store %arg13[%swap3A_646, %swap3A_647], %mul3A_645 {strides = array<i32>} : memref<80x128xf32, #tpu.memory_space<vmem>>, vector<16xf32>,
        %get3A_649 = arith.index_cast %add3A_604 : i32 to index
        %get3A_650 = arith.constant 96 : index
        %get3A_651 = tpu.vector_load %arg13[%get3A_649, %get3A_650] {strides = array<i32>} : memref<80x128xf32, #tpu.memory_space<vmem>>, vector<16xf32>,
        %mul3A_652 = arith.mulf %get3A_651, %gather3A_606 : vector<16xf32>
        %swap3A_653 = arith.index_cast %add3A_604 : i32 to index
        %swap3A_654 = arith.constant 96 : index
        %swap3A_655 = tpu.vector_load %arg13[%swap3A_653, %swap3A_654] {strides = array<i32>} : memref<80x128xf32, #tpu.memory_space<vmem>>, vector<16xf32>,
        tpu.vector_store %arg13[%swap3A_653, %swap3A_654], %mul3A_652 {strides = array<i32>} : memref<80x128xf32, #tpu.memory_space<vmem>>, vector<16xf32>,
        %get3A_656 = arith.index_cast %add3A_604 : i32 to index
        %get3A_657 = arith.constant 112 : index
        %get3A_658 = tpu.vector_load %arg13[%get3A_656, %get3A_657] {strides = array<i32>} : memref<80x128xf32, #tpu.memory_space<vmem>>, vector<16xf32>,
        %mul3A_659 = arith.mulf %get3A_658, %gather3A_606 : vector<16xf32>
        %swap3A_660 = arith.index_cast %add3A_604 : i32 to index
        %swap3A_661 = arith.constant 112 : index
        %swap3A_662 = tpu.vector_load %arg13[%swap3A_660, %swap3A_661] {strides = array<i32>} : memref<80x128xf32, #tpu.memory_space<vmem>>, vector<16xf32>,
        tpu.vector_store %arg13[%swap3A_660, %swap3A_661], %mul3A_659 {strides = array<i32>} : memref<80x128xf32, #tpu.memory_space<vmem>>, vector<16xf32>,
      }
      %scan3A_294 = arith.constant 20 : i32
      %get3A_295 = arith.constant 0 : index
      %get3A_296 = tpu.vector_load %arg10[%get3A_295] {strides = array<i32>} : memref<80xi32, #tpu.memory_space<vmem>>, vector<16xi32>,
      %swap3A_297 = arith.constant 0 : index
      %swap3A_298 = tpu.vector_load %arg14[%swap3A_297] {strides = array<i32>} : memref<80xi32, #tpu.memory_space<vmem>>, vector<16xi32>,
      tpu.vector_store %arg14[%swap3A_297], %get3A_296 {strides = array<i32>} : memref<80xi32, #tpu.memory_space<vmem>>, vector<16xi32>,
      %get3A_299 = arith.constant 16 : index
      %get3A_300 = tpu.vector_load %arg10[%get3A_299] {strides = array<i32>} : memref<80xi32, #tpu.memory_space<vmem>>, vector<16xi32>,
      %swap3A_301 = arith.constant 16 : index
      %swap3A_302 = tpu.vector_load %arg14[%swap3A_301] {strides = array<i32>} : memref<80xi32, #tpu.memory_space<vmem>>, vector<16xi32>,
      tpu.vector_store %arg14[%swap3A_301], %get3A_300 {strides = array<i32>} : memref<80xi32, #tpu.memory_space<vmem>>, vector<16xi32>,
      %get3A_303 = arith.constant 32 : index
      %get3A_304 = tpu.vector_load %arg10[%get3A_303] {strides = array<i32>} : memref<80xi32, #tpu.memory_space<vmem>>, vector<16xi32>,
      %swap3A_305 = arith.constant 32 : index
      %swap3A_306 = tpu.vector_load %arg14[%swap3A_305] {strides = array<i32>} : memref<80xi32, #tpu.memory_space<vmem>>, vector<16xi32>,
      tpu.vector_store %arg14[%swap3A_305], %get3A_304 {strides = array<i32>} : memref<80xi32, #tpu.memory_space<vmem>>, vector<16xi32>,
      %get3A_307 = arith.constant 48 : index
      %get3A_308 = tpu.vector_load %arg10[%get3A_307] {strides = array<i32>} : memref<80xi32, #tpu.memory_space<vmem>>, vector<16xi32>,
      %swap3A_309 = arith.constant 48 : index
      %swap3A_310 = tpu.vector_load %arg14[%swap3A_309] {strides = array<i32>} : memref<80xi32, #tpu.memory_space<vmem>>, vector<16xi32>,
      tpu.vector_store %arg14[%swap3A_309], %get3A_308 {strides = array<i32>} : memref<80xi32, #tpu.memory_space<vmem>>, vector<16xi32>,
      %get3A_311 = arith.constant 64 : index
      %get3A_312 = tpu.vector_load %arg10[%get3A_311] {strides = array<i32>} : memref<80xi32, #tpu.memory_space<vmem>>, vector<16xi32>,
      %swap3A_313 = arith.constant 64 : index
      %swap3A_314 = tpu.vector_load %arg14[%swap3A_313] {strides = array<i32>} : memref<80xi32, #tpu.memory_space<vmem>>, vector<16xi32>,
      tpu.vector_store %arg14[%swap3A_313], %get3A_312 {strides = array<i32>} : memref<80xi32, #tpu.memory_space<vmem>>, vector<16xi32>,
      %dma_start3A_315 = arith.constant 0 : i32
      %dma_start3A_316 = arith.constant 0 : i32
      %dma_start3A_317 = tpu.memref_slice %arg38[%dma_start3A_315, %dma_start3A_316] : memref<10240x128xf32, #tpu.memory_space<vmem_shared>> -> memref<10240x128xf32, #tpu.memory_space<vmem_shared>>
      tpu.enqueue_indirect_dma source(%arg13 : memref<80x128xf32, #tpu.memory_space<vmem>>) target(%dma_start3A_317 : memref<10240x128xf32, #tpu.memory_space<vmem_shared>>) offsets(%arg14 : memref<80xi32, #tpu.memory_space<vmem>>) semaphore(%arg17 : memref<!tpu.dma_semaphore, #tpu.memory_space<semaphore_mem>>) {add = true}
      %add3A_318 = arith.constant 3 : i32
      %add3A_319 = arith.addi %add3A_279, %add3A_318 : i32
      %lt3A_320 = arith.constant 125 : i32
      %lt3A_321 = arith.cmpi slt, %add3A_319, %lt3A_320 : i32
      %convert_element_type3A_322 = arith.extui %lt3A_321 : i1 to i32
      %cond3A_323 = arith.constant 0 : i32
      %cond3A_324 = arith.cmpi ne, %convert_element_type3A_322, %cond3A_323 : i32
      scf.if %cond3A_324 {
        %add3A_419 = arith.constant 3 : i32
        %add3A_420 = arith.addi %add3A_279, %add3A_419 : i32
        %add3A_421 = arith.addi %mul3A_2, %add3A_420 : i32
        %mul3A_422 = arith.constant 80 : i32
        %mul3A_423 = arith.muli %add3A_421, %mul3A_422 : i32
        %dma_start3A_424 = tpu.memref_slice %arg3[%mul3A_423] : memref<320000xi32, #tpu.memory_space<hbm>> -> memref<80xi32, #tpu.memory_space<hbm>>
        %dma_start3A_425 = tpu.memref_slice %arg3[%mul3A_423] : memref<320000xi32, #tpu.memory_space<hbm>> -> memref<80xi32, #tpu.memory_space<hbm>>
        tpu.enqueue_dma source(%dma_start3A_425 : memref<80xi32, #tpu.memory_space<hbm>>) target(%arg8 : memref<80xi32, #tpu.memory_space<vmem>>) target_semaphore(%arg15 : memref<!tpu.dma_semaphore, #tpu.memory_space<semaphore_mem>>)
        %dma_start3A_426 = tpu.memref_slice %arg4[%mul3A_423] : memref<320000xi32, #tpu.memory_space<hbm>> -> memref<80xi32, #tpu.memory_space<hbm>>
        %dma_start3A_427 = tpu.memref_slice %arg4[%mul3A_423] : memref<320000xi32, #tpu.memory_space<hbm>> -> memref<80xi32, #tpu.memory_space<hbm>>
        tpu.enqueue_dma source(%dma_start3A_427 : memref<80xi32, #tpu.memory_space<hbm>>) target(%arg9 : memref<80xi32, #tpu.memory_space<vmem>>) target_semaphore(%arg15 : memref<!tpu.dma_semaphore, #tpu.memory_space<semaphore_mem>>)
        %dma_start3A_428 = tpu.memref_slice %arg5[%mul3A_423] : memref<320000xi32, #tpu.memory_space<hbm>> -> memref<80xi32, #tpu.memory_space<hbm>>
        %dma_start3A_429 = tpu.memref_slice %arg5[%mul3A_423] : memref<320000xi32, #tpu.memory_space<hbm>> -> memref<80xi32, #tpu.memory_space<hbm>>
        tpu.enqueue_dma source(%dma_start3A_429 : memref<80xi32, #tpu.memory_space<hbm>>) target(%arg10 : memref<80xi32, #tpu.memory_space<vmem>>) target_semaphore(%arg15 : memref<!tpu.dma_semaphore, #tpu.memory_space<semaphore_mem>>)
        %dma_start3A_430 = tpu.memref_slice %arg6[%mul3A_423] : memref<320000xf32, #tpu.memory_space<hbm>> -> memref<80xf32, #tpu.memory_space<hbm>>
        %dma_start3A_431 = tpu.memref_slice %arg6[%mul3A_423] : memref<320000xf32, #tpu.memory_space<hbm>> -> memref<80xf32, #tpu.memory_space<hbm>>
        tpu.enqueue_dma source(%dma_start3A_431 : memref<80xf32, #tpu.memory_space<hbm>>) target(%arg12 : memref<80xf32, #tpu.memory_space<vmem>>) target_semaphore(%arg15 : memref<!tpu.dma_semaphore, #tpu.memory_space<semaphore_mem>>)
      } else {
      }
      %add3A_325 = arith.constant 1 : i32
      %add3A_326 = arith.addi %mul3A_277, %add3A_325 : i32
      %add3A_327 = arith.constant 2 : i32
      %add3A_328 = arith.addi %add3A_326, %add3A_327 : i32
      %lt3A_329 = arith.constant 125 : i32
      %lt3A_330 = arith.cmpi slt, %add3A_328, %lt3A_329 : i32
      %convert_element_type3A_331 = arith.extui %lt3A_330 : i1 to i32
      %cond3A_332 = arith.constant 0 : i32
      %cond3A_333 = arith.cmpi ne, %convert_element_type3A_331, %cond3A_332 : i32
      scf.if %cond3A_333 {
        %add3A_419 = arith.constant 2 : i32
        %add3A_420 = arith.addi %add3A_326, %add3A_419 : i32
        %add3A_421 = arith.addi %mul3A_2, %add3A_420 : i32
        %mul3A_422 = arith.constant 80 : i32
        %mul3A_423 = arith.muli %add3A_421, %mul3A_422 : i32
        %dma_wait3A_424 = tpu.memref_slice %arg3[%mul3A_423] : memref<320000xi32, #tpu.memory_space<hbm>> -> memref<80xi32, #tpu.memory_space<hbm>>
        %dma_wait3A_425 = tpu.memref_slice %arg3[%mul3A_423] : memref<320000xi32, #tpu.memory_space<hbm>> -> memref<80xi32, #tpu.memory_space<hbm>>
        tpu.wait_dma2 semaphore(%arg15 : memref<!tpu.dma_semaphore, #tpu.memory_space<semaphore_mem>>) src(%dma_wait3A_425 : memref<80xi32, #tpu.memory_space<hbm>>) dst(%arg8 : memref<80xi32, #tpu.memory_space<vmem>>)
        %dma_wait3A_426 = tpu.memref_slice %arg4[%mul3A_423] : memref<320000xi32, #tpu.memory_space<hbm>> -> memref<80xi32, #tpu.memory_space<hbm>>
        %dma_wait3A_427 = tpu.memref_slice %arg4[%mul3A_423] : memref<320000xi32, #tpu.memory_space<hbm>> -> memref<80xi32, #tpu.memory_space<hbm>>
        tpu.wait_dma2 semaphore(%arg15 : memref<!tpu.dma_semaphore, #tpu.memory_space<semaphore_mem>>) src(%dma_wait3A_427 : memref<80xi32, #tpu.memory_space<hbm>>) dst(%arg9 : memref<80xi32, #tpu.memory_space<vmem>>)
        %dma_wait3A_428 = tpu.memref_slice %arg5[%mul3A_423] : memref<320000xi32, #tpu.memory_space<hbm>> -> memref<80xi32, #tpu.memory_space<hbm>>
        %dma_wait3A_429 = tpu.memref_slice %arg5[%mul3A_423] : memref<320000xi32, #tpu.memory_space<hbm>> -> memref<80xi32, #tpu.memory_space<hbm>>
        tpu.wait_dma2 semaphore(%arg15 : memref<!tpu.dma_semaphore, #tpu.memory_space<semaphore_mem>>) src(%dma_wait3A_429 : memref<80xi32, #tpu.memory_space<hbm>>) dst(%arg10 : memref<80xi32, #tpu.memory_space<vmem>>)
        %dma_wait3A_430 = tpu.memref_slice %arg6[%mul3A_423] : memref<320000xf32, #tpu.memory_space<hbm>> -> memref<80xf32, #tpu.memory_space<hbm>>
        %dma_wait3A_431 = tpu.memref_slice %arg6[%mul3A_423] : memref<320000xf32, #tpu.memory_space<hbm>> -> memref<80xf32, #tpu.memory_space<hbm>>
        tpu.wait_dma2 semaphore(%arg15 : memref<!tpu.dma_semaphore, #tpu.memory_space<semaphore_mem>>) src(%dma_wait3A_431 : memref<80xf32, #tpu.memory_space<hbm>>) dst(%arg12 : memref<80xf32, #tpu.memory_space<vmem>>)
        %get3A_432 = arith.constant 0 : index
        %get3A_433 = tpu.vector_load %arg9[%get3A_432] {strides = array<i32>} : memref<80xi32, #tpu.memory_space<vmem>>, vector<16xi32>,
        %mul3A_434 = arith.constant 10000 : i32
        %mul3A_435 = vector.broadcast %mul3A_434 : i32 to vector<16xi32>
        %mul3A_436 = arith.muli %get3A_433, %mul3A_435 : vector<16xi32>
        %get3A_437 = arith.constant 0 : index
        %get3A_438 = tpu.vector_load %arg8[%get3A_437] {strides = array<i32>} : memref<80xi32, #tpu.memory_space<vmem>>, vector<16xi32>,
        %add3A_439 = arith.addi %mul3A_436, %get3A_438 : vector<16xi32>
        %swap3A_440 = arith.constant 0 : index
        %swap3A_441 = tpu.vector_load %arg11[%swap3A_440] {strides = array<i32>} : memref<80xi32, #tpu.memory_space<vmem>>, vector<16xi32>,
        tpu.vector_store %arg11[%swap3A_440], %add3A_439 {strides = array<i32>} : memref<80xi32, #tpu.memory_space<vmem>>, vector<16xi32>,
        %get3A_442 = arith.constant 16 : index
        %get3A_443 = tpu.vector_load %arg9[%get3A_442] {strides = array<i32>} : memref<80xi32, #tpu.memory_space<vmem>>, vector<16xi32>,
        %mul3A_444 = arith.constant 10000 : i32
        %mul3A_445 = vector.broadcast %mul3A_444 : i32 to vector<16xi32>
        %mul3A_446 = arith.muli %get3A_443, %mul3A_445 : vector<16xi32>
        %get3A_447 = arith.constant 16 : index
        %get3A_448 = tpu.vector_load %arg8[%get3A_447] {strides = array<i32>} : memref<80xi32, #tpu.memory_space<vmem>>, vector<16xi32>,
        %add3A_449 = arith.addi %mul3A_446, %get3A_448 : vector<16xi32>
        %swap3A_450 = arith.constant 16 : index
        %swap3A_451 = tpu.vector_load %arg11[%swap3A_450] {strides = array<i32>} : memref<80xi32, #tpu.memory_space<vmem>>, vector<16xi32>,
        tpu.vector_store %arg11[%swap3A_450], %add3A_449 {strides = array<i32>} : memref<80xi32, #tpu.memory_space<vmem>>, vector<16xi32>,
        %get3A_452 = arith.constant 32 : index
        %get3A_453 = tpu.vector_load %arg9[%get3A_452] {strides = array<i32>} : memref<80xi32, #tpu.memory_space<vmem>>, vector<16xi32>,
        %mul3A_454 = arith.constant 10000 : i32
        %mul3A_455 = vector.broadcast %mul3A_454 : i32 to vector<16xi32>
        %mul3A_456 = arith.muli %get3A_453, %mul3A_455 : vector<16xi32>
        %get3A_457 = arith.constant 32 : index
        %get3A_458 = tpu.vector_load %arg8[%get3A_457] {strides = array<i32>} : memref<80xi32, #tpu.memory_space<vmem>>, vector<16xi32>,
        %add3A_459 = arith.addi %mul3A_456, %get3A_458 : vector<16xi32>
        %swap3A_460 = arith.constant 32 : index
        %swap3A_461 = tpu.vector_load %arg11[%swap3A_460] {strides = array<i32>} : memref<80xi32, #tpu.memory_space<vmem>>, vector<16xi32>,
        tpu.vector_store %arg11[%swap3A_460], %add3A_459 {strides = array<i32>} : memref<80xi32, #tpu.memory_space<vmem>>, vector<16xi32>,
        %get3A_462 = arith.constant 48 : index
        %get3A_463 = tpu.vector_load %arg9[%get3A_462] {strides = array<i32>} : memref<80xi32, #tpu.memory_space<vmem>>, vector<16xi32>,
        %mul3A_464 = arith.constant 10000 : i32
        %mul3A_465 = vector.broadcast %mul3A_464 : i32 to vector<16xi32>
        %mul3A_466 = arith.muli %get3A_463, %mul3A_465 : vector<16xi32>
        %get3A_467 = arith.constant 48 : index
        %get3A_468 = tpu.vector_load %arg8[%get3A_467] {strides = array<i32>} : memref<80xi32, #tpu.memory_space<vmem>>, vector<16xi32>,
        %add3A_469 = arith.addi %mul3A_466, %get3A_468 : vector<16xi32>
        %swap3A_470 = arith.constant 48 : index
        %swap3A_471 = tpu.vector_load %arg11[%swap3A_470] {strides = array<i32>} : memref<80xi32, #tpu.memory_space<vmem>>, vector<16xi32>,
        tpu.vector_store %arg11[%swap3A_470], %add3A_469 {strides = array<i32>} : memref<80xi32, #tpu.memory_space<vmem>>, vector<16xi32>,
        %get3A_472 = arith.constant 64 : index
        %get3A_473 = tpu.vector_load %arg9[%get3A_472] {strides = array<i32>} : memref<80xi32, #tpu.memory_space<vmem>>, vector<16xi32>,
        %mul3A_474 = arith.constant 10000 : i32
        %mul3A_475 = vector.broadcast %mul3A_474 : i32 to vector<16xi32>
        %mul3A_476 = arith.muli %get3A_473, %mul3A_475 : vector<16xi32>
        %get3A_477 = arith.constant 64 : index
        %get3A_478 = tpu.vector_load %arg8[%get3A_477] {strides = array<i32>} : memref<80xi32, #tpu.memory_space<vmem>>, vector<16xi32>,
        %add3A_479 = arith.addi %mul3A_476, %get3A_478 : vector<16xi32>
        %swap3A_480 = arith.constant 64 : index
        %swap3A_481 = tpu.vector_load %arg11[%swap3A_480] {strides = array<i32>} : memref<80xi32, #tpu.memory_space<vmem>>, vector<16xi32>,
        tpu.vector_store %arg11[%swap3A_480], %add3A_479 {strides = array<i32>} : memref<80xi32, #tpu.memory_space<vmem>>, vector<16xi32>,
        %ge3A = arith.constant 1 : i32
        %ge3A_482 = arith.cmpi sge, %add3A_326, %ge3A : i32
        %convert_element_type3A_483 = arith.extui %ge3A_482 : i1 to i32
        %cond3A_484 = arith.constant 0 : i32
        %cond3A_485 = arith.cmpi ne, %convert_element_type3A_483, %cond3A_484 : i32
        scf.if %cond3A_485 {
          %dma_wait3A_489 = arith.constant 0 : i32
          %dma_wait3A_490 = arith.constant 0 : i32
          %dma_wait3A_491 = tpu.memref_slice %arg38[%dma_wait3A_489, %dma_wait3A_490] : memref<10240x128xf32, #tpu.memory_space<vmem_shared>> -> memref<10240x128xf32, #tpu.memory_space<vmem_shared>>
          tpu.wait_indirect_dma semaphore(%arg17 : memref<!tpu.dma_semaphore, #tpu.memory_space<semaphore_mem>>) src(%arg13 : memref<80x128xf32, #tpu.memory_space<vmem>>) dst(%dma_wait3A_491 : memref<10240x128xf32, #tpu.memory_space<vmem_shared>>)
        } else {
        }
        %dma_start3A_486 = arith.constant 0 : i32
        %dma_start3A_487 = arith.constant 0 : i32
        %dma_start3A_488 = tpu.memref_slice %arg2[%dma_start3A_486, %dma_start3A_487] : memref<80000x128xf32, #tpu.memory_space<hbm>> -> memref<80000x128xf32, #tpu.memory_space<hbm>>
        tpu.enqueue_indirect_dma source(%dma_start3A_488 : memref<80000x128xf32, #tpu.memory_space<hbm>>) target(%arg13 : memref<80x128xf32, #tpu.memory_space<vmem>>) offsets(%arg11 : memref<80xi32, #tpu.memory_space<vmem>>) semaphore(%arg16 : memref<!tpu.dma_semaphore, #tpu.memory_space<semaphore_mem>>)
      } else {
      }
      %dma_wait3A_334 = arith.constant 0 : i32
      %dma_wait3A_335 = arith.constant 0 : i32
      %dma_wait3A_336 = tpu.memref_slice %arg2[%dma_wait3A_334, %dma_wait3A_335] : memref<80000x128xf32, #tpu.memory_space<hbm>> -> memref<80000x128xf32, #tpu.memory_space<hbm>>
      tpu.wait_indirect_dma semaphore(%arg26 : memref<!tpu.dma_semaphore, #tpu.memory_space<semaphore_mem>>) src(%dma_wait3A_336 : memref<80000x128xf32, #tpu.memory_space<hbm>>) dst(%arg23 : memref<80x128xf32, #tpu.memory_space<vmem>>)
      %scan3A_337 = arith.constant 0 : i32
      %scan3A_338 = arith.constant 20 : i32
      %scan3A_339 = arith.addi %scan3A_337, %scan3A_338 : i32
      %scan3A_340 = arith.constant 1 : i32
      scf.for %scan3A_419 = %scan3A_337 to %scan3A_339 step %scan3A_340  : i32 {
        %mul3A_420 = arith.constant 4 : i32
        %mul3A_421 = arith.muli %scan3A_419, %mul3A_420 : i32
        %add3A_422 = arith.constant 0 : i32
        %add3A_423 = arith.addi %add3A_422, %mul3A_421 : i32
        %add3A_424 = arith.constant 0 : i32
        %add3A_425 = arith.addi %add3A_423, %add3A_424 : i32
        %broadcast_in_dim3A_426 = vector.broadcast %add3A_425 : i32 to vector<16xi32>
        %gather3A = tpu.vector_load_idx %arg22[%broadcast_in_dim3A_426] : memref<80xf32, #tpu.memory_space<vmem>>[vector<16xi32>], vector<16xf32>,
        %get3A_427 = arith.index_cast %add3A_425 : i32 to index
        %get3A_428 = arith.constant 0 : index
        %get3A_429 = tpu.vector_load %arg23[%get3A_427, %get3A_428] {strides = array<i32>} : memref<80x128xf32, #tpu.memory_space<vmem>>, vector<16xf32>,
        %mul3A_430 = arith.mulf %get3A_429, %gather3A : vector<16xf32>
        %swap3A_431 = arith.index_cast %add3A_425 : i32 to index
        %swap3A_432 = arith.constant 0 : index
        %swap3A_433 = tpu.vector_load %arg23[%swap3A_431, %swap3A_432] {strides = array<i32>} : memref<80x128xf32, #tpu.memory_space<vmem>>, vector<16xf32>,
        tpu.vector_store %arg23[%swap3A_431, %swap3A_432], %mul3A_430 {strides = array<i32>} : memref<80x128xf32, #tpu.memory_space<vmem>>, vector<16xf32>,
        %get3A_434 = arith.index_cast %add3A_425 : i32 to index
        %get3A_435 = arith.constant 16 : index
        %get3A_436 = tpu.vector_load %arg23[%get3A_434, %get3A_435] {strides = array<i32>} : memref<80x128xf32, #tpu.memory_space<vmem>>, vector<16xf32>,
        %mul3A_437 = arith.mulf %get3A_436, %gather3A : vector<16xf32>
        %swap3A_438 = arith.index_cast %add3A_425 : i32 to index
        %swap3A_439 = arith.constant 16 : index
        %swap3A_440 = tpu.vector_load %arg23[%swap3A_438, %swap3A_439] {strides = array<i32>} : memref<80x128xf32, #tpu.memory_space<vmem>>, vector<16xf32>,
        tpu.vector_store %arg23[%swap3A_438, %swap3A_439], %mul3A_437 {strides = array<i32>} : memref<80x128xf32, #tpu.memory_space<vmem>>, vector<16xf32>,
        %get3A_441 = arith.index_cast %add3A_425 : i32 to index
        %get3A_442 = arith.constant 32 : index
        %get3A_443 = tpu.vector_load %arg23[%get3A_441, %get3A_442] {strides = array<i32>} : memref<80x128xf32, #tpu.memory_space<vmem>>, vector<16xf32>,
        %mul3A_444 = arith.mulf %get3A_443, %gather3A : vector<16xf32>
        %swap3A_445 = arith.index_cast %add3A_425 : i32 to index
        %swap3A_446 = arith.constant 32 : index
        %swap3A_447 = tpu.vector_load %arg23[%swap3A_445, %swap3A_446] {strides = array<i32>} : memref<80x128xf32, #tpu.memory_space<vmem>>, vector<16xf32>,
        tpu.vector_store %arg23[%swap3A_445, %swap3A_446], %mul3A_444 {strides = array<i32>} : memref<80x128xf32, #tpu.memory_space<vmem>>, vector<16xf32>,
        %get3A_448 = arith.index_cast %add3A_425 : i32 to index
        %get3A_449 = arith.constant 48 : index
        %get3A_450 = tpu.vector_load %arg23[%get3A_448, %get3A_449] {strides = array<i32>} : memref<80x128xf32, #tpu.memory_space<vmem>>, vector<16xf32>,
        %mul3A_451 = arith.mulf %get3A_450, %gather3A : vector<16xf32>
        %swap3A_452 = arith.index_cast %add3A_425 : i32 to index
        %swap3A_453 = arith.constant 48 : index
        %swap3A_454 = tpu.vector_load %arg23[%swap3A_452, %swap3A_453] {strides = array<i32>} : memref<80x128xf32, #tpu.memory_space<vmem>>, vector<16xf32>,
        tpu.vector_store %arg23[%swap3A_452, %swap3A_453], %mul3A_451 {strides = array<i32>} : memref<80x128xf32, #tpu.memory_space<vmem>>, vector<16xf32>,
        %get3A_455 = arith.index_cast %add3A_425 : i32 to index
        %get3A_456 = arith.constant 64 : index
        %get3A_457 = tpu.vector_load %arg23[%get3A_455, %get3A_456] {strides = array<i32>} : memref<80x128xf32, #tpu.memory_space<vmem>>, vector<16xf32>,
        %mul3A_458 = arith.mulf %get3A_457, %gather3A : vector<16xf32>
        %swap3A_459 = arith.index_cast %add3A_425 : i32 to index
        %swap3A_460 = arith.constant 64 : index
        %swap3A_461 = tpu.vector_load %arg23[%swap3A_459, %swap3A_460] {strides = array<i32>} : memref<80x128xf32, #tpu.memory_space<vmem>>, vector<16xf32>,
        tpu.vector_store %arg23[%swap3A_459, %swap3A_460], %mul3A_458 {strides = array<i32>} : memref<80x128xf32, #tpu.memory_space<vmem>>, vector<16xf32>,
        %get3A_462 = arith.index_cast %add3A_425 : i32 to index
        %get3A_463 = arith.constant 80 : index
        %get3A_464 = tpu.vector_load %arg23[%get3A_462, %get3A_463] {strides = array<i32>} : memref<80x128xf32, #tpu.memory_space<vmem>>, vector<16xf32>,
        %mul3A_465 = arith.mulf %get3A_464, %gather3A : vector<16xf32>
        %swap3A_466 = arith.index_cast %add3A_425 : i32 to index
        %swap3A_467 = arith.constant 80 : index
        %swap3A_468 = tpu.vector_load %arg23[%swap3A_466, %swap3A_467] {strides = array<i32>} : memref<80x128xf32, #tpu.memory_space<vmem>>, vector<16xf32>,
        tpu.vector_store %arg23[%swap3A_466, %swap3A_467], %mul3A_465 {strides = array<i32>} : memref<80x128xf32, #tpu.memory_space<vmem>>, vector<16xf32>,
        %get3A_469 = arith.index_cast %add3A_425 : i32 to index
        %get3A_470 = arith.constant 96 : index
        %get3A_471 = tpu.vector_load %arg23[%get3A_469, %get3A_470] {strides = array<i32>} : memref<80x128xf32, #tpu.memory_space<vmem>>, vector<16xf32>,
        %mul3A_472 = arith.mulf %get3A_471, %gather3A : vector<16xf32>
        %swap3A_473 = arith.index_cast %add3A_425 : i32 to index
        %swap3A_474 = arith.constant 96 : index
        %swap3A_475 = tpu.vector_load %arg23[%swap3A_473, %swap3A_474] {strides = array<i32>} : memref<80x128xf32, #tpu.memory_space<vmem>>, vector<16xf32>,
        tpu.vector_store %arg23[%swap3A_473, %swap3A_474], %mul3A_472 {strides = array<i32>} : memref<80x128xf32, #tpu.memory_space<vmem>>, vector<16xf32>,
        %get3A_476 = arith.index_cast %add3A_425 : i32 to index
        %get3A_477 = arith.constant 112 : index
        %get3A_478 = tpu.vector_load %arg23[%get3A_476, %get3A_477] {strides = array<i32>} : memref<80x128xf32, #tpu.memory_space<vmem>>, vector<16xf32>,
        %mul3A_479 = arith.mulf %get3A_478, %gather3A : vector<16xf32>
        %swap3A_480 = arith.index_cast %add3A_425 : i32 to index
        %swap3A_481 = arith.constant 112 : index
        %swap3A_482 = tpu.vector_load %arg23[%swap3A_480, %swap3A_481] {strides = array<i32>} : memref<80x128xf32, #tpu.memory_space<vmem>>, vector<16xf32>,
        tpu.vector_store %arg23[%swap3A_480, %swap3A_481], %mul3A_479 {strides = array<i32>} : memref<80x128xf32, #tpu.memory_space<vmem>>, vector<16xf32>,
        %add3A_483 = arith.constant 1 : i32
        %add3A_484 = arith.addi %add3A_423, %add3A_483 : i32
        %broadcast_in_dim3A_485 = vector.broadcast %add3A_484 : i32 to vector<16xi32>
        %gather3A_486 = tpu.vector_load_idx %arg22[%broadcast_in_dim3A_485] : memref<80xf32, #tpu.memory_space<vmem>>[vector<16xi32>], vector<16xf32>,
        %get3A_487 = arith.index_cast %add3A_484 : i32 to index
        %get3A_488 = arith.constant 0 : index
        %get3A_489 = tpu.vector_load %arg23[%get3A_487, %get3A_488] {strides = array<i32>} : memref<80x128xf32, #tpu.memory_space<vmem>>, vector<16xf32>,
        %mul3A_490 = arith.mulf %get3A_489, %gather3A_486 : vector<16xf32>
        %swap3A_491 = arith.index_cast %add3A_484 : i32 to index
        %swap3A_492 = arith.constant 0 : index
        %swap3A_493 = tpu.vector_load %arg23[%swap3A_491, %swap3A_492] {strides = array<i32>} : memref<80x128xf32, #tpu.memory_space<vmem>>, vector<16xf32>,
        tpu.vector_store %arg23[%swap3A_491, %swap3A_492], %mul3A_490 {strides = array<i32>} : memref<80x128xf32, #tpu.memory_space<vmem>>, vector<16xf32>,
        %get3A_494 = arith.index_cast %add3A_484 : i32 to index
        %get3A_495 = arith.constant 16 : index
        %get3A_496 = tpu.vector_load %arg23[%get3A_494, %get3A_495] {strides = array<i32>} : memref<80x128xf32, #tpu.memory_space<vmem>>, vector<16xf32>,
        %mul3A_497 = arith.mulf %get3A_496, %gather3A_486 : vector<16xf32>
        %swap3A_498 = arith.index_cast %add3A_484 : i32 to index
        %swap3A_499 = arith.constant 16 : index
        %swap3A_500 = tpu.vector_load %arg23[%swap3A_498, %swap3A_499] {strides = array<i32>} : memref<80x128xf32, #tpu.memory_space<vmem>>, vector<16xf32>,
        tpu.vector_store %arg23[%swap3A_498, %swap3A_499], %mul3A_497 {strides = array<i32>} : memref<80x128xf32, #tpu.memory_space<vmem>>, vector<16xf32>,
        %get3A_501 = arith.index_cast %add3A_484 : i32 to index
        %get3A_502 = arith.constant 32 : index
        %get3A_503 = tpu.vector_load %arg23[%get3A_501, %get3A_502] {strides = array<i32>} : memref<80x128xf32, #tpu.memory_space<vmem>>, vector<16xf32>,
        %mul3A_504 = arith.mulf %get3A_503, %gather3A_486 : vector<16xf32>
        %swap3A_505 = arith.index_cast %add3A_484 : i32 to index
        %swap3A_506 = arith.constant 32 : index
        %swap3A_507 = tpu.vector_load %arg23[%swap3A_505, %swap3A_506] {strides = array<i32>} : memref<80x128xf32, #tpu.memory_space<vmem>>, vector<16xf32>,
        tpu.vector_store %arg23[%swap3A_505, %swap3A_506], %mul3A_504 {strides = array<i32>} : memref<80x128xf32, #tpu.memory_space<vmem>>, vector<16xf32>,
        %get3A_508 = arith.index_cast %add3A_484 : i32 to index
        %get3A_509 = arith.constant 48 : index
        %get3A_510 = tpu.vector_load %arg23[%get3A_508, %get3A_509] {strides = array<i32>} : memref<80x128xf32, #tpu.memory_space<vmem>>, vector<16xf32>,
        %mul3A_511 = arith.mulf %get3A_510, %gather3A_486 : vector<16xf32>
        %swap3A_512 = arith.index_cast %add3A_484 : i32 to index
        %swap3A_513 = arith.constant 48 : index
        %swap3A_514 = tpu.vector_load %arg23[%swap3A_512, %swap3A_513] {strides = array<i32>} : memref<80x128xf32, #tpu.memory_space<vmem>>, vector<16xf32>,
        tpu.vector_store %arg23[%swap3A_512, %swap3A_513], %mul3A_511 {strides = array<i32>} : memref<80x128xf32, #tpu.memory_space<vmem>>, vector<16xf32>,
        %get3A_515 = arith.index_cast %add3A_484 : i32 to index
        %get3A_516 = arith.constant 64 : index
        %get3A_517 = tpu.vector_load %arg23[%get3A_515, %get3A_516] {strides = array<i32>} : memref<80x128xf32, #tpu.memory_space<vmem>>, vector<16xf32>,
        %mul3A_518 = arith.mulf %get3A_517, %gather3A_486 : vector<16xf32>
        %swap3A_519 = arith.index_cast %add3A_484 : i32 to index
        %swap3A_520 = arith.constant 64 : index
        %swap3A_521 = tpu.vector_load %arg23[%swap3A_519, %swap3A_520] {strides = array<i32>} : memref<80x128xf32, #tpu.memory_space<vmem>>, vector<16xf32>,
        tpu.vector_store %arg23[%swap3A_519, %swap3A_520], %mul3A_518 {strides = array<i32>} : memref<80x128xf32, #tpu.memory_space<vmem>>, vector<16xf32>,
        %get3A_522 = arith.index_cast %add3A_484 : i32 to index
        %get3A_523 = arith.constant 80 : index
        %get3A_524 = tpu.vector_load %arg23[%get3A_522, %get3A_523] {strides = array<i32>} : memref<80x128xf32, #tpu.memory_space<vmem>>, vector<16xf32>,
        %mul3A_525 = arith.mulf %get3A_524, %gather3A_486 : vector<16xf32>
        %swap3A_526 = arith.index_cast %add3A_484 : i32 to index
        %swap3A_527 = arith.constant 80 : index
        %swap3A_528 = tpu.vector_load %arg23[%swap3A_526, %swap3A_527] {strides = array<i32>} : memref<80x128xf32, #tpu.memory_space<vmem>>, vector<16xf32>,
        tpu.vector_store %arg23[%swap3A_526, %swap3A_527], %mul3A_525 {strides = array<i32>} : memref<80x128xf32, #tpu.memory_space<vmem>>, vector<16xf32>,
        %get3A_529 = arith.index_cast %add3A_484 : i32 to index
        %get3A_530 = arith.constant 96 : index
        %get3A_531 = tpu.vector_load %arg23[%get3A_529, %get3A_530] {strides = array<i32>} : memref<80x128xf32, #tpu.memory_space<vmem>>, vector<16xf32>,
        %mul3A_532 = arith.mulf %get3A_531, %gather3A_486 : vector<16xf32>
        %swap3A_533 = arith.index_cast %add3A_484 : i32 to index
        %swap3A_534 = arith.constant 96 : index
        %swap3A_535 = tpu.vector_load %arg23[%swap3A_533, %swap3A_534] {strides = array<i32>} : memref<80x128xf32, #tpu.memory_space<vmem>>, vector<16xf32>,
        tpu.vector_store %arg23[%swap3A_533, %swap3A_534], %mul3A_532 {strides = array<i32>} : memref<80x128xf32, #tpu.memory_space<vmem>>, vector<16xf32>,
        %get3A_536 = arith.index_cast %add3A_484 : i32 to index
        %get3A_537 = arith.constant 112 : index
        %get3A_538 = tpu.vector_load %arg23[%get3A_536, %get3A_537] {strides = array<i32>} : memref<80x128xf32, #tpu.memory_space<vmem>>, vector<16xf32>,
        %mul3A_539 = arith.mulf %get3A_538, %gather3A_486 : vector<16xf32>
        %swap3A_540 = arith.index_cast %add3A_484 : i32 to index
        %swap3A_541 = arith.constant 112 : index
        %swap3A_542 = tpu.vector_load %arg23[%swap3A_540, %swap3A_541] {strides = array<i32>} : memref<80x128xf32, #tpu.memory_space<vmem>>, vector<16xf32>,
        tpu.vector_store %arg23[%swap3A_540, %swap3A_541], %mul3A_539 {strides = array<i32>} : memref<80x128xf32, #tpu.memory_space<vmem>>, vector<16xf32>,
        %add3A_543 = arith.constant 2 : i32
        %add3A_544 = arith.addi %add3A_423, %add3A_543 : i32
        %broadcast_in_dim3A_545 = vector.broadcast %add3A_544 : i32 to vector<16xi32>
        %gather3A_546 = tpu.vector_load_idx %arg22[%broadcast_in_dim3A_545] : memref<80xf32, #tpu.memory_space<vmem>>[vector<16xi32>], vector<16xf32>,
        %get3A_547 = arith.index_cast %add3A_544 : i32 to index
        %get3A_548 = arith.constant 0 : index
        %get3A_549 = tpu.vector_load %arg23[%get3A_547, %get3A_548] {strides = array<i32>} : memref<80x128xf32, #tpu.memory_space<vmem>>, vector<16xf32>,
        %mul3A_550 = arith.mulf %get3A_549, %gather3A_546 : vector<16xf32>
        %swap3A_551 = arith.index_cast %add3A_544 : i32 to index
        %swap3A_552 = arith.constant 0 : index
        %swap3A_553 = tpu.vector_load %arg23[%swap3A_551, %swap3A_552] {strides = array<i32>} : memref<80x128xf32, #tpu.memory_space<vmem>>, vector<16xf32>,
        tpu.vector_store %arg23[%swap3A_551, %swap3A_552], %mul3A_550 {strides = array<i32>} : memref<80x128xf32, #tpu.memory_space<vmem>>, vector<16xf32>,
        %get3A_554 = arith.index_cast %add3A_544 : i32 to index
        %get3A_555 = arith.constant 16 : index
        %get3A_556 = tpu.vector_load %arg23[%get3A_554, %get3A_555] {strides = array<i32>} : memref<80x128xf32, #tpu.memory_space<vmem>>, vector<16xf32>,
        %mul3A_557 = arith.mulf %get3A_556, %gather3A_546 : vector<16xf32>
        %swap3A_558 = arith.index_cast %add3A_544 : i32 to index
        %swap3A_559 = arith.constant 16 : index
        %swap3A_560 = tpu.vector_load %arg23[%swap3A_558, %swap3A_559] {strides = array<i32>} : memref<80x128xf32, #tpu.memory_space<vmem>>, vector<16xf32>,
        tpu.vector_store %arg23[%swap3A_558, %swap3A_559], %mul3A_557 {strides = array<i32>} : memref<80x128xf32, #tpu.memory_space<vmem>>, vector<16xf32>,
        %get3A_561 = arith.index_cast %add3A_544 : i32 to index
        %get3A_562 = arith.constant 32 : index
        %get3A_563 = tpu.vector_load %arg23[%get3A_561, %get3A_562] {strides = array<i32>} : memref<80x128xf32, #tpu.memory_space<vmem>>, vector<16xf32>,
        %mul3A_564 = arith.mulf %get3A_563, %gather3A_546 : vector<16xf32>
        %swap3A_565 = arith.index_cast %add3A_544 : i32 to index
        %swap3A_566 = arith.constant 32 : index
        %swap3A_567 = tpu.vector_load %arg23[%swap3A_565, %swap3A_566] {strides = array<i32>} : memref<80x128xf32, #tpu.memory_space<vmem>>, vector<16xf32>,
        tpu.vector_store %arg23[%swap3A_565, %swap3A_566], %mul3A_564 {strides = array<i32>} : memref<80x128xf32, #tpu.memory_space<vmem>>, vector<16xf32>,
        %get3A_568 = arith.index_cast %add3A_544 : i32 to index
        %get3A_569 = arith.constant 48 : index
        %get3A_570 = tpu.vector_load %arg23[%get3A_568, %get3A_569] {strides = array<i32>} : memref<80x128xf32, #tpu.memory_space<vmem>>, vector<16xf32>,
        %mul3A_571 = arith.mulf %get3A_570, %gather3A_546 : vector<16xf32>
        %swap3A_572 = arith.index_cast %add3A_544 : i32 to index
        %swap3A_573 = arith.constant 48 : index
        %swap3A_574 = tpu.vector_load %arg23[%swap3A_572, %swap3A_573] {strides = array<i32>} : memref<80x128xf32, #tpu.memory_space<vmem>>, vector<16xf32>,
        tpu.vector_store %arg23[%swap3A_572, %swap3A_573], %mul3A_571 {strides = array<i32>} : memref<80x128xf32, #tpu.memory_space<vmem>>, vector<16xf32>,
        %get3A_575 = arith.index_cast %add3A_544 : i32 to index
        %get3A_576 = arith.constant 64 : index
        %get3A_577 = tpu.vector_load %arg23[%get3A_575, %get3A_576] {strides = array<i32>} : memref<80x128xf32, #tpu.memory_space<vmem>>, vector<16xf32>,
        %mul3A_578 = arith.mulf %get3A_577, %gather3A_546 : vector<16xf32>
        %swap3A_579 = arith.index_cast %add3A_544 : i32 to index
        %swap3A_580 = arith.constant 64 : index
        %swap3A_581 = tpu.vector_load %arg23[%swap3A_579, %swap3A_580] {strides = array<i32>} : memref<80x128xf32, #tpu.memory_space<vmem>>, vector<16xf32>,
        tpu.vector_store %arg23[%swap3A_579, %swap3A_580], %mul3A_578 {strides = array<i32>} : memref<80x128xf32, #tpu.memory_space<vmem>>, vector<16xf32>,
        %get3A_582 = arith.index_cast %add3A_544 : i32 to index
        %get3A_583 = arith.constant 80 : index
        %get3A_584 = tpu.vector_load %arg23[%get3A_582, %get3A_583] {strides = array<i32>} : memref<80x128xf32, #tpu.memory_space<vmem>>, vector<16xf32>,
        %mul3A_585 = arith.mulf %get3A_584, %gather3A_546 : vector<16xf32>
        %swap3A_586 = arith.index_cast %add3A_544 : i32 to index
        %swap3A_587 = arith.constant 80 : index
        %swap3A_588 = tpu.vector_load %arg23[%swap3A_586, %swap3A_587] {strides = array<i32>} : memref<80x128xf32, #tpu.memory_space<vmem>>, vector<16xf32>,
        tpu.vector_store %arg23[%swap3A_586, %swap3A_587], %mul3A_585 {strides = array<i32>} : memref<80x128xf32, #tpu.memory_space<vmem>>, vector<16xf32>,
        %get3A_589 = arith.index_cast %add3A_544 : i32 to index
        %get3A_590 = arith.constant 96 : index
        %get3A_591 = tpu.vector_load %arg23[%get3A_589, %get3A_590] {strides = array<i32>} : memref<80x128xf32, #tpu.memory_space<vmem>>, vector<16xf32>,
        %mul3A_592 = arith.mulf %get3A_591, %gather3A_546 : vector<16xf32>
        %swap3A_593 = arith.index_cast %add3A_544 : i32 to index
        %swap3A_594 = arith.constant 96 : index
        %swap3A_595 = tpu.vector_load %arg23[%swap3A_593, %swap3A_594] {strides = array<i32>} : memref<80x128xf32, #tpu.memory_space<vmem>>, vector<16xf32>,
        tpu.vector_store %arg23[%swap3A_593, %swap3A_594], %mul3A_592 {strides = array<i32>} : memref<80x128xf32, #tpu.memory_space<vmem>>, vector<16xf32>,
        %get3A_596 = arith.index_cast %add3A_544 : i32 to index
        %get3A_597 = arith.constant 112 : index
        %get3A_598 = tpu.vector_load %arg23[%get3A_596, %get3A_597] {strides = array<i32>} : memref<80x128xf32, #tpu.memory_space<vmem>>, vector<16xf32>,
        %mul3A_599 = arith.mulf %get3A_598, %gather3A_546 : vector<16xf32>
        %swap3A_600 = arith.index_cast %add3A_544 : i32 to index
        %swap3A_601 = arith.constant 112 : index
        %swap3A_602 = tpu.vector_load %arg23[%swap3A_600, %swap3A_601] {strides = array<i32>} : memref<80x128xf32, #tpu.memory_space<vmem>>, vector<16xf32>,
        tpu.vector_store %arg23[%swap3A_600, %swap3A_601], %mul3A_599 {strides = array<i32>} : memref<80x128xf32, #tpu.memory_space<vmem>>, vector<16xf32>,
        %add3A_603 = arith.constant 3 : i32
        %add3A_604 = arith.addi %add3A_423, %add3A_603 : i32
        %broadcast_in_dim3A_605 = vector.broadcast %add3A_604 : i32 to vector<16xi32>
        %gather3A_606 = tpu.vector_load_idx %arg22[%broadcast_in_dim3A_605] : memref<80xf32, #tpu.memory_space<vmem>>[vector<16xi32>], vector<16xf32>,
        %get3A_607 = arith.index_cast %add3A_604 : i32 to index
        %get3A_608 = arith.constant 0 : index
        %get3A_609 = tpu.vector_load %arg23[%get3A_607, %get3A_608] {strides = array<i32>} : memref<80x128xf32, #tpu.memory_space<vmem>>, vector<16xf32>,
        %mul3A_610 = arith.mulf %get3A_609, %gather3A_606 : vector<16xf32>
        %swap3A_611 = arith.index_cast %add3A_604 : i32 to index
        %swap3A_612 = arith.constant 0 : index
        %swap3A_613 = tpu.vector_load %arg23[%swap3A_611, %swap3A_612] {strides = array<i32>} : memref<80x128xf32, #tpu.memory_space<vmem>>, vector<16xf32>,
        tpu.vector_store %arg23[%swap3A_611, %swap3A_612], %mul3A_610 {strides = array<i32>} : memref<80x128xf32, #tpu.memory_space<vmem>>, vector<16xf32>,
        %get3A_614 = arith.index_cast %add3A_604 : i32 to index
        %get3A_615 = arith.constant 16 : index
        %get3A_616 = tpu.vector_load %arg23[%get3A_614, %get3A_615] {strides = array<i32>} : memref<80x128xf32, #tpu.memory_space<vmem>>, vector<16xf32>,
        %mul3A_617 = arith.mulf %get3A_616, %gather3A_606 : vector<16xf32>
        %swap3A_618 = arith.index_cast %add3A_604 : i32 to index
        %swap3A_619 = arith.constant 16 : index
        %swap3A_620 = tpu.vector_load %arg23[%swap3A_618, %swap3A_619] {strides = array<i32>} : memref<80x128xf32, #tpu.memory_space<vmem>>, vector<16xf32>,
        tpu.vector_store %arg23[%swap3A_618, %swap3A_619], %mul3A_617 {strides = array<i32>} : memref<80x128xf32, #tpu.memory_space<vmem>>, vector<16xf32>,
        %get3A_621 = arith.index_cast %add3A_604 : i32 to index
        %get3A_622 = arith.constant 32 : index
        %get3A_623 = tpu.vector_load %arg23[%get3A_621, %get3A_622] {strides = array<i32>} : memref<80x128xf32, #tpu.memory_space<vmem>>, vector<16xf32>,
        %mul3A_624 = arith.mulf %get3A_623, %gather3A_606 : vector<16xf32>
        %swap3A_625 = arith.index_cast %add3A_604 : i32 to index
        %swap3A_626 = arith.constant 32 : index
        %swap3A_627 = tpu.vector_load %arg23[%swap3A_625, %swap3A_626] {strides = array<i32>} : memref<80x128xf32, #tpu.memory_space<vmem>>, vector<16xf32>,
        tpu.vector_store %arg23[%swap3A_625, %swap3A_626], %mul3A_624 {strides = array<i32>} : memref<80x128xf32, #tpu.memory_space<vmem>>, vector<16xf32>,
        %get3A_628 = arith.index_cast %add3A_604 : i32 to index
        %get3A_629 = arith.constant 48 : index
        %get3A_630 = tpu.vector_load %arg23[%get3A_628, %get3A_629] {strides = array<i32>} : memref<80x128xf32, #tpu.memory_space<vmem>>, vector<16xf32>,
        %mul3A_631 = arith.mulf %get3A_630, %gather3A_606 : vector<16xf32>
        %swap3A_632 = arith.index_cast %add3A_604 : i32 to index
        %swap3A_633 = arith.constant 48 : index
        %swap3A_634 = tpu.vector_load %arg23[%swap3A_632, %swap3A_633] {strides = array<i32>} : memref<80x128xf32, #tpu.memory_space<vmem>>, vector<16xf32>,
        tpu.vector_store %arg23[%swap3A_632, %swap3A_633], %mul3A_631 {strides = array<i32>} : memref<80x128xf32, #tpu.memory_space<vmem>>, vector<16xf32>,
        %get3A_635 = arith.index_cast %add3A_604 : i32 to index
        %get3A_636 = arith.constant 64 : index
        %get3A_637 = tpu.vector_load %arg23[%get3A_635, %get3A_636] {strides = array<i32>} : memref<80x128xf32, #tpu.memory_space<vmem>>, vector<16xf32>,
        %mul3A_638 = arith.mulf %get3A_637, %gather3A_606 : vector<16xf32>
        %swap3A_639 = arith.index_cast %add3A_604 : i32 to index
        %swap3A_640 = arith.constant 64 : index
        %swap3A_641 = tpu.vector_load %arg23[%swap3A_639, %swap3A_640] {strides = array<i32>} : memref<80x128xf32, #tpu.memory_space<vmem>>, vector<16xf32>,
        tpu.vector_store %arg23[%swap3A_639, %swap3A_640], %mul3A_638 {strides = array<i32>} : memref<80x128xf32, #tpu.memory_space<vmem>>, vector<16xf32>,
        %get3A_642 = arith.index_cast %add3A_604 : i32 to index
        %get3A_643 = arith.constant 80 : index
        %get3A_644 = tpu.vector_load %arg23[%get3A_642, %get3A_643] {strides = array<i32>} : memref<80x128xf32, #tpu.memory_space<vmem>>, vector<16xf32>,
        %mul3A_645 = arith.mulf %get3A_644, %gather3A_606 : vector<16xf32>
        %swap3A_646 = arith.index_cast %add3A_604 : i32 to index
        %swap3A_647 = arith.constant 80 : index
        %swap3A_648 = tpu.vector_load %arg23[%swap3A_646, %swap3A_647] {strides = array<i32>} : memref<80x128xf32, #tpu.memory_space<vmem>>, vector<16xf32>,
        tpu.vector_store %arg23[%swap3A_646, %swap3A_647], %mul3A_645 {strides = array<i32>} : memref<80x128xf32, #tpu.memory_space<vmem>>, vector<16xf32>,
        %get3A_649 = arith.index_cast %add3A_604 : i32 to index
        %get3A_650 = arith.constant 96 : index
        %get3A_651 = tpu.vector_load %arg23[%get3A_649, %get3A_650] {strides = array<i32>} : memref<80x128xf32, #tpu.memory_space<vmem>>, vector<16xf32>,
        %mul3A_652 = arith.mulf %get3A_651, %gather3A_606 : vector<16xf32>
        %swap3A_653 = arith.index_cast %add3A_604 : i32 to index
        %swap3A_654 = arith.constant 96 : index
        %swap3A_655 = tpu.vector_load %arg23[%swap3A_653, %swap3A_654] {strides = array<i32>} : memref<80x128xf32, #tpu.memory_space<vmem>>, vector<16xf32>,
        tpu.vector_store %arg23[%swap3A_653, %swap3A_654], %mul3A_652 {strides = array<i32>} : memref<80x128xf32, #tpu.memory_space<vmem>>, vector<16xf32>,
        %get3A_656 = arith.index_cast %add3A_604 : i32 to index
        %get3A_657 = arith.constant 112 : index
        %get3A_658 = tpu.vector_load %arg23[%get3A_656, %get3A_657] {strides = array<i32>} : memref<80x128xf32, #tpu.memory_space<vmem>>, vector<16xf32>,
        %mul3A_659 = arith.mulf %get3A_658, %gather3A_606 : vector<16xf32>
        %swap3A_660 = arith.index_cast %add3A_604 : i32 to index
        %swap3A_661 = arith.constant 112 : index
        %swap3A_662 = tpu.vector_load %arg23[%swap3A_660, %swap3A_661] {strides = array<i32>} : memref<80x128xf32, #tpu.memory_space<vmem>>, vector<16xf32>,
        tpu.vector_store %arg23[%swap3A_660, %swap3A_661], %mul3A_659 {strides = array<i32>} : memref<80x128xf32, #tpu.memory_space<vmem>>, vector<16xf32>,
      }
      %scan3A_341 = arith.constant 20 : i32
      %get3A_342 = arith.constant 0 : index
      %get3A_343 = tpu.vector_load %arg20[%get3A_342] {strides = array<i32>} : memref<80xi32, #tpu.memory_space<vmem>>, vector<16xi32>,
      %swap3A_344 = arith.constant 0 : index
      %swap3A_345 = tpu.vector_load %arg24[%swap3A_344] {strides = array<i32>} : memref<80xi32, #tpu.memory_space<vmem>>, vector<16xi32>,
      tpu.vector_store %arg24[%swap3A_344], %get3A_343 {strides = array<i32>} : memref<80xi32, #tpu.memory_space<vmem>>, vector<16xi32>,
      %get3A_346 = arith.constant 16 : index
      %get3A_347 = tpu.vector_load %arg20[%get3A_346] {strides = array<i32>} : memref<80xi32, #tpu.memory_space<vmem>>, vector<16xi32>,
      %swap3A_348 = arith.constant 16 : index
      %swap3A_349 = tpu.vector_load %arg24[%swap3A_348] {strides = array<i32>} : memref<80xi32, #tpu.memory_space<vmem>>, vector<16xi32>,
      tpu.vector_store %arg24[%swap3A_348], %get3A_347 {strides = array<i32>} : memref<80xi32, #tpu.memory_space<vmem>>, vector<16xi32>,
      %get3A_350 = arith.constant 32 : index
      %get3A_351 = tpu.vector_load %arg20[%get3A_350] {strides = array<i32>} : memref<80xi32, #tpu.memory_space<vmem>>, vector<16xi32>,
      %swap3A_352 = arith.constant 32 : index
      %swap3A_353 = tpu.vector_load %arg24[%swap3A_352] {strides = array<i32>} : memref<80xi32, #tpu.memory_space<vmem>>, vector<16xi32>,
      tpu.vector_store %arg24[%swap3A_352], %get3A_351 {strides = array<i32>} : memref<80xi32, #tpu.memory_space<vmem>>, vector<16xi32>,
      %get3A_354 = arith.constant 48 : index
      %get3A_355 = tpu.vector_load %arg20[%get3A_354] {strides = array<i32>} : memref<80xi32, #tpu.memory_space<vmem>>, vector<16xi32>,
      %swap3A_356 = arith.constant 48 : index
      %swap3A_357 = tpu.vector_load %arg24[%swap3A_356] {strides = array<i32>} : memref<80xi32, #tpu.memory_space<vmem>>, vector<16xi32>,
      tpu.vector_store %arg24[%swap3A_356], %get3A_355 {strides = array<i32>} : memref<80xi32, #tpu.memory_space<vmem>>, vector<16xi32>,
      %get3A_358 = arith.constant 64 : index
      %get3A_359 = tpu.vector_load %arg20[%get3A_358] {strides = array<i32>} : memref<80xi32, #tpu.memory_space<vmem>>, vector<16xi32>,
      %swap3A_360 = arith.constant 64 : index
      %swap3A_361 = tpu.vector_load %arg24[%swap3A_360] {strides = array<i32>} : memref<80xi32, #tpu.memory_space<vmem>>, vector<16xi32>,
      tpu.vector_store %arg24[%swap3A_360], %get3A_359 {strides = array<i32>} : memref<80xi32, #tpu.memory_space<vmem>>, vector<16xi32>,
      %dma_start3A_362 = arith.constant 0 : i32
      %dma_start3A_363 = arith.constant 0 : i32
      %dma_start3A_364 = tpu.memref_slice %arg38[%dma_start3A_362, %dma_start3A_363] : memref<10240x128xf32, #tpu.memory_space<vmem_shared>> -> memref<10240x128xf32, #tpu.memory_space<vmem_shared>>
      tpu.enqueue_indirect_dma source(%arg23 : memref<80x128xf32, #tpu.memory_space<vmem>>) target(%dma_start3A_364 : memref<10240x128xf32, #tpu.memory_space<vmem_shared>>) offsets(%arg24 : memref<80xi32, #tpu.memory_space<vmem>>) semaphore(%arg27 : memref<!tpu.dma_semaphore, #tpu.memory_space<semaphore_mem>>) {add = true}
      %add3A_365 = arith.constant 3 : i32
      %add3A_366 = arith.addi %add3A_326, %add3A_365 : i32
      %lt3A_367 = arith.constant 125 : i32
      %lt3A_368 = arith.cmpi slt, %add3A_366, %lt3A_367 : i32
      %convert_element_type3A_369 = arith.extui %lt3A_368 : i1 to i32
      %cond3A_370 = arith.constant 0 : i32
      %cond3A_371 = arith.cmpi ne, %convert_element_type3A_369, %cond3A_370 : i32
      scf.if %cond3A_371 {
        %add3A_419 = arith.constant 3 : i32
        %add3A_420 = arith.addi %add3A_326, %add3A_419 : i32
        %add3A_421 = arith.addi %mul3A_2, %add3A_420 : i32
        %mul3A_422 = arith.constant 80 : i32
        %mul3A_423 = arith.muli %add3A_421, %mul3A_422 : i32
        %dma_start3A_424 = tpu.memref_slice %arg3[%mul3A_423] : memref<320000xi32, #tpu.memory_space<hbm>> -> memref<80xi32, #tpu.memory_space<hbm>>
        %dma_start3A_425 = tpu.memref_slice %arg3[%mul3A_423] : memref<320000xi32, #tpu.memory_space<hbm>> -> memref<80xi32, #tpu.memory_space<hbm>>
        tpu.enqueue_dma source(%dma_start3A_425 : memref<80xi32, #tpu.memory_space<hbm>>) target(%arg18 : memref<80xi32, #tpu.memory_space<vmem>>) target_semaphore(%arg25 : memref<!tpu.dma_semaphore, #tpu.memory_space<semaphore_mem>>)
        %dma_start3A_426 = tpu.memref_slice %arg4[%mul3A_423] : memref<320000xi32, #tpu.memory_space<hbm>> -> memref<80xi32, #tpu.memory_space<hbm>>
        %dma_start3A_427 = tpu.memref_slice %arg4[%mul3A_423] : memref<320000xi32, #tpu.memory_space<hbm>> -> memref<80xi32, #tpu.memory_space<hbm>>
        tpu.enqueue_dma source(%dma_start3A_427 : memref<80xi32, #tpu.memory_space<hbm>>) target(%arg19 : memref<80xi32, #tpu.memory_space<vmem>>) target_semaphore(%arg25 : memref<!tpu.dma_semaphore, #tpu.memory_space<semaphore_mem>>)
        %dma_start3A_428 = tpu.memref_slice %arg5[%mul3A_423] : memref<320000xi32, #tpu.memory_space<hbm>> -> memref<80xi32, #tpu.memory_space<hbm>>
        %dma_start3A_429 = tpu.memref_slice %arg5[%mul3A_423] : memref<320000xi32, #tpu.memory_space<hbm>> -> memref<80xi32, #tpu.memory_space<hbm>>
        tpu.enqueue_dma source(%dma_start3A_429 : memref<80xi32, #tpu.memory_space<hbm>>) target(%arg20 : memref<80xi32, #tpu.memory_space<vmem>>) target_semaphore(%arg25 : memref<!tpu.dma_semaphore, #tpu.memory_space<semaphore_mem>>)
        %dma_start3A_430 = tpu.memref_slice %arg6[%mul3A_423] : memref<320000xf32, #tpu.memory_space<hbm>> -> memref<80xf32, #tpu.memory_space<hbm>>
        %dma_start3A_431 = tpu.memref_slice %arg6[%mul3A_423] : memref<320000xf32, #tpu.memory_space<hbm>> -> memref<80xf32, #tpu.memory_space<hbm>>
        tpu.enqueue_dma source(%dma_start3A_431 : memref<80xf32, #tpu.memory_space<hbm>>) target(%arg22 : memref<80xf32, #tpu.memory_space<vmem>>) target_semaphore(%arg25 : memref<!tpu.dma_semaphore, #tpu.memory_space<semaphore_mem>>)
      } else {
      }
      %add3A_372 = arith.constant 2 : i32
      %add3A_373 = arith.addi %mul3A_277, %add3A_372 : i32
      %add3A_374 = arith.constant 2 : i32
      %add3A_375 = arith.addi %add3A_373, %add3A_374 : i32
      %lt3A_376 = arith.constant 125 : i32
      %lt3A_377 = arith.cmpi slt, %add3A_375, %lt3A_376 : i32
      %convert_element_type3A_378 = arith.extui %lt3A_377 : i1 to i32
      %cond3A_379 = arith.constant 0 : i32
      %cond3A_380 = arith.cmpi ne, %convert_element_type3A_378, %cond3A_379 : i32
      scf.if %cond3A_380 {
        %add3A_419 = arith.constant 2 : i32
        %add3A_420 = arith.addi %add3A_373, %add3A_419 : i32
        %add3A_421 = arith.addi %mul3A_2, %add3A_420 : i32
        %mul3A_422 = arith.constant 80 : i32
        %mul3A_423 = arith.muli %add3A_421, %mul3A_422 : i32
        %dma_wait3A_424 = tpu.memref_slice %arg3[%mul3A_423] : memref<320000xi32, #tpu.memory_space<hbm>> -> memref<80xi32, #tpu.memory_space<hbm>>
        %dma_wait3A_425 = tpu.memref_slice %arg3[%mul3A_423] : memref<320000xi32, #tpu.memory_space<hbm>> -> memref<80xi32, #tpu.memory_space<hbm>>
        tpu.wait_dma2 semaphore(%arg25 : memref<!tpu.dma_semaphore, #tpu.memory_space<semaphore_mem>>) src(%dma_wait3A_425 : memref<80xi32, #tpu.memory_space<hbm>>) dst(%arg18 : memref<80xi32, #tpu.memory_space<vmem>>)
        %dma_wait3A_426 = tpu.memref_slice %arg4[%mul3A_423] : memref<320000xi32, #tpu.memory_space<hbm>> -> memref<80xi32, #tpu.memory_space<hbm>>
        %dma_wait3A_427 = tpu.memref_slice %arg4[%mul3A_423] : memref<320000xi32, #tpu.memory_space<hbm>> -> memref<80xi32, #tpu.memory_space<hbm>>
        tpu.wait_dma2 semaphore(%arg25 : memref<!tpu.dma_semaphore, #tpu.memory_space<semaphore_mem>>) src(%dma_wait3A_427 : memref<80xi32, #tpu.memory_space<hbm>>) dst(%arg19 : memref<80xi32, #tpu.memory_space<vmem>>)
        %dma_wait3A_428 = tpu.memref_slice %arg5[%mul3A_423] : memref<320000xi32, #tpu.memory_space<hbm>> -> memref<80xi32, #tpu.memory_space<hbm>>
        %dma_wait3A_429 = tpu.memref_slice %arg5[%mul3A_423] : memref<320000xi32, #tpu.memory_space<hbm>> -> memref<80xi32, #tpu.memory_space<hbm>>
        tpu.wait_dma2 semaphore(%arg25 : memref<!tpu.dma_semaphore, #tpu.memory_space<semaphore_mem>>) src(%dma_wait3A_429 : memref<80xi32, #tpu.memory_space<hbm>>) dst(%arg20 : memref<80xi32, #tpu.memory_space<vmem>>)
        %dma_wait3A_430 = tpu.memref_slice %arg6[%mul3A_423] : memref<320000xf32, #tpu.memory_space<hbm>> -> memref<80xf32, #tpu.memory_space<hbm>>
        %dma_wait3A_431 = tpu.memref_slice %arg6[%mul3A_423] : memref<320000xf32, #tpu.memory_space<hbm>> -> memref<80xf32, #tpu.memory_space<hbm>>
        tpu.wait_dma2 semaphore(%arg25 : memref<!tpu.dma_semaphore, #tpu.memory_space<semaphore_mem>>) src(%dma_wait3A_431 : memref<80xf32, #tpu.memory_space<hbm>>) dst(%arg22 : memref<80xf32, #tpu.memory_space<vmem>>)
        %get3A_432 = arith.constant 0 : index
        %get3A_433 = tpu.vector_load %arg19[%get3A_432] {strides = array<i32>} : memref<80xi32, #tpu.memory_space<vmem>>, vector<16xi32>,
        %mul3A_434 = arith.constant 10000 : i32
        %mul3A_435 = vector.broadcast %mul3A_434 : i32 to vector<16xi32>
        %mul3A_436 = arith.muli %get3A_433, %mul3A_435 : vector<16xi32>
        %get3A_437 = arith.constant 0 : index
        %get3A_438 = tpu.vector_load %arg18[%get3A_437] {strides = array<i32>} : memref<80xi32, #tpu.memory_space<vmem>>, vector<16xi32>,
        %add3A_439 = arith.addi %mul3A_436, %get3A_438 : vector<16xi32>
        %swap3A_440 = arith.constant 0 : index
        %swap3A_441 = tpu.vector_load %arg21[%swap3A_440] {strides = array<i32>} : memref<80xi32, #tpu.memory_space<vmem>>, vector<16xi32>,
        tpu.vector_store %arg21[%swap3A_440], %add3A_439 {strides = array<i32>} : memref<80xi32, #tpu.memory_space<vmem>>, vector<16xi32>,
        %get3A_442 = arith.constant 16 : index
        %get3A_443 = tpu.vector_load %arg19[%get3A_442] {strides = array<i32>} : memref<80xi32, #tpu.memory_space<vmem>>, vector<16xi32>,
        %mul3A_444 = arith.constant 10000 : i32
        %mul3A_445 = vector.broadcast %mul3A_444 : i32 to vector<16xi32>
        %mul3A_446 = arith.muli %get3A_443, %mul3A_445 : vector<16xi32>
        %get3A_447 = arith.constant 16 : index
        %get3A_448 = tpu.vector_load %arg18[%get3A_447] {strides = array<i32>} : memref<80xi32, #tpu.memory_space<vmem>>, vector<16xi32>,
        %add3A_449 = arith.addi %mul3A_446, %get3A_448 : vector<16xi32>
        %swap3A_450 = arith.constant 16 : index
        %swap3A_451 = tpu.vector_load %arg21[%swap3A_450] {strides = array<i32>} : memref<80xi32, #tpu.memory_space<vmem>>, vector<16xi32>,
        tpu.vector_store %arg21[%swap3A_450], %add3A_449 {strides = array<i32>} : memref<80xi32, #tpu.memory_space<vmem>>, vector<16xi32>,
        %get3A_452 = arith.constant 32 : index
        %get3A_453 = tpu.vector_load %arg19[%get3A_452] {strides = array<i32>} : memref<80xi32, #tpu.memory_space<vmem>>, vector<16xi32>,
        %mul3A_454 = arith.constant 10000 : i32
        %mul3A_455 = vector.broadcast %mul3A_454 : i32 to vector<16xi32>
        %mul3A_456 = arith.muli %get3A_453, %mul3A_455 : vector<16xi32>
        %get3A_457 = arith.constant 32 : index
        %get3A_458 = tpu.vector_load %arg18[%get3A_457] {strides = array<i32>} : memref<80xi32, #tpu.memory_space<vmem>>, vector<16xi32>,
        %add3A_459 = arith.addi %mul3A_456, %get3A_458 : vector<16xi32>
        %swap3A_460 = arith.constant 32 : index
        %swap3A_461 = tpu.vector_load %arg21[%swap3A_460] {strides = array<i32>} : memref<80xi32, #tpu.memory_space<vmem>>, vector<16xi32>,
        tpu.vector_store %arg21[%swap3A_460], %add3A_459 {strides = array<i32>} : memref<80xi32, #tpu.memory_space<vmem>>, vector<16xi32>,
        %get3A_462 = arith.constant 48 : index
        %get3A_463 = tpu.vector_load %arg19[%get3A_462] {strides = array<i32>} : memref<80xi32, #tpu.memory_space<vmem>>, vector<16xi32>,
        %mul3A_464 = arith.constant 10000 : i32
        %mul3A_465 = vector.broadcast %mul3A_464 : i32 to vector<16xi32>
        %mul3A_466 = arith.muli %get3A_463, %mul3A_465 : vector<16xi32>
        %get3A_467 = arith.constant 48 : index
        %get3A_468 = tpu.vector_load %arg18[%get3A_467] {strides = array<i32>} : memref<80xi32, #tpu.memory_space<vmem>>, vector<16xi32>,
        %add3A_469 = arith.addi %mul3A_466, %get3A_468 : vector<16xi32>
        %swap3A_470 = arith.constant 48 : index
        %swap3A_471 = tpu.vector_load %arg21[%swap3A_470] {strides = array<i32>} : memref<80xi32, #tpu.memory_space<vmem>>, vector<16xi32>,
        tpu.vector_store %arg21[%swap3A_470], %add3A_469 {strides = array<i32>} : memref<80xi32, #tpu.memory_space<vmem>>, vector<16xi32>,
        %get3A_472 = arith.constant 64 : index
        %get3A_473 = tpu.vector_load %arg19[%get3A_472] {strides = array<i32>} : memref<80xi32, #tpu.memory_space<vmem>>, vector<16xi32>,
        %mul3A_474 = arith.constant 10000 : i32
        %mul3A_475 = vector.broadcast %mul3A_474 : i32 to vector<16xi32>
        %mul3A_476 = arith.muli %get3A_473, %mul3A_475 : vector<16xi32>
        %get3A_477 = arith.constant 64 : index
        %get3A_478 = tpu.vector_load %arg18[%get3A_477] {strides = array<i32>} : memref<80xi32, #tpu.memory_space<vmem>>, vector<16xi32>,
        %add3A_479 = arith.addi %mul3A_476, %get3A_478 : vector<16xi32>
        %swap3A_480 = arith.constant 64 : index
        %swap3A_481 = tpu.vector_load %arg21[%swap3A_480] {strides = array<i32>} : memref<80xi32, #tpu.memory_space<vmem>>, vector<16xi32>,
        tpu.vector_store %arg21[%swap3A_480], %add3A_479 {strides = array<i32>} : memref<80xi32, #tpu.memory_space<vmem>>, vector<16xi32>,
        %ge3A = arith.constant 1 : i32
        %ge3A_482 = arith.cmpi sge, %add3A_373, %ge3A : i32
        %convert_element_type3A_483 = arith.extui %ge3A_482 : i1 to i32
        %cond3A_484 = arith.constant 0 : i32
        %cond3A_485 = arith.cmpi ne, %convert_element_type3A_483, %cond3A_484 : i32
        scf.if %cond3A_485 {
          %dma_wait3A_489 = arith.constant 0 : i32
          %dma_wait3A_490 = arith.constant 0 : i32
          %dma_wait3A_491 = tpu.memref_slice %arg38[%dma_wait3A_489, %dma_wait3A_490] : memref<10240x128xf32, #tpu.memory_space<vmem_shared>> -> memref<10240x128xf32, #tpu.memory_space<vmem_shared>>
          tpu.wait_indirect_dma semaphore(%arg27 : memref<!tpu.dma_semaphore, #tpu.memory_space<semaphore_mem>>) src(%arg23 : memref<80x128xf32, #tpu.memory_space<vmem>>) dst(%dma_wait3A_491 : memref<10240x128xf32, #tpu.memory_space<vmem_shared>>)
        } else {
        }
        %dma_start3A_486 = arith.constant 0 : i32
        %dma_start3A_487 = arith.constant 0 : i32
        %dma_start3A_488 = tpu.memref_slice %arg2[%dma_start3A_486, %dma_start3A_487] : memref<80000x128xf32, #tpu.memory_space<hbm>> -> memref<80000x128xf32, #tpu.memory_space<hbm>>
        tpu.enqueue_indirect_dma source(%dma_start3A_488 : memref<80000x128xf32, #tpu.memory_space<hbm>>) target(%arg23 : memref<80x128xf32, #tpu.memory_space<vmem>>) offsets(%arg21 : memref<80xi32, #tpu.memory_space<vmem>>) semaphore(%arg26 : memref<!tpu.dma_semaphore, #tpu.memory_space<semaphore_mem>>)
      } else {
      }
      %dma_wait3A_381 = arith.constant 0 : i32
      %dma_wait3A_382 = arith.constant 0 : i32
      %dma_wait3A_383 = tpu.memref_slice %arg2[%dma_wait3A_381, %dma_wait3A_382] : memref<80000x128xf32, #tpu.memory_space<hbm>> -> memref<80000x128xf32, #tpu.memory_space<hbm>>
      tpu.wait_indirect_dma semaphore(%arg36 : memref<!tpu.dma_semaphore, #tpu.memory_space<semaphore_mem>>) src(%dma_wait3A_383 : memref<80000x128xf32, #tpu.memory_space<hbm>>) dst(%arg33 : memref<80x128xf32, #tpu.memory_space<vmem>>)
      %scan3A_384 = arith.constant 0 : i32
      %scan3A_385 = arith.constant 20 : i32
      %scan3A_386 = arith.addi %scan3A_384, %scan3A_385 : i32
      %scan3A_387 = arith.constant 1 : i32
      scf.for %scan3A_419 = %scan3A_384 to %scan3A_386 step %scan3A_387  : i32 {
        %mul3A_420 = arith.constant 4 : i32
        %mul3A_421 = arith.muli %scan3A_419, %mul3A_420 : i32
        %add3A_422 = arith.constant 0 : i32
        %add3A_423 = arith.addi %add3A_422, %mul3A_421 : i32
        %add3A_424 = arith.constant 0 : i32
        %add3A_425 = arith.addi %add3A_423, %add3A_424 : i32
        %broadcast_in_dim3A_426 = vector.broadcast %add3A_425 : i32 to vector<16xi32>
        %gather3A = tpu.vector_load_idx %arg32[%broadcast_in_dim3A_426] : memref<80xf32, #tpu.memory_space<vmem>>[vector<16xi32>], vector<16xf32>,
        %get3A_427 = arith.index_cast %add3A_425 : i32 to index
        %get3A_428 = arith.constant 0 : index
        %get3A_429 = tpu.vector_load %arg33[%get3A_427, %get3A_428] {strides = array<i32>} : memref<80x128xf32, #tpu.memory_space<vmem>>, vector<16xf32>,
        %mul3A_430 = arith.mulf %get3A_429, %gather3A : vector<16xf32>
        %swap3A_431 = arith.index_cast %add3A_425 : i32 to index
        %swap3A_432 = arith.constant 0 : index
        %swap3A_433 = tpu.vector_load %arg33[%swap3A_431, %swap3A_432] {strides = array<i32>} : memref<80x128xf32, #tpu.memory_space<vmem>>, vector<16xf32>,
        tpu.vector_store %arg33[%swap3A_431, %swap3A_432], %mul3A_430 {strides = array<i32>} : memref<80x128xf32, #tpu.memory_space<vmem>>, vector<16xf32>,
        %get3A_434 = arith.index_cast %add3A_425 : i32 to index
        %get3A_435 = arith.constant 16 : index
        %get3A_436 = tpu.vector_load %arg33[%get3A_434, %get3A_435] {strides = array<i32>} : memref<80x128xf32, #tpu.memory_space<vmem>>, vector<16xf32>,
        %mul3A_437 = arith.mulf %get3A_436, %gather3A : vector<16xf32>
        %swap3A_438 = arith.index_cast %add3A_425 : i32 to index
        %swap3A_439 = arith.constant 16 : index
        %swap3A_440 = tpu.vector_load %arg33[%swap3A_438, %swap3A_439] {strides = array<i32>} : memref<80x128xf32, #tpu.memory_space<vmem>>, vector<16xf32>,
        tpu.vector_store %arg33[%swap3A_438, %swap3A_439], %mul3A_437 {strides = array<i32>} : memref<80x128xf32, #tpu.memory_space<vmem>>, vector<16xf32>,
        %get3A_441 = arith.index_cast %add3A_425 : i32 to index
        %get3A_442 = arith.constant 32 : index
        %get3A_443 = tpu.vector_load %arg33[%get3A_441, %get3A_442] {strides = array<i32>} : memref<80x128xf32, #tpu.memory_space<vmem>>, vector<16xf32>,
        %mul3A_444 = arith.mulf %get3A_443, %gather3A : vector<16xf32>
        %swap3A_445 = arith.index_cast %add3A_425 : i32 to index
        %swap3A_446 = arith.constant 32 : index
        %swap3A_447 = tpu.vector_load %arg33[%swap3A_445, %swap3A_446] {strides = array<i32>} : memref<80x128xf32, #tpu.memory_space<vmem>>, vector<16xf32>,
        tpu.vector_store %arg33[%swap3A_445, %swap3A_446], %mul3A_444 {strides = array<i32>} : memref<80x128xf32, #tpu.memory_space<vmem>>, vector<16xf32>,
        %get3A_448 = arith.index_cast %add3A_425 : i32 to index
        %get3A_449 = arith.constant 48 : index
        %get3A_450 = tpu.vector_load %arg33[%get3A_448, %get3A_449] {strides = array<i32>} : memref<80x128xf32, #tpu.memory_space<vmem>>, vector<16xf32>,
        %mul3A_451 = arith.mulf %get3A_450, %gather3A : vector<16xf32>
        %swap3A_452 = arith.index_cast %add3A_425 : i32 to index
        %swap3A_453 = arith.constant 48 : index
        %swap3A_454 = tpu.vector_load %arg33[%swap3A_452, %swap3A_453] {strides = array<i32>} : memref<80x128xf32, #tpu.memory_space<vmem>>, vector<16xf32>,
        tpu.vector_store %arg33[%swap3A_452, %swap3A_453], %mul3A_451 {strides = array<i32>} : memref<80x128xf32, #tpu.memory_space<vmem>>, vector<16xf32>,
        %get3A_455 = arith.index_cast %add3A_425 : i32 to index
        %get3A_456 = arith.constant 64 : index
        %get3A_457 = tpu.vector_load %arg33[%get3A_455, %get3A_456] {strides = array<i32>} : memref<80x128xf32, #tpu.memory_space<vmem>>, vector<16xf32>,
        %mul3A_458 = arith.mulf %get3A_457, %gather3A : vector<16xf32>
        %swap3A_459 = arith.index_cast %add3A_425 : i32 to index
        %swap3A_460 = arith.constant 64 : index
        %swap3A_461 = tpu.vector_load %arg33[%swap3A_459, %swap3A_460] {strides = array<i32>} : memref<80x128xf32, #tpu.memory_space<vmem>>, vector<16xf32>,
        tpu.vector_store %arg33[%swap3A_459, %swap3A_460], %mul3A_458 {strides = array<i32>} : memref<80x128xf32, #tpu.memory_space<vmem>>, vector<16xf32>,
        %get3A_462 = arith.index_cast %add3A_425 : i32 to index
        %get3A_463 = arith.constant 80 : index
        %get3A_464 = tpu.vector_load %arg33[%get3A_462, %get3A_463] {strides = array<i32>} : memref<80x128xf32, #tpu.memory_space<vmem>>, vector<16xf32>,
        %mul3A_465 = arith.mulf %get3A_464, %gather3A : vector<16xf32>
        %swap3A_466 = arith.index_cast %add3A_425 : i32 to index
        %swap3A_467 = arith.constant 80 : index
        %swap3A_468 = tpu.vector_load %arg33[%swap3A_466, %swap3A_467] {strides = array<i32>} : memref<80x128xf32, #tpu.memory_space<vmem>>, vector<16xf32>,
        tpu.vector_store %arg33[%swap3A_466, %swap3A_467], %mul3A_465 {strides = array<i32>} : memref<80x128xf32, #tpu.memory_space<vmem>>, vector<16xf32>,
        %get3A_469 = arith.index_cast %add3A_425 : i32 to index
        %get3A_470 = arith.constant 96 : index
        %get3A_471 = tpu.vector_load %arg33[%get3A_469, %get3A_470] {strides = array<i32>} : memref<80x128xf32, #tpu.memory_space<vmem>>, vector<16xf32>,
        %mul3A_472 = arith.mulf %get3A_471, %gather3A : vector<16xf32>
        %swap3A_473 = arith.index_cast %add3A_425 : i32 to index
        %swap3A_474 = arith.constant 96 : index
        %swap3A_475 = tpu.vector_load %arg33[%swap3A_473, %swap3A_474] {strides = array<i32>} : memref<80x128xf32, #tpu.memory_space<vmem>>, vector<16xf32>,
        tpu.vector_store %arg33[%swap3A_473, %swap3A_474], %mul3A_472 {strides = array<i32>} : memref<80x128xf32, #tpu.memory_space<vmem>>, vector<16xf32>,
        %get3A_476 = arith.index_cast %add3A_425 : i32 to index
        %get3A_477 = arith.constant 112 : index
        %get3A_478 = tpu.vector_load %arg33[%get3A_476, %get3A_477] {strides = array<i32>} : memref<80x128xf32, #tpu.memory_space<vmem>>, vector<16xf32>,
        %mul3A_479 = arith.mulf %get3A_478, %gather3A : vector<16xf32>
        %swap3A_480 = arith.index_cast %add3A_425 : i32 to index
        %swap3A_481 = arith.constant 112 : index
        %swap3A_482 = tpu.vector_load %arg33[%swap3A_480, %swap3A_481] {strides = array<i32>} : memref<80x128xf32, #tpu.memory_space<vmem>>, vector<16xf32>,
        tpu.vector_store %arg33[%swap3A_480, %swap3A_481], %mul3A_479 {strides = array<i32>} : memref<80x128xf32, #tpu.memory_space<vmem>>, vector<16xf32>,
        %add3A_483 = arith.constant 1 : i32
        %add3A_484 = arith.addi %add3A_423, %add3A_483 : i32
        %broadcast_in_dim3A_485 = vector.broadcast %add3A_484 : i32 to vector<16xi32>
        %gather3A_486 = tpu.vector_load_idx %arg32[%broadcast_in_dim3A_485] : memref<80xf32, #tpu.memory_space<vmem>>[vector<16xi32>], vector<16xf32>,
        %get3A_487 = arith.index_cast %add3A_484 : i32 to index
        %get3A_488 = arith.constant 0 : index
        %get3A_489 = tpu.vector_load %arg33[%get3A_487, %get3A_488] {strides = array<i32>} : memref<80x128xf32, #tpu.memory_space<vmem>>, vector<16xf32>,
        %mul3A_490 = arith.mulf %get3A_489, %gather3A_486 : vector<16xf32>
        %swap3A_491 = arith.index_cast %add3A_484 : i32 to index
        %swap3A_492 = arith.constant 0 : index
        %swap3A_493 = tpu.vector_load %arg33[%swap3A_491, %swap3A_492] {strides = array<i32>} : memref<80x128xf32, #tpu.memory_space<vmem>>, vector<16xf32>,
        tpu.vector_store %arg33[%swap3A_491, %swap3A_492], %mul3A_490 {strides = array<i32>} : memref<80x128xf32, #tpu.memory_space<vmem>>, vector<16xf32>,
        %get3A_494 = arith.index_cast %add3A_484 : i32 to index
        %get3A_495 = arith.constant 16 : index
        %get3A_496 = tpu.vector_load %arg33[%get3A_494, %get3A_495] {strides = array<i32>} : memref<80x128xf32, #tpu.memory_space<vmem>>, vector<16xf32>,
        %mul3A_497 = arith.mulf %get3A_496, %gather3A_486 : vector<16xf32>
        %swap3A_498 = arith.index_cast %add3A_484 : i32 to index
        %swap3A_499 = arith.constant 16 : index
        %swap3A_500 = tpu.vector_load %arg33[%swap3A_498, %swap3A_499] {strides = array<i32>} : memref<80x128xf32, #tpu.memory_space<vmem>>, vector<16xf32>,
        tpu.vector_store %arg33[%swap3A_498, %swap3A_499], %mul3A_497 {strides = array<i32>} : memref<80x128xf32, #tpu.memory_space<vmem>>, vector<16xf32>,
        %get3A_501 = arith.index_cast %add3A_484 : i32 to index
        %get3A_502 = arith.constant 32 : index
        %get3A_503 = tpu.vector_load %arg33[%get3A_501, %get3A_502] {strides = array<i32>} : memref<80x128xf32, #tpu.memory_space<vmem>>, vector<16xf32>,
        %mul3A_504 = arith.mulf %get3A_503, %gather3A_486 : vector<16xf32>
        %swap3A_505 = arith.index_cast %add3A_484 : i32 to index
        %swap3A_506 = arith.constant 32 : index
        %swap3A_507 = tpu.vector_load %arg33[%swap3A_505, %swap3A_506] {strides = array<i32>} : memref<80x128xf32, #tpu.memory_space<vmem>>, vector<16xf32>,
        tpu.vector_store %arg33[%swap3A_505, %swap3A_506], %mul3A_504 {strides = array<i32>} : memref<80x128xf32, #tpu.memory_space<vmem>>, vector<16xf32>,
        %get3A_508 = arith.index_cast %add3A_484 : i32 to index
        %get3A_509 = arith.constant 48 : index
        %get3A_510 = tpu.vector_load %arg33[%get3A_508, %get3A_509] {strides = array<i32>} : memref<80x128xf32, #tpu.memory_space<vmem>>, vector<16xf32>,
        %mul3A_511 = arith.mulf %get3A_510, %gather3A_486 : vector<16xf32>
        %swap3A_512 = arith.index_cast %add3A_484 : i32 to index
        %swap3A_513 = arith.constant 48 : index
        %swap3A_514 = tpu.vector_load %arg33[%swap3A_512, %swap3A_513] {strides = array<i32>} : memref<80x128xf32, #tpu.memory_space<vmem>>, vector<16xf32>,
        tpu.vector_store %arg33[%swap3A_512, %swap3A_513], %mul3A_511 {strides = array<i32>} : memref<80x128xf32, #tpu.memory_space<vmem>>, vector<16xf32>,
        %get3A_515 = arith.index_cast %add3A_484 : i32 to index
        %get3A_516 = arith.constant 64 : index
        %get3A_517 = tpu.vector_load %arg33[%get3A_515, %get3A_516] {strides = array<i32>} : memref<80x128xf32, #tpu.memory_space<vmem>>, vector<16xf32>,
        %mul3A_518 = arith.mulf %get3A_517, %gather3A_486 : vector<16xf32>
        %swap3A_519 = arith.index_cast %add3A_484 : i32 to index
        %swap3A_520 = arith.constant 64 : index
        %swap3A_521 = tpu.vector_load %arg33[%swap3A_519, %swap3A_520] {strides = array<i32>} : memref<80x128xf32, #tpu.memory_space<vmem>>, vector<16xf32>,
        tpu.vector_store %arg33[%swap3A_519, %swap3A_520], %mul3A_518 {strides = array<i32>} : memref<80x128xf32, #tpu.memory_space<vmem>>, vector<16xf32>,
        %get3A_522 = arith.index_cast %add3A_484 : i32 to index
        %get3A_523 = arith.constant 80 : index
        %get3A_524 = tpu.vector_load %arg33[%get3A_522, %get3A_523] {strides = array<i32>} : memref<80x128xf32, #tpu.memory_space<vmem>>, vector<16xf32>,
        %mul3A_525 = arith.mulf %get3A_524, %gather3A_486 : vector<16xf32>
        %swap3A_526 = arith.index_cast %add3A_484 : i32 to index
        %swap3A_527 = arith.constant 80 : index
        %swap3A_528 = tpu.vector_load %arg33[%swap3A_526, %swap3A_527] {strides = array<i32>} : memref<80x128xf32, #tpu.memory_space<vmem>>, vector<16xf32>,
        tpu.vector_store %arg33[%swap3A_526, %swap3A_527], %mul3A_525 {strides = array<i32>} : memref<80x128xf32, #tpu.memory_space<vmem>>, vector<16xf32>,
        %get3A_529 = arith.index_cast %add3A_484 : i32 to index
        %get3A_530 = arith.constant 96 : index
        %get3A_531 = tpu.vector_load %arg33[%get3A_529, %get3A_530] {strides = array<i32>} : memref<80x128xf32, #tpu.memory_space<vmem>>, vector<16xf32>,
        %mul3A_532 = arith.mulf %get3A_531, %gather3A_486 : vector<16xf32>
        %swap3A_533 = arith.index_cast %add3A_484 : i32 to index
        %swap3A_534 = arith.constant 96 : index
        %swap3A_535 = tpu.vector_load %arg33[%swap3A_533, %swap3A_534] {strides = array<i32>} : memref<80x128xf32, #tpu.memory_space<vmem>>, vector<16xf32>,
        tpu.vector_store %arg33[%swap3A_533, %swap3A_534], %mul3A_532 {strides = array<i32>} : memref<80x128xf32, #tpu.memory_space<vmem>>, vector<16xf32>,
        %get3A_536 = arith.index_cast %add3A_484 : i32 to index
        %get3A_537 = arith.constant 112 : index
        %get3A_538 = tpu.vector_load %arg33[%get3A_536, %get3A_537] {strides = array<i32>} : memref<80x128xf32, #tpu.memory_space<vmem>>, vector<16xf32>,
        %mul3A_539 = arith.mulf %get3A_538, %gather3A_486 : vector<16xf32>
        %swap3A_540 = arith.index_cast %add3A_484 : i32 to index
        %swap3A_541 = arith.constant 112 : index
        %swap3A_542 = tpu.vector_load %arg33[%swap3A_540, %swap3A_541] {strides = array<i32>} : memref<80x128xf32, #tpu.memory_space<vmem>>, vector<16xf32>,
        tpu.vector_store %arg33[%swap3A_540, %swap3A_541], %mul3A_539 {strides = array<i32>} : memref<80x128xf32, #tpu.memory_space<vmem>>, vector<16xf32>,
        %add3A_543 = arith.constant 2 : i32
        %add3A_544 = arith.addi %add3A_423, %add3A_543 : i32
        %broadcast_in_dim3A_545 = vector.broadcast %add3A_544 : i32 to vector<16xi32>
        %gather3A_546 = tpu.vector_load_idx %arg32[%broadcast_in_dim3A_545] : memref<80xf32, #tpu.memory_space<vmem>>[vector<16xi32>], vector<16xf32>,
        %get3A_547 = arith.index_cast %add3A_544 : i32 to index
        %get3A_548 = arith.constant 0 : index
        %get3A_549 = tpu.vector_load %arg33[%get3A_547, %get3A_548] {strides = array<i32>} : memref<80x128xf32, #tpu.memory_space<vmem>>, vector<16xf32>,
        %mul3A_550 = arith.mulf %get3A_549, %gather3A_546 : vector<16xf32>
        %swap3A_551 = arith.index_cast %add3A_544 : i32 to index
        %swap3A_552 = arith.constant 0 : index
        %swap3A_553 = tpu.vector_load %arg33[%swap3A_551, %swap3A_552] {strides = array<i32>} : memref<80x128xf32, #tpu.memory_space<vmem>>, vector<16xf32>,
        tpu.vector_store %arg33[%swap3A_551, %swap3A_552], %mul3A_550 {strides = array<i32>} : memref<80x128xf32, #tpu.memory_space<vmem>>, vector<16xf32>,
        %get3A_554 = arith.index_cast %add3A_544 : i32 to index
        %get3A_555 = arith.constant 16 : index
        %get3A_556 = tpu.vector_load %arg33[%get3A_554, %get3A_555] {strides = array<i32>} : memref<80x128xf32, #tpu.memory_space<vmem>>, vector<16xf32>,
        %mul3A_557 = arith.mulf %get3A_556, %gather3A_546 : vector<16xf32>
        %swap3A_558 = arith.index_cast %add3A_544 : i32 to index
        %swap3A_559 = arith.constant 16 : index
        %swap3A_560 = tpu.vector_load %arg33[%swap3A_558, %swap3A_559] {strides = array<i32>} : memref<80x128xf32, #tpu.memory_space<vmem>>, vector<16xf32>,
        tpu.vector_store %arg33[%swap3A_558, %swap3A_559], %mul3A_557 {strides = array<i32>} : memref<80x128xf32, #tpu.memory_space<vmem>>, vector<16xf32>,
        %get3A_561 = arith.index_cast %add3A_544 : i32 to index
        %get3A_562 = arith.constant 32 : index
        %get3A_563 = tpu.vector_load %arg33[%get3A_561, %get3A_562] {strides = array<i32>} : memref<80x128xf32, #tpu.memory_space<vmem>>, vector<16xf32>,
        %mul3A_564 = arith.mulf %get3A_563, %gather3A_546 : vector<16xf32>
        %swap3A_565 = arith.index_cast %add3A_544 : i32 to index
        %swap3A_566 = arith.constant 32 : index
        %swap3A_567 = tpu.vector_load %arg33[%swap3A_565, %swap3A_566] {strides = array<i32>} : memref<80x128xf32, #tpu.memory_space<vmem>>, vector<16xf32>,
        tpu.vector_store %arg33[%swap3A_565, %swap3A_566], %mul3A_564 {strides = array<i32>} : memref<80x128xf32, #tpu.memory_space<vmem>>, vector<16xf32>,
        %get3A_568 = arith.index_cast %add3A_544 : i32 to index
        %get3A_569 = arith.constant 48 : index
        %get3A_570 = tpu.vector_load %arg33[%get3A_568, %get3A_569] {strides = array<i32>} : memref<80x128xf32, #tpu.memory_space<vmem>>, vector<16xf32>,
        %mul3A_571 = arith.mulf %get3A_570, %gather3A_546 : vector<16xf32>
        %swap3A_572 = arith.index_cast %add3A_544 : i32 to index
        %swap3A_573 = arith.constant 48 : index
        %swap3A_574 = tpu.vector_load %arg33[%swap3A_572, %swap3A_573] {strides = array<i32>} : memref<80x128xf32, #tpu.memory_space<vmem>>, vector<16xf32>,
        tpu.vector_store %arg33[%swap3A_572, %swap3A_573], %mul3A_571 {strides = array<i32>} : memref<80x128xf32, #tpu.memory_space<vmem>>, vector<16xf32>,
        %get3A_575 = arith.index_cast %add3A_544 : i32 to index
        %get3A_576 = arith.constant 64 : index
        %get3A_577 = tpu.vector_load %arg33[%get3A_575, %get3A_576] {strides = array<i32>} : memref<80x128xf32, #tpu.memory_space<vmem>>, vector<16xf32>,
        %mul3A_578 = arith.mulf %get3A_577, %gather3A_546 : vector<16xf32>
        %swap3A_579 = arith.index_cast %add3A_544 : i32 to index
        %swap3A_580 = arith.constant 64 : index
        %swap3A_581 = tpu.vector_load %arg33[%swap3A_579, %swap3A_580] {strides = array<i32>} : memref<80x128xf32, #tpu.memory_space<vmem>>, vector<16xf32>,
        tpu.vector_store %arg33[%swap3A_579, %swap3A_580], %mul3A_578 {strides = array<i32>} : memref<80x128xf32, #tpu.memory_space<vmem>>, vector<16xf32>,
        %get3A_582 = arith.index_cast %add3A_544 : i32 to index
        %get3A_583 = arith.constant 80 : index
        %get3A_584 = tpu.vector_load %arg33[%get3A_582, %get3A_583] {strides = array<i32>} : memref<80x128xf32, #tpu.memory_space<vmem>>, vector<16xf32>,
        %mul3A_585 = arith.mulf %get3A_584, %gather3A_546 : vector<16xf32>
        %swap3A_586 = arith.index_cast %add3A_544 : i32 to index
        %swap3A_587 = arith.constant 80 : index
        %swap3A_588 = tpu.vector_load %arg33[%swap3A_586, %swap3A_587] {strides = array<i32>} : memref<80x128xf32, #tpu.memory_space<vmem>>, vector<16xf32>,
        tpu.vector_store %arg33[%swap3A_586, %swap3A_587], %mul3A_585 {strides = array<i32>} : memref<80x128xf32, #tpu.memory_space<vmem>>, vector<16xf32>,
        %get3A_589 = arith.index_cast %add3A_544 : i32 to index
        %get3A_590 = arith.constant 96 : index
        %get3A_591 = tpu.vector_load %arg33[%get3A_589, %get3A_590] {strides = array<i32>} : memref<80x128xf32, #tpu.memory_space<vmem>>, vector<16xf32>,
        %mul3A_592 = arith.mulf %get3A_591, %gather3A_546 : vector<16xf32>
        %swap3A_593 = arith.index_cast %add3A_544 : i32 to index
        %swap3A_594 = arith.constant 96 : index
        %swap3A_595 = tpu.vector_load %arg33[%swap3A_593, %swap3A_594] {strides = array<i32>} : memref<80x128xf32, #tpu.memory_space<vmem>>, vector<16xf32>,
        tpu.vector_store %arg33[%swap3A_593, %swap3A_594], %mul3A_592 {strides = array<i32>} : memref<80x128xf32, #tpu.memory_space<vmem>>, vector<16xf32>,
        %get3A_596 = arith.index_cast %add3A_544 : i32 to index
        %get3A_597 = arith.constant 112 : index
        %get3A_598 = tpu.vector_load %arg33[%get3A_596, %get3A_597] {strides = array<i32>} : memref<80x128xf32, #tpu.memory_space<vmem>>, vector<16xf32>,
        %mul3A_599 = arith.mulf %get3A_598, %gather3A_546 : vector<16xf32>
        %swap3A_600 = arith.index_cast %add3A_544 : i32 to index
        %swap3A_601 = arith.constant 112 : index
        %swap3A_602 = tpu.vector_load %arg33[%swap3A_600, %swap3A_601] {strides = array<i32>} : memref<80x128xf32, #tpu.memory_space<vmem>>, vector<16xf32>,
        tpu.vector_store %arg33[%swap3A_600, %swap3A_601], %mul3A_599 {strides = array<i32>} : memref<80x128xf32, #tpu.memory_space<vmem>>, vector<16xf32>,
        %add3A_603 = arith.constant 3 : i32
        %add3A_604 = arith.addi %add3A_423, %add3A_603 : i32
        %broadcast_in_dim3A_605 = vector.broadcast %add3A_604 : i32 to vector<16xi32>
        %gather3A_606 = tpu.vector_load_idx %arg32[%broadcast_in_dim3A_605] : memref<80xf32, #tpu.memory_space<vmem>>[vector<16xi32>], vector<16xf32>,
        %get3A_607 = arith.index_cast %add3A_604 : i32 to index
        %get3A_608 = arith.constant 0 : index
        %get3A_609 = tpu.vector_load %arg33[%get3A_607, %get3A_608] {strides = array<i32>} : memref<80x128xf32, #tpu.memory_space<vmem>>, vector<16xf32>,
        %mul3A_610 = arith.mulf %get3A_609, %gather3A_606 : vector<16xf32>
        %swap3A_611 = arith.index_cast %add3A_604 : i32 to index
        %swap3A_612 = arith.constant 0 : index
        %swap3A_613 = tpu.vector_load %arg33[%swap3A_611, %swap3A_612] {strides = array<i32>} : memref<80x128xf32, #tpu.memory_space<vmem>>, vector<16xf32>,
        tpu.vector_store %arg33[%swap3A_611, %swap3A_612], %mul3A_610 {strides = array<i32>} : memref<80x128xf32, #tpu.memory_space<vmem>>, vector<16xf32>,
        %get3A_614 = arith.index_cast %add3A_604 : i32 to index
        %get3A_615 = arith.constant 16 : index
        %get3A_616 = tpu.vector_load %arg33[%get3A_614, %get3A_615] {strides = array<i32>} : memref<80x128xf32, #tpu.memory_space<vmem>>, vector<16xf32>,
        %mul3A_617 = arith.mulf %get3A_616, %gather3A_606 : vector<16xf32>
        %swap3A_618 = arith.index_cast %add3A_604 : i32 to index
        %swap3A_619 = arith.constant 16 : index
        %swap3A_620 = tpu.vector_load %arg33[%swap3A_618, %swap3A_619] {strides = array<i32>} : memref<80x128xf32, #tpu.memory_space<vmem>>, vector<16xf32>,
        tpu.vector_store %arg33[%swap3A_618, %swap3A_619], %mul3A_617 {strides = array<i32>} : memref<80x128xf32, #tpu.memory_space<vmem>>, vector<16xf32>,
        %get3A_621 = arith.index_cast %add3A_604 : i32 to index
        %get3A_622 = arith.constant 32 : index
        %get3A_623 = tpu.vector_load %arg33[%get3A_621, %get3A_622] {strides = array<i32>} : memref<80x128xf32, #tpu.memory_space<vmem>>, vector<16xf32>,
        %mul3A_624 = arith.mulf %get3A_623, %gather3A_606 : vector<16xf32>
        %swap3A_625 = arith.index_cast %add3A_604 : i32 to index
        %swap3A_626 = arith.constant 32 : index
        %swap3A_627 = tpu.vector_load %arg33[%swap3A_625, %swap3A_626] {strides = array<i32>} : memref<80x128xf32, #tpu.memory_space<vmem>>, vector<16xf32>,
        tpu.vector_store %arg33[%swap3A_625, %swap3A_626], %mul3A_624 {strides = array<i32>} : memref<80x128xf32, #tpu.memory_space<vmem>>, vector<16xf32>,
        %get3A_628 = arith.index_cast %add3A_604 : i32 to index
        %get3A_629 = arith.constant 48 : index
        %get3A_630 = tpu.vector_load %arg33[%get3A_628, %get3A_629] {strides = array<i32>} : memref<80x128xf32, #tpu.memory_space<vmem>>, vector<16xf32>,
        %mul3A_631 = arith.mulf %get3A_630, %gather3A_606 : vector<16xf32>
        %swap3A_632 = arith.index_cast %add3A_604 : i32 to index
        %swap3A_633 = arith.constant 48 : index
        %swap3A_634 = tpu.vector_load %arg33[%swap3A_632, %swap3A_633] {strides = array<i32>} : memref<80x128xf32, #tpu.memory_space<vmem>>, vector<16xf32>,
        tpu.vector_store %arg33[%swap3A_632, %swap3A_633], %mul3A_631 {strides = array<i32>} : memref<80x128xf32, #tpu.memory_space<vmem>>, vector<16xf32>,
        %get3A_635 = arith.index_cast %add3A_604 : i32 to index
        %get3A_636 = arith.constant 64 : index
        %get3A_637 = tpu.vector_load %arg33[%get3A_635, %get3A_636] {strides = array<i32>} : memref<80x128xf32, #tpu.memory_space<vmem>>, vector<16xf32>,
        %mul3A_638 = arith.mulf %get3A_637, %gather3A_606 : vector<16xf32>
        %swap3A_639 = arith.index_cast %add3A_604 : i32 to index
        %swap3A_640 = arith.constant 64 : index
        %swap3A_641 = tpu.vector_load %arg33[%swap3A_639, %swap3A_640] {strides = array<i32>} : memref<80x128xf32, #tpu.memory_space<vmem>>, vector<16xf32>,
        tpu.vector_store %arg33[%swap3A_639, %swap3A_640], %mul3A_638 {strides = array<i32>} : memref<80x128xf32, #tpu.memory_space<vmem>>, vector<16xf32>,
        %get3A_642 = arith.index_cast %add3A_604 : i32 to index
        %get3A_643 = arith.constant 80 : index
        %get3A_644 = tpu.vector_load %arg33[%get3A_642, %get3A_643] {strides = array<i32>} : memref<80x128xf32, #tpu.memory_space<vmem>>, vector<16xf32>,
        %mul3A_645 = arith.mulf %get3A_644, %gather3A_606 : vector<16xf32>
        %swap3A_646 = arith.index_cast %add3A_604 : i32 to index
        %swap3A_647 = arith.constant 80 : index
        %swap3A_648 = tpu.vector_load %arg33[%swap3A_646, %swap3A_647] {strides = array<i32>} : memref<80x128xf32, #tpu.memory_space<vmem>>, vector<16xf32>,
        tpu.vector_store %arg33[%swap3A_646, %swap3A_647], %mul3A_645 {strides = array<i32>} : memref<80x128xf32, #tpu.memory_space<vmem>>, vector<16xf32>,
        %get3A_649 = arith.index_cast %add3A_604 : i32 to index
        %get3A_650 = arith.constant 96 : index
        %get3A_651 = tpu.vector_load %arg33[%get3A_649, %get3A_650] {strides = array<i32>} : memref<80x128xf32, #tpu.memory_space<vmem>>, vector<16xf32>,
        %mul3A_652 = arith.mulf %get3A_651, %gather3A_606 : vector<16xf32>
        %swap3A_653 = arith.index_cast %add3A_604 : i32 to index
        %swap3A_654 = arith.constant 96 : index
        %swap3A_655 = tpu.vector_load %arg33[%swap3A_653, %swap3A_654] {strides = array<i32>} : memref<80x128xf32, #tpu.memory_space<vmem>>, vector<16xf32>,
        tpu.vector_store %arg33[%swap3A_653, %swap3A_654], %mul3A_652 {strides = array<i32>} : memref<80x128xf32, #tpu.memory_space<vmem>>, vector<16xf32>,
        %get3A_656 = arith.index_cast %add3A_604 : i32 to index
        %get3A_657 = arith.constant 112 : index
        %get3A_658 = tpu.vector_load %arg33[%get3A_656, %get3A_657] {strides = array<i32>} : memref<80x128xf32, #tpu.memory_space<vmem>>, vector<16xf32>,
        %mul3A_659 = arith.mulf %get3A_658, %gather3A_606 : vector<16xf32>
        %swap3A_660 = arith.index_cast %add3A_604 : i32 to index
        %swap3A_661 = arith.constant 112 : index
        %swap3A_662 = tpu.vector_load %arg33[%swap3A_660, %swap3A_661] {strides = array<i32>} : memref<80x128xf32, #tpu.memory_space<vmem>>, vector<16xf32>,
        tpu.vector_store %arg33[%swap3A_660, %swap3A_661], %mul3A_659 {strides = array<i32>} : memref<80x128xf32, #tpu.memory_space<vmem>>, vector<16xf32>,
      }
      %scan3A_388 = arith.constant 20 : i32
      %get3A_389 = arith.constant 0 : index
      %get3A_390 = tpu.vector_load %arg30[%get3A_389] {strides = array<i32>} : memref<80xi32, #tpu.memory_space<vmem>>, vector<16xi32>,
      %swap3A_391 = arith.constant 0 : index
      %swap3A_392 = tpu.vector_load %arg34[%swap3A_391] {strides = array<i32>} : memref<80xi32, #tpu.memory_space<vmem>>, vector<16xi32>,
      tpu.vector_store %arg34[%swap3A_391], %get3A_390 {strides = array<i32>} : memref<80xi32, #tpu.memory_space<vmem>>, vector<16xi32>,
      %get3A_393 = arith.constant 16 : index
      %get3A_394 = tpu.vector_load %arg30[%get3A_393] {strides = array<i32>} : memref<80xi32, #tpu.memory_space<vmem>>, vector<16xi32>,
      %swap3A_395 = arith.constant 16 : index
      %swap3A_396 = tpu.vector_load %arg34[%swap3A_395] {strides = array<i32>} : memref<80xi32, #tpu.memory_space<vmem>>, vector<16xi32>,
      tpu.vector_store %arg34[%swap3A_395], %get3A_394 {strides = array<i32>} : memref<80xi32, #tpu.memory_space<vmem>>, vector<16xi32>,
      %get3A_397 = arith.constant 32 : index
      %get3A_398 = tpu.vector_load %arg30[%get3A_397] {strides = array<i32>} : memref<80xi32, #tpu.memory_space<vmem>>, vector<16xi32>,
      %swap3A_399 = arith.constant 32 : index
      %swap3A_400 = tpu.vector_load %arg34[%swap3A_399] {strides = array<i32>} : memref<80xi32, #tpu.memory_space<vmem>>, vector<16xi32>,
      tpu.vector_store %arg34[%swap3A_399], %get3A_398 {strides = array<i32>} : memref<80xi32, #tpu.memory_space<vmem>>, vector<16xi32>,
      %get3A_401 = arith.constant 48 : index
      %get3A_402 = tpu.vector_load %arg30[%get3A_401] {strides = array<i32>} : memref<80xi32, #tpu.memory_space<vmem>>, vector<16xi32>,
      %swap3A_403 = arith.constant 48 : index
      %swap3A_404 = tpu.vector_load %arg34[%swap3A_403] {strides = array<i32>} : memref<80xi32, #tpu.memory_space<vmem>>, vector<16xi32>,
      tpu.vector_store %arg34[%swap3A_403], %get3A_402 {strides = array<i32>} : memref<80xi32, #tpu.memory_space<vmem>>, vector<16xi32>,
      %get3A_405 = arith.constant 64 : index
      %get3A_406 = tpu.vector_load %arg30[%get3A_405] {strides = array<i32>} : memref<80xi32, #tpu.memory_space<vmem>>, vector<16xi32>,
      %swap3A_407 = arith.constant 64 : index
      %swap3A_408 = tpu.vector_load %arg34[%swap3A_407] {strides = array<i32>} : memref<80xi32, #tpu.memory_space<vmem>>, vector<16xi32>,
      tpu.vector_store %arg34[%swap3A_407], %get3A_406 {strides = array<i32>} : memref<80xi32, #tpu.memory_space<vmem>>, vector<16xi32>,
      %dma_start3A_409 = arith.constant 0 : i32
      %dma_start3A_410 = arith.constant 0 : i32
      %dma_start3A_411 = tpu.memref_slice %arg38[%dma_start3A_409, %dma_start3A_410] : memref<10240x128xf32, #tpu.memory_space<vmem_shared>> -> memref<10240x128xf32, #tpu.memory_space<vmem_shared>>
      tpu.enqueue_indirect_dma source(%arg33 : memref<80x128xf32, #tpu.memory_space<vmem>>) target(%dma_start3A_411 : memref<10240x128xf32, #tpu.memory_space<vmem_shared>>) offsets(%arg34 : memref<80xi32, #tpu.memory_space<vmem>>) semaphore(%arg37 : memref<!tpu.dma_semaphore, #tpu.memory_space<semaphore_mem>>) {add = true}
      %add3A_412 = arith.constant 3 : i32
      %add3A_413 = arith.addi %add3A_373, %add3A_412 : i32
      %lt3A_414 = arith.constant 125 : i32
      %lt3A_415 = arith.cmpi slt, %add3A_413, %lt3A_414 : i32
      %convert_element_type3A_416 = arith.extui %lt3A_415 : i1 to i32
      %cond3A_417 = arith.constant 0 : i32
      %cond3A_418 = arith.cmpi ne, %convert_element_type3A_416, %cond3A_417 : i32
      scf.if %cond3A_418 {
        %add3A_419 = arith.constant 3 : i32
        %add3A_420 = arith.addi %add3A_373, %add3A_419 : i32
        %add3A_421 = arith.addi %mul3A_2, %add3A_420 : i32
        %mul3A_422 = arith.constant 80 : i32
        %mul3A_423 = arith.muli %add3A_421, %mul3A_422 : i32
        %dma_start3A_424 = tpu.memref_slice %arg3[%mul3A_423] : memref<320000xi32, #tpu.memory_space<hbm>> -> memref<80xi32, #tpu.memory_space<hbm>>
        %dma_start3A_425 = tpu.memref_slice %arg3[%mul3A_423] : memref<320000xi32, #tpu.memory_space<hbm>> -> memref<80xi32, #tpu.memory_space<hbm>>
        tpu.enqueue_dma source(%dma_start3A_425 : memref<80xi32, #tpu.memory_space<hbm>>) target(%arg28 : memref<80xi32, #tpu.memory_space<vmem>>) target_semaphore(%arg35 : memref<!tpu.dma_semaphore, #tpu.memory_space<semaphore_mem>>)
        %dma_start3A_426 = tpu.memref_slice %arg4[%mul3A_423] : memref<320000xi32, #tpu.memory_space<hbm>> -> memref<80xi32, #tpu.memory_space<hbm>>
        %dma_start3A_427 = tpu.memref_slice %arg4[%mul3A_423] : memref<320000xi32, #tpu.memory_space<hbm>> -> memref<80xi32, #tpu.memory_space<hbm>>
        tpu.enqueue_dma source(%dma_start3A_427 : memref<80xi32, #tpu.memory_space<hbm>>) target(%arg29 : memref<80xi32, #tpu.memory_space<vmem>>) target_semaphore(%arg35 : memref<!tpu.dma_semaphore, #tpu.memory_space<semaphore_mem>>)
        %dma_start3A_428 = tpu.memref_slice %arg5[%mul3A_423] : memref<320000xi32, #tpu.memory_space<hbm>> -> memref<80xi32, #tpu.memory_space<hbm>>
        %dma_start3A_429 = tpu.memref_slice %arg5[%mul3A_423] : memref<320000xi32, #tpu.memory_space<hbm>> -> memref<80xi32, #tpu.memory_space<hbm>>
        tpu.enqueue_dma source(%dma_start3A_429 : memref<80xi32, #tpu.memory_space<hbm>>) target(%arg30 : memref<80xi32, #tpu.memory_space<vmem>>) target_semaphore(%arg35 : memref<!tpu.dma_semaphore, #tpu.memory_space<semaphore_mem>>)
        %dma_start3A_430 = tpu.memref_slice %arg6[%mul3A_423] : memref<320000xf32, #tpu.memory_space<hbm>> -> memref<80xf32, #tpu.memory_space<hbm>>
        %dma_start3A_431 = tpu.memref_slice %arg6[%mul3A_423] : memref<320000xf32, #tpu.memory_space<hbm>> -> memref<80xf32, #tpu.memory_space<hbm>>
        tpu.enqueue_dma source(%dma_start3A_431 : memref<80xf32, #tpu.memory_space<hbm>>) target(%arg32 : memref<80xf32, #tpu.memory_space<vmem>>) target_semaphore(%arg35 : memref<!tpu.dma_semaphore, #tpu.memory_space<semaphore_mem>>)
      } else {
      }
    }
    %scan3A_192 = arith.constant 41 : i32
    %dma_wait3A_193 = arith.constant 0 : i32
    %dma_wait3A_194 = arith.constant 0 : i32
    %dma_wait3A_195 = tpu.memref_slice %arg2[%dma_wait3A_193, %dma_wait3A_194] : memref<80000x128xf32, #tpu.memory_space<hbm>> -> memref<80000x128xf32, #tpu.memory_space<hbm>>
    tpu.wait_indirect_dma semaphore(%arg16 : memref<!tpu.dma_semaphore, #tpu.memory_space<semaphore_mem>>) src(%dma_wait3A_195 : memref<80000x128xf32, #tpu.memory_space<hbm>>) dst(%arg13 : memref<80x128xf32, #tpu.memory_space<vmem>>)
    %scan3A_196 = arith.constant 0 : i32
    %scan3A_197 = arith.constant 20 : i32
    %scan3A_198 = arith.addi %scan3A_196, %scan3A_197 : i32
    %scan3A_199 = arith.constant 1 : i32
    scf.for %scan3A_271 = %scan3A_196 to %scan3A_198 step %scan3A_199  : i32 {
      %mul3A_272 = arith.constant 4 : i32
      %mul3A_273 = arith.muli %scan3A_271, %mul3A_272 : i32
      %add3A_274 = arith.constant 0 : i32
      %add3A_275 = arith.addi %add3A_274, %mul3A_273 : i32
      %add3A_276 = arith.constant 0 : i32
      %add3A_277 = arith.addi %add3A_275, %add3A_276 : i32
      %broadcast_in_dim3A_278 = vector.broadcast %add3A_277 : i32 to vector<16xi32>
      %gather3A = tpu.vector_load_idx %arg12[%broadcast_in_dim3A_278] : memref<80xf32, #tpu.memory_space<vmem>>[vector<16xi32>], vector<16xf32>,
      %get3A_279 = arith.index_cast %add3A_277 : i32 to index
      %get3A_280 = arith.constant 0 : index
      %get3A_281 = tpu.vector_load %arg13[%get3A_279, %get3A_280] {strides = array<i32>} : memref<80x128xf32, #tpu.memory_space<vmem>>, vector<16xf32>,
      %mul3A_282 = arith.mulf %get3A_281, %gather3A : vector<16xf32>
      %swap3A_283 = arith.index_cast %add3A_277 : i32 to index
      %swap3A_284 = arith.constant 0 : index
      %swap3A_285 = tpu.vector_load %arg13[%swap3A_283, %swap3A_284] {strides = array<i32>} : memref<80x128xf32, #tpu.memory_space<vmem>>, vector<16xf32>,
      tpu.vector_store %arg13[%swap3A_283, %swap3A_284], %mul3A_282 {strides = array<i32>} : memref<80x128xf32, #tpu.memory_space<vmem>>, vector<16xf32>,
      %get3A_286 = arith.index_cast %add3A_277 : i32 to index
      %get3A_287 = arith.constant 16 : index
      %get3A_288 = tpu.vector_load %arg13[%get3A_286, %get3A_287] {strides = array<i32>} : memref<80x128xf32, #tpu.memory_space<vmem>>, vector<16xf32>,
      %mul3A_289 = arith.mulf %get3A_288, %gather3A : vector<16xf32>
      %swap3A_290 = arith.index_cast %add3A_277 : i32 to index
      %swap3A_291 = arith.constant 16 : index
      %swap3A_292 = tpu.vector_load %arg13[%swap3A_290, %swap3A_291] {strides = array<i32>} : memref<80x128xf32, #tpu.memory_space<vmem>>, vector<16xf32>,
      tpu.vector_store %arg13[%swap3A_290, %swap3A_291], %mul3A_289 {strides = array<i32>} : memref<80x128xf32, #tpu.memory_space<vmem>>, vector<16xf32>,
      %get3A_293 = arith.index_cast %add3A_277 : i32 to index
      %get3A_294 = arith.constant 32 : index
      %get3A_295 = tpu.vector_load %arg13[%get3A_293, %get3A_294] {strides = array<i32>} : memref<80x128xf32, #tpu.memory_space<vmem>>, vector<16xf32>,
      %mul3A_296 = arith.mulf %get3A_295, %gather3A : vector<16xf32>
      %swap3A_297 = arith.index_cast %add3A_277 : i32 to index
      %swap3A_298 = arith.constant 32 : index
      %swap3A_299 = tpu.vector_load %arg13[%swap3A_297, %swap3A_298] {strides = array<i32>} : memref<80x128xf32, #tpu.memory_space<vmem>>, vector<16xf32>,
      tpu.vector_store %arg13[%swap3A_297, %swap3A_298], %mul3A_296 {strides = array<i32>} : memref<80x128xf32, #tpu.memory_space<vmem>>, vector<16xf32>,
      %get3A_300 = arith.index_cast %add3A_277 : i32 to index
      %get3A_301 = arith.constant 48 : index
      %get3A_302 = tpu.vector_load %arg13[%get3A_300, %get3A_301] {strides = array<i32>} : memref<80x128xf32, #tpu.memory_space<vmem>>, vector<16xf32>,
      %mul3A_303 = arith.mulf %get3A_302, %gather3A : vector<16xf32>
      %swap3A_304 = arith.index_cast %add3A_277 : i32 to index
      %swap3A_305 = arith.constant 48 : index
      %swap3A_306 = tpu.vector_load %arg13[%swap3A_304, %swap3A_305] {strides = array<i32>} : memref<80x128xf32, #tpu.memory_space<vmem>>, vector<16xf32>,
      tpu.vector_store %arg13[%swap3A_304, %swap3A_305], %mul3A_303 {strides = array<i32>} : memref<80x128xf32, #tpu.memory_space<vmem>>, vector<16xf32>,
      %get3A_307 = arith.index_cast %add3A_277 : i32 to index
      %get3A_308 = arith.constant 64 : index
      %get3A_309 = tpu.vector_load %arg13[%get3A_307, %get3A_308] {strides = array<i32>} : memref<80x128xf32, #tpu.memory_space<vmem>>, vector<16xf32>,
      %mul3A_310 = arith.mulf %get3A_309, %gather3A : vector<16xf32>
      %swap3A_311 = arith.index_cast %add3A_277 : i32 to index
      %swap3A_312 = arith.constant 64 : index
      %swap3A_313 = tpu.vector_load %arg13[%swap3A_311, %swap3A_312] {strides = array<i32>} : memref<80x128xf32, #tpu.memory_space<vmem>>, vector<16xf32>,
      tpu.vector_store %arg13[%swap3A_311, %swap3A_312], %mul3A_310 {strides = array<i32>} : memref<80x128xf32, #tpu.memory_space<vmem>>, vector<16xf32>,
      %get3A_314 = arith.index_cast %add3A_277 : i32 to index
      %get3A_315 = arith.constant 80 : index
      %get3A_316 = tpu.vector_load %arg13[%get3A_314, %get3A_315] {strides = array<i32>} : memref<80x128xf32, #tpu.memory_space<vmem>>, vector<16xf32>,
      %mul3A_317 = arith.mulf %get3A_316, %gather3A : vector<16xf32>
      %swap3A_318 = arith.index_cast %add3A_277 : i32 to index
      %swap3A_319 = arith.constant 80 : index
      %swap3A_320 = tpu.vector_load %arg13[%swap3A_318, %swap3A_319] {strides = array<i32>} : memref<80x128xf32, #tpu.memory_space<vmem>>, vector<16xf32>,
      tpu.vector_store %arg13[%swap3A_318, %swap3A_319], %mul3A_317 {strides = array<i32>} : memref<80x128xf32, #tpu.memory_space<vmem>>, vector<16xf32>,
      %get3A_321 = arith.index_cast %add3A_277 : i32 to index
      %get3A_322 = arith.constant 96 : index
      %get3A_323 = tpu.vector_load %arg13[%get3A_321, %get3A_322] {strides = array<i32>} : memref<80x128xf32, #tpu.memory_space<vmem>>, vector<16xf32>,
      %mul3A_324 = arith.mulf %get3A_323, %gather3A : vector<16xf32>
      %swap3A_325 = arith.index_cast %add3A_277 : i32 to index
      %swap3A_326 = arith.constant 96 : index
      %swap3A_327 = tpu.vector_load %arg13[%swap3A_325, %swap3A_326] {strides = array<i32>} : memref<80x128xf32, #tpu.memory_space<vmem>>, vector<16xf32>,
      tpu.vector_store %arg13[%swap3A_325, %swap3A_326], %mul3A_324 {strides = array<i32>} : memref<80x128xf32, #tpu.memory_space<vmem>>, vector<16xf32>,
      %get3A_328 = arith.index_cast %add3A_277 : i32 to index
      %get3A_329 = arith.constant 112 : index
      %get3A_330 = tpu.vector_load %arg13[%get3A_328, %get3A_329] {strides = array<i32>} : memref<80x128xf32, #tpu.memory_space<vmem>>, vector<16xf32>,
      %mul3A_331 = arith.mulf %get3A_330, %gather3A : vector<16xf32>
      %swap3A_332 = arith.index_cast %add3A_277 : i32 to index
      %swap3A_333 = arith.constant 112 : index
      %swap3A_334 = tpu.vector_load %arg13[%swap3A_332, %swap3A_333] {strides = array<i32>} : memref<80x128xf32, #tpu.memory_space<vmem>>, vector<16xf32>,
      tpu.vector_store %arg13[%swap3A_332, %swap3A_333], %mul3A_331 {strides = array<i32>} : memref<80x128xf32, #tpu.memory_space<vmem>>, vector<16xf32>,
      %add3A_335 = arith.constant 1 : i32
      %add3A_336 = arith.addi %add3A_275, %add3A_335 : i32
      %broadcast_in_dim3A_337 = vector.broadcast %add3A_336 : i32 to vector<16xi32>
      %gather3A_338 = tpu.vector_load_idx %arg12[%broadcast_in_dim3A_337] : memref<80xf32, #tpu.memory_space<vmem>>[vector<16xi32>], vector<16xf32>,
      %get3A_339 = arith.index_cast %add3A_336 : i32 to index
      %get3A_340 = arith.constant 0 : index
      %get3A_341 = tpu.vector_load %arg13[%get3A_339, %get3A_340] {strides = array<i32>} : memref<80x128xf32, #tpu.memory_space<vmem>>, vector<16xf32>,
      %mul3A_342 = arith.mulf %get3A_341, %gather3A_338 : vector<16xf32>
      %swap3A_343 = arith.index_cast %add3A_336 : i32 to index
      %swap3A_344 = arith.constant 0 : index
      %swap3A_345 = tpu.vector_load %arg13[%swap3A_343, %swap3A_344] {strides = array<i32>} : memref<80x128xf32, #tpu.memory_space<vmem>>, vector<16xf32>,
      tpu.vector_store %arg13[%swap3A_343, %swap3A_344], %mul3A_342 {strides = array<i32>} : memref<80x128xf32, #tpu.memory_space<vmem>>, vector<16xf32>,
      %get3A_346 = arith.index_cast %add3A_336 : i32 to index
      %get3A_347 = arith.constant 16 : index
      %get3A_348 = tpu.vector_load %arg13[%get3A_346, %get3A_347] {strides = array<i32>} : memref<80x128xf32, #tpu.memory_space<vmem>>, vector<16xf32>,
      %mul3A_349 = arith.mulf %get3A_348, %gather3A_338 : vector<16xf32>
      %swap3A_350 = arith.index_cast %add3A_336 : i32 to index
      %swap3A_351 = arith.constant 16 : index
      %swap3A_352 = tpu.vector_load %arg13[%swap3A_350, %swap3A_351] {strides = array<i32>} : memref<80x128xf32, #tpu.memory_space<vmem>>, vector<16xf32>,
      tpu.vector_store %arg13[%swap3A_350, %swap3A_351], %mul3A_349 {strides = array<i32>} : memref<80x128xf32, #tpu.memory_space<vmem>>, vector<16xf32>,
      %get3A_353 = arith.index_cast %add3A_336 : i32 to index
      %get3A_354 = arith.constant 32 : index
      %get3A_355 = tpu.vector_load %arg13[%get3A_353, %get3A_354] {strides = array<i32>} : memref<80x128xf32, #tpu.memory_space<vmem>>, vector<16xf32>,
      %mul3A_356 = arith.mulf %get3A_355, %gather3A_338 : vector<16xf32>
      %swap3A_357 = arith.index_cast %add3A_336 : i32 to index
      %swap3A_358 = arith.constant 32 : index
      %swap3A_359 = tpu.vector_load %arg13[%swap3A_357, %swap3A_358] {strides = array<i32>} : memref<80x128xf32, #tpu.memory_space<vmem>>, vector<16xf32>,
      tpu.vector_store %arg13[%swap3A_357, %swap3A_358], %mul3A_356 {strides = array<i32>} : memref<80x128xf32, #tpu.memory_space<vmem>>, vector<16xf32>,
      %get3A_360 = arith.index_cast %add3A_336 : i32 to index
      %get3A_361 = arith.constant 48 : index
      %get3A_362 = tpu.vector_load %arg13[%get3A_360, %get3A_361] {strides = array<i32>} : memref<80x128xf32, #tpu.memory_space<vmem>>, vector<16xf32>,
      %mul3A_363 = arith.mulf %get3A_362, %gather3A_338 : vector<16xf32>
      %swap3A_364 = arith.index_cast %add3A_336 : i32 to index
      %swap3A_365 = arith.constant 48 : index
      %swap3A_366 = tpu.vector_load %arg13[%swap3A_364, %swap3A_365] {strides = array<i32>} : memref<80x128xf32, #tpu.memory_space<vmem>>, vector<16xf32>,
      tpu.vector_store %arg13[%swap3A_364, %swap3A_365], %mul3A_363 {strides = array<i32>} : memref<80x128xf32, #tpu.memory_space<vmem>>, vector<16xf32>,
      %get3A_367 = arith.index_cast %add3A_336 : i32 to index
      %get3A_368 = arith.constant 64 : index
      %get3A_369 = tpu.vector_load %arg13[%get3A_367, %get3A_368] {strides = array<i32>} : memref<80x128xf32, #tpu.memory_space<vmem>>, vector<16xf32>,
      %mul3A_370 = arith.mulf %get3A_369, %gather3A_338 : vector<16xf32>
      %swap3A_371 = arith.index_cast %add3A_336 : i32 to index
      %swap3A_372 = arith.constant 64 : index
      %swap3A_373 = tpu.vector_load %arg13[%swap3A_371, %swap3A_372] {strides = array<i32>} : memref<80x128xf32, #tpu.memory_space<vmem>>, vector<16xf32>,
      tpu.vector_store %arg13[%swap3A_371, %swap3A_372], %mul3A_370 {strides = array<i32>} : memref<80x128xf32, #tpu.memory_space<vmem>>, vector<16xf32>,
      %get3A_374 = arith.index_cast %add3A_336 : i32 to index
      %get3A_375 = arith.constant 80 : index
      %get3A_376 = tpu.vector_load %arg13[%get3A_374, %get3A_375] {strides = array<i32>} : memref<80x128xf32, #tpu.memory_space<vmem>>, vector<16xf32>,
      %mul3A_377 = arith.mulf %get3A_376, %gather3A_338 : vector<16xf32>
      %swap3A_378 = arith.index_cast %add3A_336 : i32 to index
      %swap3A_379 = arith.constant 80 : index
      %swap3A_380 = tpu.vector_load %arg13[%swap3A_378, %swap3A_379] {strides = array<i32>} : memref<80x128xf32, #tpu.memory_space<vmem>>, vector<16xf32>,
      tpu.vector_store %arg13[%swap3A_378, %swap3A_379], %mul3A_377 {strides = array<i32>} : memref<80x128xf32, #tpu.memory_space<vmem>>, vector<16xf32>,
      %get3A_381 = arith.index_cast %add3A_336 : i32 to index
      %get3A_382 = arith.constant 96 : index
      %get3A_383 = tpu.vector_load %arg13[%get3A_381, %get3A_382] {strides = array<i32>} : memref<80x128xf32, #tpu.memory_space<vmem>>, vector<16xf32>,
      %mul3A_384 = arith.mulf %get3A_383, %gather3A_338 : vector<16xf32>
      %swap3A_385 = arith.index_cast %add3A_336 : i32 to index
      %swap3A_386 = arith.constant 96 : index
      %swap3A_387 = tpu.vector_load %arg13[%swap3A_385, %swap3A_386] {strides = array<i32>} : memref<80x128xf32, #tpu.memory_space<vmem>>, vector<16xf32>,
      tpu.vector_store %arg13[%swap3A_385, %swap3A_386], %mul3A_384 {strides = array<i32>} : memref<80x128xf32, #tpu.memory_space<vmem>>, vector<16xf32>,
      %get3A_388 = arith.index_cast %add3A_336 : i32 to index
      %get3A_389 = arith.constant 112 : index
      %get3A_390 = tpu.vector_load %arg13[%get3A_388, %get3A_389] {strides = array<i32>} : memref<80x128xf32, #tpu.memory_space<vmem>>, vector<16xf32>,
      %mul3A_391 = arith.mulf %get3A_390, %gather3A_338 : vector<16xf32>
      %swap3A_392 = arith.index_cast %add3A_336 : i32 to index
      %swap3A_393 = arith.constant 112 : index
      %swap3A_394 = tpu.vector_load %arg13[%swap3A_392, %swap3A_393] {strides = array<i32>} : memref<80x128xf32, #tpu.memory_space<vmem>>, vector<16xf32>,
      tpu.vector_store %arg13[%swap3A_392, %swap3A_393], %mul3A_391 {strides = array<i32>} : memref<80x128xf32, #tpu.memory_space<vmem>>, vector<16xf32>,
      %add3A_395 = arith.constant 2 : i32
      %add3A_396 = arith.addi %add3A_275, %add3A_395 : i32
      %broadcast_in_dim3A_397 = vector.broadcast %add3A_396 : i32 to vector<16xi32>
      %gather3A_398 = tpu.vector_load_idx %arg12[%broadcast_in_dim3A_397] : memref<80xf32, #tpu.memory_space<vmem>>[vector<16xi32>], vector<16xf32>,
      %get3A_399 = arith.index_cast %add3A_396 : i32 to index
      %get3A_400 = arith.constant 0 : index
      %get3A_401 = tpu.vector_load %arg13[%get3A_399, %get3A_400] {strides = array<i32>} : memref<80x128xf32, #tpu.memory_space<vmem>>, vector<16xf32>,
      %mul3A_402 = arith.mulf %get3A_401, %gather3A_398 : vector<16xf32>
      %swap3A_403 = arith.index_cast %add3A_396 : i32 to index
      %swap3A_404 = arith.constant 0 : index
      %swap3A_405 = tpu.vector_load %arg13[%swap3A_403, %swap3A_404] {strides = array<i32>} : memref<80x128xf32, #tpu.memory_space<vmem>>, vector<16xf32>,
      tpu.vector_store %arg13[%swap3A_403, %swap3A_404], %mul3A_402 {strides = array<i32>} : memref<80x128xf32, #tpu.memory_space<vmem>>, vector<16xf32>,
      %get3A_406 = arith.index_cast %add3A_396 : i32 to index
      %get3A_407 = arith.constant 16 : index
      %get3A_408 = tpu.vector_load %arg13[%get3A_406, %get3A_407] {strides = array<i32>} : memref<80x128xf32, #tpu.memory_space<vmem>>, vector<16xf32>,
      %mul3A_409 = arith.mulf %get3A_408, %gather3A_398 : vector<16xf32>
      %swap3A_410 = arith.index_cast %add3A_396 : i32 to index
      %swap3A_411 = arith.constant 16 : index
      %swap3A_412 = tpu.vector_load %arg13[%swap3A_410, %swap3A_411] {strides = array<i32>} : memref<80x128xf32, #tpu.memory_space<vmem>>, vector<16xf32>,
      tpu.vector_store %arg13[%swap3A_410, %swap3A_411], %mul3A_409 {strides = array<i32>} : memref<80x128xf32, #tpu.memory_space<vmem>>, vector<16xf32>,
      %get3A_413 = arith.index_cast %add3A_396 : i32 to index
      %get3A_414 = arith.constant 32 : index
      %get3A_415 = tpu.vector_load %arg13[%get3A_413, %get3A_414] {strides = array<i32>} : memref<80x128xf32, #tpu.memory_space<vmem>>, vector<16xf32>,
      %mul3A_416 = arith.mulf %get3A_415, %gather3A_398 : vector<16xf32>
      %swap3A_417 = arith.index_cast %add3A_396 : i32 to index
      %swap3A_418 = arith.constant 32 : index
      %swap3A_419 = tpu.vector_load %arg13[%swap3A_417, %swap3A_418] {strides = array<i32>} : memref<80x128xf32, #tpu.memory_space<vmem>>, vector<16xf32>,
      tpu.vector_store %arg13[%swap3A_417, %swap3A_418], %mul3A_416 {strides = array<i32>} : memref<80x128xf32, #tpu.memory_space<vmem>>, vector<16xf32>,
      %get3A_420 = arith.index_cast %add3A_396 : i32 to index
      %get3A_421 = arith.constant 48 : index
      %get3A_422 = tpu.vector_load %arg13[%get3A_420, %get3A_421] {strides = array<i32>} : memref<80x128xf32, #tpu.memory_space<vmem>>, vector<16xf32>,
      %mul3A_423 = arith.mulf %get3A_422, %gather3A_398 : vector<16xf32>
      %swap3A_424 = arith.index_cast %add3A_396 : i32 to index
      %swap3A_425 = arith.constant 48 : index
      %swap3A_426 = tpu.vector_load %arg13[%swap3A_424, %swap3A_425] {strides = array<i32>} : memref<80x128xf32, #tpu.memory_space<vmem>>, vector<16xf32>,
      tpu.vector_store %arg13[%swap3A_424, %swap3A_425], %mul3A_423 {strides = array<i32>} : memref<80x128xf32, #tpu.memory_space<vmem>>, vector<16xf32>,
      %get3A_427 = arith.index_cast %add3A_396 : i32 to index
      %get3A_428 = arith.constant 64 : index
      %get3A_429 = tpu.vector_load %arg13[%get3A_427, %get3A_428] {strides = array<i32>} : memref<80x128xf32, #tpu.memory_space<vmem>>, vector<16xf32>,
      %mul3A_430 = arith.mulf %get3A_429, %gather3A_398 : vector<16xf32>
      %swap3A_431 = arith.index_cast %add3A_396 : i32 to index
      %swap3A_432 = arith.constant 64 : index
      %swap3A_433 = tpu.vector_load %arg13[%swap3A_431, %swap3A_432] {strides = array<i32>} : memref<80x128xf32, #tpu.memory_space<vmem>>, vector<16xf32>,
      tpu.vector_store %arg13[%swap3A_431, %swap3A_432], %mul3A_430 {strides = array<i32>} : memref<80x128xf32, #tpu.memory_space<vmem>>, vector<16xf32>,
      %get3A_434 = arith.index_cast %add3A_396 : i32 to index
      %get3A_435 = arith.constant 80 : index
      %get3A_436 = tpu.vector_load %arg13[%get3A_434, %get3A_435] {strides = array<i32>} : memref<80x128xf32, #tpu.memory_space<vmem>>, vector<16xf32>,
      %mul3A_437 = arith.mulf %get3A_436, %gather3A_398 : vector<16xf32>
      %swap3A_438 = arith.index_cast %add3A_396 : i32 to index
      %swap3A_439 = arith.constant 80 : index
      %swap3A_440 = tpu.vector_load %arg13[%swap3A_438, %swap3A_439] {strides = array<i32>} : memref<80x128xf32, #tpu.memory_space<vmem>>, vector<16xf32>,
      tpu.vector_store %arg13[%swap3A_438, %swap3A_439], %mul3A_437 {strides = array<i32>} : memref<80x128xf32, #tpu.memory_space<vmem>>, vector<16xf32>,
      %get3A_441 = arith.index_cast %add3A_396 : i32 to index
      %get3A_442 = arith.constant 96 : index
      %get3A_443 = tpu.vector_load %arg13[%get3A_441, %get3A_442] {strides = array<i32>} : memref<80x128xf32, #tpu.memory_space<vmem>>, vector<16xf32>,
      %mul3A_444 = arith.mulf %get3A_443, %gather3A_398 : vector<16xf32>
      %swap3A_445 = arith.index_cast %add3A_396 : i32 to index
      %swap3A_446 = arith.constant 96 : index
      %swap3A_447 = tpu.vector_load %arg13[%swap3A_445, %swap3A_446] {strides = array<i32>} : memref<80x128xf32, #tpu.memory_space<vmem>>, vector<16xf32>,
      tpu.vector_store %arg13[%swap3A_445, %swap3A_446], %mul3A_444 {strides = array<i32>} : memref<80x128xf32, #tpu.memory_space<vmem>>, vector<16xf32>,
      %get3A_448 = arith.index_cast %add3A_396 : i32 to index
      %get3A_449 = arith.constant 112 : index
      %get3A_450 = tpu.vector_load %arg13[%get3A_448, %get3A_449] {strides = array<i32>} : memref<80x128xf32, #tpu.memory_space<vmem>>, vector<16xf32>,
      %mul3A_451 = arith.mulf %get3A_450, %gather3A_398 : vector<16xf32>
      %swap3A_452 = arith.index_cast %add3A_396 : i32 to index
      %swap3A_453 = arith.constant 112 : index
      %swap3A_454 = tpu.vector_load %arg13[%swap3A_452, %swap3A_453] {strides = array<i32>} : memref<80x128xf32, #tpu.memory_space<vmem>>, vector<16xf32>,
      tpu.vector_store %arg13[%swap3A_452, %swap3A_453], %mul3A_451 {strides = array<i32>} : memref<80x128xf32, #tpu.memory_space<vmem>>, vector<16xf32>,
      %add3A_455 = arith.constant 3 : i32
      %add3A_456 = arith.addi %add3A_275, %add3A_455 : i32
      %broadcast_in_dim3A_457 = vector.broadcast %add3A_456 : i32 to vector<16xi32>
      %gather3A_458 = tpu.vector_load_idx %arg12[%broadcast_in_dim3A_457] : memref<80xf32, #tpu.memory_space<vmem>>[vector<16xi32>], vector<16xf32>,
      %get3A_459 = arith.index_cast %add3A_456 : i32 to index
      %get3A_460 = arith.constant 0 : index
      %get3A_461 = tpu.vector_load %arg13[%get3A_459, %get3A_460] {strides = array<i32>} : memref<80x128xf32, #tpu.memory_space<vmem>>, vector<16xf32>,
      %mul3A_462 = arith.mulf %get3A_461, %gather3A_458 : vector<16xf32>
      %swap3A_463 = arith.index_cast %add3A_456 : i32 to index
      %swap3A_464 = arith.constant 0 : index
      %swap3A_465 = tpu.vector_load %arg13[%swap3A_463, %swap3A_464] {strides = array<i32>} : memref<80x128xf32, #tpu.memory_space<vmem>>, vector<16xf32>,
      tpu.vector_store %arg13[%swap3A_463, %swap3A_464], %mul3A_462 {strides = array<i32>} : memref<80x128xf32, #tpu.memory_space<vmem>>, vector<16xf32>,
      %get3A_466 = arith.index_cast %add3A_456 : i32 to index
      %get3A_467 = arith.constant 16 : index
      %get3A_468 = tpu.vector_load %arg13[%get3A_466, %get3A_467] {strides = array<i32>} : memref<80x128xf32, #tpu.memory_space<vmem>>, vector<16xf32>,
      %mul3A_469 = arith.mulf %get3A_468, %gather3A_458 : vector<16xf32>
      %swap3A_470 = arith.index_cast %add3A_456 : i32 to index
      %swap3A_471 = arith.constant 16 : index
      %swap3A_472 = tpu.vector_load %arg13[%swap3A_470, %swap3A_471] {strides = array<i32>} : memref<80x128xf32, #tpu.memory_space<vmem>>, vector<16xf32>,
      tpu.vector_store %arg13[%swap3A_470, %swap3A_471], %mul3A_469 {strides = array<i32>} : memref<80x128xf32, #tpu.memory_space<vmem>>, vector<16xf32>,
      %get3A_473 = arith.index_cast %add3A_456 : i32 to index
      %get3A_474 = arith.constant 32 : index
      %get3A_475 = tpu.vector_load %arg13[%get3A_473, %get3A_474] {strides = array<i32>} : memref<80x128xf32, #tpu.memory_space<vmem>>, vector<16xf32>,
      %mul3A_476 = arith.mulf %get3A_475, %gather3A_458 : vector<16xf32>
      %swap3A_477 = arith.index_cast %add3A_456 : i32 to index
      %swap3A_478 = arith.constant 32 : index
      %swap3A_479 = tpu.vector_load %arg13[%swap3A_477, %swap3A_478] {strides = array<i32>} : memref<80x128xf32, #tpu.memory_space<vmem>>, vector<16xf32>,
      tpu.vector_store %arg13[%swap3A_477, %swap3A_478], %mul3A_476 {strides = array<i32>} : memref<80x128xf32, #tpu.memory_space<vmem>>, vector<16xf32>,
      %get3A_480 = arith.index_cast %add3A_456 : i32 to index
      %get3A_481 = arith.constant 48 : index
      %get3A_482 = tpu.vector_load %arg13[%get3A_480, %get3A_481] {strides = array<i32>} : memref<80x128xf32, #tpu.memory_space<vmem>>, vector<16xf32>,
      %mul3A_483 = arith.mulf %get3A_482, %gather3A_458 : vector<16xf32>
      %swap3A_484 = arith.index_cast %add3A_456 : i32 to index
      %swap3A_485 = arith.constant 48 : index
      %swap3A_486 = tpu.vector_load %arg13[%swap3A_484, %swap3A_485] {strides = array<i32>} : memref<80x128xf32, #tpu.memory_space<vmem>>, vector<16xf32>,
      tpu.vector_store %arg13[%swap3A_484, %swap3A_485], %mul3A_483 {strides = array<i32>} : memref<80x128xf32, #tpu.memory_space<vmem>>, vector<16xf32>,
      %get3A_487 = arith.index_cast %add3A_456 : i32 to index
      %get3A_488 = arith.constant 64 : index
      %get3A_489 = tpu.vector_load %arg13[%get3A_487, %get3A_488] {strides = array<i32>} : memref<80x128xf32, #tpu.memory_space<vmem>>, vector<16xf32>,
      %mul3A_490 = arith.mulf %get3A_489, %gather3A_458 : vector<16xf32>
      %swap3A_491 = arith.index_cast %add3A_456 : i32 to index
      %swap3A_492 = arith.constant 64 : index
      %swap3A_493 = tpu.vector_load %arg13[%swap3A_491, %swap3A_492] {strides = array<i32>} : memref<80x128xf32, #tpu.memory_space<vmem>>, vector<16xf32>,
      tpu.vector_store %arg13[%swap3A_491, %swap3A_492], %mul3A_490 {strides = array<i32>} : memref<80x128xf32, #tpu.memory_space<vmem>>, vector<16xf32>,
      %get3A_494 = arith.index_cast %add3A_456 : i32 to index
      %get3A_495 = arith.constant 80 : index
      %get3A_496 = tpu.vector_load %arg13[%get3A_494, %get3A_495] {strides = array<i32>} : memref<80x128xf32, #tpu.memory_space<vmem>>, vector<16xf32>,
      %mul3A_497 = arith.mulf %get3A_496, %gather3A_458 : vector<16xf32>
      %swap3A_498 = arith.index_cast %add3A_456 : i32 to index
      %swap3A_499 = arith.constant 80 : index
      %swap3A_500 = tpu.vector_load %arg13[%swap3A_498, %swap3A_499] {strides = array<i32>} : memref<80x128xf32, #tpu.memory_space<vmem>>, vector<16xf32>,
      tpu.vector_store %arg13[%swap3A_498, %swap3A_499], %mul3A_497 {strides = array<i32>} : memref<80x128xf32, #tpu.memory_space<vmem>>, vector<16xf32>,
      %get3A_501 = arith.index_cast %add3A_456 : i32 to index
      %get3A_502 = arith.constant 96 : index
      %get3A_503 = tpu.vector_load %arg13[%get3A_501, %get3A_502] {strides = array<i32>} : memref<80x128xf32, #tpu.memory_space<vmem>>, vector<16xf32>,
      %mul3A_504 = arith.mulf %get3A_503, %gather3A_458 : vector<16xf32>
      %swap3A_505 = arith.index_cast %add3A_456 : i32 to index
      %swap3A_506 = arith.constant 96 : index
      %swap3A_507 = tpu.vector_load %arg13[%swap3A_505, %swap3A_506] {strides = array<i32>} : memref<80x128xf32, #tpu.memory_space<vmem>>, vector<16xf32>,
      tpu.vector_store %arg13[%swap3A_505, %swap3A_506], %mul3A_504 {strides = array<i32>} : memref<80x128xf32, #tpu.memory_space<vmem>>, vector<16xf32>,
      %get3A_508 = arith.index_cast %add3A_456 : i32 to index
      %get3A_509 = arith.constant 112 : index
      %get3A_510 = tpu.vector_load %arg13[%get3A_508, %get3A_509] {strides = array<i32>} : memref<80x128xf32, #tpu.memory_space<vmem>>, vector<16xf32>,
      %mul3A_511 = arith.mulf %get3A_510, %gather3A_458 : vector<16xf32>
      %swap3A_512 = arith.index_cast %add3A_456 : i32 to index
      %swap3A_513 = arith.constant 112 : index
      %swap3A_514 = tpu.vector_load %arg13[%swap3A_512, %swap3A_513] {strides = array<i32>} : memref<80x128xf32, #tpu.memory_space<vmem>>, vector<16xf32>,
      tpu.vector_store %arg13[%swap3A_512, %swap3A_513], %mul3A_511 {strides = array<i32>} : memref<80x128xf32, #tpu.memory_space<vmem>>, vector<16xf32>,
    }
    %scan3A_200 = arith.constant 20 : i32
    %get3A_201 = arith.constant 0 : index
    %get3A_202 = tpu.vector_load %arg10[%get3A_201] {strides = array<i32>} : memref<80xi32, #tpu.memory_space<vmem>>, vector<16xi32>,
    %swap3A_203 = arith.constant 0 : index
    %swap3A_204 = tpu.vector_load %arg14[%swap3A_203] {strides = array<i32>} : memref<80xi32, #tpu.memory_space<vmem>>, vector<16xi32>,
    tpu.vector_store %arg14[%swap3A_203], %get3A_202 {strides = array<i32>} : memref<80xi32, #tpu.memory_space<vmem>>, vector<16xi32>,
    %get3A_205 = arith.constant 16 : index
    %get3A_206 = tpu.vector_load %arg10[%get3A_205] {strides = array<i32>} : memref<80xi32, #tpu.memory_space<vmem>>, vector<16xi32>,
    %swap3A_207 = arith.constant 16 : index
    %swap3A_208 = tpu.vector_load %arg14[%swap3A_207] {strides = array<i32>} : memref<80xi32, #tpu.memory_space<vmem>>, vector<16xi32>,
    tpu.vector_store %arg14[%swap3A_207], %get3A_206 {strides = array<i32>} : memref<80xi32, #tpu.memory_space<vmem>>, vector<16xi32>,
    %get3A_209 = arith.constant 32 : index
    %get3A_210 = tpu.vector_load %arg10[%get3A_209] {strides = array<i32>} : memref<80xi32, #tpu.memory_space<vmem>>, vector<16xi32>,
    %swap3A_211 = arith.constant 32 : index
    %swap3A_212 = tpu.vector_load %arg14[%swap3A_211] {strides = array<i32>} : memref<80xi32, #tpu.memory_space<vmem>>, vector<16xi32>,
    tpu.vector_store %arg14[%swap3A_211], %get3A_210 {strides = array<i32>} : memref<80xi32, #tpu.memory_space<vmem>>, vector<16xi32>,
    %get3A_213 = arith.constant 48 : index
    %get3A_214 = tpu.vector_load %arg10[%get3A_213] {strides = array<i32>} : memref<80xi32, #tpu.memory_space<vmem>>, vector<16xi32>,
    %swap3A_215 = arith.constant 48 : index
    %swap3A_216 = tpu.vector_load %arg14[%swap3A_215] {strides = array<i32>} : memref<80xi32, #tpu.memory_space<vmem>>, vector<16xi32>,
    tpu.vector_store %arg14[%swap3A_215], %get3A_214 {strides = array<i32>} : memref<80xi32, #tpu.memory_space<vmem>>, vector<16xi32>,
    %get3A_217 = arith.constant 64 : index
    %get3A_218 = tpu.vector_load %arg10[%get3A_217] {strides = array<i32>} : memref<80xi32, #tpu.memory_space<vmem>>, vector<16xi32>,
    %swap3A_219 = arith.constant 64 : index
    %swap3A_220 = tpu.vector_load %arg14[%swap3A_219] {strides = array<i32>} : memref<80xi32, #tpu.memory_space<vmem>>, vector<16xi32>,
    tpu.vector_store %arg14[%swap3A_219], %get3A_218 {strides = array<i32>} : memref<80xi32, #tpu.memory_space<vmem>>, vector<16xi32>,
    %dma_start3A_221 = arith.constant 0 : i32
    %dma_start3A_222 = arith.constant 0 : i32
    %dma_start3A_223 = tpu.memref_slice %arg38[%dma_start3A_221, %dma_start3A_222] : memref<10240x128xf32, #tpu.memory_space<vmem_shared>> -> memref<10240x128xf32, #tpu.memory_space<vmem_shared>>
    tpu.enqueue_indirect_dma source(%arg13 : memref<80x128xf32, #tpu.memory_space<vmem>>) target(%dma_start3A_223 : memref<10240x128xf32, #tpu.memory_space<vmem_shared>>) offsets(%arg14 : memref<80xi32, #tpu.memory_space<vmem>>) semaphore(%arg17 : memref<!tpu.dma_semaphore, #tpu.memory_space<semaphore_mem>>) {add = true}
    %dma_wait3A_224 = arith.constant 0 : i32
    %dma_wait3A_225 = arith.constant 0 : i32
    %dma_wait3A_226 = tpu.memref_slice %arg2[%dma_wait3A_224, %dma_wait3A_225] : memref<80000x128xf32, #tpu.memory_space<hbm>> -> memref<80000x128xf32, #tpu.memory_space<hbm>>
    tpu.wait_indirect_dma semaphore(%arg26 : memref<!tpu.dma_semaphore, #tpu.memory_space<semaphore_mem>>) src(%dma_wait3A_226 : memref<80000x128xf32, #tpu.memory_space<hbm>>) dst(%arg23 : memref<80x128xf32, #tpu.memory_space<vmem>>)
    %scan3A_227 = arith.constant 0 : i32
    %scan3A_228 = arith.constant 20 : i32
    %scan3A_229 = arith.addi %scan3A_227, %scan3A_228 : i32
    %scan3A_230 = arith.constant 1 : i32
    scf.for %scan3A_271 = %scan3A_227 to %scan3A_229 step %scan3A_230  : i32 {
      %mul3A_272 = arith.constant 4 : i32
      %mul3A_273 = arith.muli %scan3A_271, %mul3A_272 : i32
      %add3A_274 = arith.constant 0 : i32
      %add3A_275 = arith.addi %add3A_274, %mul3A_273 : i32
      %add3A_276 = arith.constant 0 : i32
      %add3A_277 = arith.addi %add3A_275, %add3A_276 : i32
      %broadcast_in_dim3A_278 = vector.broadcast %add3A_277 : i32 to vector<16xi32>
      %gather3A = tpu.vector_load_idx %arg22[%broadcast_in_dim3A_278] : memref<80xf32, #tpu.memory_space<vmem>>[vector<16xi32>], vector<16xf32>,
      %get3A_279 = arith.index_cast %add3A_277 : i32 to index
      %get3A_280 = arith.constant 0 : index
      %get3A_281 = tpu.vector_load %arg23[%get3A_279, %get3A_280] {strides = array<i32>} : memref<80x128xf32, #tpu.memory_space<vmem>>, vector<16xf32>,
      %mul3A_282 = arith.mulf %get3A_281, %gather3A : vector<16xf32>
      %swap3A_283 = arith.index_cast %add3A_277 : i32 to index
      %swap3A_284 = arith.constant 0 : index
      %swap3A_285 = tpu.vector_load %arg23[%swap3A_283, %swap3A_284] {strides = array<i32>} : memref<80x128xf32, #tpu.memory_space<vmem>>, vector<16xf32>,
      tpu.vector_store %arg23[%swap3A_283, %swap3A_284], %mul3A_282 {strides = array<i32>} : memref<80x128xf32, #tpu.memory_space<vmem>>, vector<16xf32>,
      %get3A_286 = arith.index_cast %add3A_277 : i32 to index
      %get3A_287 = arith.constant 16 : index
      %get3A_288 = tpu.vector_load %arg23[%get3A_286, %get3A_287] {strides = array<i32>} : memref<80x128xf32, #tpu.memory_space<vmem>>, vector<16xf32>,
      %mul3A_289 = arith.mulf %get3A_288, %gather3A : vector<16xf32>
      %swap3A_290 = arith.index_cast %add3A_277 : i32 to index
      %swap3A_291 = arith.constant 16 : index
      %swap3A_292 = tpu.vector_load %arg23[%swap3A_290, %swap3A_291] {strides = array<i32>} : memref<80x128xf32, #tpu.memory_space<vmem>>, vector<16xf32>,
      tpu.vector_store %arg23[%swap3A_290, %swap3A_291], %mul3A_289 {strides = array<i32>} : memref<80x128xf32, #tpu.memory_space<vmem>>, vector<16xf32>,
      %get3A_293 = arith.index_cast %add3A_277 : i32 to index
      %get3A_294 = arith.constant 32 : index
      %get3A_295 = tpu.vector_load %arg23[%get3A_293, %get3A_294] {strides = array<i32>} : memref<80x128xf32, #tpu.memory_space<vmem>>, vector<16xf32>,
      %mul3A_296 = arith.mulf %get3A_295, %gather3A : vector<16xf32>
      %swap3A_297 = arith.index_cast %add3A_277 : i32 to index
      %swap3A_298 = arith.constant 32 : index
      %swap3A_299 = tpu.vector_load %arg23[%swap3A_297, %swap3A_298] {strides = array<i32>} : memref<80x128xf32, #tpu.memory_space<vmem>>, vector<16xf32>,
      tpu.vector_store %arg23[%swap3A_297, %swap3A_298], %mul3A_296 {strides = array<i32>} : memref<80x128xf32, #tpu.memory_space<vmem>>, vector<16xf32>,
      %get3A_300 = arith.index_cast %add3A_277 : i32 to index
      %get3A_301 = arith.constant 48 : index
      %get3A_302 = tpu.vector_load %arg23[%get3A_300, %get3A_301] {strides = array<i32>} : memref<80x128xf32, #tpu.memory_space<vmem>>, vector<16xf32>,
      %mul3A_303 = arith.mulf %get3A_302, %gather3A : vector<16xf32>
      %swap3A_304 = arith.index_cast %add3A_277 : i32 to index
      %swap3A_305 = arith.constant 48 : index
      %swap3A_306 = tpu.vector_load %arg23[%swap3A_304, %swap3A_305] {strides = array<i32>} : memref<80x128xf32, #tpu.memory_space<vmem>>, vector<16xf32>,
      tpu.vector_store %arg23[%swap3A_304, %swap3A_305], %mul3A_303 {strides = array<i32>} : memref<80x128xf32, #tpu.memory_space<vmem>>, vector<16xf32>,
      %get3A_307 = arith.index_cast %add3A_277 : i32 to index
      %get3A_308 = arith.constant 64 : index
      %get3A_309 = tpu.vector_load %arg23[%get3A_307, %get3A_308] {strides = array<i32>} : memref<80x128xf32, #tpu.memory_space<vmem>>, vector<16xf32>,
      %mul3A_310 = arith.mulf %get3A_309, %gather3A : vector<16xf32>
      %swap3A_311 = arith.index_cast %add3A_277 : i32 to index
      %swap3A_312 = arith.constant 64 : index
      %swap3A_313 = tpu.vector_load %arg23[%swap3A_311, %swap3A_312] {strides = array<i32>} : memref<80x128xf32, #tpu.memory_space<vmem>>, vector<16xf32>,
      tpu.vector_store %arg23[%swap3A_311, %swap3A_312], %mul3A_310 {strides = array<i32>} : memref<80x128xf32, #tpu.memory_space<vmem>>, vector<16xf32>,
      %get3A_314 = arith.index_cast %add3A_277 : i32 to index
      %get3A_315 = arith.constant 80 : index
      %get3A_316 = tpu.vector_load %arg23[%get3A_314, %get3A_315] {strides = array<i32>} : memref<80x128xf32, #tpu.memory_space<vmem>>, vector<16xf32>,
      %mul3A_317 = arith.mulf %get3A_316, %gather3A : vector<16xf32>
      %swap3A_318 = arith.index_cast %add3A_277 : i32 to index
      %swap3A_319 = arith.constant 80 : index
      %swap3A_320 = tpu.vector_load %arg23[%swap3A_318, %swap3A_319] {strides = array<i32>} : memref<80x128xf32, #tpu.memory_space<vmem>>, vector<16xf32>,
      tpu.vector_store %arg23[%swap3A_318, %swap3A_319], %mul3A_317 {strides = array<i32>} : memref<80x128xf32, #tpu.memory_space<vmem>>, vector<16xf32>,
      %get3A_321 = arith.index_cast %add3A_277 : i32 to index
      %get3A_322 = arith.constant 96 : index
      %get3A_323 = tpu.vector_load %arg23[%get3A_321, %get3A_322] {strides = array<i32>} : memref<80x128xf32, #tpu.memory_space<vmem>>, vector<16xf32>,
      %mul3A_324 = arith.mulf %get3A_323, %gather3A : vector<16xf32>
      %swap3A_325 = arith.index_cast %add3A_277 : i32 to index
      %swap3A_326 = arith.constant 96 : index
      %swap3A_327 = tpu.vector_load %arg23[%swap3A_325, %swap3A_326] {strides = array<i32>} : memref<80x128xf32, #tpu.memory_space<vmem>>, vector<16xf32>,
      tpu.vector_store %arg23[%swap3A_325, %swap3A_326], %mul3A_324 {strides = array<i32>} : memref<80x128xf32, #tpu.memory_space<vmem>>, vector<16xf32>,
      %get3A_328 = arith.index_cast %add3A_277 : i32 to index
      %get3A_329 = arith.constant 112 : index
      %get3A_330 = tpu.vector_load %arg23[%get3A_328, %get3A_329] {strides = array<i32>} : memref<80x128xf32, #tpu.memory_space<vmem>>, vector<16xf32>,
      %mul3A_331 = arith.mulf %get3A_330, %gather3A : vector<16xf32>
      %swap3A_332 = arith.index_cast %add3A_277 : i32 to index
      %swap3A_333 = arith.constant 112 : index
      %swap3A_334 = tpu.vector_load %arg23[%swap3A_332, %swap3A_333] {strides = array<i32>} : memref<80x128xf32, #tpu.memory_space<vmem>>, vector<16xf32>,
      tpu.vector_store %arg23[%swap3A_332, %swap3A_333], %mul3A_331 {strides = array<i32>} : memref<80x128xf32, #tpu.memory_space<vmem>>, vector<16xf32>,
      %add3A_335 = arith.constant 1 : i32
      %add3A_336 = arith.addi %add3A_275, %add3A_335 : i32
      %broadcast_in_dim3A_337 = vector.broadcast %add3A_336 : i32 to vector<16xi32>
      %gather3A_338 = tpu.vector_load_idx %arg22[%broadcast_in_dim3A_337] : memref<80xf32, #tpu.memory_space<vmem>>[vector<16xi32>], vector<16xf32>,
      %get3A_339 = arith.index_cast %add3A_336 : i32 to index
      %get3A_340 = arith.constant 0 : index
      %get3A_341 = tpu.vector_load %arg23[%get3A_339, %get3A_340] {strides = array<i32>} : memref<80x128xf32, #tpu.memory_space<vmem>>, vector<16xf32>,
      %mul3A_342 = arith.mulf %get3A_341, %gather3A_338 : vector<16xf32>
      %swap3A_343 = arith.index_cast %add3A_336 : i32 to index
      %swap3A_344 = arith.constant 0 : index
      %swap3A_345 = tpu.vector_load %arg23[%swap3A_343, %swap3A_344] {strides = array<i32>} : memref<80x128xf32, #tpu.memory_space<vmem>>, vector<16xf32>,
      tpu.vector_store %arg23[%swap3A_343, %swap3A_344], %mul3A_342 {strides = array<i32>} : memref<80x128xf32, #tpu.memory_space<vmem>>, vector<16xf32>,
      %get3A_346 = arith.index_cast %add3A_336 : i32 to index
      %get3A_347 = arith.constant 16 : index
      %get3A_348 = tpu.vector_load %arg23[%get3A_346, %get3A_347] {strides = array<i32>} : memref<80x128xf32, #tpu.memory_space<vmem>>, vector<16xf32>,
      %mul3A_349 = arith.mulf %get3A_348, %gather3A_338 : vector<16xf32>
      %swap3A_350 = arith.index_cast %add3A_336 : i32 to index
      %swap3A_351 = arith.constant 16 : index
      %swap3A_352 = tpu.vector_load %arg23[%swap3A_350, %swap3A_351] {strides = array<i32>} : memref<80x128xf32, #tpu.memory_space<vmem>>, vector<16xf32>,
      tpu.vector_store %arg23[%swap3A_350, %swap3A_351], %mul3A_349 {strides = array<i32>} : memref<80x128xf32, #tpu.memory_space<vmem>>, vector<16xf32>,
      %get3A_353 = arith.index_cast %add3A_336 : i32 to index
      %get3A_354 = arith.constant 32 : index
      %get3A_355 = tpu.vector_load %arg23[%get3A_353, %get3A_354] {strides = array<i32>} : memref<80x128xf32, #tpu.memory_space<vmem>>, vector<16xf32>,
      %mul3A_356 = arith.mulf %get3A_355, %gather3A_338 : vector<16xf32>
      %swap3A_357 = arith.index_cast %add3A_336 : i32 to index
      %swap3A_358 = arith.constant 32 : index
      %swap3A_359 = tpu.vector_load %arg23[%swap3A_357, %swap3A_358] {strides = array<i32>} : memref<80x128xf32, #tpu.memory_space<vmem>>, vector<16xf32>,
      tpu.vector_store %arg23[%swap3A_357, %swap3A_358], %mul3A_356 {strides = array<i32>} : memref<80x128xf32, #tpu.memory_space<vmem>>, vector<16xf32>,
      %get3A_360 = arith.index_cast %add3A_336 : i32 to index
      %get3A_361 = arith.constant 48 : index
      %get3A_362 = tpu.vector_load %arg23[%get3A_360, %get3A_361] {strides = array<i32>} : memref<80x128xf32, #tpu.memory_space<vmem>>, vector<16xf32>,
      %mul3A_363 = arith.mulf %get3A_362, %gather3A_338 : vector<16xf32>
      %swap3A_364 = arith.index_cast %add3A_336 : i32 to index
      %swap3A_365 = arith.constant 48 : index
      %swap3A_366 = tpu.vector_load %arg23[%swap3A_364, %swap3A_365] {strides = array<i32>} : memref<80x128xf32, #tpu.memory_space<vmem>>, vector<16xf32>,
      tpu.vector_store %arg23[%swap3A_364, %swap3A_365], %mul3A_363 {strides = array<i32>} : memref<80x128xf32, #tpu.memory_space<vmem>>, vector<16xf32>,
      %get3A_367 = arith.index_cast %add3A_336 : i32 to index
      %get3A_368 = arith.constant 64 : index
      %get3A_369 = tpu.vector_load %arg23[%get3A_367, %get3A_368] {strides = array<i32>} : memref<80x128xf32, #tpu.memory_space<vmem>>, vector<16xf32>,
      %mul3A_370 = arith.mulf %get3A_369, %gather3A_338 : vector<16xf32>
      %swap3A_371 = arith.index_cast %add3A_336 : i32 to index
      %swap3A_372 = arith.constant 64 : index
      %swap3A_373 = tpu.vector_load %arg23[%swap3A_371, %swap3A_372] {strides = array<i32>} : memref<80x128xf32, #tpu.memory_space<vmem>>, vector<16xf32>,
      tpu.vector_store %arg23[%swap3A_371, %swap3A_372], %mul3A_370 {strides = array<i32>} : memref<80x128xf32, #tpu.memory_space<vmem>>, vector<16xf32>,
      %get3A_374 = arith.index_cast %add3A_336 : i32 to index
      %get3A_375 = arith.constant 80 : index
      %get3A_376 = tpu.vector_load %arg23[%get3A_374, %get3A_375] {strides = array<i32>} : memref<80x128xf32, #tpu.memory_space<vmem>>, vector<16xf32>,
      %mul3A_377 = arith.mulf %get3A_376, %gather3A_338 : vector<16xf32>
      %swap3A_378 = arith.index_cast %add3A_336 : i32 to index
      %swap3A_379 = arith.constant 80 : index
      %swap3A_380 = tpu.vector_load %arg23[%swap3A_378, %swap3A_379] {strides = array<i32>} : memref<80x128xf32, #tpu.memory_space<vmem>>, vector<16xf32>,
      tpu.vector_store %arg23[%swap3A_378, %swap3A_379], %mul3A_377 {strides = array<i32>} : memref<80x128xf32, #tpu.memory_space<vmem>>, vector<16xf32>,
      %get3A_381 = arith.index_cast %add3A_336 : i32 to index
      %get3A_382 = arith.constant 96 : index
      %get3A_383 = tpu.vector_load %arg23[%get3A_381, %get3A_382] {strides = array<i32>} : memref<80x128xf32, #tpu.memory_space<vmem>>, vector<16xf32>,
      %mul3A_384 = arith.mulf %get3A_383, %gather3A_338 : vector<16xf32>
      %swap3A_385 = arith.index_cast %add3A_336 : i32 to index
      %swap3A_386 = arith.constant 96 : index
      %swap3A_387 = tpu.vector_load %arg23[%swap3A_385, %swap3A_386] {strides = array<i32>} : memref<80x128xf32, #tpu.memory_space<vmem>>, vector<16xf32>,
      tpu.vector_store %arg23[%swap3A_385, %swap3A_386], %mul3A_384 {strides = array<i32>} : memref<80x128xf32, #tpu.memory_space<vmem>>, vector<16xf32>,
      %get3A_388 = arith.index_cast %add3A_336 : i32 to index
      %get3A_389 = arith.constant 112 : index
      %get3A_390 = tpu.vector_load %arg23[%get3A_388, %get3A_389] {strides = array<i32>} : memref<80x128xf32, #tpu.memory_space<vmem>>, vector<16xf32>,
      %mul3A_391 = arith.mulf %get3A_390, %gather3A_338 : vector<16xf32>
      %swap3A_392 = arith.index_cast %add3A_336 : i32 to index
      %swap3A_393 = arith.constant 112 : index
      %swap3A_394 = tpu.vector_load %arg23[%swap3A_392, %swap3A_393] {strides = array<i32>} : memref<80x128xf32, #tpu.memory_space<vmem>>, vector<16xf32>,
      tpu.vector_store %arg23[%swap3A_392, %swap3A_393], %mul3A_391 {strides = array<i32>} : memref<80x128xf32, #tpu.memory_space<vmem>>, vector<16xf32>,
      %add3A_395 = arith.constant 2 : i32
      %add3A_396 = arith.addi %add3A_275, %add3A_395 : i32
      %broadcast_in_dim3A_397 = vector.broadcast %add3A_396 : i32 to vector<16xi32>
      %gather3A_398 = tpu.vector_load_idx %arg22[%broadcast_in_dim3A_397] : memref<80xf32, #tpu.memory_space<vmem>>[vector<16xi32>], vector<16xf32>,
      %get3A_399 = arith.index_cast %add3A_396 : i32 to index
      %get3A_400 = arith.constant 0 : index
      %get3A_401 = tpu.vector_load %arg23[%get3A_399, %get3A_400] {strides = array<i32>} : memref<80x128xf32, #tpu.memory_space<vmem>>, vector<16xf32>,
      %mul3A_402 = arith.mulf %get3A_401, %gather3A_398 : vector<16xf32>
      %swap3A_403 = arith.index_cast %add3A_396 : i32 to index
      %swap3A_404 = arith.constant 0 : index
      %swap3A_405 = tpu.vector_load %arg23[%swap3A_403, %swap3A_404] {strides = array<i32>} : memref<80x128xf32, #tpu.memory_space<vmem>>, vector<16xf32>,
      tpu.vector_store %arg23[%swap3A_403, %swap3A_404], %mul3A_402 {strides = array<i32>} : memref<80x128xf32, #tpu.memory_space<vmem>>, vector<16xf32>,
      %get3A_406 = arith.index_cast %add3A_396 : i32 to index
      %get3A_407 = arith.constant 16 : index
      %get3A_408 = tpu.vector_load %arg23[%get3A_406, %get3A_407] {strides = array<i32>} : memref<80x128xf32, #tpu.memory_space<vmem>>, vector<16xf32>,
      %mul3A_409 = arith.mulf %get3A_408, %gather3A_398 : vector<16xf32>
      %swap3A_410 = arith.index_cast %add3A_396 : i32 to index
      %swap3A_411 = arith.constant 16 : index
      %swap3A_412 = tpu.vector_load %arg23[%swap3A_410, %swap3A_411] {strides = array<i32>} : memref<80x128xf32, #tpu.memory_space<vmem>>, vector<16xf32>,
      tpu.vector_store %arg23[%swap3A_410, %swap3A_411], %mul3A_409 {strides = array<i32>} : memref<80x128xf32, #tpu.memory_space<vmem>>, vector<16xf32>,
      %get3A_413 = arith.index_cast %add3A_396 : i32 to index
      %get3A_414 = arith.constant 32 : index
      %get3A_415 = tpu.vector_load %arg23[%get3A_413, %get3A_414] {strides = array<i32>} : memref<80x128xf32, #tpu.memory_space<vmem>>, vector<16xf32>,
      %mul3A_416 = arith.mulf %get3A_415, %gather3A_398 : vector<16xf32>
      %swap3A_417 = arith.index_cast %add3A_396 : i32 to index
      %swap3A_418 = arith.constant 32 : index
      %swap3A_419 = tpu.vector_load %arg23[%swap3A_417, %swap3A_418] {strides = array<i32>} : memref<80x128xf32, #tpu.memory_space<vmem>>, vector<16xf32>,
      tpu.vector_store %arg23[%swap3A_417, %swap3A_418], %mul3A_416 {strides = array<i32>} : memref<80x128xf32, #tpu.memory_space<vmem>>, vector<16xf32>,
      %get3A_420 = arith.index_cast %add3A_396 : i32 to index
      %get3A_421 = arith.constant 48 : index
      %get3A_422 = tpu.vector_load %arg23[%get3A_420, %get3A_421] {strides = array<i32>} : memref<80x128xf32, #tpu.memory_space<vmem>>, vector<16xf32>,
      %mul3A_423 = arith.mulf %get3A_422, %gather3A_398 : vector<16xf32>
      %swap3A_424 = arith.index_cast %add3A_396 : i32 to index
      %swap3A_425 = arith.constant 48 : index
      %swap3A_426 = tpu.vector_load %arg23[%swap3A_424, %swap3A_425] {strides = array<i32>} : memref<80x128xf32, #tpu.memory_space<vmem>>, vector<16xf32>,
      tpu.vector_store %arg23[%swap3A_424, %swap3A_425], %mul3A_423 {strides = array<i32>} : memref<80x128xf32, #tpu.memory_space<vmem>>, vector<16xf32>,
      %get3A_427 = arith.index_cast %add3A_396 : i32 to index
      %get3A_428 = arith.constant 64 : index
      %get3A_429 = tpu.vector_load %arg23[%get3A_427, %get3A_428] {strides = array<i32>} : memref<80x128xf32, #tpu.memory_space<vmem>>, vector<16xf32>,
      %mul3A_430 = arith.mulf %get3A_429, %gather3A_398 : vector<16xf32>
      %swap3A_431 = arith.index_cast %add3A_396 : i32 to index
      %swap3A_432 = arith.constant 64 : index
      %swap3A_433 = tpu.vector_load %arg23[%swap3A_431, %swap3A_432] {strides = array<i32>} : memref<80x128xf32, #tpu.memory_space<vmem>>, vector<16xf32>,
      tpu.vector_store %arg23[%swap3A_431, %swap3A_432], %mul3A_430 {strides = array<i32>} : memref<80x128xf32, #tpu.memory_space<vmem>>, vector<16xf32>,
      %get3A_434 = arith.index_cast %add3A_396 : i32 to index
      %get3A_435 = arith.constant 80 : index
      %get3A_436 = tpu.vector_load %arg23[%get3A_434, %get3A_435] {strides = array<i32>} : memref<80x128xf32, #tpu.memory_space<vmem>>, vector<16xf32>,
      %mul3A_437 = arith.mulf %get3A_436, %gather3A_398 : vector<16xf32>
      %swap3A_438 = arith.index_cast %add3A_396 : i32 to index
      %swap3A_439 = arith.constant 80 : index
      %swap3A_440 = tpu.vector_load %arg23[%swap3A_438, %swap3A_439] {strides = array<i32>} : memref<80x128xf32, #tpu.memory_space<vmem>>, vector<16xf32>,
      tpu.vector_store %arg23[%swap3A_438, %swap3A_439], %mul3A_437 {strides = array<i32>} : memref<80x128xf32, #tpu.memory_space<vmem>>, vector<16xf32>,
      %get3A_441 = arith.index_cast %add3A_396 : i32 to index
      %get3A_442 = arith.constant 96 : index
      %get3A_443 = tpu.vector_load %arg23[%get3A_441, %get3A_442] {strides = array<i32>} : memref<80x128xf32, #tpu.memory_space<vmem>>, vector<16xf32>,
      %mul3A_444 = arith.mulf %get3A_443, %gather3A_398 : vector<16xf32>
      %swap3A_445 = arith.index_cast %add3A_396 : i32 to index
      %swap3A_446 = arith.constant 96 : index
      %swap3A_447 = tpu.vector_load %arg23[%swap3A_445, %swap3A_446] {strides = array<i32>} : memref<80x128xf32, #tpu.memory_space<vmem>>, vector<16xf32>,
      tpu.vector_store %arg23[%swap3A_445, %swap3A_446], %mul3A_444 {strides = array<i32>} : memref<80x128xf32, #tpu.memory_space<vmem>>, vector<16xf32>,
      %get3A_448 = arith.index_cast %add3A_396 : i32 to index
      %get3A_449 = arith.constant 112 : index
      %get3A_450 = tpu.vector_load %arg23[%get3A_448, %get3A_449] {strides = array<i32>} : memref<80x128xf32, #tpu.memory_space<vmem>>, vector<16xf32>,
      %mul3A_451 = arith.mulf %get3A_450, %gather3A_398 : vector<16xf32>
      %swap3A_452 = arith.index_cast %add3A_396 : i32 to index
      %swap3A_453 = arith.constant 112 : index
      %swap3A_454 = tpu.vector_load %arg23[%swap3A_452, %swap3A_453] {strides = array<i32>} : memref<80x128xf32, #tpu.memory_space<vmem>>, vector<16xf32>,
      tpu.vector_store %arg23[%swap3A_452, %swap3A_453], %mul3A_451 {strides = array<i32>} : memref<80x128xf32, #tpu.memory_space<vmem>>, vector<16xf32>,
      %add3A_455 = arith.constant 3 : i32
      %add3A_456 = arith.addi %add3A_275, %add3A_455 : i32
      %broadcast_in_dim3A_457 = vector.broadcast %add3A_456 : i32 to vector<16xi32>
      %gather3A_458 = tpu.vector_load_idx %arg22[%broadcast_in_dim3A_457] : memref<80xf32, #tpu.memory_space<vmem>>[vector<16xi32>], vector<16xf32>,
      %get3A_459 = arith.index_cast %add3A_456 : i32 to index
      %get3A_460 = arith.constant 0 : index
      %get3A_461 = tpu.vector_load %arg23[%get3A_459, %get3A_460] {strides = array<i32>} : memref<80x128xf32, #tpu.memory_space<vmem>>, vector<16xf32>,
      %mul3A_462 = arith.mulf %get3A_461, %gather3A_458 : vector<16xf32>
      %swap3A_463 = arith.index_cast %add3A_456 : i32 to index
      %swap3A_464 = arith.constant 0 : index
      %swap3A_465 = tpu.vector_load %arg23[%swap3A_463, %swap3A_464] {strides = array<i32>} : memref<80x128xf32, #tpu.memory_space<vmem>>, vector<16xf32>,
      tpu.vector_store %arg23[%swap3A_463, %swap3A_464], %mul3A_462 {strides = array<i32>} : memref<80x128xf32, #tpu.memory_space<vmem>>, vector<16xf32>,
      %get3A_466 = arith.index_cast %add3A_456 : i32 to index
      %get3A_467 = arith.constant 16 : index
      %get3A_468 = tpu.vector_load %arg23[%get3A_466, %get3A_467] {strides = array<i32>} : memref<80x128xf32, #tpu.memory_space<vmem>>, vector<16xf32>,
      %mul3A_469 = arith.mulf %get3A_468, %gather3A_458 : vector<16xf32>
      %swap3A_470 = arith.index_cast %add3A_456 : i32 to index
      %swap3A_471 = arith.constant 16 : index
      %swap3A_472 = tpu.vector_load %arg23[%swap3A_470, %swap3A_471] {strides = array<i32>} : memref<80x128xf32, #tpu.memory_space<vmem>>, vector<16xf32>,
      tpu.vector_store %arg23[%swap3A_470, %swap3A_471], %mul3A_469 {strides = array<i32>} : memref<80x128xf32, #tpu.memory_space<vmem>>, vector<16xf32>,
      %get3A_473 = arith.index_cast %add3A_456 : i32 to index
      %get3A_474 = arith.constant 32 : index
      %get3A_475 = tpu.vector_load %arg23[%get3A_473, %get3A_474] {strides = array<i32>} : memref<80x128xf32, #tpu.memory_space<vmem>>, vector<16xf32>,
      %mul3A_476 = arith.mulf %get3A_475, %gather3A_458 : vector<16xf32>
      %swap3A_477 = arith.index_cast %add3A_456 : i32 to index
      %swap3A_478 = arith.constant 32 : index
      %swap3A_479 = tpu.vector_load %arg23[%swap3A_477, %swap3A_478] {strides = array<i32>} : memref<80x128xf32, #tpu.memory_space<vmem>>, vector<16xf32>,
      tpu.vector_store %arg23[%swap3A_477, %swap3A_478], %mul3A_476 {strides = array<i32>} : memref<80x128xf32, #tpu.memory_space<vmem>>, vector<16xf32>,
      %get3A_480 = arith.index_cast %add3A_456 : i32 to index
      %get3A_481 = arith.constant 48 : index
      %get3A_482 = tpu.vector_load %arg23[%get3A_480, %get3A_481] {strides = array<i32>} : memref<80x128xf32, #tpu.memory_space<vmem>>, vector<16xf32>,
      %mul3A_483 = arith.mulf %get3A_482, %gather3A_458 : vector<16xf32>
      %swap3A_484 = arith.index_cast %add3A_456 : i32 to index
      %swap3A_485 = arith.constant 48 : index
      %swap3A_486 = tpu.vector_load %arg23[%swap3A_484, %swap3A_485] {strides = array<i32>} : memref<80x128xf32, #tpu.memory_space<vmem>>, vector<16xf32>,
      tpu.vector_store %arg23[%swap3A_484, %swap3A_485], %mul3A_483 {strides = array<i32>} : memref<80x128xf32, #tpu.memory_space<vmem>>, vector<16xf32>,
      %get3A_487 = arith.index_cast %add3A_456 : i32 to index
      %get3A_488 = arith.constant 64 : index
      %get3A_489 = tpu.vector_load %arg23[%get3A_487, %get3A_488] {strides = array<i32>} : memref<80x128xf32, #tpu.memory_space<vmem>>, vector<16xf32>,
      %mul3A_490 = arith.mulf %get3A_489, %gather3A_458 : vector<16xf32>
      %swap3A_491 = arith.index_cast %add3A_456 : i32 to index
      %swap3A_492 = arith.constant 64 : index
      %swap3A_493 = tpu.vector_load %arg23[%swap3A_491, %swap3A_492] {strides = array<i32>} : memref<80x128xf32, #tpu.memory_space<vmem>>, vector<16xf32>,
      tpu.vector_store %arg23[%swap3A_491, %swap3A_492], %mul3A_490 {strides = array<i32>} : memref<80x128xf32, #tpu.memory_space<vmem>>, vector<16xf32>,
      %get3A_494 = arith.index_cast %add3A_456 : i32 to index
      %get3A_495 = arith.constant 80 : index
      %get3A_496 = tpu.vector_load %arg23[%get3A_494, %get3A_495] {strides = array<i32>} : memref<80x128xf32, #tpu.memory_space<vmem>>, vector<16xf32>,
      %mul3A_497 = arith.mulf %get3A_496, %gather3A_458 : vector<16xf32>
      %swap3A_498 = arith.index_cast %add3A_456 : i32 to index
      %swap3A_499 = arith.constant 80 : index
      %swap3A_500 = tpu.vector_load %arg23[%swap3A_498, %swap3A_499] {strides = array<i32>} : memref<80x128xf32, #tpu.memory_space<vmem>>, vector<16xf32>,
      tpu.vector_store %arg23[%swap3A_498, %swap3A_499], %mul3A_497 {strides = array<i32>} : memref<80x128xf32, #tpu.memory_space<vmem>>, vector<16xf32>,
      %get3A_501 = arith.index_cast %add3A_456 : i32 to index
      %get3A_502 = arith.constant 96 : index
      %get3A_503 = tpu.vector_load %arg23[%get3A_501, %get3A_502] {strides = array<i32>} : memref<80x128xf32, #tpu.memory_space<vmem>>, vector<16xf32>,
      %mul3A_504 = arith.mulf %get3A_503, %gather3A_458 : vector<16xf32>
      %swap3A_505 = arith.index_cast %add3A_456 : i32 to index
      %swap3A_506 = arith.constant 96 : index
      %swap3A_507 = tpu.vector_load %arg23[%swap3A_505, %swap3A_506] {strides = array<i32>} : memref<80x128xf32, #tpu.memory_space<vmem>>, vector<16xf32>,
      tpu.vector_store %arg23[%swap3A_505, %swap3A_506], %mul3A_504 {strides = array<i32>} : memref<80x128xf32, #tpu.memory_space<vmem>>, vector<16xf32>,
      %get3A_508 = arith.index_cast %add3A_456 : i32 to index
      %get3A_509 = arith.constant 112 : index
      %get3A_510 = tpu.vector_load %arg23[%get3A_508, %get3A_509] {strides = array<i32>} : memref<80x128xf32, #tpu.memory_space<vmem>>, vector<16xf32>,
      %mul3A_511 = arith.mulf %get3A_510, %gather3A_458 : vector<16xf32>
      %swap3A_512 = arith.index_cast %add3A_456 : i32 to index
      %swap3A_513 = arith.constant 112 : index
      %swap3A_514 = tpu.vector_load %arg23[%swap3A_512, %swap3A_513] {strides = array<i32>} : memref<80x128xf32, #tpu.memory_space<vmem>>, vector<16xf32>,
      tpu.vector_store %arg23[%swap3A_512, %swap3A_513], %mul3A_511 {strides = array<i32>} : memref<80x128xf32, #tpu.memory_space<vmem>>, vector<16xf32>,
    }
    %scan3A_231 = arith.constant 20 : i32
    %get3A_232 = arith.constant 0 : index
    %get3A_233 = tpu.vector_load %arg20[%get3A_232] {strides = array<i32>} : memref<80xi32, #tpu.memory_space<vmem>>, vector<16xi32>,
    %swap3A_234 = arith.constant 0 : index
    %swap3A_235 = tpu.vector_load %arg24[%swap3A_234] {strides = array<i32>} : memref<80xi32, #tpu.memory_space<vmem>>, vector<16xi32>,
    tpu.vector_store %arg24[%swap3A_234], %get3A_233 {strides = array<i32>} : memref<80xi32, #tpu.memory_space<vmem>>, vector<16xi32>,
    %get3A_236 = arith.constant 16 : index
    %get3A_237 = tpu.vector_load %arg20[%get3A_236] {strides = array<i32>} : memref<80xi32, #tpu.memory_space<vmem>>, vector<16xi32>,
    %swap3A_238 = arith.constant 16 : index
    %swap3A_239 = tpu.vector_load %arg24[%swap3A_238] {strides = array<i32>} : memref<80xi32, #tpu.memory_space<vmem>>, vector<16xi32>,
    tpu.vector_store %arg24[%swap3A_238], %get3A_237 {strides = array<i32>} : memref<80xi32, #tpu.memory_space<vmem>>, vector<16xi32>,
    %get3A_240 = arith.constant 32 : index
    %get3A_241 = tpu.vector_load %arg20[%get3A_240] {strides = array<i32>} : memref<80xi32, #tpu.memory_space<vmem>>, vector<16xi32>,
    %swap3A_242 = arith.constant 32 : index
    %swap3A_243 = tpu.vector_load %arg24[%swap3A_242] {strides = array<i32>} : memref<80xi32, #tpu.memory_space<vmem>>, vector<16xi32>,
    tpu.vector_store %arg24[%swap3A_242], %get3A_241 {strides = array<i32>} : memref<80xi32, #tpu.memory_space<vmem>>, vector<16xi32>,
    %get3A_244 = arith.constant 48 : index
    %get3A_245 = tpu.vector_load %arg20[%get3A_244] {strides = array<i32>} : memref<80xi32, #tpu.memory_space<vmem>>, vector<16xi32>,
    %swap3A_246 = arith.constant 48 : index
    %swap3A_247 = tpu.vector_load %arg24[%swap3A_246] {strides = array<i32>} : memref<80xi32, #tpu.memory_space<vmem>>, vector<16xi32>,
    tpu.vector_store %arg24[%swap3A_246], %get3A_245 {strides = array<i32>} : memref<80xi32, #tpu.memory_space<vmem>>, vector<16xi32>,
    %get3A_248 = arith.constant 64 : index
    %get3A_249 = tpu.vector_load %arg20[%get3A_248] {strides = array<i32>} : memref<80xi32, #tpu.memory_space<vmem>>, vector<16xi32>,
    %swap3A_250 = arith.constant 64 : index
    %swap3A_251 = tpu.vector_load %arg24[%swap3A_250] {strides = array<i32>} : memref<80xi32, #tpu.memory_space<vmem>>, vector<16xi32>,
    tpu.vector_store %arg24[%swap3A_250], %get3A_249 {strides = array<i32>} : memref<80xi32, #tpu.memory_space<vmem>>, vector<16xi32>,
    %dma_start3A_252 = arith.constant 0 : i32
    %dma_start3A_253 = arith.constant 0 : i32
    %dma_start3A_254 = tpu.memref_slice %arg38[%dma_start3A_252, %dma_start3A_253] : memref<10240x128xf32, #tpu.memory_space<vmem_shared>> -> memref<10240x128xf32, #tpu.memory_space<vmem_shared>>
    tpu.enqueue_indirect_dma source(%arg23 : memref<80x128xf32, #tpu.memory_space<vmem>>) target(%dma_start3A_254 : memref<10240x128xf32, #tpu.memory_space<vmem_shared>>) offsets(%arg24 : memref<80xi32, #tpu.memory_space<vmem>>) semaphore(%arg27 : memref<!tpu.dma_semaphore, #tpu.memory_space<semaphore_mem>>) {add = true}
    %dma_wait3A_255 = arith.constant 0 : i32
    %dma_wait3A_256 = arith.constant 0 : i32
    %dma_wait3A_257 = tpu.memref_slice %arg38[%dma_wait3A_255, %dma_wait3A_256] : memref<10240x128xf32, #tpu.memory_space<vmem_shared>> -> memref<10240x128xf32, #tpu.memory_space<vmem_shared>>
    tpu.wait_indirect_dma semaphore(%arg37 : memref<!tpu.dma_semaphore, #tpu.memory_space<semaphore_mem>>) src(%arg33 : memref<80x128xf32, #tpu.memory_space<vmem>>) dst(%dma_wait3A_257 : memref<10240x128xf32, #tpu.memory_space<vmem_shared>>)
    %dma_wait3A_258 = arith.constant 0 : i32
    %dma_wait3A_259 = arith.constant 0 : i32
    %dma_wait3A_260 = tpu.memref_slice %arg38[%dma_wait3A_258, %dma_wait3A_259] : memref<10240x128xf32, #tpu.memory_space<vmem_shared>> -> memref<10240x128xf32, #tpu.memory_space<vmem_shared>>
    tpu.wait_indirect_dma semaphore(%arg17 : memref<!tpu.dma_semaphore, #tpu.memory_space<semaphore_mem>>) src(%arg13 : memref<80x128xf32, #tpu.memory_space<vmem>>) dst(%dma_wait3A_260 : memref<10240x128xf32, #tpu.memory_space<vmem_shared>>)
    %dma_wait3A_261 = arith.constant 0 : i32
    %dma_wait3A_262 = arith.constant 0 : i32
    %dma_wait3A_263 = tpu.memref_slice %arg38[%dma_wait3A_261, %dma_wait3A_262] : memref<10240x128xf32, #tpu.memory_space<vmem_shared>> -> memref<10240x128xf32, #tpu.memory_space<vmem_shared>>
    tpu.wait_indirect_dma semaphore(%arg27 : memref<!tpu.dma_semaphore, #tpu.memory_space<semaphore_mem>>) src(%arg23 : memref<80x128xf32, #tpu.memory_space<vmem>>) dst(%dma_wait3A_263 : memref<10240x128xf32, #tpu.memory_space<vmem_shared>>)
    %barrier3A_264 = arith.constant 0 : index
    tpu.barrier barrier_id(%barrier3A_264)
    %lt3A = arith.constant 15 : i32
    %lt3A_265 = arith.cmpi slt, %arg1, %lt3A : i32
    %convert_element_type3A = arith.extui %lt3A_265 : i1 to i32
    %cond3A = arith.constant 0 : i32
    %cond3A_266 = arith.cmpi ne, %convert_element_type3A, %cond3A : i32
    scf.if %cond3A_266 {
      %mul3A_271 = arith.constant 10000 : i32
      %mul3A_272 = arith.muli %arg0, %mul3A_271 : i32
      %add3A_273 = arith.addi %mul3A_272, %mul3A_9 : i32
      "tpu.region"() ({
        %run_scoped3A = tpu.sem_alloc : memref<!tpu.dma_semaphore, #tpu.memory_space<semaphore_mem>>
        %dma_start3A_274 = arith.constant 0 : i32
        %dma_start3A_275 = tpu.memref_slice %arg7[%add3A_273, %dma_start3A_274] : memref<20000x128xf32, #tpu.memory_space<hbm>> -> memref<640x128xf32, #tpu.memory_space<hbm>>
        %dma_start3A_276 = arith.constant 0 : i32
        %dma_start3A_277 = tpu.memref_slice %arg38[%mul3A_9, %dma_start3A_276] : memref<10240x128xf32, #tpu.memory_space<vmem_shared>> -> memref<640x128xf32, #tpu.memory_space<vmem_shared>>
        tpu.enqueue_dma source(%dma_start3A_277 : memref<640x128xf32, #tpu.memory_space<vmem_shared>>) target(%dma_start3A_275 : memref<640x128xf32, #tpu.memory_space<hbm>>) target_semaphore(%run_scoped3A : memref<!tpu.dma_semaphore, #tpu.memory_space<semaphore_mem>>)
        %dma_wait3A_278 = arith.constant 0 : i32
        %dma_wait3A_279 = tpu.memref_slice %arg7[%add3A_273, %dma_wait3A_278] : memref<20000x128xf32, #tpu.memory_space<hbm>> -> memref<640x128xf32, #tpu.memory_space<hbm>>
        %dma_wait3A_280 = arith.constant 0 : i32
        %dma_wait3A_281 = tpu.memref_slice %arg38[%mul3A_9, %dma_wait3A_280] : memref<10240x128xf32, #tpu.memory_space<vmem_shared>> -> memref<640x128xf32, #tpu.memory_space<vmem_shared>>
        tpu.wait_dma2 semaphore(%run_scoped3A : memref<!tpu.dma_semaphore, #tpu.memory_space<semaphore_mem>>) src(%dma_wait3A_281 : memref<640x128xf32, #tpu.memory_space<vmem_shared>>) dst(%dma_wait3A_279 : memref<640x128xf32, #tpu.memory_space<hbm>>)
        tpu.yield
      }) : () -> ()
    } else {
    }
    %eq3A = arith.constant 15 : i32
    %eq3A_267 = arith.cmpi eq, %arg1, %eq3A : i32
    %convert_element_type3A_268 = arith.extui %eq3A_267 : i1 to i32
    %cond3A_269 = arith.constant 0 : i32
    %cond3A_270 = arith.cmpi ne, %convert_element_type3A_268, %cond3A_269 : i32
    scf.if %cond3A_270 {
      %mul3A_271 = arith.constant 10000 : i32
      %mul3A_272 = arith.muli %arg0, %mul3A_271 : i32
      %add3A_273 = arith.addi %mul3A_272, %mul3A_9 : i32
      "tpu.region"() ({
        %run_scoped3A = tpu.sem_alloc : memref<!tpu.dma_semaphore, #tpu.memory_space<semaphore_mem>>
        %dma_start3A_274 = arith.constant 0 : i32
        %dma_start3A_275 = tpu.memref_slice %arg7[%add3A_273, %dma_start3A_274] : memref<20000x128xf32, #tpu.memory_space<hbm>> -> memref<400x128xf32, #tpu.memory_space<hbm>>
        %dma_start3A_276 = arith.constant 0 : i32
        %dma_start3A_277 = tpu.memref_slice %arg38[%mul3A_9, %dma_start3A_276] : memref<10240x128xf32, #tpu.memory_space<vmem_shared>> -> memref<400x128xf32, #tpu.memory_space<vmem_shared>>
        tpu.enqueue_dma source(%dma_start3A_277 : memref<400x128xf32, #tpu.memory_space<vmem_shared>>) target(%dma_start3A_275 : memref<400x128xf32, #tpu.memory_space<hbm>>) target_semaphore(%run_scoped3A : memref<!tpu.dma_semaphore, #tpu.memory_space<semaphore_mem>>)
        %dma_wait3A_278 = arith.constant 0 : i32
        %dma_wait3A_279 = tpu.memref_slice %arg7[%add3A_273, %dma_wait3A_278] : memref<20000x128xf32, #tpu.memory_space<hbm>> -> memref<400x128xf32, #tpu.memory_space<hbm>>
        %dma_wait3A_280 = arith.constant 0 : i32
        %dma_wait3A_281 = tpu.memref_slice %arg38[%mul3A_9, %dma_wait3A_280] : memref<10240x128xf32, #tpu.memory_space<vmem_shared>> -> memref<400x128xf32, #tpu.memory_space<vmem_shared>>
        tpu.wait_dma2 semaphore(%run_scoped3A : memref<!tpu.dma_semaphore, #tpu.memory_space<semaphore_mem>>) src(%dma_wait3A_281 : memref<400x128xf32, #tpu.memory_space<vmem_shared>>) dst(%dma_wait3A_279 : memref<400x128xf32, #tpu.memory_space<hbm>>)
        tpu.yield
      }) : () -> ()
    } else {
    }
    return
  }
}

module attributes {stable_mosaic.version = 14 : i64} {
  func.func @mm_kernel(%arg0: i32, %arg1: memref<10000x128xbf16, #tpu.memory_space<vmem>>, %arg2: memref<1x128x128xbf16, #tpu.memory_space<vmem>>, %arg3: memref<1x10000x128xf32, #tpu.memory_space<vmem>>) attributes {dimension_semantics = [#tpu.dimension_semantics<arbitrary>], iteration_bounds = array<i64: 8>, scalar_prefetch = 0 : i64, scratch_operands = 0 : i64, tpu.core_type = #tpu.core_type<tc>, window_params = [{pipeline_mode = #tpu.pipeline_mode<synchronous>, transform_indices = @transform_0, window_bounds = array<i64: 10000, 128>}, {transform_indices = @transform_1, window_bounds = array<i64: 1, 128, 128>}, {transform_indices = @transform_2, window_bounds = array<i64: 1, 10000, 128>}]} {
    %get3A = arith.constant 0 : index
    %get3A_0 = arith.constant 0 : index
    %get3A_1 = vector.load %arg1[%get3A, %get3A_0] : memref<10000x128xbf16, #tpu.memory_space<vmem>>, vector<10000x128xbf16>
    %get3A_2 = arith.constant 0 : index
    %get3A_3 = arith.constant 0 : index
    %get3A_4 = arith.constant 0 : index
    %get3A_5 = vector.load %arg2[%get3A_2, %get3A_3, %get3A_4] : memref<1x128x128xbf16, #tpu.memory_space<vmem>>, vector<1x128x128xbf16>
    %get3A_6 = vector.shape_cast %get3A_5 : vector<1x128x128xbf16> to vector<128x128xbf16>
    %dot_general3A = arith.constant dense<0.000000e+00> : vector<10000x128xf32>
    %dot_general3A_7 = tpu.matmul %get3A_1, %get3A_6, %dot_general3A {dimension_numbers = #tpu.dot_dimension_numbers<[1], [0], [0], [1], [0, 0, 1, 1], [], []>, transpose_lhs_hint = false} : vector<10000x128xbf16>, vector<128x128xbf16>, vector<10000x128xf32> -> vector<10000x128xf32>
    %swap3A = arith.constant 0 : index
    %swap3A_8 = arith.constant 0 : index
    %swap3A_9 = arith.constant 0 : index
    %swap3A_10 = vector.load %arg3[%swap3A, %swap3A_8, %swap3A_9] : memref<1x10000x128xf32, #tpu.memory_space<vmem>>, vector<1x10000x128xf32>
    %swap3A_11 = vector.shape_cast %swap3A_10 : vector<1x10000x128xf32> to vector<10000x128xf32>
    %swap3A_12 = vector.shape_cast %dot_general3A_7 : vector<10000x128xf32> to vector<1x10000x128xf32>
    tpu.vector_store %arg3[%swap3A, %swap3A_8, %swap3A_9], %swap3A_12 {strides = array<i32>} : memref<1x10000x128xf32, #tpu.memory_space<vmem>>, vector<1x10000x128xf32>,
    return
  }
  func.func @transform_0(%arg0: i32) -> (i32, i32) {
    %c0_i32 = arith.constant 0 : i32
    %c0_i32_0 = arith.constant 0 : i32
    %c0_i32_1 = arith.constant 0 : i32
    return %c0_i32, %c0_i32_0 : i32, i32
  }
  func.func @transform_1(%arg0: i32) -> (i32, i32, i32) {
    %c0_i32 = arith.constant 0 : i32
    %c0_i32_0 = arith.constant 0 : i32
    %c0_i32_1 = arith.constant 0 : i32
    return %arg0, %c0_i32, %c0_i32_0 : i32, i32, i32
  }
  func.func @transform_2(%arg0: i32) -> (i32, i32, i32) {
    %c0_i32 = arith.constant 0 : i32
    %c0_i32_0 = arith.constant 0 : i32
    %c0_i32_1 = arith.constant 0 : i32
    return %arg0, %c0_i32, %c0_i32_0 : i32, i32, i32
  }
}

module attributes {stable_mosaic.version = 14 : i64} {
  func.func @add_kernel(%arg0: memref<2x10000x128xf32, #tpu.memory_space<vmem>>, %arg1: memref<10000x128xf32, #tpu.memory_space<vmem>>) attributes {dimension_semantics = [], scalar_prefetch = 0 : i64, scratch_operands = 0 : i64, tpu.core_type = #tpu.core_type<tc>} {
    %get3A = arith.constant 0 : index
    %get3A_0 = arith.constant 0 : index
    %get3A_1 = arith.constant 0 : index
    %get3A_2 = vector.load %arg0[%get3A, %get3A_0, %get3A_1] : memref<2x10000x128xf32, #tpu.memory_space<vmem>>, vector<1x10000x128xf32>
    %get3A_3 = vector.shape_cast %get3A_2 : vector<1x10000x128xf32> to vector<10000x128xf32>
    %get3A_4 = arith.constant 1 : index
    %get3A_5 = arith.constant 0 : index
    %get3A_6 = arith.constant 0 : index
    %get3A_7 = vector.load %arg0[%get3A_4, %get3A_5, %get3A_6] : memref<2x10000x128xf32, #tpu.memory_space<vmem>>, vector<1x10000x128xf32>
    %get3A_8 = vector.shape_cast %get3A_7 : vector<1x10000x128xf32> to vector<10000x128xf32>
    %add3A = arith.addf %get3A_3, %get3A_8 : vector<10000x128xf32>
    %swap3A = arith.constant 0 : index
    %swap3A_9 = arith.constant 0 : index
    %swap3A_10 = vector.load %arg1[%swap3A, %swap3A_9] : memref<10000x128xf32, #tpu.memory_space<vmem>>, vector<10000x128xf32>
    tpu.vector_store %arg1[%swap3A, %swap3A_9], %add3A {strides = array<i32>} : memref<10000x128xf32, #tpu.memory_space<vmem>>, vector<10000x128xf32>,
    return
  }
}

</mosaic_0001>

<sc_bundles>
// kernel: kernel.5.cloned.1.call-start
scs
__scs_entry_jumppad:
0x0: {  	(pc) =	sbr.rel $0x88, $3  }
0x1: {  	(tag) =	ssettag $0x0;
	lr =	simm.s32 $0x1  }
0x2: {  	[smem:$0x3F9C] =	sst lr;
	_ =	strace $0xD0000000  }
0x3: {  	_ = 	snop  }
0x4: {  	_ = 	snop  }
0x5: {  	_ = 	snop  }
0x6: {  	_ = 	snop  }
0x7: {  	_ = 	snop  }
__scs_overlays_trampoline_lowered:
0x8: {  	[smem:$0x3FAB] =	sst s0  }
0x9: {  	[smem:$0x3FAC] =	sst s1  }
0xa: {  	[smem:$0x3FAD] =	sst s2  }
0xb: {  	[smem:$0x3FAE] =	sst s3  }
0xc: {  	[smem:$0x3FAF] =	sst s4  }
0xd: {  	[smem:$0x3FB0] =	sst s5  }
0xe: {  	[smem:$0x3FB1] =	sst s6  }
0xf: {  	[smem:$0x3FB2] =	sst s7  }
0x10: {  	[smem:$0x3FB3] =	sst s8  }
0x11: {  	[smem:$0x3FB4] =	sst s9;
	s0 =	simm.s32 @!p0 $0x0  }
0x12: {  	s1 =	sld [smem:$0x3F9A];
	s0 =	simm.s32 @p0 $0x1  }
0x13: {  	[smem:$0x3FB5] =	sst s0;
	s0 =	simm.s32 @!p1 $0x0  }
0x14: {  	s2 =	sld [smem:$0x3F99];
	s0 =	simm.s32 @p1 $0x1  }
0x15: {  	[smem:$0x3FB6] =	sst s0;
	s0 =	simm.s32 @!p2 $0x0  }
0x16: {  	s3 =	sld [smem:$0x3FDB];
	s0 =	simm.s32 @p2 $0x1  }
0x17: {  	s4 =	simm.s32 $0x1BF5;
	[smem:$0x3FB8] =	sst s0  }
0x18: {  	s0 =	sld [smem:$0x3F9B];
	_ =	swait.ge [sflag:s4], $0x0  }
0x19: {  	s7 =	sld [smem:$0x3F9C]  }
0x1a: {  	s8 =	sadd.s32 $0xFFFFE003, lr  }
0x1b: {  	s9 =	sadd.s32 $0xFFFFFEF7, lr;
	s5 =	simm.s32 $0xFFFFFFFF;
	p2 =	slt.u32 s8, $0xFFFFF086  }
0x1c: {  	p1 =	slt.u32 s9, $0xF7A;
	s5 =	simm.s32 @!p2 $0x0  }
0x1d: {  	s5 =	simm.s32 @p1 $0x1;
	p0 =	seq.s32 s7, s2  }
0x1e: {  	s7 =	smul.u32 @!p0 $0xF7A, s2;
	p2 =	seq.s32 @!p0 s5, $0x0  }
0x1f: {  	s9 =	smul.u32 $0xF7A, s1;
	s8 =	simm.s32 @!p0 $0x1BF5;
	p2 =	por !p2, p0  }
0x20: {  	[sflag:s8] =	ssyncset.s32 @!p0 $0xFFFFF086;
	s6 =	sadd.s32 @!p0 s3, s7;
	s7 =	simm.s32 @!p0 $0x108  }
0x21: {  	s3 =	sadd.s32 s3, s9;
	s6 =	sadd.s32 @!p0 $0x88, s6;
	s7 =	simm.s32 @p2 $0x1082  }
0x22: {  	[simem:s7], [sflag:s8] =	dma.local @!p0 [hbm:s6], $0xF7A  }
0x23: {  	s9 =	sor.u32 $0xD0000000, s2;
	s6 =	simm.s32 $0x108;
	_ =	swait.ge @!p0 [sflag:s8], $0x0  }
0x24: {  	s3 =	sadd.s32 $0x88, s3;
	s6 =	simm.s32 @!p1 $0x1082;
	[sflag:s4] =	ssyncset.s32 $0xFFFFF086  }
0x25: {  	[simem:s6], [sflag:s4] =	dma.local [hbm:s3], $0xF7A  }
0x26: {  	[smem:$0x3F9C] =	sst s1;
	(tag) =	ssettag s2;
	_ =	strace s9  }
0x27: {  	s1 =	sld [smem:$0x3FAC]  }
0x28: {  	s2 =	sld [smem:$0x3FAD]  }
0x29: {  	s4 =	sld [smem:$0x3FAF]  }
0x2a: {  	p0 =	seq.s32 s5, $0x0;
	s5 =	sld [smem:$0x3FB0]  }
0x2b: {  	s6 =	sld [smem:$0x3FB1]  }
0x2c: {  	s7 =	sld [smem:$0x3FB2]  }
0x2d: {  	s3 =	simm.s32 $0x108;
	s8 =	sld [smem:$0x3FB3]  }
0x2e: {  	s3 =	simm.s32 @!p0 $0x1082;
	s9 =	sld [smem:$0x3FB4]  }
0x2f: {  	lr =	sadd.s32 s0, s3;
	s0 =	sld [smem:$0x3FAB]  }
0x30: {  	s3 =	sld [smem:$0x3FAE]  }
0x31: {  	[smem:$0x3FB7] =	sst s10  }
0x32: {  	s10 =	sld [smem:$0x3FB5];
	_ =	sdelay $0x3  }
0x33: {  	p0 =	seq.s32 s10, $0x1;
	s10 =	sld [smem:$0x3FB7];
	_ =	sdelay $0x3  }
0x34: {  	[smem:$0x3FB7] =	sst s10  }
0x35: {  	s10 =	sld [smem:$0x3FB6];
	_ =	sdelay $0x3  }
0x36: {  	p1 =	seq.s32 s10, $0x1;
	s10 =	sld [smem:$0x3FB7];
	_ =	sdelay $0x3  }
0x37: {  	[smem:$0x3FB7] =	sst s10  }
0x38: {  	s10 =	sld [smem:$0x3FB8]  }
0x39: {  	_ = 	snop;
	(pc) =	sbr.ind lr, $3  }
0x3a: {  	_ = 	snop  }
0x3b: {  	_ = 	snop  }
0x3c: {  	p2 =	seq.s32 s10, $0x1;
	s10 =	sld [smem:$0x3FB7]  }
0x3d: {  	_ =	shalt  }
0x3e: {  	_ =	shalt  }
0x3f: {  	_ =	shalt  }
0x40: {  	_ =	shalt  }
0x41: {  	_ =	shalt  }
0x42: {  	_ =	shalt  }
0x43: {  	_ =	shalt  }
0x44: {  	_ =	shalt  }
0x45: {  	_ =	shalt  }
0x46: {  	_ =	shalt  }
0x47: {  	_ =	shalt  }
0x48: {  	_ =	shalt  }
0x49: {  	_ =	shalt  }
0x4a: {  	_ =	shalt  }
0x4b: {  	_ =	shalt  }
0x4c: {  	_ =	shalt  }
0x4d: {  	_ =	shalt  }
0x4e: {  	_ =	shalt  }
0x4f: {  	_ =	shalt  }
0x50: {  	_ =	shalt  }
0x51: {  	_ =	shalt  }
0x52: {  	_ =	shalt  }
0x53: {  	_ =	shalt  }
0x54: {  	_ =	shalt  }
0x55: {  	_ =	shalt  }
0x56: {  	_ =	shalt  }
0x57: {  	_ =	shalt  }
0x58: {  	_ =	shalt  }
0x59: {  	_ =	shalt  }
0x5a: {  	_ =	shalt  }
0x5b: {  	_ =	shalt  }
0x5c: {  	_ =	shalt  }
0x5d: {  	_ =	shalt  }
0x5e: {  	_ =	shalt  }
0x5f: {  	_ =	shalt  }
0x60: {  	_ =	shalt  }
0x61: {  	_ =	shalt  }
0x62: {  	_ =	shalt  }
0x63: {  	_ =	shalt  }
0x64: {  	_ =	shalt  }
0x65: {  	_ =	shalt  }
0x66: {  	_ =	shalt  }
0x67: {  	_ =	shalt  }
0x68: {  	_ =	shalt  }
0x69: {  	_ =	shalt  }
0x6a: {  	_ =	shalt  }
0x6b: {  	_ =	shalt  }
0x6c: {  	_ =	shalt  }
0x6d: {  	_ =	shalt  }
0x6e: {  	_ =	shalt  }
0x6f: {  	_ =	shalt  }
0x70: {  	_ =	shalt  }
0x71: {  	_ =	shalt  }
0x72: {  	_ =	shalt  }
0x73: {  	_ =	shalt  }
0x74: {  	_ =	shalt  }
0x75: {  	_ =	shalt  }
0x76: {  	_ =	shalt  }
0x77: {  	_ =	shalt  }
0x78: {  	_ =	shalt  }
0x79: {  	_ =	shalt  }
0x7a: {  	_ =	shalt  }
0x7b: {  	_ =	shalt  }
0x7c: {  	_ =	shalt  }
0x7d: {  	_ =	shalt  }
0x7e: {  	_ =	shalt  }
0x7f: {  	_ =	shalt  }
0x80: {  	_ =	shalt  }
0x81: {  	_ =	shalt  }
0x82: {  	_ =	shalt  }
0x83: {  	_ =	shalt  }
0x84: {  	_ =	shalt  }
0x85: {  	_ =	shalt  }
0x86: {  	_ =	shalt  }
0x87: {  	_ =	shalt  }
.Lfunc_end0:
.L_simem_size_0:
called_computation_lowered:
.L_overlay_start_0:
0x88: {  	s2 =	sld [smem:$0x3FD9]  }
0x89: {  	s3 =	sld [smem:$0x3FFE];
	_ =	sdelay $0x1  }
0x8a: {  	s1 =	srdreg.scid  }
0x8b: {  	s0 =	sand.u32 $0x1, s1  }
0x8c: {  	s17 =	sshll.u32 s0, $0xA;
	s2 =	sadd.s32 s3, s2  }
0x8d: {  	s2 =	sadd.s32 s2, s17  }
0x8e: {  	[smem:$0x3FC3] =	sst s2  }
0x8f: {  	_ = 	snop  }
0x90: {  	s2 =	sld [smem:$0x3FC7]  }
0x91: {  	s18 =	sld [smem:$0x3FD0];
	(tm) =	ssettm $0x1  }
0x92: {  	s4 =	sld [smem:$0x3FFB];
	_ =	sdelay $0x3  }
0x93: {  	_ =	strace s4  }
0x94: {  	s4 =	sld [smem:$0x3FFC];
	_ =	sdelay $0x3  }
0x95: {  	_ =	strace s4  }
0x96: {  	s4 =	sld [smem:$0x3FFD];
	_ =	sdelay $0x3  }
0x97: {  	_ =	strace s4  }
0x98: {  	_ =	strace $0x8FFFFFFF  }
0x99: {  	s19 =	sld [smem:$0x3FDB];
	_ =	sdelay $0x1  }
0x9a: {  	s5 =	simm.s32 $_scs_section_size  }
0x9b: {  	s6 =	simm.s32 $_size__tile_overlayer_lowered;
	s7 =	simm.s32 $_tile_overlayer_lowered  }
0x9c: {  	s22 =	simm.s32 $0x1BFF;
	s21 =	sshll.u32 s7, $0x1;
	s4 =	sadd.s32 s5, s19  }
0x9d: {  	s8 =	simm.s32 $0x0;
	s20 =	sshll.u32 s6, $0x1;
	s6 =	sadd.s32 s21, s4  }
0x9e: {  	[timem:s8], [sflag:s22] =	dma.local [hbm:s6], s20  }
0x9f: {  	_ =	swait.ge [sflag:s22], s20  }
0xa0: {  	s5 =	ssub.s32 $0x0, s20;
	[sflag:s22] =	ssyncset.done $0x0  }
0xa1: {  	[sflag:s22] =	ssyncadd.s32 s5;
	_ =	sdelay $0x1  }
0xa2: {  	s23 =	simm.s32 $0x1B8B  }
0xa3: {  	_ =	swait.ge [sflag:s23], $0x1  }
0xa4: {  	[sflag:s23] =	ssyncset.done $0x0  }
0xa5: {  	s25 =	simm.s32 $0x1B8E;
	s24 =	sld [smem:$0x3FFE];
	[sflag:s23] =	ssyncadd.s32 $0xFFFFFFFF  }
0xa6: {  	s26 =	simm.s32 $execute0_lowered;
	[smem:$0x3FD2] =	sst s25  }
0xa7: {  	s6 =	sshll.u32 s26, $0x1;
	_ =	strace $0x80000046;
	[dreg:$0x1] =	wrdreg $0xFFFFFFFF  }
0xa8: {  	s28 =	simm.s32 $_size_execute0_lowered;
	s4 =	sadd.s32 s4, s6;
	[dreg:$0x0] =	wrdreg $0x0  }
0xa9: {  	s6 =	sshll.u32 s28, $0x1;
	[dreg:$0x2] =	wrdreg s4  }
0xaa: {  	[dreg:$0x3] =	wrdreg s6  }
0xab: {  	[dreg:$0x4] =	wrdreg $0xC0  }
0xac: {  	_ =	task [dreg:s8], $0x5FFFF  }
0xad: {  	[dreg:$0x1] =	wrdreg $0xFFFFFFFF  }
0xae: {  	[dreg:$0x0] =	wrdreg $0x60  }
0xaf: {  	[dreg:$0x2] =	wrdreg s24  }
0xb0: {  	[dreg:$0x3] =	wrdreg s2  }
0xb1: {  	[dreg:$0x4] =	wrdreg s18  }
0xb2: {  	[dreg:$0x5] =	wrdreg $0x81000  }
0xb3: {  	[dreg:$0x6] =	wrdreg $0x9  }
0xb4: {  	_ =	task.clear_ibuf [dreg:s8], $0x7FFFF;
	_ =	strace $0x90000046  }
0xb5: {  	s29 =	simm.s32 $0x9;
	_ =	strace $0x80000048  }
0xb6: {  	_ =	swait.ge [sflag:s29], $0x1  }
0xb7: {  	[sflag:s29] =	ssyncadd.s32 $0xFFFFFFFF  }
0xb8: {  	_ =	strace $0x90000048  }
0xb9: {  	_ =	sfence  }
0xba: {  	s30 =	sld [smem:$0x0];
	_ =	sdelay $0x2  }
0xbb: {  	s31 =	sshll.u32 s1, $0xD;
	s1 =	sshrl.u32 s1, $0x2  }
0xbc: {  	s3 =	sand.u32 $0x4000, s31;
	s1 =	sadd.s32 s1, s30  }
0xbd: {  	s0 =	sor.u32 s3, s0;
	s1 =	sshll.u32 s1, $0x11  }
0xbe: {  	s0 =	sor.u32 s1, s0  }
0xbf: {  	s0 =	sadd.s32 $0x8F2B, s0  }
0xc0: {  	[sflag:s0] =	ssyncadd.remote.s32 $0x1  }
0xc1: {  	_ =	sfence.sel $0xFFFF  }
0xc2: {  	[dreg:$0x0] =	wrdreg $0xFFFFFFFF;
	(pc) =	sbr.abs _section_cstart, $3  }
0xc3: {  	[dreg:$0x1] =	wrdreg $0xFFFFFFFF  }
0xc4: {  	_ =	task.clear_ibuf [dreg:s8], $0x2FFFF;
	_ =	strace $0x9FFFFFFF  }
0xc5: {  	(tm) =	ssettm $0x7FFFFFFF  }
tec
execute0_lowered:
.L_overlay_start_1:
0x0: {  	(tag) =	ssettag $0x1  }
0x1: {  	s1 =	rddreg [dreg:$0x0]  }
0x2: {  	s2 =	rddreg [dreg:$0x1]  }
0x3: {  	s0 =	srdreg.scid;
	s14 =	stileid.u32  }
0x4: {  	s3 =	rddreg [dreg:$0x2];
	s0 =	sand.u32 $0x1, s0;
	s10 =	smul.u32 $0x50000, s14  }
0x5: {  	s4 =	rddreg [dreg:$0x3];
	s16 =	smul.u32 $0x2800, s14;
	s5 =	sshll.u32 s0, $0x4  }
0x6: {  	s6 =	simm.s32 $0x0;
	s25 =	smul.u32 $0x27100, s0;
	s5 =	sor.u32 s14, s5  }
0x7: {  	[smem:$0x7FF] =	sst s6;
	s11 =	sadd.s32 $0x14C400, s1;
	s8 =	smul.u32 $0x7D, s5  }
0x8: {  	s7 =	sadd.s32 $0x9E00, s1;
	_ =	strace $0x80000047;
	s13 =	smul.u32 $0x2710, s5  }
0x9: {  	s9 =	ssub.s32 $0x2, s0;
	s10 =	sshrl.u32 s10, $0x2;
	s5 =	smul.u32 $0x4E2, s5  }
0xa: {  	s0 =	smul.u32 $0x138800, s0;
	s12 =	sshrl.u32 s9, $0x1;
	s17 =	sadd.s32 s10, s4  }
0xb: {  	s9 =	ssub.s32 s9, s12;
	[dreg:$0x5] =	wrdreg s17;
	s19 =	sadd.s32 s1, s5  }
0xc: {  	s0 =	sshrl.u32 s0, $0x3;
	s20 =	sadd.s32 s2, s5;
	[dreg:$0x6] =	wrdreg s19  }
0xd: {  	s0 =	sadd.s32 s11, s0;
	s15 =	sadd.s32 s3, s5;
	[dreg:$0x7] =	wrdreg s20  }
0xe: {  	s18 =	sshrl.u32 s13, $0x3;
	s5 =	sadd.s32 s7, s5;
	[dreg:$0x8] =	wrdreg s15  }
0xf: {  	s0 =	sadd.s32 $0x25800, s0;
	s21 =	sadd.s32 $0xA, s18;
	[dreg:$0x9] =	wrdreg s5  }
0x10: {  	s5 =	sadd.s32 s16, s25;
	[dreg:$0x13] =	wrdreg s0;
	s16 =	smax.u32 s9, $0x1  }
0x11: {  	s10 =	sadd.s32 $0x14, s18;
	s18 =	sadd.s32 $0x2800, s17;
	[dreg:$0x14] =	wrdreg s16  }
0x12: {  	s29 =	simm.s32 $0x1;
	s19 =	sadd.s32 $0x5000, s17;
	[dreg:$0x15] =	wrdreg s18  }
0x13: {  	s30 =	simm.s32 $0x50;
	s20 =	sadd.s32 $0x7800, s17;
	[dreg:$0x16] =	wrdreg s19  }
0x14: {  	p0 =	seq.s32 s14, $0xF;
	s25 =	sadd.s32 $0xC800, s17;
	[dreg:$0x17] =	wrdreg s20  }
0x15: {  	s28 =	sadd.s32 $0x13C00, s1;
	s22 =	sadd.s32 s1, s21;
	[dreg:$0x19] =	wrdreg s25  }
0x16: {  	s14 =	simm.s32 $0x8;
	s23 =	sadd.s32 s2, s21;
	[dreg:$0xa] =	wrdreg s22  }
0x17: {  	s12 =	simm.s32 $0x5880;
	s24 =	sadd.s32 s3, s21;
	[dreg:$0xb] =	wrdreg s23  }
0x18: {  	s0 =	simm.s32 $0x4;
	s13 =	sadd.s32 s7, s21;
	[dreg:$0xc] =	wrdreg s24  }
0x19: {  	s9 =	simm.s32 $0x2D80;
	s26 =	sadd.s32 s1, s10;
	[dreg:$0xd] =	wrdreg s13  }
0x1a: {  	s31 =	sadd.s32 s2, s10;
	s15 =	sadd.s32 s3, s10;
	[dreg:$0xe] =	wrdreg s26  }
0x1b: {  	s10 =	sadd.s32 s7, s10;
	s5 =	sadd.s32 s11, s5;
	[dreg:$0xf] =	wrdreg s31  }
0x1c: {  	s21 =	sadd.s32 $0xA000, s17;
	s11 =	simm.s32 $0x280;
	[dreg:$0x10] =	wrdreg s15  }
0x1d: {  	s19 =	simm.s32 $0x2D00;
	s20 =	simm.s32 $0x2;
	[dreg:$0x11] =	wrdreg s10  }
0x1e: {  	s25 =	simm.s32 $0x5;
	s16 =	simm.s32 $0x0;
	[dreg:$0x12] =	wrdreg s5  }
0x1f: {  	s22 =	sadd.s32 $0x3, s8;
	s23 =	sadd.s32 $0x4, s8;
	s24 =	sadd.s32 $0x5, s8  }
0x20: {  	[dreg:$0x18] =	wrdreg s21;
	s26 =	sadd.s32 $0xF000, s17;
	s31 =	sadd.s32 $0x11800, s17  }
0x21: {  	s15 =	simm.s32 $0x200;
	s10 =	simm.s32 $0x7;
	[dreg:$0x1a] =	wrdreg s26  }
0x22: {  	v0 =	vimm.f32 $0.0e+00;
	s13 =	simm.s32 $0x6;
	[dreg:$0x1b] =	wrdreg s31;
	s26 =	simm.s32 $0x5800  }
.LBB2_1:
0x23: {  	[dreg:$0x1c] =	wrdreg s16;
	s5 =	simm.s32 $0x0;
	s16 =	simm.s32 $0x200  }
.LBB2_2:
0x24: {  	p1 =	sne.s32 s16, $0x9E00;
	[tilespmem:s5+$0x2F0] =	vst v0  }
0x25: {  	[tilespmem:s5+$0x280] =	vst v0  }
0x26: {  	[tilespmem:s5+$0x290] =	vst v0  }
.Ltmp0:
0x27: {  	[tilespmem:s5+$0x2A0] =	vst v0;
	(pc) =	sbr.rel @p1 .LBB2_2-.Ltmp0, $4  }
0x28: {  	[tilespmem:s5+$0x2B0] =	vst v0  }
0x29: {  	[tilespmem:s5+$0x2C0] =	vst v0  }
0x2a: {  	[tilespmem:s5+$0x2D0] =	vst v0  }
0x2b: {  	[tilespmem:s5+$0x2E0] =	vst v0;
	s5 =	sshra.s32 s16, $0x2;
	s16 =	sadd.s32 $0x200, s16  }
0x2c: {  	[tilespmem:s5+$0x2F0] =	vst v0  }
0x2d: {  	[tilespmem:s5+$0x280] =	vst v0  }
0x2e: {  	[tilespmem:s5+$0x290] =	vst v0  }
0x2f: {  	[tilespmem:s5+$0x2A0] =	vst v0  }
0x30: {  	[tilespmem:s5+$0x2B0] =	vst v0  }
0x31: {  	[tilespmem:s5+$0x2C0] =	vst v0  }
0x32: {  	[tilespmem:s5+$0x2D0] =	vst v0  }
0x33: {  	[tilespmem:s5+$0x2E0] =	vst v0;
	s8 =	simm.s32 $0xA  }
0x34: {  	[spmem:s17] =	stream.linear.scatter [tilespmem:s11], [sflag:$0xA], $0x2800, $0x38;
	[tilespmem:$0x1C100] =	vst v63  }
0x35: {  	_ =	swait.ge [sflag:s8], $0x2800  }
0x36: {  	[sflag:s8] =	ssyncset.done $0x0  }
0x37: {  	s16 =	rddreg [dreg:$0x15];
	[sflag:s8] =	ssyncadd.s32 $0xFFFFD800  }
0x38: {  	[spmem:s16] =	stream.linear.scatter [tilespmem:s11], [sflag:$0xA], $0x2800, $0x38;
	[tilespmem:$0x1C100] =	vst v63  }
0x39: {  	_ =	swait.ge [sflag:s8], $0x2800  }
0x3a: {  	[sflag:s8] =	ssyncset.done $0x0  }
0x3b: {  	s17 =	rddreg [dreg:$0x16];
	[sflag:s8] =	ssyncadd.s32 $0xFFFFD800  }
0x3c: {  	[spmem:s17] =	stream.linear.scatter [tilespmem:s11], [sflag:$0xA], $0x2800, $0x38;
	[tilespmem:$0x1C100] =	vst v63  }
0x3d: {  	_ =	swait.ge [sflag:s8], $0x2800  }
0x3e: {  	[sflag:s8] =	ssyncset.done $0x0  }
0x3f: {  	s18 =	rddreg [dreg:$0x17];
	[sflag:s8] =	ssyncadd.s32 $0xFFFFD800  }
0x40: {  	[spmem:s18] =	stream.linear.scatter [tilespmem:s11], [sflag:$0xA], $0x2800, $0x38;
	[tilespmem:$0x1C100] =	vst v63  }
0x41: {  	_ =	swait.ge [sflag:s8], $0x2800  }
0x42: {  	[sflag:s8] =	ssyncset.done $0x0  }
0x43: {  	s21 =	rddreg [dreg:$0x18];
	[sflag:s8] =	ssyncadd.s32 $0xFFFFD800  }
0x44: {  	[spmem:s21] =	stream.linear.scatter [tilespmem:s11], [sflag:$0xA], $0x2800, $0x38;
	[tilespmem:$0x1C100] =	vst v63  }
0x45: {  	_ =	swait.ge [sflag:s8], $0x2800  }
0x46: {  	[sflag:s8] =	ssyncset.done $0x0  }
0x47: {  	s31 =	rddreg [dreg:$0x19];
	[sflag:s8] =	ssyncadd.s32 $0xFFFFD800  }
0x48: {  	[spmem:s31] =	stream.linear.scatter [tilespmem:s11], [sflag:$0xA], $0x2800, $0x38;
	[tilespmem:$0x1C100] =	vst v63  }
0x49: {  	_ =	swait.ge [sflag:s8], $0x2800  }
0x4a: {  	[sflag:s8] =	ssyncset.done $0x0  }
0x4b: {  	s16 =	rddreg [dreg:$0x1a];
	[sflag:s8] =	ssyncadd.s32 $0xFFFFD800  }
0x4c: {  	[spmem:s16] =	stream.linear.scatter [tilespmem:s11], [sflag:$0xA], $0x2800, $0x38;
	[tilespmem:$0x1C100] =	vst v63  }
0x4d: {  	_ =	swait.ge [sflag:s8], $0x2800  }
0x4e: {  	[sflag:s8] =	ssyncset.done $0x0  }
0x4f: {  	s17 =	rddreg [dreg:$0x1b];
	[sflag:s8] =	ssyncadd.s32 $0xFFFFD800  }
0x50: {  	[spmem:s17] =	stream.linear.scatter [tilespmem:s11], [sflag:$0xA], $0x2800, $0x38;
	[tilespmem:$0x1C100] =	vst v63  }
0x51: {  	_ =	swait.ge [sflag:s8], $0x2800  }
0x52: {  	[sflag:s8] =	ssyncset.done $0x0  }
0x53: {  	[sflag:s8] =	ssyncadd.s32 $0xFFFFD800  }
0x54: {  	[bflag:$0x0] =	sbarrier.arrive $0xFFFF  }
0x55: {  	s16 =	simm.s32 $0x0;
	s18 =	rddreg [dreg:$0x6]  }
0x56: {  	[tilespmem:s16], [sflag:$0x1] =	stream.linear.gather [hbm4b:s18+s16], $0x50, $0x38;
	[tilespmem:$0x1C100] =	vst v63  }
0x57: {  	s31 =	simm.s32 $0x80;
	s21 =	rddreg [dreg:$0x7]  }
0x58: {  	[tilespmem:s31], [sflag:$0x1] =	stream.linear.gather [hbm4b:s21+s16], $0x50, $0x38;
	[tilespmem:$0x1C100] =	vst v63  }
0x59: {  	s17 =	simm.s32 $0x100;
	s8 =	rddreg [dreg:$0x8]  }
0x5a: {  	[tilespmem:s17], [sflag:$0x1] =	stream.linear.gather [hbm4b:s8+s16], $0x50, $0x38;
	[tilespmem:$0x1C100] =	vst v63  }
0x5b: {  	s18 =	rddreg [dreg:$0x9]  }
0x5c: {  	[tilespmem:s15], [sflag:$0x1] =	stream.linear.gather [hbm4b:s18+s16], $0x50, $0x38;
	[tilespmem:$0x1C100] =	vst v63  }
0x5d: {  	s21 =	rddreg [dreg:$0xa];
	s31 =	simm.s32 $0x2B00  }
0x5e: {  	[tilespmem:s31], [sflag:$0x4] =	stream.linear.gather [hbm4b:s21+s16], $0x50, $0x38;
	[tilespmem:$0x1C100] =	vst v63  }
0x5f: {  	s17 =	rddreg [dreg:$0xb];
	s18 =	simm.s32 $0x2B80  }
0x60: {  	[tilespmem:s18], [sflag:$0x4] =	stream.linear.gather [hbm4b:s17+s16], $0x50, $0x38;
	[tilespmem:$0x1C100] =	vst v63  }
0x61: {  	s21 =	rddreg [dreg:$0xc];
	s31 =	simm.s32 $0x2C00  }
0x62: {  	[tilespmem:s31], [sflag:$0x4] =	stream.linear.gather [hbm4b:s21+s16], $0x50, $0x38;
	[tilespmem:$0x1C100] =	vst v63  }
0x63: {  	s8 =	rddreg [dreg:$0xd]  }
0x64: {  	[tilespmem:s19], [sflag:$0x4] =	stream.linear.gather [hbm4b:s8+s16], $0x50, $0x38;
	[tilespmem:$0x1C100] =	vst v63  }
0x65: {  	s17 =	rddreg [dreg:$0xe];
	s18 =	simm.s32 $0x5600  }
0x66: {  	[tilespmem:s18], [sflag:$0x7] =	stream.linear.gather [hbm4b:s17+s16], $0x50, $0x38;
	[tilespmem:$0x1C100] =	vst v63  }
0x67: {  	s21 =	rddreg [dreg:$0xf];
	s31 =	simm.s32 $0x5680  }
0x68: {  	[tilespmem:s31], [sflag:$0x7] =	stream.linear.gather [hbm4b:s21+s16], $0x50, $0x38;
	[tilespmem:$0x1C100] =	vst v63  }
0x69: {  	s8 =	rddreg [dreg:$0x10];
	s17 =	simm.s32 $0x5700  }
0x6a: {  	[tilespmem:s17], [sflag:$0x7] =	stream.linear.gather [hbm4b:s8+s16], $0x50, $0x38;
	[tilespmem:$0x1C100] =	vst v63  }
0x6b: {  	s18 =	rddreg [dreg:$0x11]  }
0x6c: {  	[tilespmem:s26], [sflag:$0x7] =	stream.linear.gather [hbm4b:s18+s16], $0x50, $0x38;
	[tilespmem:$0x1C100] =	vst v63  }
0x6d: {  	_ =	swait.ge [sflag:s29], $0x50  }
0x6e: {  	[sflag:s29] =	ssyncset.done $0x0  }
0x6f: {  	[sflag:s29] =	ssyncadd.s32 $0xFFFFFFB0  }
0x70: {  	_ =	swait.ge [sflag:s29], $0x50  }
0x71: {  	[sflag:s29] =	ssyncset.done $0x0  }
0x72: {  	[sflag:s29] =	ssyncadd.s32 $0xFFFFFFB0  }
0x73: {  	_ =	swait.ge [sflag:s29], $0x50  }
0x74: {  	[sflag:s29] =	ssyncset.done $0x0  }
0x75: {  	[sflag:s29] =	ssyncadd.s32 $0xFFFFFFB0  }
0x76: {  	_ =	swait.ge [sflag:s29], $0x50  }
0x77: {  	[sflag:s29] =	ssyncset.done $0x0  }
0x78: {  	[sflag:s29] =	ssyncadd.s32 $0xFFFFFFB0  }
0x79: {  	v1 =	vld [tilespmem:$0x80]  }
0x7a: {  	v2 =	vld [tilespmem:$0x0]  }
0x7b: {  	v3 =	vld [tilespmem:$0x90]  }
0x7c: {  	v4 =	vld [tilespmem:$0x10]  }
0x7d: {  	v5 =	vld [tilespmem:$0xA0]  }
0x7e: {  	v6 =	vld [tilespmem:$0x20]  }
0x7f: {  	v7 =	vld [tilespmem:$0xB0]  }
0x80: {  	v8 =	vld [tilespmem:$0xC0]  }
0x81: {  	v9 =	vld [tilespmem:$0x30];
	v1 =	vmul.u32 $0x2710, v1  }
0x82: {  	v10 =	vld [tilespmem:$0x40];
	v3 =	vmul.u32 $0x2710, v3  }
0x83: {  	v1 =	vadd.s32 v2, v1;
	v2 =	vmul.u32 $0x2710, v5  }
0x84: {  	[tilespmem:$0x180] =	vst v1;
	v1 =	vadd.s32 v4, v3;
	v3 =	vmul.u32 $0x2710, v7  }
0x85: {  	[tilespmem:$0x190] =	vst v1;
	v1 =	vadd.s32 v6, v2;
	v2 =	vmul.u32 $0x2710, v8  }
0x86: {  	[tilespmem:$0x1A0] =	vst v1;
	v1 =	vadd.s32 v9, v3  }
0x87: {  	[tilespmem:$0x1B0] =	vst v1;
	v1 =	vadd.s32 v10, v2  }
0x88: {  	s21 =	simm.s32 $0x180;
	[tilespmem:$0x1C0] =	vst v1  }
0x89: {  	[tilespmem:s11], [sflag:$0x2] =	stream.indirect.gather [hbm4b:s28+s30], $0x80, s21, s30, $0xb8;
	[tilespmem:$0x1C100] =	vst v63  }
0x8a: {  	_ =	swait.ge [sflag:s0], $0x50  }
0x8b: {  	[sflag:s0] =	ssyncset.done $0x0  }
0x8c: {  	[sflag:s0] =	ssyncadd.s32 $0xFFFFFFB0  }
0x8d: {  	_ =	swait.ge [sflag:s0], $0x50  }
0x8e: {  	[sflag:s0] =	ssyncset.done $0x0  }
0x8f: {  	[sflag:s0] =	ssyncadd.s32 $0xFFFFFFB0  }
0x90: {  	_ =	swait.ge [sflag:s0], $0x50  }
0x91: {  	[sflag:s0] =	ssyncset.done $0x0  }
0x92: {  	[sflag:s0] =	ssyncadd.s32 $0xFFFFFFB0  }
0x93: {  	_ =	swait.ge [sflag:s0], $0x50  }
0x94: {  	[sflag:s0] =	ssyncset.done $0x0  }
0x95: {  	[sflag:s0] =	ssyncadd.s32 $0xFFFFFFB0  }
0x96: {  	v1 =	vld [tilespmem:$0x2B80]  }
0x97: {  	v2 =	vld [tilespmem:$0x2B00]  }
0x98: {  	v3 =	vld [tilespmem:$0x2B90]  }
0x99: {  	v57 =	vld [tilespmem:$0x2B10]  }
0x9a: {  	v58 =	vld [tilespmem:$0x2BA0]  }
0x9b: {  	v59 =	vld [tilespmem:$0x2B20]  }
0x9c: {  	v60 =	vld [tilespmem:$0x2BB0]  }
0x9d: {  	v61 =	vld [tilespmem:$0x2BC0]  }
0x9e: {  	v62 =	vld [tilespmem:$0x2B30];
	v1 =	vmul.u32 $0x2710, v1  }
0x9f: {  	v63 =	vld [tilespmem:$0x2B40];
	v3 =	vmul.u32 $0x2710, v3  }
0xa0: {  	v1 =	vadd.s32 v2, v1;
	v2 =	vmul.u32 $0x2710, v58  }
0xa1: {  	[tilespmem:$0x2C80] =	vst v1;
	v1 =	vadd.s32 v57, v3;
	v3 =	vmul.u32 $0x2710, v60  }
0xa2: {  	[tilespmem:$0x2C90] =	vst v1;
	v1 =	vadd.s32 v59, v2;
	v2 =	vmul.u32 $0x2710, v61  }
0xa3: {  	[tilespmem:$0x2CA0] =	vst v1;
	v1 =	vadd.s32 v62, v3  }
0xa4: {  	[tilespmem:$0x2CB0] =	vst v1;
	v1 =	vadd.s32 v63, v2  }
0xa5: {  	s31 =	simm.s32 $0x2C80;
	[tilespmem:$0x2CC0] =	vst v1  }
0xa6: {  	[tilespmem:s9], [sflag:$0x5] =	stream.indirect.gather [hbm4b:s28+s30], $0x80, s31, s30, $0xb8;
	[tilespmem:$0x1C100] =	vst v63  }
.LBB2_4:
0xa7: {  	_ =	swait.ge [sflag:s10], $0x50  }
0xa8: {  	[sflag:s10] =	ssyncset.done $0x0  }
0xa9: {  	[sflag:s10] =	ssyncadd.s32 $0xFFFFFFB0  }
0xaa: {  	_ =	swait.ge [sflag:s10], $0x50  }
0xab: {  	[sflag:s10] =	ssyncset.done $0x0  }
0xac: {  	[sflag:s10] =	ssyncadd.s32 $0xFFFFFFB0  }
0xad: {  	_ =	swait.ge [sflag:s10], $0x50  }
0xae: {  	[sflag:s10] =	ssyncset.done $0x0  }
0xaf: {  	[sflag:s10] =	ssyncadd.s32 $0xFFFFFFB0  }
0xb0: {  	_ =	swait.ge [sflag:s10], $0x50  }
0xb1: {  	[sflag:s10] =	ssyncset.done $0x0  }
0xb2: {  	[sflag:s10] =	ssyncadd.s32 $0xFFFFFFB0  }
0xb3: {  	v1 =	vld [tilespmem:$0x5680]  }
0xb4: {  	v2 =	vld [tilespmem:$0x5600]  }
0xb5: {  	v3 =	vld [tilespmem:$0x5690]  }
0xb6: {  	v4 =	vld [tilespmem:$0x5610]  }
0xb7: {  	v5 =	vld [tilespmem:$0x56A0]  }
0xb8: {  	v6 =	vld [tilespmem:$0x5620]  }
0xb9: {  	v7 =	vld [tilespmem:$0x56B0]  }
0xba: {  	v8 =	vld [tilespmem:$0x56C0]  }
0xbb: {  	v9 =	vld [tilespmem:$0x5630];
	v1 =	vmul.u32 $0x2710, v1  }
0xbc: {  	v10 =	vld [tilespmem:$0x5640];
	v3 =	vmul.u32 $0x2710, v3  }
0xbd: {  	v1 =	vadd.s32 v2, v1;
	v2 =	vmul.u32 $0x2710, v5  }
0xbe: {  	[tilespmem:$0x5780] =	vst v1;
	v1 =	vadd.s32 v4, v3;
	v3 =	vmul.u32 $0x2710, v7  }
0xbf: {  	[tilespmem:$0x5790] =	vst v1;
	v1 =	vadd.s32 v6, v2;
	v2 =	vmul.u32 $0x2710, v8  }
0xc0: {  	[tilespmem:$0x57A0] =	vst v1;
	v1 =	vadd.s32 v9, v3  }
0xc1: {  	p1 =	seq.s32 s16, $0x0;
	[tilespmem:$0x57B0] =	vst v1;
	v1 =	vadd.s32 v10, v2  }
0xc2: {  	s17 =	simm.s32 $0x0;
	s5 =	simm.s32 @!p1 $0x9;
	[tilespmem:$0x57C0] =	vst v1  }
0xc3: {  	v1 =	vmov s17;
	_ =	swait.ge @!p1 [sflag:s5], $0x2800  }
0xc4: {  	v1 =	vand.u32 $0xFFFFFFFC, v1;
	[sflag:s5] =	ssyncset.done @!p1 $0x0  }
0xc5: {  	s8 =	simm.s32 $0x5780;
	v1 =	vbroadcast v1, $0x0;
	[sflag:s5] =	ssyncadd.s32 @!p1 $0xFFFFD800  }
0xc6: {  	[tilespmem:s12], [sflag:$0x8] =	stream.indirect.gather [hbm4b:s28+s30], $0x80, s8, s30, $0xb8;
	[tilespmem:$0x1C100] =	vst v63  }
0xc7: {  	_ =	swait.ge [sflag:s20], $0x2800  }
0xc8: {  	[sflag:s20] =	ssyncset.done $0x0  }
0xc9: {  	s18 =	simm.s32 $0x380;
	[sflag:s20] =	ssyncadd.s32 $0xFFFFD800  }
0xca: {  	v3 =	vld [tilespmem:s18+$0xFFFFFF70]  }
0xcb: {  	v1 =	vld.idx.msk [tilespmem:v1+s15+$0x0], $0xffff  }
0xcc: {  	v4 =	vld [tilespmem:s18+$0xFFFFFF00]  }
0xcd: {  	v5 =	vld [tilespmem:s18+$0xFFFFFF20]  }
0xce: {  	v6 =	vld [tilespmem:s18+$0xFFFFFF30]  }
0xcf: {  	v2 =	vld [tilespmem:s18+$0xFFFFFF50]  }
0xd0: {  	v8 =	vld [tilespmem:s18+$0xFFFFFF10];
	v3 =	vmul.f32 v3, v1  }
0xd1: {  	s17 =	simm.s32 $0x1;
	v7 =	vld [tilespmem:s18+$0xFFFFFF60];
	v4 =	vmul.f32 v4, v1  }
0xd2: {  	v61 =	vld [tilespmem:s18+$0xFFFFFF40];
	v5 =	vmul.f32 v5, v1;
	[tilespmem:s18+$0xFFFFFF70] =	vst v3;
	v3 =	vmov s17  }
0xd3: {  	v6 =	vmul.f32 v6, v1;
	[tilespmem:s18+$0xFFFFFF00] =	vst v4;
	v3 =	vand.u32 $0xFFFFFFFD, v3  }
0xd4: {  	v2 =	vmul.f32 v2, v1;
	[tilespmem:s18+$0xFFFFFF20] =	vst v5;
	v3 =	vbroadcast v3, $0x0  }
0xd5: {  	v4 =	vmul.f32 v8, v1;
	[tilespmem:s18+$0xFFFFFF30] =	vst v6  }
0xd6: {  	v5 =	vmul.f32 v7, v1;
	[tilespmem:s18+$0xFFFFFF50] =	vst v2  }
0xd7: {  	v1 =	vmul.f32 v61, v1;
	[tilespmem:s18+$0xFFFFFF10] =	vst v4  }
0xd8: {  	[tilespmem:s18+$0xFFFFFF60] =	vst v5  }
0xd9: {  	[tilespmem:s18+$0xFFFFFF40] =	vst v1;
	v1 =	vld [tilespmem:s18+$0xFFFFFF80]  }
0xda: {  	v3 =	vld.idx.msk [tilespmem:v3+s15+$0x0], $0xffff  }
0xdb: {  	v2 =	vld [tilespmem:s18+$0xFFFFFFA0]  }
0xdc: {  	v4 =	vld [tilespmem:s18+$0xFFFFFF90]  }
0xdd: {  	v5 =	vld [tilespmem:s18+$0xFFFFFFD0]  }
0xde: {  	v6 =	vld [tilespmem:s18+$0xFFFFFFE0]  }
0xdf: {  	v7 =	vld [tilespmem:s18+$0xFFFFFFF0];
	v1 =	vmul.f32 v1, v3  }
0xe0: {  	s21 =	simm.s32 $0x2;
	v8 =	vld [tilespmem:s18+$0xFFFFFFB0];
	v2 =	vmul.f32 v2, v3  }
0xe1: {  	v62 =	vld [tilespmem:s18+$0xFFFFFFC0];
	v4 =	vmul.f32 v4, v3;
	[tilespmem:s18+$0xFFFFFF80] =	vst v1;
	v1 =	vmov s21  }
0xe2: {  	v5 =	vmul.f32 v5, v3;
	[tilespmem:s18+$0xFFFFFFA0] =	vst v2;
	v1 =	vand.u32 $0xFFFFFFFE, v1  }
0xe3: {  	v2 =	vmul.f32 v6, v3;
	[tilespmem:s18+$0xFFFFFF90] =	vst v4;
	v6 =	vld [tilespmem:s18+$0x0];
	v63 =	vbroadcast v1, $0x0  }
0xe4: {  	v4 =	vmul.f32 v7, v3;
	[tilespmem:s18+$0xFFFFFFD0] =	vst v5;
	v7 =	vld [tilespmem:s18+$0x30]  }
0xe5: {  	v5 =	vmul.f32 v8, v3;
	v1 =	vld [tilespmem:s18+$0x40];
	[tilespmem:s18+$0xFFFFFFE0] =	vst v2  }
0xe6: {  	v3 =	vmul.f32 v62, v3;
	v2 =	vld [tilespmem:s18+$0x70];
	[tilespmem:s18+$0xFFFFFFF0] =	vst v4  }
0xe7: {  	[tilespmem:s18+$0xFFFFFFB0] =	vst v5;
	v4 =	vld [tilespmem:s18+$0x20]  }
0xe8: {  	s31 =	simm.s32 $0x3;
	[tilespmem:s18+$0xFFFFFFC0] =	vst v3;
	v5 =	vld [tilespmem:s18+$0x10]  }
0xe9: {  	s5 =	simm.s32 $0x7;
	s17 =	smul.u32 $0x3, s16;
	s21 =	simm.s32 $0x380;
	v3 =	vld.idx.msk [tilespmem:v63+s15+$0x0], $0xffff  }
.LBB2_5:
0xea: {  	p1 =	sne.s32 s5, $0x4F  }
0xeb: {  	v8 =	vld [tilespmem:s18+$0x50];
	s21 =	sadd.s32 $0x200, s21;
	s8 =	smov.u32 s5;
	s5 =	sadd.s32 $0x4, s5  }
0xec: {  	v9 =	vld [tilespmem:s18+$0x60];
	_ =	sdelay $0x1  }
0xed: {  	v6 =	vmul.f32 v6, v3;
	v5 =	vmul.f32 v5, v3  }
0xee: {  	v4 =	vmul.f32 v4, v3;
	v7 =	vmul.f32 v7, v3  }
0xef: {  	v1 =	vmul.f32 v1, v3;
	v2 =	vmul.f32 v2, v3;
	[tilespmem:s18+$0x0] =	vst v6  }
0xf0: {  	[tilespmem:s18+$0x20] =	vst v4;
	v4 =	vmul.f32 v8, v3;
	v3 =	vmul.f32 v9, v3  }
0xf1: {  	[tilespmem:s18+$0x30] =	vst v7;
	v6 =	vld [tilespmem:s18+$0x80]  }
0xf2: {  	[tilespmem:s18+$0x60] =	vst v3;
	v3 =	vmov s31;
	v7 =	vld [tilespmem:s18+$0xD0];
	s31 =	smov.u32 s8  }
0xf3: {  	[tilespmem:s18+$0x50] =	vst v4;
	v4 =	vld [tilespmem:s18+$0xE0]  }
0xf4: {  	[tilespmem:s18+$0x40] =	vst v1;
	v8 =	vld [tilespmem:s18+$0xB0]  }
0xf5: {  	v1 =	vld [tilespmem:s21+$0x40];
	[tilespmem:s18+$0x70] =	vst v2  }
0xf6: {  	v2 =	vld [tilespmem:s21+$0x70];
	[tilespmem:s18+$0x10] =	vst v5  }
0xf7: {  	v3 =	vld.idx.msk [tilespmem:v3+s15+$0x0], $0xffff  }
0xf8: {  	v5 =	vld [tilespmem:s18+$0x90]  }
0xf9: {  	v9 =	vld [tilespmem:s18+$0xA0]  }
0xfa: {  	v10 =	vld [tilespmem:s18+$0xC0]  }
0xfb: {  	v11 =	vld [tilespmem:s18+$0xF0];
	_ =	sdelay $0x1  }
0xfc: {  	v6 =	vmul.f32 v6, v3;
	v5 =	vmul.f32 v5, v3  }
0xfd: {  	s8 =	sadd.s32 $0xFFFFFFFD, s31;
	v8 =	vmul.f32 v8, v3;
	v9 =	vmul.f32 v9, v3  }
0xfe: {  	v12 =	vmov s8;
	v7 =	vmul.f32 v7, v3;
	[tilespmem:s18+$0x80] =	vst v6;
	v6 =	vmul.f32 v10, v3  }
0xff: {  	v4 =	vmul.f32 v4, v3;
	v10 =	vand.u32 $0xFFFFFFFC, v12;
	[tilespmem:s18+$0x90] =	vst v5;
	v3 =	vmul.f32 v11, v3  }
0x100: {  	v5 =	vbroadcast v10, $0x0;
	[tilespmem:s18+$0xA0] =	vst v9  }
0x101: {  	[tilespmem:s18+$0xD0] =	vst v7  }
0x102: {  	v7 =	vld [tilespmem:s21+$0xFFFFFF50];
	[tilespmem:s18+$0xB0] =	vst v8  }
0x103: {  	v8 =	vld [tilespmem:s21+$0xFFFFFF30];
	[tilespmem:s18+$0xC0] =	vst v6  }
0x104: {  	v6 =	vld [tilespmem:s21+$0xFFFFFF60];
	[tilespmem:s18+$0xE0] =	vst v4  }
0x105: {  	v4 =	vld [tilespmem:s21+$0xFFFFFF70];
	[tilespmem:s18+$0xF0] =	vst v3;
	s18 =	smov.u32 s21  }
0x106: {  	v3 =	vld.idx.msk [tilespmem:v5+s15+$0x0], $0xffff  }
0x107: {  	v5 =	vld [tilespmem:s21+$0xFFFFFF00]  }
0x108: {  	v9 =	vld [tilespmem:s21+$0xFFFFFF20]  }
0x109: {  	v10 =	vld [tilespmem:s21+$0xFFFFFF10]  }
0x10a: {  	v11 =	vld [tilespmem:s21+$0xFFFFFF40];
	_ =	sdelay $0x1  }
0x10b: {  	v4 =	vmul.f32 v4, v3;
	v5 =	vmul.f32 v5, v3  }
0x10c: {  	s8 =	sadd.s32 $0xFFFFFFFE, s31;
	v6 =	vmul.f32 v6, v3;
	v9 =	vmul.f32 v9, v3  }
0x10d: {  	v8 =	vmul.f32 v8, v3;
	v10 =	vmul.f32 v10, v3;
	[tilespmem:s21+$0xFFFFFF70] =	vst v4;
	v4 =	vmov s8  }
0x10e: {  	[tilespmem:s21+$0xFFFFFF00] =	vst v5;
	v5 =	vmul.f32 v11, v3;
	v3 =	vmul.f32 v7, v3;
	v4 =	vand.u32 $0xFFFFFFFD, v4  }
0x10f: {  	[tilespmem:s21+$0xFFFFFF20] =	vst v9;
	v4 =	vbroadcast v4, $0x0  }
0x110: {  	[tilespmem:s21+$0xFFFFFF30] =	vst v8  }
0x111: {  	[tilespmem:s21+$0xFFFFFF50] =	vst v3;
	v3 =	vld [tilespmem:s21+$0xFFFFFFF0]  }
0x112: {  	[tilespmem:s21+$0xFFFFFF10] =	vst v10;
	v7 =	vld [tilespmem:s21+$0xFFFFFFD0]  }
0x113: {  	[tilespmem:s21+$0xFFFFFF60] =	vst v6;
	v6 =	vld [tilespmem:s21+$0xFFFFFFB0]  }
0x114: {  	[tilespmem:s21+$0xFFFFFF40] =	vst v5;
	v5 =	vld [tilespmem:s21+$0xFFFFFF90]  }
0x115: {  	v4 =	vld.idx.msk [tilespmem:v4+s15+$0x0], $0xffff  }
0x116: {  	v8 =	vld [tilespmem:s21+$0xFFFFFF80]  }
0x117: {  	v9 =	vld [tilespmem:s21+$0xFFFFFFA0]  }
0x118: {  	v10 =	vld [tilespmem:s21+$0xFFFFFFC0]  }
0x119: {  	v11 =	vld [tilespmem:s21+$0xFFFFFFE0];
	_ =	sdelay $0x1  }
0x11a: {  	v5 =	vmul.f32 v5, v4;
	v8 =	vmul.f32 v8, v4  }
0x11b: {  	s8 =	sadd.s32 $0xFFFFFFFF, s31;
	v6 =	vmul.f32 v6, v4;
	v9 =	vmul.f32 v9, v4  }
0x11c: {  	v7 =	vmul.f32 v7, v4;
	[tilespmem:s21+$0xFFFFFF80] =	vst v8;
	v8 =	vmul.f32 v10, v4;
	v10 =	vmov s8  }
0x11d: {  	v3 =	vmul.f32 v3, v4;
	[tilespmem:s21+$0xFFFFFFA0] =	vst v9;
	v9 =	vmul.f32 v11, v4;
	v4 =	vand.u32 $0xFFFFFFFE, v10  }
0x11e: {  	[tilespmem:s21+$0xFFFFFF90] =	vst v5;
	v5 =	vbroadcast v4, $0x0  }
0x11f: {  	[tilespmem:s21+$0xFFFFFFD0] =	vst v7  }
0x120: {  	[tilespmem:s21+$0xFFFFFFE0] =	vst v9  }
0x121: {  	[tilespmem:s21+$0xFFFFFFB0] =	vst v6  }
.Ltmp1:
0x122: {  	[tilespmem:s21+$0xFFFFFFF0] =	vst v3;
	v4 =	vld [tilespmem:s21+$0x20];
	(pc) =	sbr.rel @p1 .LBB2_5-.Ltmp1, $4  }
0x123: {  	[tilespmem:s21+$0xFFFFFFC0] =	vst v8;
	v6 =	vld [tilespmem:s21+$0x0]  }
0x124: {  	v3 =	vld.idx.msk [tilespmem:v5+s15+$0x0], $0xffff  }
0x125: {  	v5 =	vld [tilespmem:s21+$0x10]  }
0x126: {  	v7 =	vld [tilespmem:s21+$0x30]  }
0x127: {  	v8 =	vld [tilespmem:s18+$0x60];
	_ =	sdelay $0x1  }
0x128: {  	v6 =	vmul.f32 v6, v3  }
0x129: {  	v9 =	vld [tilespmem:s18+$0x50];
	v4 =	vmul.f32 v4, v3  }
0x12a: {  	v1 =	vmul.f32 v1, v3;
	[tilespmem:s18+$0x0] =	vst v6  }
0x12b: {  	[tilespmem:s18+$0x20] =	vst v4;
	v4 =	vmul.f32 v8, v3  }
0x12c: {  	v2 =	vmul.f32 v2, v3;
	[tilespmem:s18+$0x40] =	vst v1  }
0x12d: {  	v7 =	vmul.f32 v7, v3;
	[tilespmem:s18+$0x60] =	vst v4;
	v4 =	vmov s31  }
0x12e: {  	[tilespmem:s18+$0x70] =	vst v2;
	v6 =	vmul.f32 v9, v3  }
0x12f: {  	v3 =	vmul.f32 v5, v3;
	[tilespmem:s18+$0x30] =	vst v7  }
0x130: {  	[tilespmem:s18+$0x50] =	vst v6  }
0x131: {  	v7 =	vld [tilespmem:s18+$0x80];
	[tilespmem:s18+$0x10] =	vst v3  }
0x132: {  	v1 =	vld.idx.msk [tilespmem:v4+s15+$0x0], $0xffff  }
0x133: {  	v2 =	vld [tilespmem:s18+$0x90]  }
0x134: {  	v3 =	vld [tilespmem:s18+$0xA0]  }
0x135: {  	v4 =	vld [tilespmem:s18+$0xD0]  }
0x136: {  	v5 =	vld [tilespmem:s18+$0xB0]  }
0x137: {  	v6 =	vld [tilespmem:s18+$0xC0];
	v7 =	vmul.f32 v7, v1  }
0x138: {  	v8 =	vld [tilespmem:s18+$0xE0];
	v2 =	vmul.f32 v2, v1  }
0x139: {  	v60 =	vld [tilespmem:s18+$0xF0];
	v3 =	vmul.f32 v3, v1;
	[tilespmem:s18+$0x80] =	vst v7  }
0x13a: {  	v4 =	vmul.f32 v4, v1;
	[tilespmem:s18+$0x90] =	vst v2  }
0x13b: {  	v2 =	vmul.f32 v5, v1;
	[tilespmem:s18+$0xA0] =	vst v3  }
0x13c: {  	v3 =	vmul.f32 v6, v1;
	[tilespmem:s18+$0xD0] =	vst v4  }
0x13d: {  	v4 =	vmul.f32 v8, v1;
	[tilespmem:s18+$0xB0] =	vst v2  }
0x13e: {  	v1 =	vmul.f32 v60, v1;
	[tilespmem:s18+$0xC0] =	vst v3  }
0x13f: {  	[tilespmem:s18+$0xE0] =	vst v4  }
0x140: {  	[tilespmem:s18+$0xF0] =	vst v1  }
0x141: {  	v1 =	vld [tilespmem:$0x100]  }
0x142: {  	v2 =	vld [tilespmem:$0x110]  }
0x143: {  	v3 =	vld [tilespmem:$0x120]  }
0x144: {  	v4 =	vld [tilespmem:$0x130]  }
0x145: {  	v5 =	vld [tilespmem:$0x140]  }
0x146: {  	[tilespmem:$0x2A80] =	vst v1  }
0x147: {  	[tilespmem:$0x2A90] =	vst v2  }
0x148: {  	[tilespmem:$0x2AA0] =	vst v3  }
0x149: {  	s5 =	sadd.s32 s17, s22;
	[tilespmem:$0x2AB0] =	vst v4  }
0x14a: {  	s8 =	simm.s32 $0x2A80;
	s5 =	smul.u32 $0xA, s5;
	[tilespmem:$0x2AC0] =	vst v5  }
0x14b: {  	[spmem:s4] =	stream.indirect.scatter.add.f32 [tilespmem:s11], [sflag:$0x3], $0x80, s8, s30, $0xb8;
	[tilespmem:$0x1C100] =	vst v63  }
0x14c: {  	s21 =	sadd.s32 s1, s5  }
0x14d: {  	[tilespmem:s6], [sflag:$0x1] =	stream.linear.gather [hbm4b:s21+s6], $0x50, $0x38;
	[tilespmem:$0x1C100] =	vst v63  }
0x14e: {  	s18 =	sadd.s32 s2, s5;
	s21 =	simm.s32 $0x80  }
0x14f: {  	[tilespmem:s21], [sflag:$0x1] =	stream.linear.gather [hbm4b:s18+s6], $0x50, $0x38;
	[tilespmem:$0x1C100] =	vst v63  }
0x150: {  	s18 =	sadd.s32 s3, s5;
	s21 =	simm.s32 $0x100  }
0x151: {  	[tilespmem:s21], [sflag:$0x1] =	stream.linear.gather [hbm4b:s18+s6], $0x50, $0x38;
	[tilespmem:$0x1C100] =	vst v63  }
0x152: {  	s5 =	sadd.s32 s7, s5  }
0x153: {  	[tilespmem:s15], [sflag:$0x1] =	stream.linear.gather [hbm4b:s5+s6], $0x50, $0x38;
	[tilespmem:$0x1C100] =	vst v63  }
0x154: {  	_ =	swait.ge [sflag:s29], $0x50  }
0x155: {  	[sflag:s29] =	ssyncset.done $0x0  }
0x156: {  	[sflag:s29] =	ssyncadd.s32 $0xFFFFFFB0  }
0x157: {  	_ =	swait.ge [sflag:s29], $0x50  }
0x158: {  	[sflag:s29] =	ssyncset.done $0x0  }
0x159: {  	[sflag:s29] =	ssyncadd.s32 $0xFFFFFFB0  }
0x15a: {  	_ =	swait.ge [sflag:s29], $0x50  }
0x15b: {  	[sflag:s29] =	ssyncset.done $0x0  }
0x15c: {  	[sflag:s29] =	ssyncadd.s32 $0xFFFFFFB0  }
0x15d: {  	_ =	swait.ge [sflag:s29], $0x50  }
0x15e: {  	[sflag:s29] =	ssyncset.done $0x0  }
0x15f: {  	[sflag:s29] =	ssyncadd.s32 $0xFFFFFFB0  }
0x160: {  	v1 =	vld [tilespmem:$0x80]  }
0x161: {  	v2 =	vld [tilespmem:$0x0]  }
0x162: {  	v3 =	vld [tilespmem:$0x90]  }
0x163: {  	v4 =	vld [tilespmem:$0x10]  }
0x164: {  	v5 =	vld [tilespmem:$0xA0]  }
0x165: {  	v6 =	vld [tilespmem:$0x20]  }
0x166: {  	v7 =	vld [tilespmem:$0xB0]  }
0x167: {  	v8 =	vld [tilespmem:$0xC0]  }
0x168: {  	v61 =	vld [tilespmem:$0x30];
	v1 =	vmul.u32 $0x2710, v1  }
0x169: {  	v10 =	vld [tilespmem:$0x40];
	v3 =	vmul.u32 $0x2710, v3  }
0x16a: {  	v1 =	vadd.s32 v2, v1;
	v2 =	vmul.u32 $0x2710, v5  }
0x16b: {  	[tilespmem:$0x180] =	vst v1;
	v1 =	vadd.s32 v4, v3;
	v3 =	vmul.u32 $0x2710, v7  }
0x16c: {  	[tilespmem:$0x190] =	vst v1;
	v1 =	vadd.s32 v6, v2;
	v2 =	vmul.u32 $0x2710, v8  }
0x16d: {  	[tilespmem:$0x1A0] =	vst v1;
	v1 =	vadd.s32 v61, v3  }
0x16e: {  	[tilespmem:$0x1B0] =	vst v1;
	v1 =	vadd.s32 v10, v2  }
0x16f: {  	s31 =	simm.s32 $0x3;
	s18 =	simm.s32 $0x0;
	[tilespmem:$0x1C0] =	vst v1  }
0x170: {  	v1 =	vmov s18;
	_ =	swait.ge [sflag:s31], $0x2800  }
0x171: {  	v1 =	vand.u32 $0xFFFFFFFC, v1;
	[sflag:s31] =	ssyncset.done $0x0  }
0x172: {  	s21 =	simm.s32 $0x180;
	v1 =	vbroadcast v1, $0x0;
	[sflag:s31] =	ssyncadd.s32 $0xFFFFD800  }
0x173: {  	[tilespmem:s11], [sflag:$0x2] =	stream.indirect.gather [hbm4b:s28+s30], $0x80, s21, s30, $0xb8;
	[tilespmem:$0x1C100] =	vst v63  }
0x174: {  	_ =	swait.ge [sflag:s25], $0x2800  }
0x175: {  	[sflag:s25] =	ssyncset.done $0x0  }
0x176: {  	s18 =	simm.s32 $0x2E80;
	[sflag:s25] =	ssyncadd.s32 $0xFFFFD800  }
0x177: {  	v3 =	vld [tilespmem:s18+$0xFFFFFF70]  }
0x178: {  	v1 =	vld.idx.msk [tilespmem:v1+s19+$0x0], $0xffff  }
0x179: {  	v4 =	vld [tilespmem:s18+$0xFFFFFF00]  }
0x17a: {  	v5 =	vld [tilespmem:s18+$0xFFFFFF20]  }
0x17b: {  	v6 =	vld [tilespmem:s18+$0xFFFFFF30]  }
0x17c: {  	v2 =	vld [tilespmem:s18+$0xFFFFFF50]  }
0x17d: {  	v8 =	vld [tilespmem:s18+$0xFFFFFF10];
	v3 =	vmul.f32 v3, v1  }
0x17e: {  	s8 =	simm.s32 $0x1;
	v7 =	vld [tilespmem:s18+$0xFFFFFF60];
	v4 =	vmul.f32 v4, v1  }
0x17f: {  	v62 =	vld [tilespmem:s18+$0xFFFFFF40];
	v5 =	vmul.f32 v5, v1;
	[tilespmem:s18+$0xFFFFFF70] =	vst v3;
	v3 =	vmov s8  }
0x180: {  	v6 =	vmul.f32 v6, v1;
	[tilespmem:s18+$0xFFFFFF00] =	vst v4;
	v3 =	vand.u32 $0xFFFFFFFD, v3  }
0x181: {  	v2 =	vmul.f32 v2, v1;
	[tilespmem:s18+$0xFFFFFF20] =	vst v5;
	v3 =	vbroadcast v3, $0x0  }
0x182: {  	v4 =	vmul.f32 v8, v1;
	[tilespmem:s18+$0xFFFFFF30] =	vst v6  }
0x183: {  	v5 =	vmul.f32 v7, v1;
	[tilespmem:s18+$0xFFFFFF50] =	vst v2  }
0x184: {  	v1 =	vmul.f32 v62, v1;
	[tilespmem:s18+$0xFFFFFF10] =	vst v4  }
0x185: {  	[tilespmem:s18+$0xFFFFFF60] =	vst v5  }
0x186: {  	[tilespmem:s18+$0xFFFFFF40] =	vst v1;
	v1 =	vld [tilespmem:s18+$0xFFFFFF80]  }
0x187: {  	v3 =	vld.idx.msk [tilespmem:v3+s19+$0x0], $0xffff  }
0x188: {  	v2 =	vld [tilespmem:s18+$0xFFFFFFA0]  }
0x189: {  	v4 =	vld [tilespmem:s18+$0xFFFFFF90]  }
0x18a: {  	v5 =	vld [tilespmem:s18+$0xFFFFFFD0]  }
0x18b: {  	v6 =	vld [tilespmem:s18+$0xFFFFFFE0]  }
0x18c: {  	v7 =	vld [tilespmem:s18+$0xFFFFFFF0];
	v1 =	vmul.f32 v1, v3  }
0x18d: {  	s21 =	simm.s32 $0x2;
	v8 =	vld [tilespmem:s18+$0xFFFFFFB0];
	v2 =	vmul.f32 v2, v3  }
0x18e: {  	v63 =	vld [tilespmem:s18+$0xFFFFFFC0];
	v4 =	vmul.f32 v4, v3;
	[tilespmem:s18+$0xFFFFFF80] =	vst v1;
	v1 =	vmov s21  }
0x18f: {  	v5 =	vmul.f32 v5, v3;
	[tilespmem:s18+$0xFFFFFFA0] =	vst v2;
	v1 =	vand.u32 $0xFFFFFFFE, v1  }
0x190: {  	v2 =	vmul.f32 v6, v3;
	[tilespmem:s18+$0xFFFFFF90] =	vst v4;
	v4 =	vbroadcast v1, $0x0  }
0x191: {  	v6 =	vmul.f32 v7, v3;
	[tilespmem:s18+$0xFFFFFFD0] =	vst v5;
	v7 =	vld [tilespmem:s18+$0x30]  }
0x192: {  	v5 =	vmul.f32 v8, v3;
	v1 =	vld [tilespmem:s18+$0x40];
	[tilespmem:s18+$0xFFFFFFE0] =	vst v2  }
0x193: {  	v3 =	vmul.f32 v63, v3;
	v2 =	vld [tilespmem:s18+$0x70];
	[tilespmem:s18+$0xFFFFFFF0] =	vst v6  }
0x194: {  	[tilespmem:s18+$0xFFFFFFB0] =	vst v5;
	v5 =	vld [tilespmem:s18+$0x20]  }
0x195: {  	[tilespmem:s18+$0xFFFFFFC0] =	vst v3;
	v6 =	vld [tilespmem:s18+$0x0]  }
0x196: {  	v3 =	vld.idx.msk [tilespmem:v4+s19+$0x0], $0xffff  }
0x197: {  	s5 =	simm.s32 $0x7;
	s21 =	simm.s32 $0x2E80;
	v4 =	vld [tilespmem:s18+$0x10]  }
.LBB2_7:
0x198: {  	p1 =	sne.s32 s5, $0x4F  }
0x199: {  	v8 =	vld [tilespmem:s18+$0x50];
	s21 =	sadd.s32 $0x200, s21;
	s8 =	smov.u32 s5;
	s5 =	sadd.s32 $0x4, s5  }
0x19a: {  	v9 =	vld [tilespmem:s18+$0x60];
	_ =	sdelay $0x1  }
0x19b: {  	v6 =	vmul.f32 v6, v3;
	v4 =	vmul.f32 v4, v3  }
0x19c: {  	v5 =	vmul.f32 v5, v3;
	v7 =	vmul.f32 v7, v3  }
0x19d: {  	v1 =	vmul.f32 v1, v3;
	v2 =	vmul.f32 v2, v3;
	[tilespmem:s18+$0x0] =	vst v6  }
0x19e: {  	[tilespmem:s18+$0x20] =	vst v5;
	v5 =	vmul.f32 v8, v3;
	v3 =	vmul.f32 v9, v3  }
0x19f: {  	[tilespmem:s18+$0x30] =	vst v7;
	v6 =	vld [tilespmem:s18+$0x80]  }
0x1a0: {  	[tilespmem:s18+$0x60] =	vst v3;
	v3 =	vmov s31;
	v7 =	vld [tilespmem:s18+$0xD0];
	s31 =	smov.u32 s8  }
0x1a1: {  	[tilespmem:s18+$0x50] =	vst v5;
	v5 =	vld [tilespmem:s18+$0xE0]  }
0x1a2: {  	[tilespmem:s18+$0x40] =	vst v1;
	v8 =	vld [tilespmem:s18+$0xB0]  }
0x1a3: {  	v1 =	vld [tilespmem:s21+$0x40];
	[tilespmem:s18+$0x70] =	vst v2  }
0x1a4: {  	v2 =	vld [tilespmem:s21+$0x70];
	[tilespmem:s18+$0x10] =	vst v4  }
0x1a5: {  	v3 =	vld.idx.msk [tilespmem:v3+s19+$0x0], $0xffff  }
0x1a6: {  	v4 =	vld [tilespmem:s18+$0x90]  }
0x1a7: {  	v9 =	vld [tilespmem:s18+$0xA0]  }
0x1a8: {  	v10 =	vld [tilespmem:s18+$0xC0]  }
0x1a9: {  	v11 =	vld [tilespmem:s18+$0xF0];
	_ =	sdelay $0x1  }
0x1aa: {  	v6 =	vmul.f32 v6, v3;
	v4 =	vmul.f32 v4, v3  }
0x1ab: {  	s8 =	sadd.s32 $0xFFFFFFFD, s31;
	v8 =	vmul.f32 v8, v3;
	v9 =	vmul.f32 v9, v3  }
0x1ac: {  	v12 =	vmov s8;
	v7 =	vmul.f32 v7, v3;
	[tilespmem:s18+$0x80] =	vst v6;
	v6 =	vmul.f32 v10, v3  }
0x1ad: {  	v10 =	vand.u32 $0xFFFFFFFC, v12;
	[tilespmem:s18+$0x90] =	vst v4;
	v4 =	vmul.f32 v5, v3;
	v3 =	vmul.f32 v11, v3  }
0x1ae: {  	v5 =	vbroadcast v10, $0x0;
	[tilespmem:s18+$0xA0] =	vst v9  }
0x1af: {  	[tilespmem:s18+$0xD0] =	vst v7  }
0x1b0: {  	v7 =	vld [tilespmem:s21+$0xFFFFFF50];
	[tilespmem:s18+$0xB0] =	vst v8  }
0x1b1: {  	v8 =	vld [tilespmem:s21+$0xFFFFFF30];
	[tilespmem:s18+$0xC0] =	vst v6  }
0x1b2: {  	v6 =	vld [tilespmem:s21+$0xFFFFFF60];
	[tilespmem:s18+$0xE0] =	vst v4  }
0x1b3: {  	v4 =	vld [tilespmem:s21+$0xFFFFFF70];
	[tilespmem:s18+$0xF0] =	vst v3;
	s18 =	smov.u32 s21  }
0x1b4: {  	v3 =	vld.idx.msk [tilespmem:v5+s19+$0x0], $0xffff  }
0x1b5: {  	v5 =	vld [tilespmem:s21+$0xFFFFFF00]  }
0x1b6: {  	v9 =	vld [tilespmem:s21+$0xFFFFFF20]  }
0x1b7: {  	v10 =	vld [tilespmem:s21+$0xFFFFFF10]  }
0x1b8: {  	v11 =	vld [tilespmem:s21+$0xFFFFFF40];
	_ =	sdelay $0x1  }
0x1b9: {  	v4 =	vmul.f32 v4, v3;
	v5 =	vmul.f32 v5, v3  }
0x1ba: {  	s8 =	sadd.s32 $0xFFFFFFFE, s31;
	v6 =	vmul.f32 v6, v3;
	v9 =	vmul.f32 v9, v3  }
0x1bb: {  	v8 =	vmul.f32 v8, v3;
	v10 =	vmul.f32 v10, v3;
	[tilespmem:s21+$0xFFFFFF70] =	vst v4;
	v4 =	vmov s8  }
0x1bc: {  	[tilespmem:s21+$0xFFFFFF00] =	vst v5;
	v5 =	vmul.f32 v11, v3;
	v3 =	vmul.f32 v7, v3;
	v4 =	vand.u32 $0xFFFFFFFD, v4  }
0x1bd: {  	[tilespmem:s21+$0xFFFFFF20] =	vst v9;
	v4 =	vbroadcast v4, $0x0  }
0x1be: {  	[tilespmem:s21+$0xFFFFFF30] =	vst v8  }
0x1bf: {  	[tilespmem:s21+$0xFFFFFF50] =	vst v3;
	v3 =	vld [tilespmem:s21+$0xFFFFFFF0]  }
0x1c0: {  	[tilespmem:s21+$0xFFFFFF10] =	vst v10;
	v7 =	vld [tilespmem:s21+$0xFFFFFFD0]  }
0x1c1: {  	[tilespmem:s21+$0xFFFFFF60] =	vst v6;
	v6 =	vld [tilespmem:s21+$0xFFFFFFB0]  }
0x1c2: {  	[tilespmem:s21+$0xFFFFFF40] =	vst v5;
	v5 =	vld [tilespmem:s21+$0xFFFFFF90]  }
0x1c3: {  	v4 =	vld.idx.msk [tilespmem:v4+s19+$0x0], $0xffff  }
0x1c4: {  	v8 =	vld [tilespmem:s21+$0xFFFFFF80]  }
0x1c5: {  	v9 =	vld [tilespmem:s21+$0xFFFFFFA0]  }
0x1c6: {  	v10 =	vld [tilespmem:s21+$0xFFFFFFC0]  }
0x1c7: {  	v11 =	vld [tilespmem:s21+$0xFFFFFFE0];
	_ =	sdelay $0x1  }
0x1c8: {  	v5 =	vmul.f32 v5, v4;
	v8 =	vmul.f32 v8, v4  }
0x1c9: {  	s8 =	sadd.s32 $0xFFFFFFFF, s31;
	v6 =	vmul.f32 v6, v4;
	v9 =	vmul.f32 v9, v4  }
0x1ca: {  	v7 =	vmul.f32 v7, v4;
	[tilespmem:s21+$0xFFFFFF80] =	vst v8;
	v8 =	vmul.f32 v10, v4;
	v10 =	vmov s8  }
0x1cb: {  	v3 =	vmul.f32 v3, v4;
	[tilespmem:s21+$0xFFFFFFA0] =	vst v9;
	v9 =	vmul.f32 v11, v4;
	v4 =	vand.u32 $0xFFFFFFFE, v10  }
0x1cc: {  	[tilespmem:s21+$0xFFFFFF90] =	vst v5;
	v4 =	vbroadcast v4, $0x0  }
0x1cd: {  	[tilespmem:s21+$0xFFFFFFD0] =	vst v7  }
0x1ce: {  	[tilespmem:s21+$0xFFFFFFE0] =	vst v9  }
0x1cf: {  	[tilespmem:s21+$0xFFFFFFB0] =	vst v6  }
.Ltmp2:
0x1d0: {  	[tilespmem:s21+$0xFFFFFFF0] =	vst v3;
	v5 =	vld [tilespmem:s21+$0x20];
	(pc) =	sbr.rel @p1 .LBB2_7-.Ltmp2, $4  }
0x1d1: {  	[tilespmem:s21+$0xFFFFFFC0] =	vst v8;
	v6 =	vld [tilespmem:s21+$0x0]  }
0x1d2: {  	v3 =	vld.idx.msk [tilespmem:v4+s19+$0x0], $0xffff  }
0x1d3: {  	v4 =	vld [tilespmem:s21+$0x10]  }
0x1d4: {  	v7 =	vld [tilespmem:s21+$0x30]  }
0x1d5: {  	v8 =	vld [tilespmem:s18+$0x60];
	_ =	sdelay $0x1  }
0x1d6: {  	v6 =	vmul.f32 v6, v3  }
0x1d7: {  	v9 =	vld [tilespmem:s18+$0x50];
	v5 =	vmul.f32 v5, v3  }
0x1d8: {  	v1 =	vmul.f32 v1, v3;
	[tilespmem:s18+$0x0] =	vst v6  }
0x1d9: {  	[tilespmem:s18+$0x20] =	vst v5;
	v5 =	vmul.f32 v8, v3  }
0x1da: {  	v2 =	vmul.f32 v2, v3;
	[tilespmem:s18+$0x40] =	vst v1  }
0x1db: {  	v7 =	vmul.f32 v7, v3;
	[tilespmem:s18+$0x60] =	vst v5;
	v5 =	vmov s31  }
0x1dc: {  	[tilespmem:s18+$0x70] =	vst v2;
	v6 =	vmul.f32 v9, v3  }
0x1dd: {  	v3 =	vmul.f32 v4, v3;
	[tilespmem:s18+$0x30] =	vst v7  }
0x1de: {  	[tilespmem:s18+$0x50] =	vst v6  }
0x1df: {  	v7 =	vld [tilespmem:s18+$0x80];
	[tilespmem:s18+$0x10] =	vst v3  }
0x1e0: {  	v1 =	vld.idx.msk [tilespmem:v5+s19+$0x0], $0xffff  }
0x1e1: {  	v2 =	vld [tilespmem:s18+$0x90]  }
0x1e2: {  	v3 =	vld [tilespmem:s18+$0xA0]  }
0x1e3: {  	v4 =	vld [tilespmem:s18+$0xD0]  }
0x1e4: {  	v5 =	vld [tilespmem:s18+$0xB0]  }
0x1e5: {  	v6 =	vld [tilespmem:s18+$0xC0];
	v7 =	vmul.f32 v7, v1  }
0x1e6: {  	v8 =	vld [tilespmem:s18+$0xE0];
	v2 =	vmul.f32 v2, v1  }
0x1e7: {  	v60 =	vld [tilespmem:s18+$0xF0];
	v3 =	vmul.f32 v3, v1;
	[tilespmem:s18+$0x80] =	vst v7  }
0x1e8: {  	v4 =	vmul.f32 v4, v1;
	[tilespmem:s18+$0x90] =	vst v2  }
0x1e9: {  	v2 =	vmul.f32 v5, v1;
	[tilespmem:s18+$0xA0] =	vst v3  }
0x1ea: {  	v3 =	vmul.f32 v6, v1;
	[tilespmem:s18+$0xD0] =	vst v4  }
0x1eb: {  	v4 =	vmul.f32 v8, v1;
	[tilespmem:s18+$0xB0] =	vst v2  }
0x1ec: {  	v1 =	vmul.f32 v60, v1;
	[tilespmem:s18+$0xC0] =	vst v3  }
0x1ed: {  	[tilespmem:s18+$0xE0] =	vst v4  }
0x1ee: {  	[tilespmem:s18+$0xF0] =	vst v1  }
0x1ef: {  	v1 =	vld [tilespmem:$0x2C00]  }
0x1f0: {  	v2 =	vld [tilespmem:$0x2C10]  }
0x1f1: {  	v3 =	vld [tilespmem:$0x2C20]  }
0x1f2: {  	v4 =	vld [tilespmem:$0x2C30]  }
0x1f3: {  	v5 =	vld [tilespmem:$0x2C40]  }
0x1f4: {  	[tilespmem:$0x5580] =	vst v1  }
0x1f5: {  	[tilespmem:$0x5590] =	vst v2  }
0x1f6: {  	[tilespmem:$0x55A0] =	vst v3  }
0x1f7: {  	s5 =	sadd.s32 s17, s23;
	[tilespmem:$0x55B0] =	vst v4  }
0x1f8: {  	s8 =	simm.s32 $0x5580;
	s5 =	smul.u32 $0xA, s5;
	[tilespmem:$0x55C0] =	vst v5  }
0x1f9: {  	[spmem:s4] =	stream.indirect.scatter.add.f32 [tilespmem:s9], [sflag:$0x6], $0x80, s8, s30, $0xb8;
	[tilespmem:$0x1C100] =	vst v63  }
0x1fa: {  	s21 =	simm.s32 $0x2B00;
	s18 =	sadd.s32 s1, s5  }
0x1fb: {  	[tilespmem:s21], [sflag:$0x4] =	stream.linear.gather [hbm4b:s18+s6], $0x50, $0x38;
	[tilespmem:$0x1C100] =	vst v63  }
0x1fc: {  	s18 =	sadd.s32 s2, s5;
	s21 =	simm.s32 $0x2B80  }
0x1fd: {  	[tilespmem:s21], [sflag:$0x4] =	stream.linear.gather [hbm4b:s18+s6], $0x50, $0x38;
	[tilespmem:$0x1C100] =	vst v63  }
0x1fe: {  	s18 =	sadd.s32 s3, s5;
	s21 =	simm.s32 $0x2C00  }
0x1ff: {  	[tilespmem:s21], [sflag:$0x4] =	stream.linear.gather [hbm4b:s18+s6], $0x50, $0x38;
	[tilespmem:$0x1C100] =	vst v63  }
0x200: {  	s5 =	sadd.s32 s7, s5  }
0x201: {  	[tilespmem:s19], [sflag:$0x4] =	stream.linear.gather [hbm4b:s5+s6], $0x50, $0x38;
	[tilespmem:$0x1C100] =	vst v63  }
0x202: {  	_ =	swait.ge [sflag:s0], $0x50  }
0x203: {  	[sflag:s0] =	ssyncset.done $0x0  }
0x204: {  	[sflag:s0] =	ssyncadd.s32 $0xFFFFFFB0  }
0x205: {  	_ =	swait.ge [sflag:s0], $0x50  }
0x206: {  	[sflag:s0] =	ssyncset.done $0x0  }
0x207: {  	[sflag:s0] =	ssyncadd.s32 $0xFFFFFFB0  }
0x208: {  	_ =	swait.ge [sflag:s0], $0x50  }
0x209: {  	[sflag:s0] =	ssyncset.done $0x0  }
0x20a: {  	[sflag:s0] =	ssyncadd.s32 $0xFFFFFFB0  }
0x20b: {  	_ =	swait.ge [sflag:s0], $0x50  }
0x20c: {  	[sflag:s0] =	ssyncset.done $0x0  }
0x20d: {  	[sflag:s0] =	ssyncadd.s32 $0xFFFFFFB0  }
0x20e: {  	v1 =	vld [tilespmem:$0x2B80]  }
0x20f: {  	v2 =	vld [tilespmem:$0x2B00]  }
0x210: {  	v3 =	vld [tilespmem:$0x2B90]  }
0x211: {  	v4 =	vld [tilespmem:$0x2B10]  }
0x212: {  	v5 =	vld [tilespmem:$0x2BA0]  }
0x213: {  	v6 =	vld [tilespmem:$0x2B20]  }
0x214: {  	v7 =	vld [tilespmem:$0x2BB0]  }
0x215: {  	v8 =	vld [tilespmem:$0x2BC0]  }
0x216: {  	v61 =	vld [tilespmem:$0x2B30];
	v1 =	vmul.u32 $0x2710, v1  }
0x217: {  	v10 =	vld [tilespmem:$0x2B40];
	v3 =	vmul.u32 $0x2710, v3  }
0x218: {  	v1 =	vadd.s32 v2, v1;
	v2 =	vmul.u32 $0x2710, v5  }
0x219: {  	[tilespmem:$0x2C80] =	vst v1;
	v1 =	vadd.s32 v4, v3;
	v3 =	vmul.u32 $0x2710, v7  }
0x21a: {  	[tilespmem:$0x2C90] =	vst v1;
	v1 =	vadd.s32 v6, v2;
	v2 =	vmul.u32 $0x2710, v8  }
0x21b: {  	[tilespmem:$0x2CA0] =	vst v1;
	v1 =	vadd.s32 v61, v3  }
0x21c: {  	[tilespmem:$0x2CB0] =	vst v1;
	v1 =	vadd.s32 v10, v2  }
0x21d: {  	s18 =	simm.s32 $0x0;
	[tilespmem:$0x2CC0] =	vst v1  }
0x21e: {  	v1 =	vmov s18;
	_ =	swait.ge [sflag:s13], $0x2800  }
0x21f: {  	v1 =	vand.u32 $0xFFFFFFFC, v1;
	[sflag:s13] =	ssyncset.done $0x0  }
0x220: {  	s21 =	simm.s32 $0x2C80;
	v1 =	vbroadcast v1, $0x0;
	[sflag:s13] =	ssyncadd.s32 $0xFFFFD800  }
0x221: {  	[tilespmem:s9], [sflag:$0x5] =	stream.indirect.gather [hbm4b:s28+s30], $0x80, s21, s30, $0xb8;
	[tilespmem:$0x1C100] =	vst v63  }
0x222: {  	_ =	swait.ge [sflag:s14], $0x2800  }
0x223: {  	[sflag:s14] =	ssyncset.done $0x0  }
0x224: {  	s18 =	simm.s32 $0x5980;
	[sflag:s14] =	ssyncadd.s32 $0xFFFFD800  }
0x225: {  	v3 =	vld [tilespmem:s18+$0xFFFFFF70]  }
0x226: {  	v1 =	vld.idx.msk [tilespmem:v1+s26+$0x0], $0xffff  }
0x227: {  	v4 =	vld [tilespmem:s18+$0xFFFFFF00]  }
0x228: {  	v5 =	vld [tilespmem:s18+$0xFFFFFF20]  }
0x229: {  	v6 =	vld [tilespmem:s18+$0xFFFFFF30]  }
0x22a: {  	v2 =	vld [tilespmem:s18+$0xFFFFFF50]  }
0x22b: {  	v8 =	vld [tilespmem:s18+$0xFFFFFF10];
	v3 =	vmul.f32 v3, v1  }
0x22c: {  	s8 =	simm.s32 $0x1;
	v7 =	vld [tilespmem:s18+$0xFFFFFF60];
	v4 =	vmul.f32 v4, v1  }
0x22d: {  	v62 =	vld [tilespmem:s18+$0xFFFFFF40];
	v5 =	vmul.f32 v5, v1;
	[tilespmem:s18+$0xFFFFFF70] =	vst v3;
	v3 =	vmov s8  }
0x22e: {  	v6 =	vmul.f32 v6, v1;
	[tilespmem:s18+$0xFFFFFF00] =	vst v4;
	v3 =	vand.u32 $0xFFFFFFFD, v3  }
0x22f: {  	v2 =	vmul.f32 v2, v1;
	[tilespmem:s18+$0xFFFFFF20] =	vst v5;
	v3 =	vbroadcast v3, $0x0  }
0x230: {  	v4 =	vmul.f32 v8, v1;
	[tilespmem:s18+$0xFFFFFF30] =	vst v6  }
0x231: {  	v5 =	vmul.f32 v7, v1;
	[tilespmem:s18+$0xFFFFFF50] =	vst v2  }
0x232: {  	v1 =	vmul.f32 v62, v1;
	[tilespmem:s18+$0xFFFFFF10] =	vst v4  }
0x233: {  	[tilespmem:s18+$0xFFFFFF60] =	vst v5  }
0x234: {  	[tilespmem:s18+$0xFFFFFF40] =	vst v1;
	v1 =	vld [tilespmem:s18+$0xFFFFFF80]  }
0x235: {  	v3 =	vld.idx.msk [tilespmem:v3+s26+$0x0], $0xffff  }
0x236: {  	v2 =	vld [tilespmem:s18+$0xFFFFFFA0]  }
0x237: {  	v4 =	vld [tilespmem:s18+$0xFFFFFF90]  }
0x238: {  	v5 =	vld [tilespmem:s18+$0xFFFFFFD0]  }
0x239: {  	v6 =	vld [tilespmem:s18+$0xFFFFFFE0]  }
0x23a: {  	v7 =	vld [tilespmem:s18+$0xFFFFFFF0];
	v1 =	vmul.f32 v1, v3  }
0x23b: {  	s21 =	simm.s32 $0x2;
	v8 =	vld [tilespmem:s18+$0xFFFFFFB0];
	v2 =	vmul.f32 v2, v3  }
0x23c: {  	v63 =	vld [tilespmem:s18+$0xFFFFFFC0];
	v4 =	vmul.f32 v4, v3;
	[tilespmem:s18+$0xFFFFFF80] =	vst v1;
	v1 =	vmov s21  }
0x23d: {  	v5 =	vmul.f32 v5, v3;
	[tilespmem:s18+$0xFFFFFFA0] =	vst v2;
	v1 =	vand.u32 $0xFFFFFFFE, v1  }
0x23e: {  	v2 =	vmul.f32 v6, v3;
	[tilespmem:s18+$0xFFFFFF90] =	vst v4;
	v4 =	vbroadcast v1, $0x0  }
0x23f: {  	v6 =	vmul.f32 v7, v3;
	[tilespmem:s18+$0xFFFFFFD0] =	vst v5;
	v7 =	vld [tilespmem:s18+$0x30]  }
0x240: {  	v5 =	vmul.f32 v8, v3;
	v1 =	vld [tilespmem:s18+$0x40];
	[tilespmem:s18+$0xFFFFFFE0] =	vst v2  }
0x241: {  	v3 =	vmul.f32 v63, v3;
	v2 =	vld [tilespmem:s18+$0x70];
	[tilespmem:s18+$0xFFFFFFF0] =	vst v6  }
0x242: {  	[tilespmem:s18+$0xFFFFFFB0] =	vst v5;
	v5 =	vld [tilespmem:s18+$0x20]  }
0x243: {  	[tilespmem:s18+$0xFFFFFFC0] =	vst v3;
	v6 =	vld [tilespmem:s18+$0x0]  }
0x244: {  	v3 =	vld.idx.msk [tilespmem:v4+s26+$0x0], $0xffff  }
0x245: {  	s31 =	simm.s32 $0x3;
	s5 =	simm.s32 $0x7;
	s21 =	simm.s32 $0x5980;
	v4 =	vld [tilespmem:s18+$0x10]  }
.LBB2_9:
0x246: {  	p1 =	sne.s32 s5, $0x4F  }
0x247: {  	v8 =	vld [tilespmem:s18+$0x50];
	s21 =	sadd.s32 $0x200, s21;
	s8 =	smov.u32 s5;
	s5 =	sadd.s32 $0x4, s5  }
0x248: {  	v9 =	vld [tilespmem:s18+$0x60];
	_ =	sdelay $0x1  }
0x249: {  	v6 =	vmul.f32 v6, v3;
	v4 =	vmul.f32 v4, v3  }
0x24a: {  	v5 =	vmul.f32 v5, v3;
	v7 =	vmul.f32 v7, v3  }
0x24b: {  	v1 =	vmul.f32 v1, v3;
	v2 =	vmul.f32 v2, v3;
	[tilespmem:s18+$0x0] =	vst v6  }
0x24c: {  	[tilespmem:s18+$0x20] =	vst v5;
	v5 =	vmul.f32 v8, v3;
	v3 =	vmul.f32 v9, v3  }
0x24d: {  	[tilespmem:s18+$0x30] =	vst v7;
	v6 =	vld [tilespmem:s18+$0x80]  }
0x24e: {  	[tilespmem:s18+$0x60] =	vst v3;
	v3 =	vmov s31;
	v7 =	vld [tilespmem:s18+$0xD0];
	s31 =	smov.u32 s8  }
0x24f: {  	[tilespmem:s18+$0x50] =	vst v5;
	v5 =	vld [tilespmem:s18+$0xE0]  }
0x250: {  	[tilespmem:s18+$0x40] =	vst v1;
	v8 =	vld [tilespmem:s18+$0xB0]  }
0x251: {  	v1 =	vld [tilespmem:s21+$0x40];
	[tilespmem:s18+$0x70] =	vst v2  }
0x252: {  	v2 =	vld [tilespmem:s21+$0x70];
	[tilespmem:s18+$0x10] =	vst v4  }
0x253: {  	v3 =	vld.idx.msk [tilespmem:v3+s26+$0x0], $0xffff  }
0x254: {  	v4 =	vld [tilespmem:s18+$0x90]  }
0x255: {  	v9 =	vld [tilespmem:s18+$0xA0]  }
0x256: {  	v10 =	vld [tilespmem:s18+$0xC0]  }
0x257: {  	v11 =	vld [tilespmem:s18+$0xF0];
	_ =	sdelay $0x1  }
0x258: {  	v6 =	vmul.f32 v6, v3;
	v4 =	vmul.f32 v4, v3  }
0x259: {  	s8 =	sadd.s32 $0xFFFFFFFD, s31;
	v8 =	vmul.f32 v8, v3;
	v9 =	vmul.f32 v9, v3  }
0x25a: {  	v12 =	vmov s8;
	v7 =	vmul.f32 v7, v3;
	[tilespmem:s18+$0x80] =	vst v6;
	v6 =	vmul.f32 v10, v3  }
0x25b: {  	v10 =	vand.u32 $0xFFFFFFFC, v12;
	[tilespmem:s18+$0x90] =	vst v4;
	v4 =	vmul.f32 v5, v3;
	v3 =	vmul.f32 v11, v3  }
0x25c: {  	v5 =	vbroadcast v10, $0x0;
	[tilespmem:s18+$0xA0] =	vst v9  }
0x25d: {  	[tilespmem:s18+$0xD0] =	vst v7  }
0x25e: {  	v7 =	vld [tilespmem:s21+$0xFFFFFF50];
	[tilespmem:s18+$0xB0] =	vst v8  }
0x25f: {  	v8 =	vld [tilespmem:s21+$0xFFFFFF30];
	[tilespmem:s18+$0xC0] =	vst v6  }
0x260: {  	v6 =	vld [tilespmem:s21+$0xFFFFFF60];
	[tilespmem:s18+$0xE0] =	vst v4  }
0x261: {  	v4 =	vld [tilespmem:s21+$0xFFFFFF70];
	[tilespmem:s18+$0xF0] =	vst v3;
	s18 =	smov.u32 s21  }
0x262: {  	v3 =	vld.idx.msk [tilespmem:v5+s26+$0x0], $0xffff  }
0x263: {  	v5 =	vld [tilespmem:s21+$0xFFFFFF00]  }
0x264: {  	v9 =	vld [tilespmem:s21+$0xFFFFFF20]  }
0x265: {  	v10 =	vld [tilespmem:s21+$0xFFFFFF10]  }
0x266: {  	v11 =	vld [tilespmem:s21+$0xFFFFFF40];
	_ =	sdelay $0x1  }
0x267: {  	v4 =	vmul.f32 v4, v3;
	v5 =	vmul.f32 v5, v3  }
0x268: {  	s8 =	sadd.s32 $0xFFFFFFFE, s31;
	v6 =	vmul.f32 v6, v3;
	v9 =	vmul.f32 v9, v3  }
0x269: {  	v8 =	vmul.f32 v8, v3;
	v10 =	vmul.f32 v10, v3;
	[tilespmem:s21+$0xFFFFFF70] =	vst v4;
	v4 =	vmov s8  }
0x26a: {  	[tilespmem:s21+$0xFFFFFF00] =	vst v5;
	v5 =	vmul.f32 v11, v3;
	v3 =	vmul.f32 v7, v3;
	v4 =	vand.u32 $0xFFFFFFFD, v4  }
0x26b: {  	[tilespmem:s21+$0xFFFFFF20] =	vst v9;
	v4 =	vbroadcast v4, $0x0  }
0x26c: {  	[tilespmem:s21+$0xFFFFFF30] =	vst v8  }
0x26d: {  	[tilespmem:s21+$0xFFFFFF50] =	vst v3;
	v3 =	vld [tilespmem:s21+$0xFFFFFFF0]  }
0x26e: {  	[tilespmem:s21+$0xFFFFFF10] =	vst v10;
	v7 =	vld [tilespmem:s21+$0xFFFFFFD0]  }
0x26f: {  	[tilespmem:s21+$0xFFFFFF60] =	vst v6;
	v6 =	vld [tilespmem:s21+$0xFFFFFFB0]  }
0x270: {  	[tilespmem:s21+$0xFFFFFF40] =	vst v5;
	v5 =	vld [tilespmem:s21+$0xFFFFFF90]  }
0x271: {  	v4 =	vld.idx.msk [tilespmem:v4+s26+$0x0], $0xffff  }
0x272: {  	v8 =	vld [tilespmem:s21+$0xFFFFFF80]  }
0x273: {  	v9 =	vld [tilespmem:s21+$0xFFFFFFA0]  }
0x274: {  	v10 =	vld [tilespmem:s21+$0xFFFFFFC0]  }
0x275: {  	v11 =	vld [tilespmem:s21+$0xFFFFFFE0];
	_ =	sdelay $0x1  }
0x276: {  	v5 =	vmul.f32 v5, v4;
	v8 =	vmul.f32 v8, v4  }
0x277: {  	s8 =	sadd.s32 $0xFFFFFFFF, s31;
	v6 =	vmul.f32 v6, v4;
	v9 =	vmul.f32 v9, v4  }
0x278: {  	v7 =	vmul.f32 v7, v4;
	[tilespmem:s21+$0xFFFFFF80] =	vst v8;
	v8 =	vmul.f32 v10, v4;
	v10 =	vmov s8  }
0x279: {  	v3 =	vmul.f32 v3, v4;
	[tilespmem:s21+$0xFFFFFFA0] =	vst v9;
	v9 =	vmul.f32 v11, v4;
	v4 =	vand.u32 $0xFFFFFFFE, v10  }
0x27a: {  	[tilespmem:s21+$0xFFFFFF90] =	vst v5;
	v4 =	vbroadcast v4, $0x0  }
0x27b: {  	[tilespmem:s21+$0xFFFFFFD0] =	vst v7  }
0x27c: {  	[tilespmem:s21+$0xFFFFFFE0] =	vst v9  }
0x27d: {  	[tilespmem:s21+$0xFFFFFFB0] =	vst v6  }
.Ltmp3:
0x27e: {  	[tilespmem:s21+$0xFFFFFFF0] =	vst v3;
	v5 =	vld [tilespmem:s21+$0x20];
	(pc) =	sbr.rel @p1 .LBB2_9-.Ltmp3, $4  }
0x27f: {  	[tilespmem:s21+$0xFFFFFFC0] =	vst v8;
	v6 =	vld [tilespmem:s21+$0x0]  }
0x280: {  	v3 =	vld.idx.msk [tilespmem:v4+s26+$0x0], $0xffff  }
0x281: {  	v4 =	vld [tilespmem:s21+$0x10]  }
0x282: {  	v7 =	vld [tilespmem:s21+$0x30]  }
0x283: {  	_ =	sdelay $0x1  }
0x284: {  	v8 =	vld [tilespmem:s18+$0x60];
	v6 =	vmul.f32 v6, v3  }
0x285: {  	v9 =	vld [tilespmem:s18+$0x50];
	v5 =	vmul.f32 v5, v3  }
0x286: {  	v1 =	vmul.f32 v1, v3;
	[tilespmem:s18+$0x0] =	vst v6  }
0x287: {  	v2 =	vmul.f32 v2, v3;
	[tilespmem:s18+$0x20] =	vst v5  }
0x288: {  	v7 =	vmul.f32 v7, v3;
	[tilespmem:s18+$0x40] =	vst v1  }
0x289: {  	v56 =	vmov s31;
	[tilespmem:s18+$0x70] =	vst v2;
	v53 =	vmul.f32 v8, v3  }
0x28a: {  	v54 =	vmul.f32 v9, v3;
	[tilespmem:s18+$0x30] =	vst v7  }
0x28b: {  	v3 =	vmul.f32 v4, v3;
	[tilespmem:s18+$0x60] =	vst v53  }
0x28c: {  	[tilespmem:s18+$0x50] =	vst v54  }
0x28d: {  	v55 =	vld [tilespmem:s18+$0x80];
	[tilespmem:s18+$0x10] =	vst v3  }
0x28e: {  	v1 =	vld.idx.msk [tilespmem:v56+s26+$0x0], $0xffff  }
0x28f: {  	v2 =	vld [tilespmem:s18+$0x90]  }
0x290: {  	v3 =	vld [tilespmem:s18+$0xA0]  }
0x291: {  	v57 =	vld [tilespmem:s18+$0xD0]  }
0x292: {  	v60 =	vld [tilespmem:s18+$0xE0]  }
0x293: {  	v58 =	vld [tilespmem:s18+$0xB0];
	v7 =	vmul.f32 v55, v1  }
0x294: {  	v59 =	vld [tilespmem:s18+$0xC0];
	v2 =	vmul.f32 v2, v1  }
0x295: {  	v61 =	vld [tilespmem:s18+$0xF0];
	v3 =	vmul.f32 v3, v1;
	[tilespmem:s18+$0x80] =	vst v7  }
0x296: {  	v4 =	vmul.f32 v57, v1;
	[tilespmem:s18+$0x90] =	vst v2  }
0x297: {  	v62 =	vmul.f32 v60, v1;
	[tilespmem:s18+$0xA0] =	vst v3  }
0x298: {  	v2 =	vmul.f32 v58, v1;
	[tilespmem:s18+$0xD0] =	vst v4  }
0x299: {  	v3 =	vmul.f32 v59, v1;
	[tilespmem:s18+$0xE0] =	vst v62  }
0x29a: {  	v1 =	vmul.f32 v61, v1;
	[tilespmem:s18+$0xB0] =	vst v2  }
0x29b: {  	[tilespmem:s18+$0xC0] =	vst v3  }
0x29c: {  	[tilespmem:s18+$0xF0] =	vst v1  }
0x29d: {  	v1 =	vld [tilespmem:$0x5700]  }
0x29e: {  	v2 =	vld [tilespmem:$0x5710]  }
0x29f: {  	v3 =	vld [tilespmem:$0x5720]  }
0x2a0: {  	v4 =	vld [tilespmem:$0x5730]  }
0x2a1: {  	v63 =	vld [tilespmem:$0x5740]  }
0x2a2: {  	p1 =	seq.s32 s16, $0x28;
	[tilespmem:$0x8080] =	vst v1  }
.Ltmp4:
0x2a3: {  	[tilespmem:$0x8090] =	vst v2;
	(pc) =	sbr.rel @p1 .LBB2_12-.Ltmp4, $4  }
0x2a4: {  	[tilespmem:$0x80A0] =	vst v3  }
0x2a5: {  	[tilespmem:$0x80B0] =	vst v4  }
0x2a6: {  	s5 =	simm.s32 $0x8080;
	[tilespmem:$0x80C0] =	vst v63  }
0x2a7: {  	[spmem:s4] =	stream.indirect.scatter.add.f32 [tilespmem:s12], [sflag:$0x9], $0x80, s5, s30, $0xb8;
	[tilespmem:$0x1C100] =	vst v63  }
0x2a8: {  	s5 =	sadd.s32 s17, s24  }
0x2a9: {  	s5 =	smul.u32 $0xA, s5;
	_ =	sdelay $0x1  }
0x2aa: {  	s31 =	simm.s32 $0x5600;
	s8 =	sadd.s32 s1, s5  }
0x2ab: {  	[tilespmem:s31], [sflag:$0x7] =	stream.linear.gather [hbm4b:s8+s6], $0x50, $0x38;
	[tilespmem:$0x1C100] =	vst v63  }
0x2ac: {  	s18 =	simm.s32 $0x5680;
	s17 =	sadd.s32 s2, s5  }
0x2ad: {  	[tilespmem:s18], [sflag:$0x7] =	stream.linear.gather [hbm4b:s17+s6], $0x50, $0x38;
	[tilespmem:$0x1C100] =	vst v63  }
.Ltmp5:
0x2ae: {  	_ = 	snop;
	(pc) =	sbr.rel .LBB2_4-.Ltmp5, $4  }
0x2af: {  	s21 =	sadd.s32 s3, s5;
	s31 =	simm.s32 $0x5700  }
0x2b0: {  	[tilespmem:s31], [sflag:$0x7] =	stream.linear.gather [hbm4b:s21+s6], $0x50, $0x38;
	[tilespmem:$0x1C100] =	vst v63  }
0x2b1: {  	s16 =	sadd.s32 $0x1, s16;
	s5 =	sadd.s32 s7, s5  }
0x2b2: {  	[tilespmem:s26], [sflag:$0x7] =	stream.linear.gather [hbm4b:s5+s6], $0x50, $0x38;
	[tilespmem:$0x1C100] =	vst v63  }
.LBB2_12:
0x2b3: {  	s5 =	simm.s32 $0x0  }
0x2b4: {  	v1 =	vmov s5  }
0x2b5: {  	v1 =	vand.u32 $0xFFFFFFFC, v1  }
0x2b6: {  	v1 =	vbroadcast v1, $0x0;
	_ =	sdelay $0x1  }
0x2b7: {  	_ =	swait.ge [sflag:s20], $0x2800  }
0x2b8: {  	[sflag:s20] =	ssyncset.done $0x0  }
0x2b9: {  	s16 =	simm.s32 $0x380;
	[sflag:s20] =	ssyncadd.s32 $0xFFFFD800  }
0x2ba: {  	v3 =	vld [tilespmem:s16+$0xFFFFFF70]  }
0x2bb: {  	v1 =	vld.idx.msk [tilespmem:v1+s15+$0x0], $0xffff  }
0x2bc: {  	v4 =	vld [tilespmem:s16+$0xFFFFFF00]  }
0x2bd: {  	v5 =	vld [tilespmem:s16+$0xFFFFFF20]  }
0x2be: {  	v6 =	vld [tilespmem:s16+$0xFFFFFF30]  }
0x2bf: {  	v2 =	vld [tilespmem:s16+$0xFFFFFF50]  }
0x2c0: {  	v8 =	vld [tilespmem:s16+$0xFFFFFF10];
	v3 =	vmul.f32 v3, v1  }
0x2c1: {  	s21 =	simm.s32 $0x1;
	v7 =	vld [tilespmem:s16+$0xFFFFFF60];
	v4 =	vmul.f32 v4, v1  }
0x2c2: {  	v9 =	vld [tilespmem:s16+$0xFFFFFF40];
	v5 =	vmul.f32 v5, v1;
	[tilespmem:s16+$0xFFFFFF70] =	vst v3;
	v3 =	vmov s21  }
0x2c3: {  	v6 =	vmul.f32 v6, v1;
	[tilespmem:s16+$0xFFFFFF00] =	vst v4;
	v3 =	vand.u32 $0xFFFFFFFD, v3  }
0x2c4: {  	v2 =	vmul.f32 v2, v1;
	[tilespmem:s16+$0xFFFFFF20] =	vst v5;
	v3 =	vbroadcast v3, $0x0  }
0x2c5: {  	v4 =	vmul.f32 v8, v1;
	[tilespmem:s16+$0xFFFFFF30] =	vst v6  }
0x2c6: {  	v5 =	vmul.f32 v7, v1;
	[tilespmem:s16+$0xFFFFFF50] =	vst v2  }
0x2c7: {  	v1 =	vmul.f32 v9, v1;
	[tilespmem:s16+$0xFFFFFF10] =	vst v4  }
0x2c8: {  	[tilespmem:s16+$0xFFFFFF60] =	vst v5  }
0x2c9: {  	[tilespmem:s16+$0xFFFFFF40] =	vst v1;
	v1 =	vld [tilespmem:s16+$0xFFFFFF80]  }
0x2ca: {  	v3 =	vld.idx.msk [tilespmem:v3+s15+$0x0], $0xffff  }
0x2cb: {  	v2 =	vld [tilespmem:s16+$0xFFFFFFA0]  }
0x2cc: {  	v4 =	vld [tilespmem:s16+$0xFFFFFF90]  }
0x2cd: {  	v5 =	vld [tilespmem:s16+$0xFFFFFFD0]  }
0x2ce: {  	v6 =	vld [tilespmem:s16+$0xFFFFFFE0]  }
0x2cf: {  	v7 =	vld [tilespmem:s16+$0xFFFFFFF0];
	v1 =	vmul.f32 v1, v3  }
0x2d0: {  	s31 =	simm.s32 $0x2;
	v8 =	vld [tilespmem:s16+$0xFFFFFFB0];
	v2 =	vmul.f32 v2, v3  }
0x2d1: {  	v63 =	vld [tilespmem:s16+$0xFFFFFFC0];
	v4 =	vmul.f32 v4, v3;
	[tilespmem:s16+$0xFFFFFF80] =	vst v1;
	v1 =	vmov s31  }
0x2d2: {  	v5 =	vmul.f32 v5, v3;
	[tilespmem:s16+$0xFFFFFFA0] =	vst v2;
	v1 =	vand.u32 $0xFFFFFFFE, v1  }
0x2d3: {  	v2 =	vmul.f32 v6, v3;
	[tilespmem:s16+$0xFFFFFF90] =	vst v4;
	v4 =	vbroadcast v1, $0x0  }
0x2d4: {  	v6 =	vmul.f32 v7, v3;
	[tilespmem:s16+$0xFFFFFFD0] =	vst v5;
	v7 =	vld [tilespmem:s16+$0x30]  }
0x2d5: {  	v5 =	vmul.f32 v8, v3;
	v1 =	vld [tilespmem:s16+$0x40];
	[tilespmem:s16+$0xFFFFFFE0] =	vst v2  }
0x2d6: {  	v3 =	vmul.f32 v63, v3;
	v2 =	vld [tilespmem:s16+$0x70];
	[tilespmem:s16+$0xFFFFFFF0] =	vst v6  }
0x2d7: {  	[tilespmem:s16+$0xFFFFFFB0] =	vst v5;
	v5 =	vld [tilespmem:s16+$0x20]  }
0x2d8: {  	[tilespmem:s16+$0xFFFFFFC0] =	vst v3;
	v6 =	vld [tilespmem:s16+$0x0]  }
0x2d9: {  	v3 =	vld.idx.msk [tilespmem:v4+s15+$0x0], $0xffff  }
0x2da: {  	s17 =	simm.s32 $0x3;
	s18 =	simm.s32 $0x380;
	s5 =	simm.s32 $0x7;
	v4 =	vld [tilespmem:s16+$0x10]  }
.LBB2_13:
0x2db: {  	p1 =	sne.s32 s5, $0x4F  }
0x2dc: {  	v8 =	vld [tilespmem:s16+$0x50];
	s18 =	sadd.s32 $0x200, s18;
	s8 =	smov.u32 s5;
	s5 =	sadd.s32 $0x4, s5  }
0x2dd: {  	v9 =	vld [tilespmem:s16+$0x60];
	_ =	sdelay $0x1  }
0x2de: {  	v6 =	vmul.f32 v6, v3;
	v4 =	vmul.f32 v4, v3  }
0x2df: {  	v5 =	vmul.f32 v5, v3;
	v7 =	vmul.f32 v7, v3  }
0x2e0: {  	v1 =	vmul.f32 v1, v3;
	v2 =	vmul.f32 v2, v3;
	[tilespmem:s16+$0x0] =	vst v6  }
0x2e1: {  	[tilespmem:s16+$0x20] =	vst v5;
	v5 =	vmul.f32 v8, v3;
	v3 =	vmul.f32 v9, v3  }
0x2e2: {  	[tilespmem:s16+$0x30] =	vst v7;
	v6 =	vld [tilespmem:s16+$0x80]  }
0x2e3: {  	[tilespmem:s16+$0x60] =	vst v3;
	v3 =	vmov s17;
	v7 =	vld [tilespmem:s16+$0xD0];
	s17 =	smov.u32 s8  }
0x2e4: {  	[tilespmem:s16+$0x50] =	vst v5;
	v5 =	vld [tilespmem:s16+$0xE0]  }
0x2e5: {  	[tilespmem:s16+$0x40] =	vst v1;
	v8 =	vld [tilespmem:s16+$0xB0]  }
0x2e6: {  	v1 =	vld [tilespmem:s18+$0x40];
	[tilespmem:s16+$0x70] =	vst v2  }
0x2e7: {  	v2 =	vld [tilespmem:s18+$0x70];
	[tilespmem:s16+$0x10] =	vst v4  }
0x2e8: {  	v3 =	vld.idx.msk [tilespmem:v3+s15+$0x0], $0xffff  }
0x2e9: {  	v4 =	vld [tilespmem:s16+$0x90]  }
0x2ea: {  	v9 =	vld [tilespmem:s16+$0xA0]  }
0x2eb: {  	v10 =	vld [tilespmem:s16+$0xC0]  }
0x2ec: {  	v11 =	vld [tilespmem:s16+$0xF0];
	_ =	sdelay $0x1  }
0x2ed: {  	v6 =	vmul.f32 v6, v3;
	v4 =	vmul.f32 v4, v3  }
0x2ee: {  	s8 =	sadd.s32 $0xFFFFFFFD, s17;
	v8 =	vmul.f32 v8, v3;
	v9 =	vmul.f32 v9, v3  }
0x2ef: {  	v12 =	vmov s8;
	v7 =	vmul.f32 v7, v3;
	[tilespmem:s16+$0x80] =	vst v6;
	v6 =	vmul.f32 v10, v3  }
0x2f0: {  	v10 =	vand.u32 $0xFFFFFFFC, v12;
	[tilespmem:s16+$0x90] =	vst v4;
	v4 =	vmul.f32 v5, v3;
	v3 =	vmul.f32 v11, v3  }
0x2f1: {  	v5 =	vbroadcast v10, $0x0;
	[tilespmem:s16+$0xA0] =	vst v9  }
0x2f2: {  	[tilespmem:s16+$0xD0] =	vst v7  }
0x2f3: {  	v7 =	vld [tilespmem:s18+$0xFFFFFF50];
	[tilespmem:s16+$0xB0] =	vst v8  }
0x2f4: {  	v8 =	vld [tilespmem:s18+$0xFFFFFF30];
	[tilespmem:s16+$0xC0] =	vst v6  }
0x2f5: {  	v6 =	vld [tilespmem:s18+$0xFFFFFF60];
	[tilespmem:s16+$0xE0] =	vst v4  }
0x2f6: {  	v4 =	vld [tilespmem:s18+$0xFFFFFF70];
	[tilespmem:s16+$0xF0] =	vst v3;
	s16 =	smov.u32 s18  }
0x2f7: {  	v3 =	vld.idx.msk [tilespmem:v5+s15+$0x0], $0xffff  }
0x2f8: {  	v5 =	vld [tilespmem:s18+$0xFFFFFF00]  }
0x2f9: {  	v9 =	vld [tilespmem:s18+$0xFFFFFF20]  }
0x2fa: {  	v10 =	vld [tilespmem:s18+$0xFFFFFF10]  }
0x2fb: {  	v11 =	vld [tilespmem:s18+$0xFFFFFF40];
	_ =	sdelay $0x1  }
0x2fc: {  	v4 =	vmul.f32 v4, v3;
	v5 =	vmul.f32 v5, v3  }
0x2fd: {  	s8 =	sadd.s32 $0xFFFFFFFE, s17;
	v6 =	vmul.f32 v6, v3;
	v9 =	vmul.f32 v9, v3  }
0x2fe: {  	v8 =	vmul.f32 v8, v3;
	v10 =	vmul.f32 v10, v3;
	[tilespmem:s18+$0xFFFFFF70] =	vst v4;
	v4 =	vmov s8  }
0x2ff: {  	[tilespmem:s18+$0xFFFFFF00] =	vst v5;
	v5 =	vmul.f32 v11, v3;
	v3 =	vmul.f32 v7, v3;
	v4 =	vand.u32 $0xFFFFFFFD, v4  }
0x300: {  	[tilespmem:s18+$0xFFFFFF20] =	vst v9;
	v4 =	vbroadcast v4, $0x0  }
0x301: {  	[tilespmem:s18+$0xFFFFFF30] =	vst v8  }
0x302: {  	[tilespmem:s18+$0xFFFFFF50] =	vst v3;
	v3 =	vld [tilespmem:s18+$0xFFFFFFF0]  }
0x303: {  	[tilespmem:s18+$0xFFFFFF10] =	vst v10;
	v7 =	vld [tilespmem:s18+$0xFFFFFFD0]  }
0x304: {  	[tilespmem:s18+$0xFFFFFF60] =	vst v6;
	v6 =	vld [tilespmem:s18+$0xFFFFFFB0]  }
0x305: {  	[tilespmem:s18+$0xFFFFFF40] =	vst v5;
	v5 =	vld [tilespmem:s18+$0xFFFFFF90]  }
0x306: {  	v4 =	vld.idx.msk [tilespmem:v4+s15+$0x0], $0xffff  }
0x307: {  	v8 =	vld [tilespmem:s18+$0xFFFFFF80]  }
0x308: {  	v9 =	vld [tilespmem:s18+$0xFFFFFFA0]  }
0x309: {  	v10 =	vld [tilespmem:s18+$0xFFFFFFC0]  }
0x30a: {  	v11 =	vld [tilespmem:s18+$0xFFFFFFE0];
	_ =	sdelay $0x1  }
0x30b: {  	v5 =	vmul.f32 v5, v4;
	v8 =	vmul.f32 v8, v4  }
0x30c: {  	s8 =	sadd.s32 $0xFFFFFFFF, s17;
	v6 =	vmul.f32 v6, v4;
	v9 =	vmul.f32 v9, v4  }
0x30d: {  	v7 =	vmul.f32 v7, v4;
	[tilespmem:s18+$0xFFFFFF80] =	vst v8;
	v8 =	vmul.f32 v10, v4;
	v10 =	vmov s8  }
0x30e: {  	v3 =	vmul.f32 v3, v4;
	[tilespmem:s18+$0xFFFFFFA0] =	vst v9;
	v9 =	vmul.f32 v11, v4;
	v4 =	vand.u32 $0xFFFFFFFE, v10  }
0x30f: {  	[tilespmem:s18+$0xFFFFFF90] =	vst v5;
	v4 =	vbroadcast v4, $0x0  }
0x310: {  	[tilespmem:s18+$0xFFFFFFD0] =	vst v7  }
0x311: {  	[tilespmem:s18+$0xFFFFFFE0] =	vst v9  }
0x312: {  	[tilespmem:s18+$0xFFFFFFB0] =	vst v6  }
.Ltmp6:
0x313: {  	[tilespmem:s18+$0xFFFFFFF0] =	vst v3;
	v5 =	vld [tilespmem:s18+$0x20];
	(pc) =	sbr.rel @p1 .LBB2_13-.Ltmp6, $4  }
0x314: {  	[tilespmem:s18+$0xFFFFFFC0] =	vst v8;
	v6 =	vld [tilespmem:s18+$0x0]  }
0x315: {  	v3 =	vld.idx.msk [tilespmem:v4+s15+$0x0], $0xffff  }
0x316: {  	v4 =	vld [tilespmem:s18+$0x10]  }
0x317: {  	v7 =	vld [tilespmem:s18+$0x30]  }
0x318: {  	v8 =	vld [tilespmem:s16+$0x60];
	_ =	sdelay $0x1  }
0x319: {  	v6 =	vmul.f32 v6, v3  }
0x31a: {  	v9 =	vld [tilespmem:s16+$0x50];
	v5 =	vmul.f32 v5, v3  }
0x31b: {  	v1 =	vmul.f32 v1, v3;
	[tilespmem:s16+$0x0] =	vst v6  }
0x31c: {  	[tilespmem:s16+$0x20] =	vst v5;
	v5 =	vmul.f32 v8, v3  }
0x31d: {  	v2 =	vmul.f32 v2, v3;
	[tilespmem:s16+$0x40] =	vst v1  }
0x31e: {  	v7 =	vmul.f32 v7, v3;
	[tilespmem:s16+$0x60] =	vst v5;
	v5 =	vmov s17  }
0x31f: {  	[tilespmem:s16+$0x70] =	vst v2;
	v6 =	vmul.f32 v9, v3  }
0x320: {  	v3 =	vmul.f32 v4, v3;
	[tilespmem:s16+$0x30] =	vst v7  }
0x321: {  	[tilespmem:s16+$0x50] =	vst v6  }
0x322: {  	v7 =	vld [tilespmem:s16+$0x80];
	[tilespmem:s16+$0x10] =	vst v3  }
0x323: {  	v1 =	vld.idx.msk [tilespmem:v5+s15+$0x0], $0xffff  }
0x324: {  	v2 =	vld [tilespmem:s16+$0x90]  }
0x325: {  	v3 =	vld [tilespmem:s16+$0xA0]  }
0x326: {  	v4 =	vld [tilespmem:s16+$0xD0]  }
0x327: {  	v5 =	vld [tilespmem:s16+$0xB0]  }
0x328: {  	v6 =	vld [tilespmem:s16+$0xC0];
	v7 =	vmul.f32 v7, v1  }
0x329: {  	v8 =	vld [tilespmem:s16+$0xE0];
	v2 =	vmul.f32 v2, v1  }
0x32a: {  	v61 =	vld [tilespmem:s16+$0xF0];
	v3 =	vmul.f32 v3, v1;
	[tilespmem:s16+$0x80] =	vst v7  }
0x32b: {  	v4 =	vmul.f32 v4, v1;
	[tilespmem:s16+$0x90] =	vst v2  }
0x32c: {  	v2 =	vmul.f32 v5, v1;
	[tilespmem:s16+$0xA0] =	vst v3  }
0x32d: {  	v3 =	vmul.f32 v6, v1;
	[tilespmem:s16+$0xD0] =	vst v4  }
0x32e: {  	v4 =	vmul.f32 v8, v1;
	[tilespmem:s16+$0xB0] =	vst v2  }
0x32f: {  	v1 =	vmul.f32 v61, v1;
	[tilespmem:s16+$0xC0] =	vst v3  }
0x330: {  	[tilespmem:s16+$0xE0] =	vst v4  }
0x331: {  	[tilespmem:s16+$0xF0] =	vst v1  }
0x332: {  	v1 =	vld [tilespmem:$0x100]  }
0x333: {  	v2 =	vld [tilespmem:$0x110]  }
0x334: {  	v3 =	vld [tilespmem:$0x120]  }
0x335: {  	v4 =	vld [tilespmem:$0x130]  }
0x336: {  	v5 =	vld [tilespmem:$0x140]  }
0x337: {  	[tilespmem:$0x2A80] =	vst v1  }
0x338: {  	s5 =	simm.s32 $0x0;
	[tilespmem:$0x2A90] =	vst v2  }
0x339: {  	[tilespmem:$0x2AA0] =	vst v3;
	v1 =	vmov s5  }
0x33a: {  	[tilespmem:$0x2AB0] =	vst v4;
	v1 =	vand.u32 $0xFFFFFFFC, v1  }
0x33b: {  	s18 =	simm.s32 $0x2A80;
	[tilespmem:$0x2AC0] =	vst v5;
	v1 =	vbroadcast v1, $0x0  }
0x33c: {  	[spmem:s4] =	stream.indirect.scatter.add.f32 [tilespmem:s11], [sflag:$0x3], $0x80, s18, s30, $0xb8;
	[tilespmem:$0x1C100] =	vst v63  }
0x33d: {  	_ =	swait.ge [sflag:s25], $0x2800  }
0x33e: {  	[sflag:s25] =	ssyncset.done $0x0  }
0x33f: {  	s16 =	simm.s32 $0x2E80;
	[sflag:s25] =	ssyncadd.s32 $0xFFFFD800  }
0x340: {  	v3 =	vld [tilespmem:s16+$0xFFFFFF70]  }
0x341: {  	v1 =	vld.idx.msk [tilespmem:v1+s19+$0x0], $0xffff  }
0x342: {  	v4 =	vld [tilespmem:s16+$0xFFFFFF00]  }
0x343: {  	v5 =	vld [tilespmem:s16+$0xFFFFFF20]  }
0x344: {  	v6 =	vld [tilespmem:s16+$0xFFFFFF30]  }
0x345: {  	v2 =	vld [tilespmem:s16+$0xFFFFFF50]  }
0x346: {  	v8 =	vld [tilespmem:s16+$0xFFFFFF10];
	v3 =	vmul.f32 v3, v1  }
0x347: {  	s21 =	simm.s32 $0x1;
	v7 =	vld [tilespmem:s16+$0xFFFFFF60];
	v4 =	vmul.f32 v4, v1  }
0x348: {  	v62 =	vld [tilespmem:s16+$0xFFFFFF40];
	v5 =	vmul.f32 v5, v1;
	[tilespmem:s16+$0xFFFFFF70] =	vst v3;
	v3 =	vmov s21  }
0x349: {  	v6 =	vmul.f32 v6, v1;
	[tilespmem:s16+$0xFFFFFF00] =	vst v4;
	v3 =	vand.u32 $0xFFFFFFFD, v3  }
0x34a: {  	v2 =	vmul.f32 v2, v1;
	[tilespmem:s16+$0xFFFFFF20] =	vst v5;
	v3 =	vbroadcast v3, $0x0  }
0x34b: {  	v4 =	vmul.f32 v8, v1;
	[tilespmem:s16+$0xFFFFFF30] =	vst v6  }
0x34c: {  	v5 =	vmul.f32 v7, v1;
	[tilespmem:s16+$0xFFFFFF50] =	vst v2  }
0x34d: {  	v1 =	vmul.f32 v62, v1;
	[tilespmem:s16+$0xFFFFFF10] =	vst v4  }
0x34e: {  	[tilespmem:s16+$0xFFFFFF60] =	vst v5  }
0x34f: {  	[tilespmem:s16+$0xFFFFFF40] =	vst v1;
	v1 =	vld [tilespmem:s16+$0xFFFFFF80]  }
0x350: {  	v3 =	vld.idx.msk [tilespmem:v3+s19+$0x0], $0xffff  }
0x351: {  	v2 =	vld [tilespmem:s16+$0xFFFFFFA0]  }
0x352: {  	v4 =	vld [tilespmem:s16+$0xFFFFFF90]  }
0x353: {  	v5 =	vld [tilespmem:s16+$0xFFFFFFD0]  }
0x354: {  	v6 =	vld [tilespmem:s16+$0xFFFFFFE0]  }
0x355: {  	v7 =	vld [tilespmem:s16+$0xFFFFFFF0];
	v1 =	vmul.f32 v1, v3  }
0x356: {  	s31 =	simm.s32 $0x2;
	v8 =	vld [tilespmem:s16+$0xFFFFFFB0];
	v2 =	vmul.f32 v2, v3  }
0x357: {  	v63 =	vld [tilespmem:s16+$0xFFFFFFC0];
	v4 =	vmul.f32 v4, v3;
	[tilespmem:s16+$0xFFFFFF80] =	vst v1;
	v1 =	vmov s31  }
0x358: {  	v5 =	vmul.f32 v5, v3;
	[tilespmem:s16+$0xFFFFFFA0] =	vst v2;
	v1 =	vand.u32 $0xFFFFFFFE, v1  }
0x359: {  	v2 =	vmul.f32 v6, v3;
	[tilespmem:s16+$0xFFFFFF90] =	vst v4;
	v4 =	vbroadcast v1, $0x0  }
0x35a: {  	v6 =	vmul.f32 v7, v3;
	[tilespmem:s16+$0xFFFFFFD0] =	vst v5;
	v7 =	vld [tilespmem:s16+$0x30]  }
0x35b: {  	v5 =	vmul.f32 v8, v3;
	v1 =	vld [tilespmem:s16+$0x40];
	[tilespmem:s16+$0xFFFFFFE0] =	vst v2  }
0x35c: {  	v3 =	vmul.f32 v63, v3;
	v2 =	vld [tilespmem:s16+$0x70];
	[tilespmem:s16+$0xFFFFFFF0] =	vst v6  }
0x35d: {  	[tilespmem:s16+$0xFFFFFFB0] =	vst v5;
	v5 =	vld [tilespmem:s16+$0x20]  }
0x35e: {  	[tilespmem:s16+$0xFFFFFFC0] =	vst v3;
	v6 =	vld [tilespmem:s16+$0x0]  }
0x35f: {  	v3 =	vld.idx.msk [tilespmem:v4+s19+$0x0], $0xffff  }
0x360: {  	s17 =	simm.s32 $0x3;
	s5 =	simm.s32 $0x7;
	s18 =	simm.s32 $0x2E80;
	v4 =	vld [tilespmem:s16+$0x10]  }
.LBB2_15:
0x361: {  	p1 =	sne.s32 s5, $0x4F  }
0x362: {  	v8 =	vld [tilespmem:s16+$0x50];
	s18 =	sadd.s32 $0x200, s18;
	s8 =	smov.u32 s5;
	s5 =	sadd.s32 $0x4, s5  }
0x363: {  	v9 =	vld [tilespmem:s16+$0x60];
	_ =	sdelay $0x1  }
0x364: {  	v6 =	vmul.f32 v6, v3;
	v4 =	vmul.f32 v4, v3  }
0x365: {  	v5 =	vmul.f32 v5, v3;
	v7 =	vmul.f32 v7, v3  }
0x366: {  	v1 =	vmul.f32 v1, v3;
	v2 =	vmul.f32 v2, v3;
	[tilespmem:s16+$0x0] =	vst v6  }
0x367: {  	[tilespmem:s16+$0x20] =	vst v5;
	v5 =	vmul.f32 v8, v3;
	v3 =	vmul.f32 v9, v3  }
0x368: {  	[tilespmem:s16+$0x30] =	vst v7;
	v6 =	vld [tilespmem:s16+$0x80]  }
0x369: {  	[tilespmem:s16+$0x60] =	vst v3;
	v3 =	vmov s17;
	v7 =	vld [tilespmem:s16+$0xD0];
	s17 =	smov.u32 s8  }
0x36a: {  	[tilespmem:s16+$0x50] =	vst v5;
	v5 =	vld [tilespmem:s16+$0xE0]  }
0x36b: {  	[tilespmem:s16+$0x40] =	vst v1;
	v8 =	vld [tilespmem:s16+$0xB0]  }
0x36c: {  	v1 =	vld [tilespmem:s18+$0x40];
	[tilespmem:s16+$0x70] =	vst v2  }
0x36d: {  	v2 =	vld [tilespmem:s18+$0x70];
	[tilespmem:s16+$0x10] =	vst v4  }
0x36e: {  	v3 =	vld.idx.msk [tilespmem:v3+s19+$0x0], $0xffff  }
0x36f: {  	v4 =	vld [tilespmem:s16+$0x90]  }
0x370: {  	v9 =	vld [tilespmem:s16+$0xA0]  }
0x371: {  	v10 =	vld [tilespmem:s16+$0xC0]  }
0x372: {  	v11 =	vld [tilespmem:s16+$0xF0];
	_ =	sdelay $0x1  }
0x373: {  	v6 =	vmul.f32 v6, v3;
	v4 =	vmul.f32 v4, v3  }
0x374: {  	s8 =	sadd.s32 $0xFFFFFFFD, s17;
	v8 =	vmul.f32 v8, v3;
	v9 =	vmul.f32 v9, v3  }
0x375: {  	v12 =	vmov s8;
	v7 =	vmul.f32 v7, v3;
	[tilespmem:s16+$0x80] =	vst v6;
	v6 =	vmul.f32 v10, v3  }
0x376: {  	v10 =	vand.u32 $0xFFFFFFFC, v12;
	[tilespmem:s16+$0x90] =	vst v4;
	v4 =	vmul.f32 v5, v3;
	v3 =	vmul.f32 v11, v3  }
0x377: {  	v5 =	vbroadcast v10, $0x0;
	[tilespmem:s16+$0xA0] =	vst v9  }
0x378: {  	[tilespmem:s16+$0xD0] =	vst v7  }
0x379: {  	v7 =	vld [tilespmem:s18+$0xFFFFFF50];
	[tilespmem:s16+$0xB0] =	vst v8  }
0x37a: {  	v8 =	vld [tilespmem:s18+$0xFFFFFF30];
	[tilespmem:s16+$0xC0] =	vst v6  }
0x37b: {  	v6 =	vld [tilespmem:s18+$0xFFFFFF60];
	[tilespmem:s16+$0xE0] =	vst v4  }
0x37c: {  	v4 =	vld [tilespmem:s18+$0xFFFFFF70];
	[tilespmem:s16+$0xF0] =	vst v3;
	s16 =	smov.u32 s18  }
0x37d: {  	v3 =	vld.idx.msk [tilespmem:v5+s19+$0x0], $0xffff  }
0x37e: {  	v5 =	vld [tilespmem:s18+$0xFFFFFF00]  }
0x37f: {  	v9 =	vld [tilespmem:s18+$0xFFFFFF20]  }
0x380: {  	v10 =	vld [tilespmem:s18+$0xFFFFFF10]  }
0x381: {  	v11 =	vld [tilespmem:s18+$0xFFFFFF40];
	_ =	sdelay $0x1  }
0x382: {  	v4 =	vmul.f32 v4, v3;
	v5 =	vmul.f32 v5, v3  }
0x383: {  	s8 =	sadd.s32 $0xFFFFFFFE, s17;
	v6 =	vmul.f32 v6, v3;
	v9 =	vmul.f32 v9, v3  }
0x384: {  	v8 =	vmul.f32 v8, v3;
	v10 =	vmul.f32 v10, v3;
	[tilespmem:s18+$0xFFFFFF70] =	vst v4;
	v4 =	vmov s8  }
0x385: {  	[tilespmem:s18+$0xFFFFFF00] =	vst v5;
	v5 =	vmul.f32 v11, v3;
	v3 =	vmul.f32 v7, v3;
	v4 =	vand.u32 $0xFFFFFFFD, v4  }
0x386: {  	[tilespmem:s18+$0xFFFFFF20] =	vst v9;
	v4 =	vbroadcast v4, $0x0  }
0x387: {  	[tilespmem:s18+$0xFFFFFF30] =	vst v8  }
0x388: {  	[tilespmem:s18+$0xFFFFFF50] =	vst v3;
	v3 =	vld [tilespmem:s18+$0xFFFFFFF0]  }
0x389: {  	[tilespmem:s18+$0xFFFFFF10] =	vst v10;
	v7 =	vld [tilespmem:s18+$0xFFFFFFD0]  }
0x38a: {  	[tilespmem:s18+$0xFFFFFF60] =	vst v6;
	v6 =	vld [tilespmem:s18+$0xFFFFFFB0]  }
0x38b: {  	[tilespmem:s18+$0xFFFFFF40] =	vst v5;
	v5 =	vld [tilespmem:s18+$0xFFFFFF90]  }
0x38c: {  	v4 =	vld.idx.msk [tilespmem:v4+s19+$0x0], $0xffff  }
0x38d: {  	v8 =	vld [tilespmem:s18+$0xFFFFFF80]  }
0x38e: {  	v9 =	vld [tilespmem:s18+$0xFFFFFFA0]  }
0x38f: {  	v10 =	vld [tilespmem:s18+$0xFFFFFFC0]  }
0x390: {  	v11 =	vld [tilespmem:s18+$0xFFFFFFE0];
	_ =	sdelay $0x1  }
0x391: {  	v5 =	vmul.f32 v5, v4;
	v8 =	vmul.f32 v8, v4  }
0x392: {  	s8 =	sadd.s32 $0xFFFFFFFF, s17;
	v6 =	vmul.f32 v6, v4;
	v9 =	vmul.f32 v9, v4  }
0x393: {  	v7 =	vmul.f32 v7, v4;
	[tilespmem:s18+$0xFFFFFF80] =	vst v8;
	v8 =	vmul.f32 v10, v4;
	v10 =	vmov s8  }
0x394: {  	v3 =	vmul.f32 v3, v4;
	[tilespmem:s18+$0xFFFFFFA0] =	vst v9;
	v9 =	vmul.f32 v11, v4;
	v4 =	vand.u32 $0xFFFFFFFE, v10  }
0x395: {  	[tilespmem:s18+$0xFFFFFF90] =	vst v5;
	v4 =	vbroadcast v4, $0x0  }
0x396: {  	[tilespmem:s18+$0xFFFFFFD0] =	vst v7  }
0x397: {  	[tilespmem:s18+$0xFFFFFFE0] =	vst v9  }
0x398: {  	[tilespmem:s18+$0xFFFFFFB0] =	vst v6  }
.Ltmp7:
0x399: {  	[tilespmem:s18+$0xFFFFFFF0] =	vst v3;
	v5 =	vld [tilespmem:s18+$0x20];
	(pc) =	sbr.rel @p1 .LBB2_15-.Ltmp7, $4  }
0x39a: {  	[tilespmem:s18+$0xFFFFFFC0] =	vst v8;
	v6 =	vld [tilespmem:s18+$0x0]  }
0x39b: {  	v3 =	vld.idx.msk [tilespmem:v4+s19+$0x0], $0xffff  }
0x39c: {  	v4 =	vld [tilespmem:s18+$0x10]  }
0x39d: {  	v7 =	vld [tilespmem:s18+$0x30]  }
0x39e: {  	_ =	sdelay $0x1  }
0x39f: {  	v8 =	vld [tilespmem:s16+$0x60];
	v6 =	vmul.f32 v6, v3  }
0x3a0: {  	v9 =	vld [tilespmem:s16+$0x50];
	v5 =	vmul.f32 v5, v3  }
0x3a1: {  	v1 =	vmul.f32 v1, v3;
	[tilespmem:s16+$0x0] =	vst v6  }
0x3a2: {  	v2 =	vmul.f32 v2, v3;
	[tilespmem:s16+$0x20] =	vst v5  }
0x3a3: {  	v7 =	vmul.f32 v7, v3;
	[tilespmem:s16+$0x40] =	vst v1  }
0x3a4: {  	v56 =	vmov s17;
	[tilespmem:s16+$0x70] =	vst v2;
	v53 =	vmul.f32 v8, v3  }
0x3a5: {  	v54 =	vmul.f32 v9, v3;
	[tilespmem:s16+$0x30] =	vst v7  }
0x3a6: {  	v3 =	vmul.f32 v4, v3;
	[tilespmem:s16+$0x60] =	vst v53  }
0x3a7: {  	[tilespmem:s16+$0x50] =	vst v54  }
0x3a8: {  	v55 =	vld [tilespmem:s16+$0x80];
	[tilespmem:s16+$0x10] =	vst v3  }
0x3a9: {  	v1 =	vld.idx.msk [tilespmem:v56+s19+$0x0], $0xffff  }
0x3aa: {  	v2 =	vld [tilespmem:s16+$0x90]  }
0x3ab: {  	v3 =	vld [tilespmem:s16+$0xA0]  }
0x3ac: {  	v57 =	vld [tilespmem:s16+$0xD0]  }
0x3ad: {  	v60 =	vld [tilespmem:s16+$0xE0]  }
0x3ae: {  	v58 =	vld [tilespmem:s16+$0xB0];
	v7 =	vmul.f32 v55, v1  }
0x3af: {  	v59 =	vld [tilespmem:s16+$0xC0];
	v2 =	vmul.f32 v2, v1  }
0x3b0: {  	v61 =	vld [tilespmem:s16+$0xF0];
	v3 =	vmul.f32 v3, v1;
	[tilespmem:s16+$0x80] =	vst v7  }
0x3b1: {  	v4 =	vmul.f32 v57, v1;
	[tilespmem:s16+$0x90] =	vst v2  }
0x3b2: {  	v62 =	vmul.f32 v60, v1;
	[tilespmem:s16+$0xA0] =	vst v3  }
0x3b3: {  	v2 =	vmul.f32 v58, v1;
	[tilespmem:s16+$0xD0] =	vst v4  }
0x3b4: {  	v3 =	vmul.f32 v59, v1;
	[tilespmem:s16+$0xE0] =	vst v62  }
0x3b5: {  	v1 =	vmul.f32 v61, v1;
	[tilespmem:s16+$0xB0] =	vst v2  }
0x3b6: {  	[tilespmem:s16+$0xC0] =	vst v3  }
0x3b7: {  	[tilespmem:s16+$0xF0] =	vst v1  }
0x3b8: {  	v1 =	vld [tilespmem:$0x2C00]  }
0x3b9: {  	v2 =	vld [tilespmem:$0x2C10]  }
0x3ba: {  	v3 =	vld [tilespmem:$0x2C20]  }
0x3bb: {  	v4 =	vld [tilespmem:$0x2C30]  }
0x3bc: {  	v63 =	vld [tilespmem:$0x2C40]  }
0x3bd: {  	[tilespmem:$0x5580] =	vst v1  }
0x3be: {  	[tilespmem:$0x5590] =	vst v2  }
0x3bf: {  	[tilespmem:$0x55A0] =	vst v3  }
0x3c0: {  	[tilespmem:$0x55B0] =	vst v4  }
0x3c1: {  	s5 =	simm.s32 $0x5580;
	s17 =	simm.s32 $0x9;
	[tilespmem:$0x55C0] =	vst v63  }
0x3c2: {  	[spmem:s4] =	stream.indirect.scatter.add.f32 [tilespmem:s9], [sflag:$0x6], $0x80, s5, s30, $0xb8;
	[tilespmem:$0x1C100] =	vst v63  }
0x3c3: {  	_ =	swait.ge [sflag:s17], $0x2800  }
0x3c4: {  	[sflag:s17] =	ssyncset.done $0x0  }
0x3c5: {  	s18 =	simm.s32 $0x3;
	[sflag:s17] =	ssyncadd.s32 $0xFFFFD800  }
0x3c6: {  	_ =	swait.ge [sflag:s18], $0x2800  }
0x3c7: {  	[sflag:s18] =	ssyncset.done $0x0  }
0x3c8: {  	[sflag:s18] =	ssyncadd.s32 $0xFFFFD800  }
0x3c9: {  	_ =	swait.ge [sflag:s13], $0x2800  }
0x3ca: {  	[sflag:s13] =	ssyncset.done $0x0  }
0x3cb: {  	[sflag:s13] =	ssyncadd.s32 $0xFFFFD800  }
0x3cc: {  	[bflag:$0x0] =	sbarrier.arrive $0xFFFF  }
0x3cd: {  	s17 =	rddreg [dreg:$0x5]  }
0x3ce: {  	s8 =	simm.s32 @p0 $0x1FCA;
	s16 =	rddreg [dreg:$0x13];
	s5 =	sshrl.u32 @p0 s17, $0x3  }
0x3cf: {  	[hbm:s16], [sflag:s8] =	dma.local @p0 [spmem:s5], $0x1900  }
0x3d0: {  	s5 =	simm.s32 @p0 $0xA  }
0x3d1: {  	s8 =	stileid.u32;
	_ =	swait.ge @p0 [sflag:s5], $0x1900  }
0x3d2: {  	s8 =	sshll.u32 @!p0 s8, $0x6;
	[sflag:s5] =	ssyncset.done @p0 $0x0;
	s16 =	rddreg [dreg:$0x12]  }
0x3d3: {  	[sflag:s5] =	ssyncadd.s32 @p0 $0xFFFFE700;
	s5 =	sor.u32 @!p0 $0x1C0A, s8;
	s8 =	sshrl.u32 @!p0 s17, $0x3  }
0x3d4: {  	[hbm:s16], [sflag:s5] =	dma.local @!p0 [spmem:s8], $0x2800  }
0x3d5: {  	s5 =	simm.s32 @!p0 $0xA  }
0x3d6: {  	_ =	swait.ge @!p0 [sflag:s5], $0x2800  }
0x3d7: {  	s21 =	rddreg [dreg:$0x1c]  }
0x3d8: {  	s31 =	rddreg [dreg:$0x14];
	s16 =	sadd.s32 $0x1, s21  }
0x3d9: {  	p1 =	sne.s32 s16, s31  }
.Ltmp8:
0x3da: {  	_ = 	snop;
	(pc) =	sbr.rel @p1 .LBB2_1-.Ltmp8, $3  }
0x3db: {  	_ =	sdelay $0x1  }
0x3dc: {  	[sflag:s5] =	ssyncset.done @!p0 $0x0  }
0x3dd: {  	[sflag:s5] =	ssyncadd.s32 @!p0 $0xFFFFD800  }
0x3de: {  	_ =	sfence.sel $0x180000  }
0x3df: {  	[bflag:$0x0] =	sbarrier.arrive $0xFFFF  }
0x3e0: {  	_ =	strace $0x90000047  }
0x3e1: {  	s0 =	stileid.u32;
	[bflag:$0x2] =	sbarrier.arrive $0xFFFF  }
0x3e2: {  	p0 =	sne.s32 s0, $0x0;
	s0 =	rddreg [dreg:$0x4]  }
0x3e3: {  	s0 =	sadd.s32 @!p0 $0x100000, s0  }
0x3e4: {  	[sflag:s0] =	ssyncadd.tile.s32 @!p0 $0x1;
	_ =	shalt  }
.Lfunc_end2:
_tile_overlayer_lowered:
.L_overlay_start_2:
0x3e5: {  	(tag) =	ssettag $0x2  }
0x3e6: {  	s0 =	rddreg [dreg:$0x0];
	s2 =	stileid.u32  }
0x3e7: {  	s1 =	rddreg [dreg:$0x1];
	p0 =	sne.s32 s2, $0x0  }
0x3e8: {  	s3 =	rddreg [dreg:$0x2];
	[bflag:$0x3] =	sbarrier.arrive $0xFFFF;
	s2 =	simm.s32 @!p0 $0x1C0A  }
0x3e9: {  	[timem:s3], [sflag:s2] =	dma.local @!p0 [hbm:s0], s1  }
0x3ea: {  	s0 =	simm.s32 @!p0 $0xA  }
0x3eb: {  	_ =	swait.ge @!p0 [sflag:s0], s1  }
0x3ec: {  	s1 =	ssub.s32 @!p0 $0x0, s1;
	[sflag:s0] =	ssyncset.done @!p0 $0x0  }
0x3ed: {  	[sflag:s0] =	ssyncadd.s32 @!p0 s1  }
0x3ee: {  	[bflag:$0x3] =	sbarrier.arrive $0xFFFF  }
0x3ef: {  	_ =	shalt  }

</sc_bundles>
